<compile_context>
chip_gen: v7x
topology: tpu7x:2x2x1
jax: 0.10.2.dev20260603
libtpu: 0.0.44.dev20260713+nightly
codegen_flags: <defaults>
</compile_context>

<pallas_src>
import functools

import jax
import jax.numpy as jnp
from jax import lax
from jax.experimental import pallas as pl
from jax.experimental.pallas import tpu as pltpu
from jax.experimental.pallas import tpu_sc as plsc

_EPS = 1e-5
_NS = 16
_NW = 32


def _fps_body(px_ref, py_ref, pz_ref, idx_ref, sx_ref, sy_ref, sz_ref,
              *d_refs):
    B, R, C = px_ref.shape
    M = idx_ref.shape[0]
    lin = (lax.broadcasted_iota(jnp.int32, (R, C), 0) * C
           + lax.broadcasted_iota(jnp.int32, (R, C), 1))
    BIG = jnp.int32(1 << 30)

    def pick(ref_b, sel):
        return jnp.sum(jnp.where(sel, ref_b, 0.0))

    sel0 = lin == 0
    sx0, sy0, sz0 = [], [], []
    for b in range(B):
        sx0.append(pick(px_ref[b], sel0))
        sy0.append(pick(py_ref[b], sel0))
        sz0.append(pick(pz_ref[b], sel0))
        dx = px_ref[b] - sx0[b]
        dy = py_ref[b] - sy0[b]
        dz = pz_ref[b] - sz0[b]
        d_refs[b][...] = (dx * dx + dy * dy) + dz * dz
    idx_ref[0:1, :] = jnp.zeros((1, B), jnp.int32)
    sx_ref[0:1, :] = jnp.stack(sx0).reshape(1, B)
    sy_ref[0:1, :] = jnp.stack(sy0).reshape(1, B)
    sz_ref[0:1, :] = jnp.stack(sz0).reshape(1, B)

    def step(i, ds):
        ms = [jnp.max(ds[b]) for b in range(B)]
        ibs = [jnp.min(jnp.where(ds[b] == ms[b], lin, BIG))
               for b in range(B)]
        sels = [lin == ibs[b] for b in range(B)]
        nsx = [pick(px_ref[b], sels[b]) for b in range(B)]
        nsy = [pick(py_ref[b], sels[b]) for b in range(B)]
        nsz = [pick(pz_ref[b], sels[b]) for b in range(B)]
        nds = []
        for b in range(B):
            dx = px_ref[b] - nsx[b]
            dy = py_ref[b] - nsy[b]
            dz = pz_ref[b] - nsz[b]
            nd = (dx * dx + dz * dz) + dy * dy
            dn = jnp.minimum(ds[b], nd)
            d_refs[b][...] = dn
            nds.append(dn)
        idx_ref[pl.ds(i, 1), :] = jnp.stack(ibs).reshape(1, B)
        sx_ref[pl.ds(i, 1), :] = jnp.stack(nsx).reshape(1, B)
        sy_ref[pl.ds(i, 1), :] = jnp.stack(nsy).reshape(1, B)
        sz_ref[pl.ds(i, 1), :] = jnp.stack(nsz).reshape(1, B)
        return nds

    def body2(k, _):
        i = 2 * k + 1
        ds = [d_refs[b][...] for b in range(B)]
        ds = step(i, ds)
        step(i + 1, ds)
        return 0

    lax.fori_loop(0, (M - 1) // 2, body2, 0)
    step(M - 1, [d_refs[b][...] for b in range(B)])


def _run_fps(p, M):
    B, N, _ = p.shape
    R = 8
    C = N // R
    px = p[..., 0].reshape(B, R, C)
    py = p[..., 1].reshape(B, R, C)
    pz = p[..., 2].reshape(B, R, C)
    out_shape = [
        jax.ShapeDtypeStruct((M, B), jnp.int32),
        jax.ShapeDtypeStruct((M, B), jnp.float32),
        jax.ShapeDtypeStruct((M, B), jnp.float32),
        jax.ShapeDtypeStruct((M, B), jnp.float32),
    ]
    return pl.pallas_call(
        _fps_body,
        out_shape=out_shape,
        scratch_shapes=[pltpu.VMEM((R, C), jnp.float32) for _ in range(B)],
    )(px, py, pz)


def _mm_body(f_ref, w_ref, y_ref):
    y_ref[...] = jnp.dot(f_ref[...], w_ref[...],
                         preferred_element_type=jnp.float32)


def _run_dense(feats_pad, w_pad):
    BN_, K = feats_pad.shape
    CO = w_pad.shape[1]
    BLK = 2048
    return pl.pallas_call(
        _mm_body,
        grid=(BN_ // BLK,),
        in_specs=[
            pl.BlockSpec((BLK, K), lambda i: (i, 0)),
            pl.BlockSpec((K, CO), lambda i: (0, 0)),
        ],
        out_specs=pl.BlockSpec((BLK, CO), lambda i: (i, 0)),
        out_shape=jax.ShapeDtypeStruct((BN_, CO), jnp.float32),
    )(feats_pad, w_pad)


def _sc_gather_stats(sel2d, knn_flat, y, B, N, M, CO):
    BM = B * M
    CH = BM // _NW
    NCHK = CH * _NS // 128
    PPC = 128 // _NS
    NQ = CO // 16
    wpb = _NW // B

    mesh = plsc.VectorSubcoreMesh(core_axis_name="c", subcore_axis_name="s")

    @functools.partial(
        pl.kernel,
        mesh=mesh,
        compiler_params=pltpu.CompilerParams(use_tc_tiling_on_sc=False),
        out_type=(
            jax.ShapeDtypeStruct((BM, CO), jnp.float32),
            jax.ShapeDtypeStruct((BM, CO), jnp.float32),
            jax.ShapeDtypeStruct((BM, CO), jnp.float32),
            jax.ShapeDtypeStruct((_NW, CO), jnp.float32),
        ),
        scratch_types=[
            pltpu.VMEM((CH // 128, 128), jnp.int32),
            pltpu.VMEM((CH, _NS), jnp.int32),
            pltpu.VMEM((NCHK, 128), jnp.int32),
            pltpu.VMEM((128, CO), jnp.float32),
            pltpu.VMEM((128, CO), jnp.float32),
            pltpu.VMEM((2, PPC, CO), jnp.float32),
            pltpu.VMEM((2, PPC, CO), jnp.float32),
            pltpu.VMEM((2, PPC, CO), jnp.float32),
            pltpu.VMEM((1, CO), jnp.float32),
            pltpu.SemaphoreType.DMA,
            pltpu.SemaphoreType.DMA,
            pltpu.SemaphoreType.DMA,
            pltpu.SemaphoreType.DMA,
            pltpu.SemaphoreType.DMA,
        ],
    )
    def sck(sel_hbm, knn_hbm, y_hbm, gs_hbm, gx_hbm, gn_hbm, g2_hbm,
            sel_v, knn_v, idx_buf, bufa, bufb, wgs, wgx, wgn, g2_v,
            sa, sb, wa, wb, sk):
        wid = lax.axis_index("s") * 2 + lax.axis_index("c")
        base = wid * CH
        boff = (wid // wpb) * N
        nsel = CH // 128

        pltpu.sync_copy(sel_hbm.at[pl.ds(wid * nsel, nsel)], sel_v)
        for ci in range(nsel):
            for q in range(128 // 16):
                sl = (ci, pl.ds(q * 16, 16))
                sel_v[sl] = sel_v[sl] + boff
        knn_cps = []
        for ci in range(nsel):
            knn_cps.append(pltpu.async_copy(
                knn_hbm.at[sel_v.at[ci]],
                knn_v.at[pl.ds(ci * 128, 128)], sk))
        for cp in knn_cps:
            cp.wait()

        def cpbody(c, _):
            for pt in range(PPC):
                row = knn_v[c * PPC + pt, :] + boff
                idx_buf[c, pl.ds(pt * _NS, _NS)] = row
            return 0

        lax.fori_loop(0, NCHK, cpbody, 0)

        pltpu.async_copy(y_hbm.at[idx_buf.at[0]], bufa, sa)
        pltpu.async_copy(y_hbm.at[idx_buf.at[1]], bufb, sb)

        def outer(o, g2c):
            for half in range(2):
                c = o * 2 + half
                buf = bufa if half == 0 else bufb
                sem = sa if half == 0 else sb
                wsem = wa if half == 0 else wb
                pltpu.make_async_copy(y_hbm.at[idx_buf.at[c]], buf,
                                      sem).wait()

                @pl.when(c >= 2)
                def _():
                    for wbuf, hbm in ((wgs, gs_hbm), (wgx, gx_hbm),
                                      (wgn, gn_hbm)):
                        pltpu.make_async_copy(
                            wbuf.at[half], hbm.at[pl.ds(base, PPC)],
                            wsem).wait()

                def ptbody(pt, g2i):
                    r0 = pt * _NS
                    g2o = []
                    for q in range(NQ):
                        qs = pl.ds(q * 16, 16)
                        v = buf[r0, qs]
                        s, mx, mn = v, v, v
                        g2q = g2i[q] + v * v
                        for j in range(1, _NS):
                            v = buf[r0 + j, qs]
                            s = s + v
                            mx = jnp.maximum(mx, v)
                            mn = jnp.minimum(mn, v)
                            g2q = g2q + v * v
                        wgs[half, pt, qs] = s
                        wgx[half, pt, qs] = mx
                        wgn[half, pt, qs] = mn
                        g2o.append(g2q)
                    return tuple(g2o)

                g2c = lax.fori_loop(0, PPC, ptbody, g2c)

                orow0 = base + c * PPC
                for wbuf, hbm in ((wgs, gs_hbm), (wgx, gx_hbm),
                                  (wgn, gn_hbm)):
                    pltpu.async_copy(wbuf.at[half],
                                     hbm.at[pl.ds(orow0, PPC)], wsem)

                @pl.when(c + 2 < NCHK)
                def _fire():
                    pltpu.async_copy(y_hbm.at[idx_buf.at[c + 2]], buf, sem)
            return g2c

        zeros = jnp.zeros((16,), jnp.float32)
        g2 = lax.fori_loop(0, NCHK // 2, outer, (zeros,) * NQ)

        for half in range(2):
            wsem = wa if half == 0 else wb
            for wbuf, hbm in ((wgs, gs_hbm), (wgx, gx_hbm), (wgn, gn_hbm)):
                pltpu.make_async_copy(wbuf.at[half],
                                      hbm.at[pl.ds(base, PPC)], wsem).wait()
        for q in range(NQ):
            g2_v[0, pl.ds(q * 16, 16)] = g2[q]
        pltpu.sync_copy(g2_v, g2_hbm.at[pl.ds(wid, 1)])

    return sck(sel2d, knn_flat, y)


def _fin_body(gs_ref, gx_ref, gn_ref, g2_ref, np8_ref, wx_ref, gam_ref,
              bet_ref, out_ref):
    z = jnp.dot(np8_ref[...], wx_ref[...],
                preferred_element_type=jnp.float32)
    gs = gs_ref[...]
    ns = jnp.float32(_NS)
    s1 = jnp.sum(gs, axis=0) - ns * jnp.sum(z, axis=0)
    s2 = (jnp.sum(g2_ref[...], axis=0)
          - 2.0 * jnp.sum(z * gs, axis=0)
          + ns * jnp.sum(z * z, axis=0))
    cnt = jnp.float32(gs_ref.shape[0] * _NS)
    mean = s1 / cnt
    var = s2 / cnt - mean * mean
    inv = 1.0 / jnp.sqrt(var + _EPS)
    scale = gam_ref[...] * inv
    shift = bet_ref[...] - (mean * scale)
    hsel = jnp.where(scale >= 0.0, gx_ref[...], gn_ref[...]) - z
    out_ref[...] = jnp.maximum(scale * hsel + shift, 0.0)


def _run_finalize(gs, gx, gn, g2, np8, wx8, gamma, beta):
    BM, CO = gs.shape
    return pl.pallas_call(
        _fin_body,
        out_shape=jax.ShapeDtypeStruct((BM, CO), jnp.float32),
        compiler_params=pltpu.CompilerParams(
            vmem_limit_bytes=100 * 1024 * 1024),
    )(gs, gx, gn, g2, np8, wx8, gamma.reshape(1, CO), beta.reshape(1, CO))


def kernel(x, p, knn_ind, W, gamma, beta):
    B, N, CI = x.shape
    M = N // 4
    CO = W.shape[0]
    BM = B * M

    idx_mb, sx_mb, sy_mb, sz_mb = _run_fps(p, M)
    new_p = jnp.stack([sx_mb, sy_mb, sz_mb], axis=-1).transpose(1, 0, 2)

    feats = jnp.concatenate(
        [p, x, jnp.zeros((B, N, 128 - 3 - CI), jnp.float32)], axis=-1)
    w_pad = jnp.zeros((128, CO), jnp.float32).at[:3 + CI].set(W.T)
    y = _run_dense(feats.reshape(B * N, 128), w_pad)

    sel2d = idx_mb.T.reshape(BM // 128, 128)
    knn_flat = knn_ind.reshape(B * N, _NS)
    gs, gx, gn, g2 = _sc_gather_stats(sel2d, knn_flat, y, B, N, M, CO)

    np8 = jnp.zeros((BM, 8), jnp.float32).at[:, :3].set(new_p.reshape(BM, 3))
    wx8 = jnp.zeros((8, CO), jnp.float32).at[:3].set(W[:, :3].T)
    out = _run_finalize(gs, gx, gn, g2, np8, wx8, gamma, beta)

    return (out.reshape(B, M, CO), new_p, knn_ind)

# --- scband reference (transcript-rebuilt; emitter-appended) ---
"""Pipeline reference for scband-transition-down-40819369181268 (READ-ONLY COPY).

The authoritative reference and input builder live on the scoring server;
editing this copy changes nothing except your own understanding.
"""

import jax, jax.numpy as jnp
import numpy as np

STRIDE = 4
NSAMPLE = 16
B, N, C_IN, C_OUT = 4, 16384, 64, 64
EPS = 1e-5


def farthest_point_sample(p, K):
    # p: (B, N, 3) -> indices (B, K), deterministic start at index 0 (pytorch3d default)
    Bq, Nq, _ = p.shape
    idxs = jnp.zeros((Bq, K), dtype=jnp.int32)
    d = jnp.sum((p - p[:, :1, :]) ** 2, axis=-1)  # (B, N) min sq-dist to selected set

    def body(i, carry):
        d, idxs = carry
        nxt = jnp.argmax(d, axis=1).astype(jnp.int32)  # (B,)
        idxs = idxs.at[:, i].set(nxt)
        sel = jnp.take_along_axis(p, nxt[:, None, None], axis=1)  # (B,1,3)
        nd = jnp.sum((p - sel) ** 2, axis=-1)
        d = jnp.minimum(d, nd)
        return (d, idxs)

    d, idxs = jax.lax.fori_loop(1, K, body, (d, idxs))
    return idxs


def batch_gather(x, idx):
    # x: (B, N, ...), idx: (B, ...) -> x[b, idx[b]]
    return jax.vmap(lambda xb, ib: jnp.take(xb, ib, axis=0))(x, idx)


def setup_inputs(seed: int = 0):
    key = jax.random.key(seed)
    k1, k2, k3, k4 = jax.random.split(key, 4)
    x = jax.random.normal(k1, (B, N, C_IN), dtype=jnp.float32)
    p = jax.random.uniform(k2, (B, N, 3), dtype=jnp.float32)
    knn_ind = jax.random.randint(k3, (B, N, NSAMPLE), 0, N, dtype=jnp.int32)
    # nn.Linear(3 + in_planes, out_planes, bias=False): weight shape (out, in)
    W = jax.random.normal(k4, (C_OUT, 3 + C_IN), dtype=jnp.float32) * (1.0 / np.sqrt(3 + C_IN))
    gamma = jnp.ones((C_OUT,), dtype=jnp.float32)
    beta = jnp.zeros((C_OUT,), dtype=jnp.float32)
    return {"x": x, "p": p, "knn_ind": knn_ind, "W": W, "gamma": gamma, "beta": beta}


def reference(x, p, knn_ind, W, gamma, beta):
    M = p.shape[1] // STRIDE
    new_p_ind = farthest_point_sample(jax.lax.stop_gradient(p), M)  # (B, M)
    new_p = batch_gather(p, new_p_ind)  # (B, M, 3)
    new_p_nn_ind = batch_gather(knn_ind, new_p_ind)  # (B, M, nsample)
    new_p_feat = batch_gather(x, new_p_nn_ind)  # (B, M, nsample, C)
    gathered_xyz = batch_gather(p, new_p_nn_ind)  # (B, M, nsample, 3)
    gathered_xyz = gathered_xyz - new_p[:, :, None, :]
    feat = jnp.concatenate([gathered_xyz, new_p_feat], axis=-1)  # (B, M, ns, 3+C)
    h = jnp.einsum('bmnc,oc->bmno', feat, W)  # (B, M, ns, out)
    # BatchNorm2d over channel=out (training mode: batch statistics, biased var)
    mean = jnp.mean(h, axis=(0, 1, 2))
    var = jnp.var(h, axis=(0, 1, 2))
    h = (h - mean) / jnp.sqrt(var + EPS) * gamma + beta
    h = jax.nn.relu(h)
    # MaxPool2d((nsample, 1)) -> max over the nsample axis
    out = jnp.max(h, axis=2)  # (B, M, out)
    return (out, new_p, knn_ind)

if __name__ == "__main__":
    import jax
    _d = setup_inputs()
    print(jax.jit(kernel)(*tuple(_d.values())))

</pallas_src>

<mosaic_0001>
#map = affine_map<(d0, d1) -> (0, 0)>
module attributes {stable_mosaic.version = 14 : i64} {
  func.func @sck(%arg0: i32, %arg1: i32, %arg2: memref<128x128xi32, #tpu.memory_space<hbm>>, %arg3: memref<65536x16xi32, #tpu.memory_space<hbm>>, %arg4: memref<65536x64xf32, #tpu.memory_space<hbm>>, %arg5: memref<16384x64xf32, #tpu.memory_space<hbm>>, %arg6: memref<16384x64xf32, #tpu.memory_space<hbm>>, %arg7: memref<16384x64xf32, #tpu.memory_space<hbm>>, %arg8: memref<32x64xf32, #tpu.memory_space<hbm>>, %arg9: memref<4x128xi32, #tpu.memory_space<vmem>>, %arg10: memref<512x16xi32, #tpu.memory_space<vmem>>, %arg11: memref<64x128xi32, #tpu.memory_space<vmem>>, %arg12: memref<128x64xf32, #tpu.memory_space<vmem>>, %arg13: memref<128x64xf32, #tpu.memory_space<vmem>>, %arg14: memref<2x8x64xf32, #tpu.memory_space<vmem>>, %arg15: memref<2x8x64xf32, #tpu.memory_space<vmem>>, %arg16: memref<2x8x64xf32, #tpu.memory_space<vmem>>, %arg17: memref<1x64xf32, #tpu.memory_space<vmem>>, %arg18: memref<!tpu.dma_semaphore, #tpu.memory_space<semaphore_mem>>, %arg19: memref<!tpu.dma_semaphore, #tpu.memory_space<semaphore_mem>>, %arg20: memref<!tpu.dma_semaphore, #tpu.memory_space<semaphore_mem>>, %arg21: memref<!tpu.dma_semaphore, #tpu.memory_space<semaphore_mem>>, %arg22: memref<!tpu.dma_semaphore, #tpu.memory_space<semaphore_mem>>) attributes {dimension_semantics = [#tpu.dimension_semantics<core_parallel>, #tpu.dimension_semantics<subcore_parallel>], iteration_bounds = array<i64: 2, 16>, scalar_prefetch = 0 : i64, scratch_operands = 14 : i64, tpu.core_type = #tpu.core_type<sc_vector_subcore>, window_params = [{transform_indices = #map}, {transform_indices = #map}, {transform_indices = #map}, {transform_indices = #map}, {transform_indices = #map}, {transform_indices = #map}, {transform_indices = #map}]} {
    %mul3A = arith.constant 2 : i32
    %mul3A_0 = arith.muli %arg1, %mul3A : i32
    %add3A = arith.addi %mul3A_0, %arg0 : i32
    %mul3A_1 = arith.constant 512 : i32
    %mul3A_2 = arith.muli %add3A, %mul3A_1 : i32
    %jit3A = arith.constant 8 : i32
    %div3A = arith.divsi %add3A, %jit3A : i32
    %sign3A = arith.constant 0 : i32
    %sign3A_3 = arith.cmpi sgt, %add3A, %sign3A : i32
    %sign3A_4 = arith.extui %sign3A_3 : i1 to i32
    %sign3A_5 = arith.constant 0 : i32
    %sign3A_6 = arith.cmpi slt, %add3A, %sign3A_5 : i32
    %sign3A_7 = arith.extui %sign3A_6 : i1 to i32
    %sign3A_8 = arith.subi %sign3A_4, %sign3A_7 : i32
    %sign3A_9 = arith.constant 0 : i32
    %sign3A_10 = arith.cmpi sgt, %jit3A, %sign3A_9 : i32
    %sign3A_11 = arith.extui %sign3A_10 : i1 to i32
    %sign3A_12 = arith.constant 0 : i32
    %sign3A_13 = arith.cmpi slt, %jit3A, %sign3A_12 : i32
    %sign3A_14 = arith.extui %sign3A_13 : i1 to i32
    %sign3A_15 = arith.subi %sign3A_11, %sign3A_14 : i32
    %ne3A = arith.cmpi ne, %sign3A_8, %sign3A_15 : i32
    %rem3A = arith.remsi %add3A, %jit3A : i32
    %ne3A_16 = arith.constant 0 : i32
    %ne3A_17 = arith.cmpi ne, %rem3A, %ne3A_16 : i32
    %and3A = arith.andi %ne3A, %ne3A_17 : i1
    %sub3A = arith.constant 1 : i32
    %sub3A_18 = arith.subi %div3A, %sub3A : i32
    %select_n3A = arith.select %and3A, %sub3A_18, %div3A : i32
    %mul3A_19 = arith.constant 16384 : i32
    %mul3A_20 = arith.muli %select_n3A, %mul3A_19 : i32
    %mul3A_21 = arith.constant 4 : i32
    %mul3A_22 = arith.muli %add3A, %mul3A_21 : i32
    "tpu.region"() ({
      %run_scoped3A = tpu.sem_alloc : memref<!tpu.dma_semaphore, #tpu.memory_space<semaphore_mem>>
      %dma_start3A_644 = arith.constant 0 : i32
      %dma_start3A_645 = tpu.memref_slice %arg2[%mul3A_22, %dma_start3A_644] : memref<128x128xi32, #tpu.memory_space<hbm>> -> memref<4x128xi32, #tpu.memory_space<hbm>>
      %dma_start3A_646 = arith.constant 0 : i32
      %dma_start3A_647 = tpu.memref_slice %arg2[%mul3A_22, %dma_start3A_646] : memref<128x128xi32, #tpu.memory_space<hbm>> -> memref<4x128xi32, #tpu.memory_space<hbm>>
      tpu.enqueue_dma source(%dma_start3A_647 : memref<4x128xi32, #tpu.memory_space<hbm>>) target(%arg9 : memref<4x128xi32, #tpu.memory_space<vmem>>) target_semaphore(%run_scoped3A : memref<!tpu.dma_semaphore, #tpu.memory_space<semaphore_mem>>)
      %dma_wait3A_648 = arith.constant 0 : i32
      %dma_wait3A_649 = tpu.memref_slice %arg2[%mul3A_22, %dma_wait3A_648] : memref<128x128xi32, #tpu.memory_space<hbm>> -> memref<4x128xi32, #tpu.memory_space<hbm>>
      %dma_wait3A_650 = arith.constant 0 : i32
      %dma_wait3A_651 = tpu.memref_slice %arg2[%mul3A_22, %dma_wait3A_650] : memref<128x128xi32, #tpu.memory_space<hbm>> -> memref<4x128xi32, #tpu.memory_space<hbm>>
      tpu.wait_dma2 semaphore(%run_scoped3A : memref<!tpu.dma_semaphore, #tpu.memory_space<semaphore_mem>>) src(%dma_wait3A_651 : memref<4x128xi32, #tpu.memory_space<hbm>>) dst(%arg9 : memref<4x128xi32, #tpu.memory_space<vmem>>)
      tpu.yield
    }) : () -> ()
    %get3A = arith.constant 0 : i32
    %get3A_23 = arith.index_cast %get3A : i32 to index
    %get3A_24 = arith.constant 0 : index
    %get3A_25 = tpu.vector_load %arg9[%get3A_23, %get3A_24] {strides = array<i32>} : memref<4x128xi32, #tpu.memory_space<vmem>>, vector<1x16xi32>,
    %get3A_26 = vector.shape_cast %get3A_25 : vector<1x16xi32> to vector<16xi32>
    %add3A_27 = vector.broadcast %mul3A_20 : i32 to vector<16xi32>
    %add3A_28 = arith.addi %get3A_26, %add3A_27 : vector<16xi32>
    %swap3A = arith.constant 0 : i32
    %swap3A_29 = arith.index_cast %swap3A : i32 to index
    %swap3A_30 = arith.constant 0 : index
    %swap3A_31 = tpu.vector_load %arg9[%swap3A_29, %swap3A_30] {strides = array<i32>} : memref<4x128xi32, #tpu.memory_space<vmem>>, vector<1x16xi32>,
    %swap3A_32 = vector.shape_cast %swap3A_31 : vector<1x16xi32> to vector<16xi32>
    %swap3A_33 = vector.shape_cast %add3A_28 : vector<16xi32> to vector<1x16xi32>
    tpu.vector_store %arg9[%swap3A_29, %swap3A_30], %swap3A_33 {strides = array<i32>} : memref<4x128xi32, #tpu.memory_space<vmem>>, vector<1x16xi32>,
    %get3A_34 = arith.constant 0 : i32
    %get3A_35 = arith.index_cast %get3A_34 : i32 to index
    %get3A_36 = arith.constant 16 : index
    %get3A_37 = tpu.vector_load %arg9[%get3A_35, %get3A_36] {strides = array<i32>} : memref<4x128xi32, #tpu.memory_space<vmem>>, vector<1x16xi32>,
    %get3A_38 = vector.shape_cast %get3A_37 : vector<1x16xi32> to vector<16xi32>
    %add3A_39 = vector.broadcast %mul3A_20 : i32 to vector<16xi32>
    %add3A_40 = arith.addi %get3A_38, %add3A_39 : vector<16xi32>
    %swap3A_41 = arith.constant 0 : i32
    %swap3A_42 = arith.index_cast %swap3A_41 : i32 to index
    %swap3A_43 = arith.constant 16 : index
    %swap3A_44 = tpu.vector_load %arg9[%swap3A_42, %swap3A_43] {strides = array<i32>} : memref<4x128xi32, #tpu.memory_space<vmem>>, vector<1x16xi32>,
    %swap3A_45 = vector.shape_cast %swap3A_44 : vector<1x16xi32> to vector<16xi32>
    %swap3A_46 = vector.shape_cast %add3A_40 : vector<16xi32> to vector<1x16xi32>
    tpu.vector_store %arg9[%swap3A_42, %swap3A_43], %swap3A_46 {strides = array<i32>} : memref<4x128xi32, #tpu.memory_space<vmem>>, vector<1x16xi32>,
    %get3A_47 = arith.constant 0 : i32
    %get3A_48 = arith.index_cast %get3A_47 : i32 to index
    %get3A_49 = arith.constant 32 : index
    %get3A_50 = tpu.vector_load %arg9[%get3A_48, %get3A_49] {strides = array<i32>} : memref<4x128xi32, #tpu.memory_space<vmem>>, vector<1x16xi32>,
    %get3A_51 = vector.shape_cast %get3A_50 : vector<1x16xi32> to vector<16xi32>
    %add3A_52 = vector.broadcast %mul3A_20 : i32 to vector<16xi32>
    %add3A_53 = arith.addi %get3A_51, %add3A_52 : vector<16xi32>
    %swap3A_54 = arith.constant 0 : i32
    %swap3A_55 = arith.index_cast %swap3A_54 : i32 to index
    %swap3A_56 = arith.constant 32 : index
    %swap3A_57 = tpu.vector_load %arg9[%swap3A_55, %swap3A_56] {strides = array<i32>} : memref<4x128xi32, #tpu.memory_space<vmem>>, vector<1x16xi32>,
    %swap3A_58 = vector.shape_cast %swap3A_57 : vector<1x16xi32> to vector<16xi32>
    %swap3A_59 = vector.shape_cast %add3A_53 : vector<16xi32> to vector<1x16xi32>
    tpu.vector_store %arg9[%swap3A_55, %swap3A_56], %swap3A_59 {strides = array<i32>} : memref<4x128xi32, #tpu.memory_space<vmem>>, vector<1x16xi32>,
    %get3A_60 = arith.constant 0 : i32
    %get3A_61 = arith.index_cast %get3A_60 : i32 to index
    %get3A_62 = arith.constant 48 : index
    %get3A_63 = tpu.vector_load %arg9[%get3A_61, %get3A_62] {strides = array<i32>} : memref<4x128xi32, #tpu.memory_space<vmem>>, vector<1x16xi32>,
    %get3A_64 = vector.shape_cast %get3A_63 : vector<1x16xi32> to vector<16xi32>
    %add3A_65 = vector.broadcast %mul3A_20 : i32 to vector<16xi32>
    %add3A_66 = arith.addi %get3A_64, %add3A_65 : vector<16xi32>
    %swap3A_67 = arith.constant 0 : i32
    %swap3A_68 = arith.index_cast %swap3A_67 : i32 to index
    %swap3A_69 = arith.constant 48 : index
    %swap3A_70 = tpu.vector_load %arg9[%swap3A_68, %swap3A_69] {strides = array<i32>} : memref<4x128xi32, #tpu.memory_space<vmem>>, vector<1x16xi32>,
    %swap3A_71 = vector.shape_cast %swap3A_70 : vector<1x16xi32> to vector<16xi32>
    %swap3A_72 = vector.shape_cast %add3A_66 : vector<16xi32> to vector<1x16xi32>
    tpu.vector_store %arg9[%swap3A_68, %swap3A_69], %swap3A_72 {strides = array<i32>} : memref<4x128xi32, #tpu.memory_space<vmem>>, vector<1x16xi32>,
    %get3A_73 = arith.constant 0 : i32
    %get3A_74 = arith.index_cast %get3A_73 : i32 to index
    %get3A_75 = arith.constant 64 : index
    %get3A_76 = tpu.vector_load %arg9[%get3A_74, %get3A_75] {strides = array<i32>} : memref<4x128xi32, #tpu.memory_space<vmem>>, vector<1x16xi32>,
    %get3A_77 = vector.shape_cast %get3A_76 : vector<1x16xi32> to vector<16xi32>
    %add3A_78 = vector.broadcast %mul3A_20 : i32 to vector<16xi32>
    %add3A_79 = arith.addi %get3A_77, %add3A_78 : vector<16xi32>
    %swap3A_80 = arith.constant 0 : i32
    %swap3A_81 = arith.index_cast %swap3A_80 : i32 to index
    %swap3A_82 = arith.constant 64 : index
    %swap3A_83 = tpu.vector_load %arg9[%swap3A_81, %swap3A_82] {strides = array<i32>} : memref<4x128xi32, #tpu.memory_space<vmem>>, vector<1x16xi32>,
    %swap3A_84 = vector.shape_cast %swap3A_83 : vector<1x16xi32> to vector<16xi32>
    %swap3A_85 = vector.shape_cast %add3A_79 : vector<16xi32> to vector<1x16xi32>
    tpu.vector_store %arg9[%swap3A_81, %swap3A_82], %swap3A_85 {strides = array<i32>} : memref<4x128xi32, #tpu.memory_space<vmem>>, vector<1x16xi32>,
    %get3A_86 = arith.constant 0 : i32
    %get3A_87 = arith.index_cast %get3A_86 : i32 to index
    %get3A_88 = arith.constant 80 : index
    %get3A_89 = tpu.vector_load %arg9[%get3A_87, %get3A_88] {strides = array<i32>} : memref<4x128xi32, #tpu.memory_space<vmem>>, vector<1x16xi32>,
    %get3A_90 = vector.shape_cast %get3A_89 : vector<1x16xi32> to vector<16xi32>
    %add3A_91 = vector.broadcast %mul3A_20 : i32 to vector<16xi32>
    %add3A_92 = arith.addi %get3A_90, %add3A_91 : vector<16xi32>
    %swap3A_93 = arith.constant 0 : i32
    %swap3A_94 = arith.index_cast %swap3A_93 : i32 to index
    %swap3A_95 = arith.constant 80 : index
    %swap3A_96 = tpu.vector_load %arg9[%swap3A_94, %swap3A_95] {strides = array<i32>} : memref<4x128xi32, #tpu.memory_space<vmem>>, vector<1x16xi32>,
    %swap3A_97 = vector.shape_cast %swap3A_96 : vector<1x16xi32> to vector<16xi32>
    %swap3A_98 = vector.shape_cast %add3A_92 : vector<16xi32> to vector<1x16xi32>
    tpu.vector_store %arg9[%swap3A_94, %swap3A_95], %swap3A_98 {strides = array<i32>} : memref<4x128xi32, #tpu.memory_space<vmem>>, vector<1x16xi32>,
    %get3A_99 = arith.constant 0 : i32
    %get3A_100 = arith.index_cast %get3A_99 : i32 to index
    %get3A_101 = arith.constant 96 : index
    %get3A_102 = tpu.vector_load %arg9[%get3A_100, %get3A_101] {strides = array<i32>} : memref<4x128xi32, #tpu.memory_space<vmem>>, vector<1x16xi32>,
    %get3A_103 = vector.shape_cast %get3A_102 : vector<1x16xi32> to vector<16xi32>
    %add3A_104 = vector.broadcast %mul3A_20 : i32 to vector<16xi32>
    %add3A_105 = arith.addi %get3A_103, %add3A_104 : vector<16xi32>
    %swap3A_106 = arith.constant 0 : i32
    %swap3A_107 = arith.index_cast %swap3A_106 : i32 to index
    %swap3A_108 = arith.constant 96 : index
    %swap3A_109 = tpu.vector_load %arg9[%swap3A_107, %swap3A_108] {strides = array<i32>} : memref<4x128xi32, #tpu.memory_space<vmem>>, vector<1x16xi32>,
    %swap3A_110 = vector.shape_cast %swap3A_109 : vector<1x16xi32> to vector<16xi32>
    %swap3A_111 = vector.shape_cast %add3A_105 : vector<16xi32> to vector<1x16xi32>
    tpu.vector_store %arg9[%swap3A_107, %swap3A_108], %swap3A_111 {strides = array<i32>} : memref<4x128xi32, #tpu.memory_space<vmem>>, vector<1x16xi32>,
    %get3A_112 = arith.constant 0 : i32
    %get3A_113 = arith.index_cast %get3A_112 : i32 to index
    %get3A_114 = arith.constant 112 : index
    %get3A_115 = tpu.vector_load %arg9[%get3A_113, %get3A_114] {strides = array<i32>} : memref<4x128xi32, #tpu.memory_space<vmem>>, vector<1x16xi32>,
    %get3A_116 = vector.shape_cast %get3A_115 : vector<1x16xi32> to vector<16xi32>
    %add3A_117 = vector.broadcast %mul3A_20 : i32 to vector<16xi32>
    %add3A_118 = arith.addi %get3A_116, %add3A_117 : vector<16xi32>
    %swap3A_119 = arith.constant 0 : i32
    %swap3A_120 = arith.index_cast %swap3A_119 : i32 to index
    %swap3A_121 = arith.constant 112 : index
    %swap3A_122 = tpu.vector_load %arg9[%swap3A_120, %swap3A_121] {strides = array<i32>} : memref<4x128xi32, #tpu.memory_space<vmem>>, vector<1x16xi32>,
    %swap3A_123 = vector.shape_cast %swap3A_122 : vector<1x16xi32> to vector<16xi32>
    %swap3A_124 = vector.shape_cast %add3A_118 : vector<16xi32> to vector<1x16xi32>
    tpu.vector_store %arg9[%swap3A_120, %swap3A_121], %swap3A_124 {strides = array<i32>} : memref<4x128xi32, #tpu.memory_space<vmem>>, vector<1x16xi32>,
    %get3A_125 = arith.constant 1 : i32
    %get3A_126 = arith.index_cast %get3A_125 : i32 to index
    %get3A_127 = arith.constant 0 : index
    %get3A_128 = tpu.vector_load %arg9[%get3A_126, %get3A_127] {strides = array<i32>} : memref<4x128xi32, #tpu.memory_space<vmem>>, vector<1x16xi32>,
    %get3A_129 = vector.shape_cast %get3A_128 : vector<1x16xi32> to vector<16xi32>
    %add3A_130 = vector.broadcast %mul3A_20 : i32 to vector<16xi32>
    %add3A_131 = arith.addi %get3A_129, %add3A_130 : vector<16xi32>
    %swap3A_132 = arith.constant 1 : i32
    %swap3A_133 = arith.index_cast %swap3A_132 : i32 to index
    %swap3A_134 = arith.constant 0 : index
    %swap3A_135 = tpu.vector_load %arg9[%swap3A_133, %swap3A_134] {strides = array<i32>} : memref<4x128xi32, #tpu.memory_space<vmem>>, vector<1x16xi32>,
    %swap3A_136 = vector.shape_cast %swap3A_135 : vector<1x16xi32> to vector<16xi32>
    %swap3A_137 = vector.shape_cast %add3A_131 : vector<16xi32> to vector<1x16xi32>
    tpu.vector_store %arg9[%swap3A_133, %swap3A_134], %swap3A_137 {strides = array<i32>} : memref<4x128xi32, #tpu.memory_space<vmem>>, vector<1x16xi32>,
    %get3A_138 = arith.constant 1 : i32
    %get3A_139 = arith.index_cast %get3A_138 : i32 to index
    %get3A_140 = arith.constant 16 : index
    %get3A_141 = tpu.vector_load %arg9[%get3A_139, %get3A_140] {strides = array<i32>} : memref<4x128xi32, #tpu.memory_space<vmem>>, vector<1x16xi32>,
    %get3A_142 = vector.shape_cast %get3A_141 : vector<1x16xi32> to vector<16xi32>
    %add3A_143 = vector.broadcast %mul3A_20 : i32 to vector<16xi32>
    %add3A_144 = arith.addi %get3A_142, %add3A_143 : vector<16xi32>
    %swap3A_145 = arith.constant 1 : i32
    %swap3A_146 = arith.index_cast %swap3A_145 : i32 to index
    %swap3A_147 = arith.constant 16 : index
    %swap3A_148 = tpu.vector_load %arg9[%swap3A_146, %swap3A_147] {strides = array<i32>} : memref<4x128xi32, #tpu.memory_space<vmem>>, vector<1x16xi32>,
    %swap3A_149 = vector.shape_cast %swap3A_148 : vector<1x16xi32> to vector<16xi32>
    %swap3A_150 = vector.shape_cast %add3A_144 : vector<16xi32> to vector<1x16xi32>
    tpu.vector_store %arg9[%swap3A_146, %swap3A_147], %swap3A_150 {strides = array<i32>} : memref<4x128xi32, #tpu.memory_space<vmem>>, vector<1x16xi32>,
    %get3A_151 = arith.constant 1 : i32
    %get3A_152 = arith.index_cast %get3A_151 : i32 to index
    %get3A_153 = arith.constant 32 : index
    %get3A_154 = tpu.vector_load %arg9[%get3A_152, %get3A_153] {strides = array<i32>} : memref<4x128xi32, #tpu.memory_space<vmem>>, vector<1x16xi32>,
    %get3A_155 = vector.shape_cast %get3A_154 : vector<1x16xi32> to vector<16xi32>
    %add3A_156 = vector.broadcast %mul3A_20 : i32 to vector<16xi32>
    %add3A_157 = arith.addi %get3A_155, %add3A_156 : vector<16xi32>
    %swap3A_158 = arith.constant 1 : i32
    %swap3A_159 = arith.index_cast %swap3A_158 : i32 to index
    %swap3A_160 = arith.constant 32 : index
    %swap3A_161 = tpu.vector_load %arg9[%swap3A_159, %swap3A_160] {strides = array<i32>} : memref<4x128xi32, #tpu.memory_space<vmem>>, vector<1x16xi32>,
    %swap3A_162 = vector.shape_cast %swap3A_161 : vector<1x16xi32> to vector<16xi32>
    %swap3A_163 = vector.shape_cast %add3A_157 : vector<16xi32> to vector<1x16xi32>
    tpu.vector_store %arg9[%swap3A_159, %swap3A_160], %swap3A_163 {strides = array<i32>} : memref<4x128xi32, #tpu.memory_space<vmem>>, vector<1x16xi32>,
    %get3A_164 = arith.constant 1 : i32
    %get3A_165 = arith.index_cast %get3A_164 : i32 to index
    %get3A_166 = arith.constant 48 : index
    %get3A_167 = tpu.vector_load %arg9[%get3A_165, %get3A_166] {strides = array<i32>} : memref<4x128xi32, #tpu.memory_space<vmem>>, vector<1x16xi32>,
    %get3A_168 = vector.shape_cast %get3A_167 : vector<1x16xi32> to vector<16xi32>
    %add3A_169 = vector.broadcast %mul3A_20 : i32 to vector<16xi32>
    %add3A_170 = arith.addi %get3A_168, %add3A_169 : vector<16xi32>
    %swap3A_171 = arith.constant 1 : i32
    %swap3A_172 = arith.index_cast %swap3A_171 : i32 to index
    %swap3A_173 = arith.constant 48 : index
    %swap3A_174 = tpu.vector_load %arg9[%swap3A_172, %swap3A_173] {strides = array<i32>} : memref<4x128xi32, #tpu.memory_space<vmem>>, vector<1x16xi32>,
    %swap3A_175 = vector.shape_cast %swap3A_174 : vector<1x16xi32> to vector<16xi32>
    %swap3A_176 = vector.shape_cast %add3A_170 : vector<16xi32> to vector<1x16xi32>
    tpu.vector_store %arg9[%swap3A_172, %swap3A_173], %swap3A_176 {strides = array<i32>} : memref<4x128xi32, #tpu.memory_space<vmem>>, vector<1x16xi32>,
    %get3A_177 = arith.constant 1 : i32
    %get3A_178 = arith.index_cast %get3A_177 : i32 to index
    %get3A_179 = arith.constant 64 : index
    %get3A_180 = tpu.vector_load %arg9[%get3A_178, %get3A_179] {strides = array<i32>} : memref<4x128xi32, #tpu.memory_space<vmem>>, vector<1x16xi32>,
    %get3A_181 = vector.shape_cast %get3A_180 : vector<1x16xi32> to vector<16xi32>
    %add3A_182 = vector.broadcast %mul3A_20 : i32 to vector<16xi32>
    %add3A_183 = arith.addi %get3A_181, %add3A_182 : vector<16xi32>
    %swap3A_184 = arith.constant 1 : i32
    %swap3A_185 = arith.index_cast %swap3A_184 : i32 to index
    %swap3A_186 = arith.constant 64 : index
    %swap3A_187 = tpu.vector_load %arg9[%swap3A_185, %swap3A_186] {strides = array<i32>} : memref<4x128xi32, #tpu.memory_space<vmem>>, vector<1x16xi32>,
    %swap3A_188 = vector.shape_cast %swap3A_187 : vector<1x16xi32> to vector<16xi32>
    %swap3A_189 = vector.shape_cast %add3A_183 : vector<16xi32> to vector<1x16xi32>
    tpu.vector_store %arg9[%swap3A_185, %swap3A_186], %swap3A_189 {strides = array<i32>} : memref<4x128xi32, #tpu.memory_space<vmem>>, vector<1x16xi32>,
    %get3A_190 = arith.constant 1 : i32
    %get3A_191 = arith.index_cast %get3A_190 : i32 to index
    %get3A_192 = arith.constant 80 : index
    %get3A_193 = tpu.vector_load %arg9[%get3A_191, %get3A_192] {strides = array<i32>} : memref<4x128xi32, #tpu.memory_space<vmem>>, vector<1x16xi32>,
    %get3A_194 = vector.shape_cast %get3A_193 : vector<1x16xi32> to vector<16xi32>
    %add3A_195 = vector.broadcast %mul3A_20 : i32 to vector<16xi32>
    %add3A_196 = arith.addi %get3A_194, %add3A_195 : vector<16xi32>
    %swap3A_197 = arith.constant 1 : i32
    %swap3A_198 = arith.index_cast %swap3A_197 : i32 to index
    %swap3A_199 = arith.constant 80 : index
    %swap3A_200 = tpu.vector_load %arg9[%swap3A_198, %swap3A_199] {strides = array<i32>} : memref<4x128xi32, #tpu.memory_space<vmem>>, vector<1x16xi32>,
    %swap3A_201 = vector.shape_cast %swap3A_200 : vector<1x16xi32> to vector<16xi32>
    %swap3A_202 = vector.shape_cast %add3A_196 : vector<16xi32> to vector<1x16xi32>
    tpu.vector_store %arg9[%swap3A_198, %swap3A_199], %swap3A_202 {strides = array<i32>} : memref<4x128xi32, #tpu.memory_space<vmem>>, vector<1x16xi32>,
    %get3A_203 = arith.constant 1 : i32
    %get3A_204 = arith.index_cast %get3A_203 : i32 to index
    %get3A_205 = arith.constant 96 : index
    %get3A_206 = tpu.vector_load %arg9[%get3A_204, %get3A_205] {strides = array<i32>} : memref<4x128xi32, #tpu.memory_space<vmem>>, vector<1x16xi32>,
    %get3A_207 = vector.shape_cast %get3A_206 : vector<1x16xi32> to vector<16xi32>
    %add3A_208 = vector.broadcast %mul3A_20 : i32 to vector<16xi32>
    %add3A_209 = arith.addi %get3A_207, %add3A_208 : vector<16xi32>
    %swap3A_210 = arith.constant 1 : i32
    %swap3A_211 = arith.index_cast %swap3A_210 : i32 to index
    %swap3A_212 = arith.constant 96 : index
    %swap3A_213 = tpu.vector_load %arg9[%swap3A_211, %swap3A_212] {strides = array<i32>} : memref<4x128xi32, #tpu.memory_space<vmem>>, vector<1x16xi32>,
    %swap3A_214 = vector.shape_cast %swap3A_213 : vector<1x16xi32> to vector<16xi32>
    %swap3A_215 = vector.shape_cast %add3A_209 : vector<16xi32> to vector<1x16xi32>
    tpu.vector_store %arg9[%swap3A_211, %swap3A_212], %swap3A_215 {strides = array<i32>} : memref<4x128xi32, #tpu.memory_space<vmem>>, vector<1x16xi32>,
    %get3A_216 = arith.constant 1 : i32
    %get3A_217 = arith.index_cast %get3A_216 : i32 to index
    %get3A_218 = arith.constant 112 : index
    %get3A_219 = tpu.vector_load %arg9[%get3A_217, %get3A_218] {strides = array<i32>} : memref<4x128xi32, #tpu.memory_space<vmem>>, vector<1x16xi32>,
    %get3A_220 = vector.shape_cast %get3A_219 : vector<1x16xi32> to vector<16xi32>
    %add3A_221 = vector.broadcast %mul3A_20 : i32 to vector<16xi32>
    %add3A_222 = arith.addi %get3A_220, %add3A_221 : vector<16xi32>
    %swap3A_223 = arith.constant 1 : i32
    %swap3A_224 = arith.index_cast %swap3A_223 : i32 to index
    %swap3A_225 = arith.constant 112 : index
    %swap3A_226 = tpu.vector_load %arg9[%swap3A_224, %swap3A_225] {strides = array<i32>} : memref<4x128xi32, #tpu.memory_space<vmem>>, vector<1x16xi32>,
    %swap3A_227 = vector.shape_cast %swap3A_226 : vector<1x16xi32> to vector<16xi32>
    %swap3A_228 = vector.shape_cast %add3A_222 : vector<16xi32> to vector<1x16xi32>
    tpu.vector_store %arg9[%swap3A_224, %swap3A_225], %swap3A_228 {strides = array<i32>} : memref<4x128xi32, #tpu.memory_space<vmem>>, vector<1x16xi32>,
    %get3A_229 = arith.constant 2 : i32
    %get3A_230 = arith.index_cast %get3A_229 : i32 to index
    %get3A_231 = arith.constant 0 : index
    %get3A_232 = tpu.vector_load %arg9[%get3A_230, %get3A_231] {strides = array<i32>} : memref<4x128xi32, #tpu.memory_space<vmem>>, vector<1x16xi32>,
    %get3A_233 = vector.shape_cast %get3A_232 : vector<1x16xi32> to vector<16xi32>
    %add3A_234 = vector.broadcast %mul3A_20 : i32 to vector<16xi32>
    %add3A_235 = arith.addi %get3A_233, %add3A_234 : vector<16xi32>
    %swap3A_236 = arith.constant 2 : i32
    %swap3A_237 = arith.index_cast %swap3A_236 : i32 to index
    %swap3A_238 = arith.constant 0 : index
    %swap3A_239 = tpu.vector_load %arg9[%swap3A_237, %swap3A_238] {strides = array<i32>} : memref<4x128xi32, #tpu.memory_space<vmem>>, vector<1x16xi32>,
    %swap3A_240 = vector.shape_cast %swap3A_239 : vector<1x16xi32> to vector<16xi32>
    %swap3A_241 = vector.shape_cast %add3A_235 : vector<16xi32> to vector<1x16xi32>
    tpu.vector_store %arg9[%swap3A_237, %swap3A_238], %swap3A_241 {strides = array<i32>} : memref<4x128xi32, #tpu.memory_space<vmem>>, vector<1x16xi32>,
    %get3A_242 = arith.constant 2 : i32
    %get3A_243 = arith.index_cast %get3A_242 : i32 to index
    %get3A_244 = arith.constant 16 : index
    %get3A_245 = tpu.vector_load %arg9[%get3A_243, %get3A_244] {strides = array<i32>} : memref<4x128xi32, #tpu.memory_space<vmem>>, vector<1x16xi32>,
    %get3A_246 = vector.shape_cast %get3A_245 : vector<1x16xi32> to vector<16xi32>
    %add3A_247 = vector.broadcast %mul3A_20 : i32 to vector<16xi32>
    %add3A_248 = arith.addi %get3A_246, %add3A_247 : vector<16xi32>
    %swap3A_249 = arith.constant 2 : i32
    %swap3A_250 = arith.index_cast %swap3A_249 : i32 to index
    %swap3A_251 = arith.constant 16 : index
    %swap3A_252 = tpu.vector_load %arg9[%swap3A_250, %swap3A_251] {strides = array<i32>} : memref<4x128xi32, #tpu.memory_space<vmem>>, vector<1x16xi32>,
    %swap3A_253 = vector.shape_cast %swap3A_252 : vector<1x16xi32> to vector<16xi32>
    %swap3A_254 = vector.shape_cast %add3A_248 : vector<16xi32> to vector<1x16xi32>
    tpu.vector_store %arg9[%swap3A_250, %swap3A_251], %swap3A_254 {strides = array<i32>} : memref<4x128xi32, #tpu.memory_space<vmem>>, vector<1x16xi32>,
    %get3A_255 = arith.constant 2 : i32
    %get3A_256 = arith.index_cast %get3A_255 : i32 to index
    %get3A_257 = arith.constant 32 : index
    %get3A_258 = tpu.vector_load %arg9[%get3A_256, %get3A_257] {strides = array<i32>} : memref<4x128xi32, #tpu.memory_space<vmem>>, vector<1x16xi32>,
    %get3A_259 = vector.shape_cast %get3A_258 : vector<1x16xi32> to vector<16xi32>
    %add3A_260 = vector.broadcast %mul3A_20 : i32 to vector<16xi32>
    %add3A_261 = arith.addi %get3A_259, %add3A_260 : vector<16xi32>
    %swap3A_262 = arith.constant 2 : i32
    %swap3A_263 = arith.index_cast %swap3A_262 : i32 to index
    %swap3A_264 = arith.constant 32 : index
    %swap3A_265 = tpu.vector_load %arg9[%swap3A_263, %swap3A_264] {strides = array<i32>} : memref<4x128xi32, #tpu.memory_space<vmem>>, vector<1x16xi32>,
    %swap3A_266 = vector.shape_cast %swap3A_265 : vector<1x16xi32> to vector<16xi32>
    %swap3A_267 = vector.shape_cast %add3A_261 : vector<16xi32> to vector<1x16xi32>
    tpu.vector_store %arg9[%swap3A_263, %swap3A_264], %swap3A_267 {strides = array<i32>} : memref<4x128xi32, #tpu.memory_space<vmem>>, vector<1x16xi32>,
    %get3A_268 = arith.constant 2 : i32
    %get3A_269 = arith.index_cast %get3A_268 : i32 to index
    %get3A_270 = arith.constant 48 : index
    %get3A_271 = tpu.vector_load %arg9[%get3A_269, %get3A_270] {strides = array<i32>} : memref<4x128xi32, #tpu.memory_space<vmem>>, vector<1x16xi32>,
    %get3A_272 = vector.shape_cast %get3A_271 : vector<1x16xi32> to vector<16xi32>
    %add3A_273 = vector.broadcast %mul3A_20 : i32 to vector<16xi32>
    %add3A_274 = arith.addi %get3A_272, %add3A_273 : vector<16xi32>
    %swap3A_275 = arith.constant 2 : i32
    %swap3A_276 = arith.index_cast %swap3A_275 : i32 to index
    %swap3A_277 = arith.constant 48 : index
    %swap3A_278 = tpu.vector_load %arg9[%swap3A_276, %swap3A_277] {strides = array<i32>} : memref<4x128xi32, #tpu.memory_space<vmem>>, vector<1x16xi32>,
    %swap3A_279 = vector.shape_cast %swap3A_278 : vector<1x16xi32> to vector<16xi32>
    %swap3A_280 = vector.shape_cast %add3A_274 : vector<16xi32> to vector<1x16xi32>
    tpu.vector_store %arg9[%swap3A_276, %swap3A_277], %swap3A_280 {strides = array<i32>} : memref<4x128xi32, #tpu.memory_space<vmem>>, vector<1x16xi32>,
    %get3A_281 = arith.constant 2 : i32
    %get3A_282 = arith.index_cast %get3A_281 : i32 to index
    %get3A_283 = arith.constant 64 : index
    %get3A_284 = tpu.vector_load %arg9[%get3A_282, %get3A_283] {strides = array<i32>} : memref<4x128xi32, #tpu.memory_space<vmem>>, vector<1x16xi32>,
    %get3A_285 = vector.shape_cast %get3A_284 : vector<1x16xi32> to vector<16xi32>
    %add3A_286 = vector.broadcast %mul3A_20 : i32 to vector<16xi32>
    %add3A_287 = arith.addi %get3A_285, %add3A_286 : vector<16xi32>
    %swap3A_288 = arith.constant 2 : i32
    %swap3A_289 = arith.index_cast %swap3A_288 : i32 to index
    %swap3A_290 = arith.constant 64 : index
    %swap3A_291 = tpu.vector_load %arg9[%swap3A_289, %swap3A_290] {strides = array<i32>} : memref<4x128xi32, #tpu.memory_space<vmem>>, vector<1x16xi32>,
    %swap3A_292 = vector.shape_cast %swap3A_291 : vector<1x16xi32> to vector<16xi32>
    %swap3A_293 = vector.shape_cast %add3A_287 : vector<16xi32> to vector<1x16xi32>
    tpu.vector_store %arg9[%swap3A_289, %swap3A_290], %swap3A_293 {strides = array<i32>} : memref<4x128xi32, #tpu.memory_space<vmem>>, vector<1x16xi32>,
    %get3A_294 = arith.constant 2 : i32
    %get3A_295 = arith.index_cast %get3A_294 : i32 to index
    %get3A_296 = arith.constant 80 : index
    %get3A_297 = tpu.vector_load %arg9[%get3A_295, %get3A_296] {strides = array<i32>} : memref<4x128xi32, #tpu.memory_space<vmem>>, vector<1x16xi32>,
    %get3A_298 = vector.shape_cast %get3A_297 : vector<1x16xi32> to vector<16xi32>
    %add3A_299 = vector.broadcast %mul3A_20 : i32 to vector<16xi32>
    %add3A_300 = arith.addi %get3A_298, %add3A_299 : vector<16xi32>
    %swap3A_301 = arith.constant 2 : i32
    %swap3A_302 = arith.index_cast %swap3A_301 : i32 to index
    %swap3A_303 = arith.constant 80 : index
    %swap3A_304 = tpu.vector_load %arg9[%swap3A_302, %swap3A_303] {strides = array<i32>} : memref<4x128xi32, #tpu.memory_space<vmem>>, vector<1x16xi32>,
    %swap3A_305 = vector.shape_cast %swap3A_304 : vector<1x16xi32> to vector<16xi32>
    %swap3A_306 = vector.shape_cast %add3A_300 : vector<16xi32> to vector<1x16xi32>
    tpu.vector_store %arg9[%swap3A_302, %swap3A_303], %swap3A_306 {strides = array<i32>} : memref<4x128xi32, #tpu.memory_space<vmem>>, vector<1x16xi32>,
    %get3A_307 = arith.constant 2 : i32
    %get3A_308 = arith.index_cast %get3A_307 : i32 to index
    %get3A_309 = arith.constant 96 : index
    %get3A_310 = tpu.vector_load %arg9[%get3A_308, %get3A_309] {strides = array<i32>} : memref<4x128xi32, #tpu.memory_space<vmem>>, vector<1x16xi32>,
    %get3A_311 = vector.shape_cast %get3A_310 : vector<1x16xi32> to vector<16xi32>
    %add3A_312 = vector.broadcast %mul3A_20 : i32 to vector<16xi32>
    %add3A_313 = arith.addi %get3A_311, %add3A_312 : vector<16xi32>
    %swap3A_314 = arith.constant 2 : i32
    %swap3A_315 = arith.index_cast %swap3A_314 : i32 to index
    %swap3A_316 = arith.constant 96 : index
    %swap3A_317 = tpu.vector_load %arg9[%swap3A_315, %swap3A_316] {strides = array<i32>} : memref<4x128xi32, #tpu.memory_space<vmem>>, vector<1x16xi32>,
    %swap3A_318 = vector.shape_cast %swap3A_317 : vector<1x16xi32> to vector<16xi32>
    %swap3A_319 = vector.shape_cast %add3A_313 : vector<16xi32> to vector<1x16xi32>
    tpu.vector_store %arg9[%swap3A_315, %swap3A_316], %swap3A_319 {strides = array<i32>} : memref<4x128xi32, #tpu.memory_space<vmem>>, vector<1x16xi32>,
    %get3A_320 = arith.constant 2 : i32
    %get3A_321 = arith.index_cast %get3A_320 : i32 to index
    %get3A_322 = arith.constant 112 : index
    %get3A_323 = tpu.vector_load %arg9[%get3A_321, %get3A_322] {strides = array<i32>} : memref<4x128xi32, #tpu.memory_space<vmem>>, vector<1x16xi32>,
    %get3A_324 = vector.shape_cast %get3A_323 : vector<1x16xi32> to vector<16xi32>
    %add3A_325 = vector.broadcast %mul3A_20 : i32 to vector<16xi32>
    %add3A_326 = arith.addi %get3A_324, %add3A_325 : vector<16xi32>
    %swap3A_327 = arith.constant 2 : i32
    %swap3A_328 = arith.index_cast %swap3A_327 : i32 to index
    %swap3A_329 = arith.constant 112 : index
    %swap3A_330 = tpu.vector_load %arg9[%swap3A_328, %swap3A_329] {strides = array<i32>} : memref<4x128xi32, #tpu.memory_space<vmem>>, vector<1x16xi32>,
    %swap3A_331 = vector.shape_cast %swap3A_330 : vector<1x16xi32> to vector<16xi32>
    %swap3A_332 = vector.shape_cast %add3A_326 : vector<16xi32> to vector<1x16xi32>
    tpu.vector_store %arg9[%swap3A_328, %swap3A_329], %swap3A_332 {strides = array<i32>} : memref<4x128xi32, #tpu.memory_space<vmem>>, vector<1x16xi32>,
    %get3A_333 = arith.constant 3 : i32
    %get3A_334 = arith.index_cast %get3A_333 : i32 to index
    %get3A_335 = arith.constant 0 : index
    %get3A_336 = tpu.vector_load %arg9[%get3A_334, %get3A_335] {strides = array<i32>} : memref<4x128xi32, #tpu.memory_space<vmem>>, vector<1x16xi32>,
    %get3A_337 = vector.shape_cast %get3A_336 : vector<1x16xi32> to vector<16xi32>
    %add3A_338 = vector.broadcast %mul3A_20 : i32 to vector<16xi32>
    %add3A_339 = arith.addi %get3A_337, %add3A_338 : vector<16xi32>
    %swap3A_340 = arith.constant 3 : i32
    %swap3A_341 = arith.index_cast %swap3A_340 : i32 to index
    %swap3A_342 = arith.constant 0 : index
    %swap3A_343 = tpu.vector_load %arg9[%swap3A_341, %swap3A_342] {strides = array<i32>} : memref<4x128xi32, #tpu.memory_space<vmem>>, vector<1x16xi32>,
    %swap3A_344 = vector.shape_cast %swap3A_343 : vector<1x16xi32> to vector<16xi32>
    %swap3A_345 = vector.shape_cast %add3A_339 : vector<16xi32> to vector<1x16xi32>
    tpu.vector_store %arg9[%swap3A_341, %swap3A_342], %swap3A_345 {strides = array<i32>} : memref<4x128xi32, #tpu.memory_space<vmem>>, vector<1x16xi32>,
    %get3A_346 = arith.constant 3 : i32
    %get3A_347 = arith.index_cast %get3A_346 : i32 to index
    %get3A_348 = arith.constant 16 : index
    %get3A_349 = tpu.vector_load %arg9[%get3A_347, %get3A_348] {strides = array<i32>} : memref<4x128xi32, #tpu.memory_space<vmem>>, vector<1x16xi32>,
    %get3A_350 = vector.shape_cast %get3A_349 : vector<1x16xi32> to vector<16xi32>
    %add3A_351 = vector.broadcast %mul3A_20 : i32 to vector<16xi32>
    %add3A_352 = arith.addi %get3A_350, %add3A_351 : vector<16xi32>
    %swap3A_353 = arith.constant 3 : i32
    %swap3A_354 = arith.index_cast %swap3A_353 : i32 to index
    %swap3A_355 = arith.constant 16 : index
    %swap3A_356 = tpu.vector_load %arg9[%swap3A_354, %swap3A_355] {strides = array<i32>} : memref<4x128xi32, #tpu.memory_space<vmem>>, vector<1x16xi32>,
    %swap3A_357 = vector.shape_cast %swap3A_356 : vector<1x16xi32> to vector<16xi32>
    %swap3A_358 = vector.shape_cast %add3A_352 : vector<16xi32> to vector<1x16xi32>
    tpu.vector_store %arg9[%swap3A_354, %swap3A_355], %swap3A_358 {strides = array<i32>} : memref<4x128xi32, #tpu.memory_space<vmem>>, vector<1x16xi32>,
    %get3A_359 = arith.constant 3 : i32
    %get3A_360 = arith.index_cast %get3A_359 : i32 to index
    %get3A_361 = arith.constant 32 : index
    %get3A_362 = tpu.vector_load %arg9[%get3A_360, %get3A_361] {strides = array<i32>} : memref<4x128xi32, #tpu.memory_space<vmem>>, vector<1x16xi32>,
    %get3A_363 = vector.shape_cast %get3A_362 : vector<1x16xi32> to vector<16xi32>
    %add3A_364 = vector.broadcast %mul3A_20 : i32 to vector<16xi32>
    %add3A_365 = arith.addi %get3A_363, %add3A_364 : vector<16xi32>
    %swap3A_366 = arith.constant 3 : i32
    %swap3A_367 = arith.index_cast %swap3A_366 : i32 to index
    %swap3A_368 = arith.constant 32 : index
    %swap3A_369 = tpu.vector_load %arg9[%swap3A_367, %swap3A_368] {strides = array<i32>} : memref<4x128xi32, #tpu.memory_space<vmem>>, vector<1x16xi32>,
    %swap3A_370 = vector.shape_cast %swap3A_369 : vector<1x16xi32> to vector<16xi32>
    %swap3A_371 = vector.shape_cast %add3A_365 : vector<16xi32> to vector<1x16xi32>
    tpu.vector_store %arg9[%swap3A_367, %swap3A_368], %swap3A_371 {strides = array<i32>} : memref<4x128xi32, #tpu.memory_space<vmem>>, vector<1x16xi32>,
    %get3A_372 = arith.constant 3 : i32
    %get3A_373 = arith.index_cast %get3A_372 : i32 to index
    %get3A_374 = arith.constant 48 : index
    %get3A_375 = tpu.vector_load %arg9[%get3A_373, %get3A_374] {strides = array<i32>} : memref<4x128xi32, #tpu.memory_space<vmem>>, vector<1x16xi32>,
    %get3A_376 = vector.shape_cast %get3A_375 : vector<1x16xi32> to vector<16xi32>
    %add3A_377 = vector.broadcast %mul3A_20 : i32 to vector<16xi32>
    %add3A_378 = arith.addi %get3A_376, %add3A_377 : vector<16xi32>
    %swap3A_379 = arith.constant 3 : i32
    %swap3A_380 = arith.index_cast %swap3A_379 : i32 to index
    %swap3A_381 = arith.constant 48 : index
    %swap3A_382 = tpu.vector_load %arg9[%swap3A_380, %swap3A_381] {strides = array<i32>} : memref<4x128xi32, #tpu.memory_space<vmem>>, vector<1x16xi32>,
    %swap3A_383 = vector.shape_cast %swap3A_382 : vector<1x16xi32> to vector<16xi32>
    %swap3A_384 = vector.shape_cast %add3A_378 : vector<16xi32> to vector<1x16xi32>
    tpu.vector_store %arg9[%swap3A_380, %swap3A_381], %swap3A_384 {strides = array<i32>} : memref<4x128xi32, #tpu.memory_space<vmem>>, vector<1x16xi32>,
    %get3A_385 = arith.constant 3 : i32
    %get3A_386 = arith.index_cast %get3A_385 : i32 to index
    %get3A_387 = arith.constant 64 : index
    %get3A_388 = tpu.vector_load %arg9[%get3A_386, %get3A_387] {strides = array<i32>} : memref<4x128xi32, #tpu.memory_space<vmem>>, vector<1x16xi32>,
    %get3A_389 = vector.shape_cast %get3A_388 : vector<1x16xi32> to vector<16xi32>
    %add3A_390 = vector.broadcast %mul3A_20 : i32 to vector<16xi32>
    %add3A_391 = arith.addi %get3A_389, %add3A_390 : vector<16xi32>
    %swap3A_392 = arith.constant 3 : i32
    %swap3A_393 = arith.index_cast %swap3A_392 : i32 to index
    %swap3A_394 = arith.constant 64 : index
    %swap3A_395 = tpu.vector_load %arg9[%swap3A_393, %swap3A_394] {strides = array<i32>} : memref<4x128xi32, #tpu.memory_space<vmem>>, vector<1x16xi32>,
    %swap3A_396 = vector.shape_cast %swap3A_395 : vector<1x16xi32> to vector<16xi32>
    %swap3A_397 = vector.shape_cast %add3A_391 : vector<16xi32> to vector<1x16xi32>
    tpu.vector_store %arg9[%swap3A_393, %swap3A_394], %swap3A_397 {strides = array<i32>} : memref<4x128xi32, #tpu.memory_space<vmem>>, vector<1x16xi32>,
    %get3A_398 = arith.constant 3 : i32
    %get3A_399 = arith.index_cast %get3A_398 : i32 to index
    %get3A_400 = arith.constant 80 : index
    %get3A_401 = tpu.vector_load %arg9[%get3A_399, %get3A_400] {strides = array<i32>} : memref<4x128xi32, #tpu.memory_space<vmem>>, vector<1x16xi32>,
    %get3A_402 = vector.shape_cast %get3A_401 : vector<1x16xi32> to vector<16xi32>
    %add3A_403 = vector.broadcast %mul3A_20 : i32 to vector<16xi32>
    %add3A_404 = arith.addi %get3A_402, %add3A_403 : vector<16xi32>
    %swap3A_405 = arith.constant 3 : i32
    %swap3A_406 = arith.index_cast %swap3A_405 : i32 to index
    %swap3A_407 = arith.constant 80 : index
    %swap3A_408 = tpu.vector_load %arg9[%swap3A_406, %swap3A_407] {strides = array<i32>} : memref<4x128xi32, #tpu.memory_space<vmem>>, vector<1x16xi32>,
    %swap3A_409 = vector.shape_cast %swap3A_408 : vector<1x16xi32> to vector<16xi32>
    %swap3A_410 = vector.shape_cast %add3A_404 : vector<16xi32> to vector<1x16xi32>
    tpu.vector_store %arg9[%swap3A_406, %swap3A_407], %swap3A_410 {strides = array<i32>} : memref<4x128xi32, #tpu.memory_space<vmem>>, vector<1x16xi32>,
    %get3A_411 = arith.constant 3 : i32
    %get3A_412 = arith.index_cast %get3A_411 : i32 to index
    %get3A_413 = arith.constant 96 : index
    %get3A_414 = tpu.vector_load %arg9[%get3A_412, %get3A_413] {strides = array<i32>} : memref<4x128xi32, #tpu.memory_space<vmem>>, vector<1x16xi32>,
    %get3A_415 = vector.shape_cast %get3A_414 : vector<1x16xi32> to vector<16xi32>
    %add3A_416 = vector.broadcast %mul3A_20 : i32 to vector<16xi32>
    %add3A_417 = arith.addi %get3A_415, %add3A_416 : vector<16xi32>
    %swap3A_418 = arith.constant 3 : i32
    %swap3A_419 = arith.index_cast %swap3A_418 : i32 to index
    %swap3A_420 = arith.constant 96 : index
    %swap3A_421 = tpu.vector_load %arg9[%swap3A_419, %swap3A_420] {strides = array<i32>} : memref<4x128xi32, #tpu.memory_space<vmem>>, vector<1x16xi32>,
    %swap3A_422 = vector.shape_cast %swap3A_421 : vector<1x16xi32> to vector<16xi32>
    %swap3A_423 = vector.shape_cast %add3A_417 : vector<16xi32> to vector<1x16xi32>
    tpu.vector_store %arg9[%swap3A_419, %swap3A_420], %swap3A_423 {strides = array<i32>} : memref<4x128xi32, #tpu.memory_space<vmem>>, vector<1x16xi32>,
    %get3A_424 = arith.constant 3 : i32
    %get3A_425 = arith.index_cast %get3A_424 : i32 to index
    %get3A_426 = arith.constant 112 : index
    %get3A_427 = tpu.vector_load %arg9[%get3A_425, %get3A_426] {strides = array<i32>} : memref<4x128xi32, #tpu.memory_space<vmem>>, vector<1x16xi32>,
    %get3A_428 = vector.shape_cast %get3A_427 : vector<1x16xi32> to vector<16xi32>
    %add3A_429 = vector.broadcast %mul3A_20 : i32 to vector<16xi32>
    %add3A_430 = arith.addi %get3A_428, %add3A_429 : vector<16xi32>
    %swap3A_431 = arith.constant 3 : i32
    %swap3A_432 = arith.index_cast %swap3A_431 : i32 to index
    %swap3A_433 = arith.constant 112 : index
    %swap3A_434 = tpu.vector_load %arg9[%swap3A_432, %swap3A_433] {strides = array<i32>} : memref<4x128xi32, #tpu.memory_space<vmem>>, vector<1x16xi32>,
    %swap3A_435 = vector.shape_cast %swap3A_434 : vector<1x16xi32> to vector<16xi32>
    %swap3A_436 = vector.shape_cast %add3A_430 : vector<16xi32> to vector<1x16xi32>
    tpu.vector_store %arg9[%swap3A_432, %swap3A_433], %swap3A_436 {strides = array<i32>} : memref<4x128xi32, #tpu.memory_space<vmem>>, vector<1x16xi32>,
    %dma_start3A = arith.constant 0 : i32
    %dma_start3A_437 = arith.constant 0 : i32
    %dma_start3A_438 = arith.constant 0 : i32
    %dma_start3A_439 = tpu.memref_slice %arg10[%dma_start3A_437, %dma_start3A_438] : memref<512x16xi32, #tpu.memory_space<vmem>> -> memref<128x16xi32, #tpu.memory_space<vmem>>
    %dma_start3A_440 = arith.constant 0 : i32
    %dma_start3A_441 = tpu.memref_slice %arg9[%dma_start3A, %dma_start3A_440] : memref<4x128xi32, #tpu.memory_space<vmem>> -> memref<1x128xi32, #tpu.memory_space<vmem>>
    %dma_start3A_442 = tpu.memref_squeeze %dma_start3A_441 : memref<1x128xi32, #tpu.memory_space<vmem>> -> memref<128xi32, #tpu.memory_space<vmem>>
    %dma_start3A_443 = arith.constant 0 : i32
    %dma_start3A_444 = arith.constant 0 : i32
    %dma_start3A_445 = tpu.memref_slice %arg3[%dma_start3A_443, %dma_start3A_444] : memref<65536x16xi32, #tpu.memory_space<hbm>> -> memref<65536x16xi32, #tpu.memory_space<hbm>>
    tpu.enqueue_indirect_dma source(%dma_start3A_445 : memref<65536x16xi32, #tpu.memory_space<hbm>>) target(%dma_start3A_439 : memref<128x16xi32, #tpu.memory_space<vmem>>) offsets(%dma_start3A_442 : memref<128xi32, #tpu.memory_space<vmem>>) semaphore(%arg22 : memref<!tpu.dma_semaphore, #tpu.memory_space<semaphore_mem>>)
    %dma_start3A_446 = arith.constant 1 : i32
    %dma_start3A_447 = arith.constant 128 : i32
    %dma_start3A_448 = arith.constant 0 : i32
    %dma_start3A_449 = tpu.memref_slice %arg10[%dma_start3A_447, %dma_start3A_448] : memref<512x16xi32, #tpu.memory_space<vmem>> -> memref<128x16xi32, #tpu.memory_space<vmem>>
    %dma_start3A_450 = arith.constant 0 : i32
    %dma_start3A_451 = tpu.memref_slice %arg9[%dma_start3A_446, %dma_start3A_450] : memref<4x128xi32, #tpu.memory_space<vmem>> -> memref<1x128xi32, #tpu.memory_space<vmem>>
    %dma_start3A_452 = tpu.memref_squeeze %dma_start3A_451 : memref<1x128xi32, #tpu.memory_space<vmem>> -> memref<128xi32, #tpu.memory_space<vmem>>
    %dma_start3A_453 = arith.constant 0 : i32
    %dma_start3A_454 = arith.constant 0 : i32
    %dma_start3A_455 = tpu.memref_slice %arg3[%dma_start3A_453, %dma_start3A_454] : memref<65536x16xi32, #tpu.memory_space<hbm>> -> memref<65536x16xi32, #tpu.memory_space<hbm>>
    tpu.enqueue_indirect_dma source(%dma_start3A_455 : memref<65536x16xi32, #tpu.memory_space<hbm>>) target(%dma_start3A_449 : memref<128x16xi32, #tpu.memory_space<vmem>>) offsets(%dma_start3A_452 : memref<128xi32, #tpu.memory_space<vmem>>) semaphore(%arg22 : memref<!tpu.dma_semaphore, #tpu.memory_space<semaphore_mem>>)
    %dma_start3A_456 = arith.constant 2 : i32
    %dma_start3A_457 = arith.constant 256 : i32
    %dma_start3A_458 = arith.constant 0 : i32
    %dma_start3A_459 = tpu.memref_slice %arg10[%dma_start3A_457, %dma_start3A_458] : memref<512x16xi32, #tpu.memory_space<vmem>> -> memref<128x16xi32, #tpu.memory_space<vmem>>
    %dma_start3A_460 = arith.constant 0 : i32
    %dma_start3A_461 = tpu.memref_slice %arg9[%dma_start3A_456, %dma_start3A_460] : memref<4x128xi32, #tpu.memory_space<vmem>> -> memref<1x128xi32, #tpu.memory_space<vmem>>
    %dma_start3A_462 = tpu.memref_squeeze %dma_start3A_461 : memref<1x128xi32, #tpu.memory_space<vmem>> -> memref<128xi32, #tpu.memory_space<vmem>>
    %dma_start3A_463 = arith.constant 0 : i32
    %dma_start3A_464 = arith.constant 0 : i32
    %dma_start3A_465 = tpu.memref_slice %arg3[%dma_start3A_463, %dma_start3A_464] : memref<65536x16xi32, #tpu.memory_space<hbm>> -> memref<65536x16xi32, #tpu.memory_space<hbm>>
    tpu.enqueue_indirect_dma source(%dma_start3A_465 : memref<65536x16xi32, #tpu.memory_space<hbm>>) target(%dma_start3A_459 : memref<128x16xi32, #tpu.memory_space<vmem>>) offsets(%dma_start3A_462 : memref<128xi32, #tpu.memory_space<vmem>>) semaphore(%arg22 : memref<!tpu.dma_semaphore, #tpu.memory_space<semaphore_mem>>)
    %dma_start3A_466 = arith.constant 3 : i32
    %dma_start3A_467 = arith.constant 384 : i32
    %dma_start3A_468 = arith.constant 0 : i32
    %dma_start3A_469 = tpu.memref_slice %arg10[%dma_start3A_467, %dma_start3A_468] : memref<512x16xi32, #tpu.memory_space<vmem>> -> memref<128x16xi32, #tpu.memory_space<vmem>>
    %dma_start3A_470 = arith.constant 0 : i32
    %dma_start3A_471 = tpu.memref_slice %arg9[%dma_start3A_466, %dma_start3A_470] : memref<4x128xi32, #tpu.memory_space<vmem>> -> memref<1x128xi32, #tpu.memory_space<vmem>>
    %dma_start3A_472 = tpu.memref_squeeze %dma_start3A_471 : memref<1x128xi32, #tpu.memory_space<vmem>> -> memref<128xi32, #tpu.memory_space<vmem>>
    %dma_start3A_473 = arith.constant 0 : i32
    %dma_start3A_474 = arith.constant 0 : i32
    %dma_start3A_475 = tpu.memref_slice %arg3[%dma_start3A_473, %dma_start3A_474] : memref<65536x16xi32, #tpu.memory_space<hbm>> -> memref<65536x16xi32, #tpu.memory_space<hbm>>
    tpu.enqueue_indirect_dma source(%dma_start3A_475 : memref<65536x16xi32, #tpu.memory_space<hbm>>) target(%dma_start3A_469 : memref<128x16xi32, #tpu.memory_space<vmem>>) offsets(%dma_start3A_472 : memref<128xi32, #tpu.memory_space<vmem>>) semaphore(%arg22 : memref<!tpu.dma_semaphore, #tpu.memory_space<semaphore_mem>>)
    %dma_wait3A = arith.constant 0 : i32
    %dma_wait3A_476 = arith.constant 0 : i32
    %dma_wait3A_477 = arith.constant 0 : i32
    %dma_wait3A_478 = tpu.memref_slice %arg10[%dma_wait3A_476, %dma_wait3A_477] : memref<512x16xi32, #tpu.memory_space<vmem>> -> memref<128x16xi32, #tpu.memory_space<vmem>>
    %dma_wait3A_479 = arith.constant 0 : i32
    %dma_wait3A_480 = tpu.memref_slice %arg9[%dma_wait3A, %dma_wait3A_479] : memref<4x128xi32, #tpu.memory_space<vmem>> -> memref<1x128xi32, #tpu.memory_space<vmem>>
    %dma_wait3A_481 = tpu.memref_squeeze %dma_wait3A_480 : memref<1x128xi32, #tpu.memory_space<vmem>> -> memref<128xi32, #tpu.memory_space<vmem>>
    %dma_wait3A_482 = arith.constant 0 : i32
    %dma_wait3A_483 = arith.constant 0 : i32
    %dma_wait3A_484 = tpu.memref_slice %arg3[%dma_wait3A_482, %dma_wait3A_483] : memref<65536x16xi32, #tpu.memory_space<hbm>> -> memref<65536x16xi32, #tpu.memory_space<hbm>>
    tpu.wait_indirect_dma semaphore(%arg22 : memref<!tpu.dma_semaphore, #tpu.memory_space<semaphore_mem>>) src(%dma_wait3A_484 : memref<65536x16xi32, #tpu.memory_space<hbm>>) dst(%dma_wait3A_478 : memref<128x16xi32, #tpu.memory_space<vmem>>)
    %dma_wait3A_485 = arith.constant 1 : i32
    %dma_wait3A_486 = arith.constant 128 : i32
    %dma_wait3A_487 = arith.constant 0 : i32
    %dma_wait3A_488 = tpu.memref_slice %arg10[%dma_wait3A_486, %dma_wait3A_487] : memref<512x16xi32, #tpu.memory_space<vmem>> -> memref<128x16xi32, #tpu.memory_space<vmem>>
    %dma_wait3A_489 = arith.constant 0 : i32
    %dma_wait3A_490 = tpu.memref_slice %arg9[%dma_wait3A_485, %dma_wait3A_489] : memref<4x128xi32, #tpu.memory_space<vmem>> -> memref<1x128xi32, #tpu.memory_space<vmem>>
    %dma_wait3A_491 = tpu.memref_squeeze %dma_wait3A_490 : memref<1x128xi32, #tpu.memory_space<vmem>> -> memref<128xi32, #tpu.memory_space<vmem>>
    %dma_wait3A_492 = arith.constant 0 : i32
    %dma_wait3A_493 = arith.constant 0 : i32
    %dma_wait3A_494 = tpu.memref_slice %arg3[%dma_wait3A_492, %dma_wait3A_493] : memref<65536x16xi32, #tpu.memory_space<hbm>> -> memref<65536x16xi32, #tpu.memory_space<hbm>>
    tpu.wait_indirect_dma semaphore(%arg22 : memref<!tpu.dma_semaphore, #tpu.memory_space<semaphore_mem>>) src(%dma_wait3A_494 : memref<65536x16xi32, #tpu.memory_space<hbm>>) dst(%dma_wait3A_488 : memref<128x16xi32, #tpu.memory_space<vmem>>)
    %dma_wait3A_495 = arith.constant 2 : i32
    %dma_wait3A_496 = arith.constant 256 : i32
    %dma_wait3A_497 = arith.constant 0 : i32
    %dma_wait3A_498 = tpu.memref_slice %arg10[%dma_wait3A_496, %dma_wait3A_497] : memref<512x16xi32, #tpu.memory_space<vmem>> -> memref<128x16xi32, #tpu.memory_space<vmem>>
    %dma_wait3A_499 = arith.constant 0 : i32
    %dma_wait3A_500 = tpu.memref_slice %arg9[%dma_wait3A_495, %dma_wait3A_499] : memref<4x128xi32, #tpu.memory_space<vmem>> -> memref<1x128xi32, #tpu.memory_space<vmem>>
    %dma_wait3A_501 = tpu.memref_squeeze %dma_wait3A_500 : memref<1x128xi32, #tpu.memory_space<vmem>> -> memref<128xi32, #tpu.memory_space<vmem>>
    %dma_wait3A_502 = arith.constant 0 : i32
    %dma_wait3A_503 = arith.constant 0 : i32
    %dma_wait3A_504 = tpu.memref_slice %arg3[%dma_wait3A_502, %dma_wait3A_503] : memref<65536x16xi32, #tpu.memory_space<hbm>> -> memref<65536x16xi32, #tpu.memory_space<hbm>>
    tpu.wait_indirect_dma semaphore(%arg22 : memref<!tpu.dma_semaphore, #tpu.memory_space<semaphore_mem>>) src(%dma_wait3A_504 : memref<65536x16xi32, #tpu.memory_space<hbm>>) dst(%dma_wait3A_498 : memref<128x16xi32, #tpu.memory_space<vmem>>)
    %dma_wait3A_505 = arith.constant 3 : i32
    %dma_wait3A_506 = arith.constant 384 : i32
    %dma_wait3A_507 = arith.constant 0 : i32
    %dma_wait3A_508 = tpu.memref_slice %arg10[%dma_wait3A_506, %dma_wait3A_507] : memref<512x16xi32, #tpu.memory_space<vmem>> -> memref<128x16xi32, #tpu.memory_space<vmem>>
    %dma_wait3A_509 = arith.constant 0 : i32
    %dma_wait3A_510 = tpu.memref_slice %arg9[%dma_wait3A_505, %dma_wait3A_509] : memref<4x128xi32, #tpu.memory_space<vmem>> -> memref<1x128xi32, #tpu.memory_space<vmem>>
    %dma_wait3A_511 = tpu.memref_squeeze %dma_wait3A_510 : memref<1x128xi32, #tpu.memory_space<vmem>> -> memref<128xi32, #tpu.memory_space<vmem>>
    %dma_wait3A_512 = arith.constant 0 : i32
    %dma_wait3A_513 = arith.constant 0 : i32
    %dma_wait3A_514 = tpu.memref_slice %arg3[%dma_wait3A_512, %dma_wait3A_513] : memref<65536x16xi32, #tpu.memory_space<hbm>> -> memref<65536x16xi32, #tpu.memory_space<hbm>>
    tpu.wait_indirect_dma semaphore(%arg22 : memref<!tpu.dma_semaphore, #tpu.memory_space<semaphore_mem>>) src(%dma_wait3A_514 : memref<65536x16xi32, #tpu.memory_space<hbm>>) dst(%dma_wait3A_508 : memref<128x16xi32, #tpu.memory_space<vmem>>)
    %scan3A = arith.constant 0 : i32
    %scan3A_515 = arith.constant 0 : i32
    %scan3A_516 = arith.constant 64 : i32
    %scan3A_517 = arith.addi %scan3A_515, %scan3A_516 : i32
    %scan3A_518 = arith.constant 1 : i32
    %scan3A_519 = scf.for %scan3A_644 = %scan3A_515 to %scan3A_517 step %scan3A_518 iter_args(%scan3A_645 = %scan3A) -> (i32)  : i32 {
      %mul3A_646 = arith.constant 8 : i32
      %mul3A_647 = arith.muli %scan3A_644, %mul3A_646 : i32
      %add3A_648 = arith.constant 0 : i32
      %add3A_649 = arith.addi %mul3A_647, %add3A_648 : i32
      %get3A_650 = arith.index_cast %add3A_649 : i32 to index
      %get3A_651 = arith.constant 0 : index
      %get3A_652 = tpu.vector_load %arg10[%get3A_650, %get3A_651] {strides = array<i32>} : memref<512x16xi32, #tpu.memory_space<vmem>>, vector<1x16xi32>,
      %get3A_653 = vector.shape_cast %get3A_652 : vector<1x16xi32> to vector<16xi32>
      %add3A_654 = vector.broadcast %mul3A_20 : i32 to vector<16xi32>
      %add3A_655 = arith.addi %get3A_653, %add3A_654 : vector<16xi32>
      %swap3A_656 = arith.index_cast %scan3A_644 : i32 to index
      %swap3A_657 = arith.constant 0 : index
      %swap3A_658 = tpu.vector_load %arg11[%swap3A_656, %swap3A_657] {strides = array<i32>} : memref<64x128xi32, #tpu.memory_space<vmem>>, vector<1x16xi32>,
      %swap3A_659 = vector.shape_cast %swap3A_658 : vector<1x16xi32> to vector<16xi32>
      %swap3A_660 = vector.shape_cast %add3A_655 : vector<16xi32> to vector<1x16xi32>
      tpu.vector_store %arg11[%swap3A_656, %swap3A_657], %swap3A_660 {strides = array<i32>} : memref<64x128xi32, #tpu.memory_space<vmem>>, vector<1x16xi32>,
      %mul3A_661 = arith.constant 8 : i32
      %mul3A_662 = arith.muli %scan3A_644, %mul3A_661 : i32
      %add3A_663 = arith.constant 1 : i32
      %add3A_664 = arith.addi %mul3A_662, %add3A_663 : i32
      %get3A_665 = arith.index_cast %add3A_664 : i32 to index
      %get3A_666 = arith.constant 0 : index
      %get3A_667 = tpu.vector_load %arg10[%get3A_665, %get3A_666] {strides = array<i32>} : memref<512x16xi32, #tpu.memory_space<vmem>>, vector<1x16xi32>,
      %get3A_668 = vector.shape_cast %get3A_667 : vector<1x16xi32> to vector<16xi32>
      %add3A_669 = vector.broadcast %mul3A_20 : i32 to vector<16xi32>
      %add3A_670 = arith.addi %get3A_668, %add3A_669 : vector<16xi32>
      %swap3A_671 = arith.index_cast %scan3A_644 : i32 to index
      %swap3A_672 = arith.constant 16 : index
      %swap3A_673 = tpu.vector_load %arg11[%swap3A_671, %swap3A_672] {strides = array<i32>} : memref<64x128xi32, #tpu.memory_space<vmem>>, vector<1x16xi32>,
      %swap3A_674 = vector.shape_cast %swap3A_673 : vector<1x16xi32> to vector<16xi32>
      %swap3A_675 = vector.shape_cast %add3A_670 : vector<16xi32> to vector<1x16xi32>
      tpu.vector_store %arg11[%swap3A_671, %swap3A_672], %swap3A_675 {strides = array<i32>} : memref<64x128xi32, #tpu.memory_space<vmem>>, vector<1x16xi32>,
      %mul3A_676 = arith.constant 8 : i32
      %mul3A_677 = arith.muli %scan3A_644, %mul3A_676 : i32
      %add3A_678 = arith.constant 2 : i32
      %add3A_679 = arith.addi %mul3A_677, %add3A_678 : i32
      %get3A_680 = arith.index_cast %add3A_679 : i32 to index
      %get3A_681 = arith.constant 0 : index
      %get3A_682 = tpu.vector_load %arg10[%get3A_680, %get3A_681] {strides = array<i32>} : memref<512x16xi32, #tpu.memory_space<vmem>>, vector<1x16xi32>,
      %get3A_683 = vector.shape_cast %get3A_682 : vector<1x16xi32> to vector<16xi32>
      %add3A_684 = vector.broadcast %mul3A_20 : i32 to vector<16xi32>
      %add3A_685 = arith.addi %get3A_683, %add3A_684 : vector<16xi32>
      %swap3A_686 = arith.index_cast %scan3A_644 : i32 to index
      %swap3A_687 = arith.constant 32 : index
      %swap3A_688 = tpu.vector_load %arg11[%swap3A_686, %swap3A_687] {strides = array<i32>} : memref<64x128xi32, #tpu.memory_space<vmem>>, vector<1x16xi32>,
      %swap3A_689 = vector.shape_cast %swap3A_688 : vector<1x16xi32> to vector<16xi32>
      %swap3A_690 = vector.shape_cast %add3A_685 : vector<16xi32> to vector<1x16xi32>
      tpu.vector_store %arg11[%swap3A_686, %swap3A_687], %swap3A_690 {strides = array<i32>} : memref<64x128xi32, #tpu.memory_space<vmem>>, vector<1x16xi32>,
      %mul3A_691 = arith.constant 8 : i32
      %mul3A_692 = arith.muli %scan3A_644, %mul3A_691 : i32
      %add3A_693 = arith.constant 3 : i32
      %add3A_694 = arith.addi %mul3A_692, %add3A_693 : i32
      %get3A_695 = arith.index_cast %add3A_694 : i32 to index
      %get3A_696 = arith.constant 0 : index
      %get3A_697 = tpu.vector_load %arg10[%get3A_695, %get3A_696] {strides = array<i32>} : memref<512x16xi32, #tpu.memory_space<vmem>>, vector<1x16xi32>,
      %get3A_698 = vector.shape_cast %get3A_697 : vector<1x16xi32> to vector<16xi32>
      %add3A_699 = vector.broadcast %mul3A_20 : i32 to vector<16xi32>
      %add3A_700 = arith.addi %get3A_698, %add3A_699 : vector<16xi32>
      %swap3A_701 = arith.index_cast %scan3A_644 : i32 to index
      %swap3A_702 = arith.constant 48 : index
      %swap3A_703 = tpu.vector_load %arg11[%swap3A_701, %swap3A_702] {strides = array<i32>} : memref<64x128xi32, #tpu.memory_space<vmem>>, vector<1x16xi32>,
      %swap3A_704 = vector.shape_cast %swap3A_703 : vector<1x16xi32> to vector<16xi32>
      %swap3A_705 = vector.shape_cast %add3A_700 : vector<16xi32> to vector<1x16xi32>
      tpu.vector_store %arg11[%swap3A_701, %swap3A_702], %swap3A_705 {strides = array<i32>} : memref<64x128xi32, #tpu.memory_space<vmem>>, vector<1x16xi32>,
      %mul3A_706 = arith.constant 8 : i32
      %mul3A_707 = arith.muli %scan3A_644, %mul3A_706 : i32
      %add3A_708 = arith.constant 4 : i32
      %add3A_709 = arith.addi %mul3A_707, %add3A_708 : i32
      %get3A_710 = arith.index_cast %add3A_709 : i32 to index
      %get3A_711 = arith.constant 0 : index
      %get3A_712 = tpu.vector_load %arg10[%get3A_710, %get3A_711] {strides = array<i32>} : memref<512x16xi32, #tpu.memory_space<vmem>>, vector<1x16xi32>,
      %get3A_713 = vector.shape_cast %get3A_712 : vector<1x16xi32> to vector<16xi32>
      %add3A_714 = vector.broadcast %mul3A_20 : i32 to vector<16xi32>
      %add3A_715 = arith.addi %get3A_713, %add3A_714 : vector<16xi32>
      %swap3A_716 = arith.index_cast %scan3A_644 : i32 to index
      %swap3A_717 = arith.constant 64 : index
      %swap3A_718 = tpu.vector_load %arg11[%swap3A_716, %swap3A_717] {strides = array<i32>} : memref<64x128xi32, #tpu.memory_space<vmem>>, vector<1x16xi32>,
      %swap3A_719 = vector.shape_cast %swap3A_718 : vector<1x16xi32> to vector<16xi32>
      %swap3A_720 = vector.shape_cast %add3A_715 : vector<16xi32> to vector<1x16xi32>
      tpu.vector_store %arg11[%swap3A_716, %swap3A_717], %swap3A_720 {strides = array<i32>} : memref<64x128xi32, #tpu.memory_space<vmem>>, vector<1x16xi32>,
      %mul3A_721 = arith.constant 8 : i32
      %mul3A_722 = arith.muli %scan3A_644, %mul3A_721 : i32
      %add3A_723 = arith.constant 5 : i32
      %add3A_724 = arith.addi %mul3A_722, %add3A_723 : i32
      %get3A_725 = arith.index_cast %add3A_724 : i32 to index
      %get3A_726 = arith.constant 0 : index
      %get3A_727 = tpu.vector_load %arg10[%get3A_725, %get3A_726] {strides = array<i32>} : memref<512x16xi32, #tpu.memory_space<vmem>>, vector<1x16xi32>,
      %get3A_728 = vector.shape_cast %get3A_727 : vector<1x16xi32> to vector<16xi32>
      %add3A_729 = vector.broadcast %mul3A_20 : i32 to vector<16xi32>
      %add3A_730 = arith.addi %get3A_728, %add3A_729 : vector<16xi32>
      %swap3A_731 = arith.index_cast %scan3A_644 : i32 to index
      %swap3A_732 = arith.constant 80 : index
      %swap3A_733 = tpu.vector_load %arg11[%swap3A_731, %swap3A_732] {strides = array<i32>} : memref<64x128xi32, #tpu.memory_space<vmem>>, vector<1x16xi32>,
      %swap3A_734 = vector.shape_cast %swap3A_733 : vector<1x16xi32> to vector<16xi32>
      %swap3A_735 = vector.shape_cast %add3A_730 : vector<16xi32> to vector<1x16xi32>
      tpu.vector_store %arg11[%swap3A_731, %swap3A_732], %swap3A_735 {strides = array<i32>} : memref<64x128xi32, #tpu.memory_space<vmem>>, vector<1x16xi32>,
      %mul3A_736 = arith.constant 8 : i32
      %mul3A_737 = arith.muli %scan3A_644, %mul3A_736 : i32
      %add3A_738 = arith.constant 6 : i32
      %add3A_739 = arith.addi %mul3A_737, %add3A_738 : i32
      %get3A_740 = arith.index_cast %add3A_739 : i32 to index
      %get3A_741 = arith.constant 0 : index
      %get3A_742 = tpu.vector_load %arg10[%get3A_740, %get3A_741] {strides = array<i32>} : memref<512x16xi32, #tpu.memory_space<vmem>>, vector<1x16xi32>,
      %get3A_743 = vector.shape_cast %get3A_742 : vector<1x16xi32> to vector<16xi32>
      %add3A_744 = vector.broadcast %mul3A_20 : i32 to vector<16xi32>
      %add3A_745 = arith.addi %get3A_743, %add3A_744 : vector<16xi32>
      %swap3A_746 = arith.index_cast %scan3A_644 : i32 to index
      %swap3A_747 = arith.constant 96 : index
      %swap3A_748 = tpu.vector_load %arg11[%swap3A_746, %swap3A_747] {strides = array<i32>} : memref<64x128xi32, #tpu.memory_space<vmem>>, vector<1x16xi32>,
      %swap3A_749 = vector.shape_cast %swap3A_748 : vector<1x16xi32> to vector<16xi32>
      %swap3A_750 = vector.shape_cast %add3A_745 : vector<16xi32> to vector<1x16xi32>
      tpu.vector_store %arg11[%swap3A_746, %swap3A_747], %swap3A_750 {strides = array<i32>} : memref<64x128xi32, #tpu.memory_space<vmem>>, vector<1x16xi32>,
      %mul3A_751 = arith.constant 8 : i32
      %mul3A_752 = arith.muli %scan3A_644, %mul3A_751 : i32
      %add3A_753 = arith.constant 7 : i32
      %add3A_754 = arith.addi %mul3A_752, %add3A_753 : i32
      %get3A_755 = arith.index_cast %add3A_754 : i32 to index
      %get3A_756 = arith.constant 0 : index
      %get3A_757 = tpu.vector_load %arg10[%get3A_755, %get3A_756] {strides = array<i32>} : memref<512x16xi32, #tpu.memory_space<vmem>>, vector<1x16xi32>,
      %get3A_758 = vector.shape_cast %get3A_757 : vector<1x16xi32> to vector<16xi32>
      %add3A_759 = vector.broadcast %mul3A_20 : i32 to vector<16xi32>
      %add3A_760 = arith.addi %get3A_758, %add3A_759 : vector<16xi32>
      %swap3A_761 = arith.index_cast %scan3A_644 : i32 to index
      %swap3A_762 = arith.constant 112 : index
      %swap3A_763 = tpu.vector_load %arg11[%swap3A_761, %swap3A_762] {strides = array<i32>} : memref<64x128xi32, #tpu.memory_space<vmem>>, vector<1x16xi32>,
      %swap3A_764 = vector.shape_cast %swap3A_763 : vector<1x16xi32> to vector<16xi32>
      %swap3A_765 = vector.shape_cast %add3A_760 : vector<16xi32> to vector<1x16xi32>
      tpu.vector_store %arg11[%swap3A_761, %swap3A_762], %swap3A_765 {strides = array<i32>} : memref<64x128xi32, #tpu.memory_space<vmem>>, vector<1x16xi32>,
      %scan3A_766 = arith.constant 0 : i32
      scf.yield %scan3A_766 : i32
    }
    %scan3A_520 = arith.constant 64 : i32
    %dma_start3A_521 = arith.constant 0 : i32
    %dma_start3A_522 = arith.constant 0 : i32
    %dma_start3A_523 = tpu.memref_slice %arg11[%dma_start3A_521, %dma_start3A_522] : memref<64x128xi32, #tpu.memory_space<vmem>> -> memref<1x128xi32, #tpu.memory_space<vmem>>
    %dma_start3A_524 = tpu.memref_squeeze %dma_start3A_523 : memref<1x128xi32, #tpu.memory_space<vmem>> -> memref<128xi32, #tpu.memory_space<vmem>>
    %dma_start3A_525 = arith.constant 0 : i32
    %dma_start3A_526 = arith.constant 0 : i32
    %dma_start3A_527 = tpu.memref_slice %arg4[%dma_start3A_525, %dma_start3A_526] : memref<65536x64xf32, #tpu.memory_space<hbm>> -> memref<65536x64xf32, #tpu.memory_space<hbm>>
    tpu.enqueue_indirect_dma source(%dma_start3A_527 : memref<65536x64xf32, #tpu.memory_space<hbm>>) target(%arg12 : memref<128x64xf32, #tpu.memory_space<vmem>>) offsets(%dma_start3A_524 : memref<128xi32, #tpu.memory_space<vmem>>) semaphore(%arg18 : memref<!tpu.dma_semaphore, #tpu.memory_space<semaphore_mem>>)
    %dma_start3A_528 = arith.constant 1 : i32
    %dma_start3A_529 = arith.constant 0 : i32
    %dma_start3A_530 = tpu.memref_slice %arg11[%dma_start3A_528, %dma_start3A_529] : memref<64x128xi32, #tpu.memory_space<vmem>> -> memref<1x128xi32, #tpu.memory_space<vmem>>
    %dma_start3A_531 = tpu.memref_squeeze %dma_start3A_530 : memref<1x128xi32, #tpu.memory_space<vmem>> -> memref<128xi32, #tpu.memory_space<vmem>>
    %dma_start3A_532 = arith.constant 0 : i32
    %dma_start3A_533 = arith.constant 0 : i32
    %dma_start3A_534 = tpu.memref_slice %arg4[%dma_start3A_532, %dma_start3A_533] : memref<65536x64xf32, #tpu.memory_space<hbm>> -> memref<65536x64xf32, #tpu.memory_space<hbm>>
    tpu.enqueue_indirect_dma source(%dma_start3A_534 : memref<65536x64xf32, #tpu.memory_space<hbm>>) target(%arg13 : memref<128x64xf32, #tpu.memory_space<vmem>>) offsets(%dma_start3A_531 : memref<128xi32, #tpu.memory_space<vmem>>) semaphore(%arg19 : memref<!tpu.dma_semaphore, #tpu.memory_space<semaphore_mem>>)
    %broadcast_in_dim3A = arith.constant 0.000000e+00 : f32
    %broadcast_in_dim3A_535 = vector.broadcast %broadcast_in_dim3A : f32 to vector<16xf32>
    %scan3A_536 = arith.constant 0 : i32
    %scan3A_537 = arith.constant 32 : i32
    %scan3A_538 = arith.addi %scan3A_536, %scan3A_537 : i32
    %scan3A_539 = arith.constant 1 : i32
    %scan3A_540:4 = scf.for %scan3A_644 = %scan3A_536 to %scan3A_538 step %scan3A_539 iter_args(%scan3A_645 = %broadcast_in_dim3A_535, %scan3A_646 = %broadcast_in_dim3A_535, %scan3A_647 = %broadcast_in_dim3A_535, %scan3A_648 = %broadcast_in_dim3A_535) -> (vector<16xf32>, vector<16xf32>, vector<16xf32>, vector<16xf32>)  : i32 {
      %mul3A_649 = arith.constant 2 : i32
      %mul3A_650 = arith.muli %scan3A_644, %mul3A_649 : i32
      %add3A_651 = arith.constant 0 : i32
      %add3A_652 = arith.addi %mul3A_650, %add3A_651 : i32
      %dma_wait3A_653 = arith.constant 0 : i32
      %dma_wait3A_654 = tpu.memref_slice %arg11[%add3A_652, %dma_wait3A_653] : memref<64x128xi32, #tpu.memory_space<vmem>> -> memref<1x128xi32, #tpu.memory_space<vmem>>
      %dma_wait3A_655 = tpu.memref_squeeze %dma_wait3A_654 : memref<1x128xi32, #tpu.memory_space<vmem>> -> memref<128xi32, #tpu.memory_space<vmem>>
      %dma_wait3A_656 = arith.constant 0 : i32
      %dma_wait3A_657 = arith.constant 0 : i32
      %dma_wait3A_658 = tpu.memref_slice %arg4[%dma_wait3A_656, %dma_wait3A_657] : memref<65536x64xf32, #tpu.memory_space<hbm>> -> memref<65536x64xf32, #tpu.memory_space<hbm>>
      tpu.wait_indirect_dma semaphore(%arg18 : memref<!tpu.dma_semaphore, #tpu.memory_space<semaphore_mem>>) src(%dma_wait3A_658 : memref<65536x64xf32, #tpu.memory_space<hbm>>) dst(%arg12 : memref<128x64xf32, #tpu.memory_space<vmem>>)
      %ge3A = arith.constant 2 : i32
      %ge3A_659 = arith.cmpi sge, %add3A_652, %ge3A : i32
      %convert_element_type3A = arith.extui %ge3A_659 : i1 to i32
      %cond3A = arith.constant 0 : i32
      %cond3A_660 = arith.cmpi ne, %convert_element_type3A, %cond3A : i32
      scf.if %cond3A_660 {
        %dma_wait3A_785 = arith.constant 0 : i32
        %dma_wait3A_786 = arith.constant 0 : i32
        %dma_wait3A_787 = arith.constant 0 : i32
        %dma_wait3A_788 = tpu.memref_slice %arg14[%dma_wait3A_785, %dma_wait3A_786, %dma_wait3A_787] : memref<2x8x64xf32, #tpu.memory_space<vmem>> -> memref<1x8x64xf32, #tpu.memory_space<vmem>>
        %dma_wait3A_789 = tpu.memref_squeeze %dma_wait3A_788 : memref<1x8x64xf32, #tpu.memory_space<vmem>> -> memref<8x64xf32, #tpu.memory_space<vmem>>
        %dma_wait3A_790 = arith.constant 0 : i32
        %dma_wait3A_791 = tpu.memref_slice %arg5[%mul3A_2, %dma_wait3A_790] : memref<16384x64xf32, #tpu.memory_space<hbm>> -> memref<8x64xf32, #tpu.memory_space<hbm>>
        %dma_wait3A_792 = arith.constant 0 : i32
        %dma_wait3A_793 = tpu.memref_slice %arg5[%mul3A_2, %dma_wait3A_792] : memref<16384x64xf32, #tpu.memory_space<hbm>> -> memref<8x64xf32, #tpu.memory_space<hbm>>
        %dma_wait3A_794 = arith.constant 0 : i32
        %dma_wait3A_795 = arith.constant 0 : i32
        %dma_wait3A_796 = tpu.memref_slice %arg14[%dma_wait3A_785, %dma_wait3A_794, %dma_wait3A_795] : memref<2x8x64xf32, #tpu.memory_space<vmem>> -> memref<1x8x64xf32, #tpu.memory_space<vmem>>
        %dma_wait3A_797 = tpu.memref_squeeze %dma_wait3A_796 : memref<1x8x64xf32, #tpu.memory_space<vmem>> -> memref<8x64xf32, #tpu.memory_space<vmem>>
        tpu.wait_dma2 semaphore(%arg20 : memref<!tpu.dma_semaphore, #tpu.memory_space<semaphore_mem>>) src(%dma_wait3A_797 : memref<8x64xf32, #tpu.memory_space<vmem>>) dst(%dma_wait3A_793 : memref<8x64xf32, #tpu.memory_space<hbm>>)
        %dma_wait3A_798 = arith.constant 0 : i32
        %dma_wait3A_799 = arith.constant 0 : i32
        %dma_wait3A_800 = arith.constant 0 : i32
        %dma_wait3A_801 = tpu.memref_slice %arg15[%dma_wait3A_798, %dma_wait3A_799, %dma_wait3A_800] : memref<2x8x64xf32, #tpu.memory_space<vmem>> -> memref<1x8x64xf32, #tpu.memory_space<vmem>>
        %dma_wait3A_802 = tpu.memref_squeeze %dma_wait3A_801 : memref<1x8x64xf32, #tpu.memory_space<vmem>> -> memref<8x64xf32, #tpu.memory_space<vmem>>
        %dma_wait3A_803 = arith.constant 0 : i32
        %dma_wait3A_804 = tpu.memref_slice %arg6[%mul3A_2, %dma_wait3A_803] : memref<16384x64xf32, #tpu.memory_space<hbm>> -> memref<8x64xf32, #tpu.memory_space<hbm>>
        %dma_wait3A_805 = arith.constant 0 : i32
        %dma_wait3A_806 = tpu.memref_slice %arg6[%mul3A_2, %dma_wait3A_805] : memref<16384x64xf32, #tpu.memory_space<hbm>> -> memref<8x64xf32, #tpu.memory_space<hbm>>
        %dma_wait3A_807 = arith.constant 0 : i32
        %dma_wait3A_808 = arith.constant 0 : i32
        %dma_wait3A_809 = tpu.memref_slice %arg15[%dma_wait3A_798, %dma_wait3A_807, %dma_wait3A_808] : memref<2x8x64xf32, #tpu.memory_space<vmem>> -> memref<1x8x64xf32, #tpu.memory_space<vmem>>
        %dma_wait3A_810 = tpu.memref_squeeze %dma_wait3A_809 : memref<1x8x64xf32, #tpu.memory_space<vmem>> -> memref<8x64xf32, #tpu.memory_space<vmem>>
        tpu.wait_dma2 semaphore(%arg20 : memref<!tpu.dma_semaphore, #tpu.memory_space<semaphore_mem>>) src(%dma_wait3A_810 : memref<8x64xf32, #tpu.memory_space<vmem>>) dst(%dma_wait3A_806 : memref<8x64xf32, #tpu.memory_space<hbm>>)
        %dma_wait3A_811 = arith.constant 0 : i32
        %dma_wait3A_812 = arith.constant 0 : i32
        %dma_wait3A_813 = arith.constant 0 : i32
        %dma_wait3A_814 = tpu.memref_slice %arg16[%dma_wait3A_811, %dma_wait3A_812, %dma_wait3A_813] : memref<2x8x64xf32, #tpu.memory_space<vmem>> -> memref<1x8x64xf32, #tpu.memory_space<vmem>>
        %dma_wait3A_815 = tpu.memref_squeeze %dma_wait3A_814 : memref<1x8x64xf32, #tpu.memory_space<vmem>> -> memref<8x64xf32, #tpu.memory_space<vmem>>
        %dma_wait3A_816 = arith.constant 0 : i32
        %dma_wait3A_817 = tpu.memref_slice %arg7[%mul3A_2, %dma_wait3A_816] : memref<16384x64xf32, #tpu.memory_space<hbm>> -> memref<8x64xf32, #tpu.memory_space<hbm>>
        %dma_wait3A_818 = arith.constant 0 : i32
        %dma_wait3A_819 = tpu.memref_slice %arg7[%mul3A_2, %dma_wait3A_818] : memref<16384x64xf32, #tpu.memory_space<hbm>> -> memref<8x64xf32, #tpu.memory_space<hbm>>
        %dma_wait3A_820 = arith.constant 0 : i32
        %dma_wait3A_821 = arith.constant 0 : i32
        %dma_wait3A_822 = tpu.memref_slice %arg16[%dma_wait3A_811, %dma_wait3A_820, %dma_wait3A_821] : memref<2x8x64xf32, #tpu.memory_space<vmem>> -> memref<1x8x64xf32, #tpu.memory_space<vmem>>
        %dma_wait3A_823 = tpu.memref_squeeze %dma_wait3A_822 : memref<1x8x64xf32, #tpu.memory_space<vmem>> -> memref<8x64xf32, #tpu.memory_space<vmem>>
        tpu.wait_dma2 semaphore(%arg20 : memref<!tpu.dma_semaphore, #tpu.memory_space<semaphore_mem>>) src(%dma_wait3A_823 : memref<8x64xf32, #tpu.memory_space<vmem>>) dst(%dma_wait3A_819 : memref<8x64xf32, #tpu.memory_space<hbm>>)
      } else {
      }
      %scan3A_661 = arith.constant 0 : i32
      %scan3A_662 = arith.constant 8 : i32
      %scan3A_663 = arith.addi %scan3A_661, %scan3A_662 : i32
      %scan3A_664 = arith.constant 1 : i32
      %scan3A_665:4 = scf.for %scan3A_785 = %scan3A_661 to %scan3A_663 step %scan3A_664 iter_args(%scan3A_786 = %scan3A_645, %scan3A_787 = %scan3A_646, %scan3A_788 = %scan3A_647, %scan3A_789 = %scan3A_648) -> (vector<16xf32>, vector<16xf32>, vector<16xf32>, vector<16xf32>)  : i32 {
        %mul3A_790 = arith.constant 16 : i32
        %mul3A_791 = arith.muli %scan3A_785, %mul3A_790 : i32
        %get3A_792 = arith.index_cast %mul3A_791 : i32 to index
        %get3A_793 = arith.constant 0 : index
        %get3A_794 = tpu.vector_load %arg12[%get3A_792, %get3A_793] {strides = array<i32>} : memref<128x64xf32, #tpu.memory_space<vmem>>, vector<1x16xf32>,
        %get3A_795 = vector.shape_cast %get3A_794 : vector<1x16xf32> to vector<16xf32>
        %mul3A_796 = arith.mulf %get3A_795, %get3A_795 : vector<16xf32>
        %add3A_797 = arith.addf %scan3A_786, %mul3A_796 : vector<16xf32>
        %add3A_798 = arith.constant 1 : i32
        %add3A_799 = arith.addi %mul3A_791, %add3A_798 : i32
        %get3A_800 = arith.index_cast %add3A_799 : i32 to index
        %get3A_801 = arith.constant 0 : index
        %get3A_802 = tpu.vector_load %arg12[%get3A_800, %get3A_801] {strides = array<i32>} : memref<128x64xf32, #tpu.memory_space<vmem>>, vector<1x16xf32>,
        %get3A_803 = vector.shape_cast %get3A_802 : vector<1x16xf32> to vector<16xf32>
        %add3A_804 = arith.addf %get3A_795, %get3A_803 : vector<16xf32>
        %max3A = arith.maximumf %get3A_795, %get3A_803 : vector<16xf32>
        %min3A = arith.minimumf %get3A_795, %get3A_803 : vector<16xf32>
        %mul3A_805 = arith.mulf %get3A_803, %get3A_803 : vector<16xf32>
        %add3A_806 = arith.addf %add3A_797, %mul3A_805 : vector<16xf32>
        %add3A_807 = arith.constant 2 : i32
        %add3A_808 = arith.addi %mul3A_791, %add3A_807 : i32
        %get3A_809 = arith.index_cast %add3A_808 : i32 to index
        %get3A_810 = arith.constant 0 : index
        %get3A_811 = tpu.vector_load %arg12[%get3A_809, %get3A_810] {strides = array<i32>} : memref<128x64xf32, #tpu.memory_space<vmem>>, vector<1x16xf32>,
        %get3A_812 = vector.shape_cast %get3A_811 : vector<1x16xf32> to vector<16xf32>
        %add3A_813 = arith.addf %add3A_804, %get3A_812 : vector<16xf32>
        %max3A_814 = arith.maximumf %max3A, %get3A_812 : vector<16xf32>
        %min3A_815 = arith.minimumf %min3A, %get3A_812 : vector<16xf32>
        %mul3A_816 = arith.mulf %get3A_812, %get3A_812 : vector<16xf32>
        %add3A_817 = arith.addf %add3A_806, %mul3A_816 : vector<16xf32>
        %add3A_818 = arith.constant 3 : i32
        %add3A_819 = arith.addi %mul3A_791, %add3A_818 : i32
        %get3A_820 = arith.index_cast %add3A_819 : i32 to index
        %get3A_821 = arith.constant 0 : index
        %get3A_822 = tpu.vector_load %arg12[%get3A_820, %get3A_821] {strides = array<i32>} : memref<128x64xf32, #tpu.memory_space<vmem>>, vector<1x16xf32>,
        %get3A_823 = vector.shape_cast %get3A_822 : vector<1x16xf32> to vector<16xf32>
        %add3A_824 = arith.addf %add3A_813, %get3A_823 : vector<16xf32>
        %max3A_825 = arith.maximumf %max3A_814, %get3A_823 : vector<16xf32>
        %min3A_826 = arith.minimumf %min3A_815, %get3A_823 : vector<16xf32>
        %mul3A_827 = arith.mulf %get3A_823, %get3A_823 : vector<16xf32>
        %add3A_828 = arith.addf %add3A_817, %mul3A_827 : vector<16xf32>
        %add3A_829 = arith.constant 4 : i32
        %add3A_830 = arith.addi %mul3A_791, %add3A_829 : i32
        %get3A_831 = arith.index_cast %add3A_830 : i32 to index
        %get3A_832 = arith.constant 0 : index
        %get3A_833 = tpu.vector_load %arg12[%get3A_831, %get3A_832] {strides = array<i32>} : memref<128x64xf32, #tpu.memory_space<vmem>>, vector<1x16xf32>,
        %get3A_834 = vector.shape_cast %get3A_833 : vector<1x16xf32> to vector<16xf32>
        %add3A_835 = arith.addf %add3A_824, %get3A_834 : vector<16xf32>
        %max3A_836 = arith.maximumf %max3A_825, %get3A_834 : vector<16xf32>
        %min3A_837 = arith.minimumf %min3A_826, %get3A_834 : vector<16xf32>
        %mul3A_838 = arith.mulf %get3A_834, %get3A_834 : vector<16xf32>
        %add3A_839 = arith.addf %add3A_828, %mul3A_838 : vector<16xf32>
        %add3A_840 = arith.constant 5 : i32
        %add3A_841 = arith.addi %mul3A_791, %add3A_840 : i32
        %get3A_842 = arith.index_cast %add3A_841 : i32 to index
        %get3A_843 = arith.constant 0 : index
        %get3A_844 = tpu.vector_load %arg12[%get3A_842, %get3A_843] {strides = array<i32>} : memref<128x64xf32, #tpu.memory_space<vmem>>, vector<1x16xf32>,
        %get3A_845 = vector.shape_cast %get3A_844 : vector<1x16xf32> to vector<16xf32>
        %add3A_846 = arith.addf %add3A_835, %get3A_845 : vector<16xf32>
        %max3A_847 = arith.maximumf %max3A_836, %get3A_845 : vector<16xf32>
        %min3A_848 = arith.minimumf %min3A_837, %get3A_845 : vector<16xf32>
        %mul3A_849 = arith.mulf %get3A_845, %get3A_845 : vector<16xf32>
        %add3A_850 = arith.addf %add3A_839, %mul3A_849 : vector<16xf32>
        %add3A_851 = arith.constant 6 : i32
        %add3A_852 = arith.addi %mul3A_791, %add3A_851 : i32
        %get3A_853 = arith.index_cast %add3A_852 : i32 to index
        %get3A_854 = arith.constant 0 : index
        %get3A_855 = tpu.vector_load %arg12[%get3A_853, %get3A_854] {strides = array<i32>} : memref<128x64xf32, #tpu.memory_space<vmem>>, vector<1x16xf32>,
        %get3A_856 = vector.shape_cast %get3A_855 : vector<1x16xf32> to vector<16xf32>
        %add3A_857 = arith.addf %add3A_846, %get3A_856 : vector<16xf32>
        %max3A_858 = arith.maximumf %max3A_847, %get3A_856 : vector<16xf32>
        %min3A_859 = arith.minimumf %min3A_848, %get3A_856 : vector<16xf32>
        %mul3A_860 = arith.mulf %get3A_856, %get3A_856 : vector<16xf32>
        %add3A_861 = arith.addf %add3A_850, %mul3A_860 : vector<16xf32>
        %add3A_862 = arith.constant 7 : i32
        %add3A_863 = arith.addi %mul3A_791, %add3A_862 : i32
        %get3A_864 = arith.index_cast %add3A_863 : i32 to index
        %get3A_865 = arith.constant 0 : index
        %get3A_866 = tpu.vector_load %arg12[%get3A_864, %get3A_865] {strides = array<i32>} : memref<128x64xf32, #tpu.memory_space<vmem>>, vector<1x16xf32>,
        %get3A_867 = vector.shape_cast %get3A_866 : vector<1x16xf32> to vector<16xf32>
        %add3A_868 = arith.addf %add3A_857, %get3A_867 : vector<16xf32>
        %max3A_869 = arith.maximumf %max3A_858, %get3A_867 : vector<16xf32>
        %min3A_870 = arith.minimumf %min3A_859, %get3A_867 : vector<16xf32>
        %mul3A_871 = arith.mulf %get3A_867, %get3A_867 : vector<16xf32>
        %add3A_872 = arith.addf %add3A_861, %mul3A_871 : vector<16xf32>
        %add3A_873 = arith.constant 8 : i32
        %add3A_874 = arith.addi %mul3A_791, %add3A_873 : i32
        %get3A_875 = arith.index_cast %add3A_874 : i32 to index
        %get3A_876 = arith.constant 0 : index
        %get3A_877 = tpu.vector_load %arg12[%get3A_875, %get3A_876] {strides = array<i32>} : memref<128x64xf32, #tpu.memory_space<vmem>>, vector<1x16xf32>,
        %get3A_878 = vector.shape_cast %get3A_877 : vector<1x16xf32> to vector<16xf32>
        %add3A_879 = arith.addf %add3A_868, %get3A_878 : vector<16xf32>
        %max3A_880 = arith.maximumf %max3A_869, %get3A_878 : vector<16xf32>
        %min3A_881 = arith.minimumf %min3A_870, %get3A_878 : vector<16xf32>
        %mul3A_882 = arith.mulf %get3A_878, %get3A_878 : vector<16xf32>
        %add3A_883 = arith.addf %add3A_872, %mul3A_882 : vector<16xf32>
        %add3A_884 = arith.constant 9 : i32
        %add3A_885 = arith.addi %mul3A_791, %add3A_884 : i32
        %get3A_886 = arith.index_cast %add3A_885 : i32 to index
        %get3A_887 = arith.constant 0 : index
        %get3A_888 = tpu.vector_load %arg12[%get3A_886, %get3A_887] {strides = array<i32>} : memref<128x64xf32, #tpu.memory_space<vmem>>, vector<1x16xf32>,
        %get3A_889 = vector.shape_cast %get3A_888 : vector<1x16xf32> to vector<16xf32>
        %add3A_890 = arith.addf %add3A_879, %get3A_889 : vector<16xf32>
        %max3A_891 = arith.maximumf %max3A_880, %get3A_889 : vector<16xf32>
        %min3A_892 = arith.minimumf %min3A_881, %get3A_889 : vector<16xf32>
        %mul3A_893 = arith.mulf %get3A_889, %get3A_889 : vector<16xf32>
        %add3A_894 = arith.addf %add3A_883, %mul3A_893 : vector<16xf32>
        %add3A_895 = arith.constant 10 : i32
        %add3A_896 = arith.addi %mul3A_791, %add3A_895 : i32
        %get3A_897 = arith.index_cast %add3A_896 : i32 to index
        %get3A_898 = arith.constant 0 : index
        %get3A_899 = tpu.vector_load %arg12[%get3A_897, %get3A_898] {strides = array<i32>} : memref<128x64xf32, #tpu.memory_space<vmem>>, vector<1x16xf32>,
        %get3A_900 = vector.shape_cast %get3A_899 : vector<1x16xf32> to vector<16xf32>
        %add3A_901 = arith.addf %add3A_890, %get3A_900 : vector<16xf32>
        %max3A_902 = arith.maximumf %max3A_891, %get3A_900 : vector<16xf32>
        %min3A_903 = arith.minimumf %min3A_892, %get3A_900 : vector<16xf32>
        %mul3A_904 = arith.mulf %get3A_900, %get3A_900 : vector<16xf32>
        %add3A_905 = arith.addf %add3A_894, %mul3A_904 : vector<16xf32>
        %add3A_906 = arith.constant 11 : i32
        %add3A_907 = arith.addi %mul3A_791, %add3A_906 : i32
        %get3A_908 = arith.index_cast %add3A_907 : i32 to index
        %get3A_909 = arith.constant 0 : index
        %get3A_910 = tpu.vector_load %arg12[%get3A_908, %get3A_909] {strides = array<i32>} : memref<128x64xf32, #tpu.memory_space<vmem>>, vector<1x16xf32>,
        %get3A_911 = vector.shape_cast %get3A_910 : vector<1x16xf32> to vector<16xf32>
        %add3A_912 = arith.addf %add3A_901, %get3A_911 : vector<16xf32>
        %max3A_913 = arith.maximumf %max3A_902, %get3A_911 : vector<16xf32>
        %min3A_914 = arith.minimumf %min3A_903, %get3A_911 : vector<16xf32>
        %mul3A_915 = arith.mulf %get3A_911, %get3A_911 : vector<16xf32>
        %add3A_916 = arith.addf %add3A_905, %mul3A_915 : vector<16xf32>
        %add3A_917 = arith.constant 12 : i32
        %add3A_918 = arith.addi %mul3A_791, %add3A_917 : i32
        %get3A_919 = arith.index_cast %add3A_918 : i32 to index
        %get3A_920 = arith.constant 0 : index
        %get3A_921 = tpu.vector_load %arg12[%get3A_919, %get3A_920] {strides = array<i32>} : memref<128x64xf32, #tpu.memory_space<vmem>>, vector<1x16xf32>,
        %get3A_922 = vector.shape_cast %get3A_921 : vector<1x16xf32> to vector<16xf32>
        %add3A_923 = arith.addf %add3A_912, %get3A_922 : vector<16xf32>
        %max3A_924 = arith.maximumf %max3A_913, %get3A_922 : vector<16xf32>
        %min3A_925 = arith.minimumf %min3A_914, %get3A_922 : vector<16xf32>
        %mul3A_926 = arith.mulf %get3A_922, %get3A_922 : vector<16xf32>
        %add3A_927 = arith.addf %add3A_916, %mul3A_926 : vector<16xf32>
        %add3A_928 = arith.constant 13 : i32
        %add3A_929 = arith.addi %mul3A_791, %add3A_928 : i32
        %get3A_930 = arith.index_cast %add3A_929 : i32 to index
        %get3A_931 = arith.constant 0 : index
        %get3A_932 = tpu.vector_load %arg12[%get3A_930, %get3A_931] {strides = array<i32>} : memref<128x64xf32, #tpu.memory_space<vmem>>, vector<1x16xf32>,
        %get3A_933 = vector.shape_cast %get3A_932 : vector<1x16xf32> to vector<16xf32>
        %add3A_934 = arith.addf %add3A_923, %get3A_933 : vector<16xf32>
        %max3A_935 = arith.maximumf %max3A_924, %get3A_933 : vector<16xf32>
        %min3A_936 = arith.minimumf %min3A_925, %get3A_933 : vector<16xf32>
        %mul3A_937 = arith.mulf %get3A_933, %get3A_933 : vector<16xf32>
        %add3A_938 = arith.addf %add3A_927, %mul3A_937 : vector<16xf32>
        %add3A_939 = arith.constant 14 : i32
        %add3A_940 = arith.addi %mul3A_791, %add3A_939 : i32
        %get3A_941 = arith.index_cast %add3A_940 : i32 to index
        %get3A_942 = arith.constant 0 : index
        %get3A_943 = tpu.vector_load %arg12[%get3A_941, %get3A_942] {strides = array<i32>} : memref<128x64xf32, #tpu.memory_space<vmem>>, vector<1x16xf32>,
        %get3A_944 = vector.shape_cast %get3A_943 : vector<1x16xf32> to vector<16xf32>
        %add3A_945 = arith.addf %add3A_934, %get3A_944 : vector<16xf32>
        %max3A_946 = arith.maximumf %max3A_935, %get3A_944 : vector<16xf32>
        %min3A_947 = arith.minimumf %min3A_936, %get3A_944 : vector<16xf32>
        %mul3A_948 = arith.mulf %get3A_944, %get3A_944 : vector<16xf32>
        %add3A_949 = arith.addf %add3A_938, %mul3A_948 : vector<16xf32>
        %add3A_950 = arith.constant 15 : i32
        %add3A_951 = arith.addi %mul3A_791, %add3A_950 : i32
        %get3A_952 = arith.index_cast %add3A_951 : i32 to index
        %get3A_953 = arith.constant 0 : index
        %get3A_954 = tpu.vector_load %arg12[%get3A_952, %get3A_953] {strides = array<i32>} : memref<128x64xf32, #tpu.memory_space<vmem>>, vector<1x16xf32>,
        %get3A_955 = vector.shape_cast %get3A_954 : vector<1x16xf32> to vector<16xf32>
        %add3A_956 = arith.addf %add3A_945, %get3A_955 : vector<16xf32>
        %max3A_957 = arith.maximumf %max3A_946, %get3A_955 : vector<16xf32>
        %min3A_958 = arith.minimumf %min3A_947, %get3A_955 : vector<16xf32>
        %mul3A_959 = arith.mulf %get3A_955, %get3A_955 : vector<16xf32>
        %add3A_960 = arith.addf %add3A_949, %mul3A_959 : vector<16xf32>
        %swap3A_961 = arith.constant 0 : i32
        %swap3A_962 = arith.index_cast %swap3A_961 : i32 to index
        %swap3A_963 = arith.index_cast %scan3A_785 : i32 to index
        %swap3A_964 = arith.constant 0 : index
        %swap3A_965 = tpu.vector_load %arg14[%swap3A_962, %swap3A_963, %swap3A_964] {strides = array<i32>} : memref<2x8x64xf32, #tpu.memory_space<vmem>>, vector<1x1x16xf32>,
        %swap3A_966 = vector.shape_cast %swap3A_965 : vector<1x1x16xf32> to vector<16xf32>
        %swap3A_967 = vector.shape_cast %add3A_956 : vector<16xf32> to vector<1x1x16xf32>
        tpu.vector_store %arg14[%swap3A_962, %swap3A_963, %swap3A_964], %swap3A_967 {strides = array<i32>} : memref<2x8x64xf32, #tpu.memory_space<vmem>>, vector<1x1x16xf32>,
        %swap3A_968 = arith.constant 0 : i32
        %swap3A_969 = arith.index_cast %swap3A_968 : i32 to index
        %swap3A_970 = arith.index_cast %scan3A_785 : i32 to index
        %swap3A_971 = arith.constant 0 : index
        %swap3A_972 = tpu.vector_load %arg15[%swap3A_969, %swap3A_970, %swap3A_971] {strides = array<i32>} : memref<2x8x64xf32, #tpu.memory_space<vmem>>, vector<1x1x16xf32>,
        %swap3A_973 = vector.shape_cast %swap3A_972 : vector<1x1x16xf32> to vector<16xf32>
        %swap3A_974 = vector.shape_cast %max3A_957 : vector<16xf32> to vector<1x1x16xf32>
        tpu.vector_store %arg15[%swap3A_969, %swap3A_970, %swap3A_971], %swap3A_974 {strides = array<i32>} : memref<2x8x64xf32, #tpu.memory_space<vmem>>, vector<1x1x16xf32>,
        %swap3A_975 = arith.constant 0 : i32
        %swap3A_976 = arith.index_cast %swap3A_975 : i32 to index
        %swap3A_977 = arith.index_cast %scan3A_785 : i32 to index
        %swap3A_978 = arith.constant 0 : index
        %swap3A_979 = tpu.vector_load %arg16[%swap3A_976, %swap3A_977, %swap3A_978] {strides = array<i32>} : memref<2x8x64xf32, #tpu.memory_space<vmem>>, vector<1x1x16xf32>,
        %swap3A_980 = vector.shape_cast %swap3A_979 : vector<1x1x16xf32> to vector<16xf32>
        %swap3A_981 = vector.shape_cast %min3A_958 : vector<16xf32> to vector<1x1x16xf32>
        tpu.vector_store %arg16[%swap3A_976, %swap3A_977, %swap3A_978], %swap3A_981 {strides = array<i32>} : memref<2x8x64xf32, #tpu.memory_space<vmem>>, vector<1x1x16xf32>,
        %get3A_982 = arith.index_cast %mul3A_791 : i32 to index
        %get3A_983 = arith.constant 16 : index
        %get3A_984 = tpu.vector_load %arg12[%get3A_982, %get3A_983] {strides = array<i32>} : memref<128x64xf32, #tpu.memory_space<vmem>>, vector<1x16xf32>,
        %get3A_985 = vector.shape_cast %get3A_984 : vector<1x16xf32> to vector<16xf32>
        %mul3A_986 = arith.mulf %get3A_985, %get3A_985 : vector<16xf32>
        %add3A_987 = arith.addf %scan3A_787, %mul3A_986 : vector<16xf32>
        %add3A_988 = arith.constant 1 : i32
        %add3A_989 = arith.addi %mul3A_791, %add3A_988 : i32
        %get3A_990 = arith.index_cast %add3A_989 : i32 to index
        %get3A_991 = arith.constant 16 : index
        %get3A_992 = tpu.vector_load %arg12[%get3A_990, %get3A_991] {strides = array<i32>} : memref<128x64xf32, #tpu.memory_space<vmem>>, vector<1x16xf32>,
        %get3A_993 = vector.shape_cast %get3A_992 : vector<1x16xf32> to vector<16xf32>
        %add3A_994 = arith.addf %get3A_985, %get3A_993 : vector<16xf32>
        %max3A_995 = arith.maximumf %get3A_985, %get3A_993 : vector<16xf32>
        %min3A_996 = arith.minimumf %get3A_985, %get3A_993 : vector<16xf32>
        %mul3A_997 = arith.mulf %get3A_993, %get3A_993 : vector<16xf32>
        %add3A_998 = arith.addf %add3A_987, %mul3A_997 : vector<16xf32>
        %add3A_999 = arith.constant 2 : i32
        %add3A_1000 = arith.addi %mul3A_791, %add3A_999 : i32
        %get3A_1001 = arith.index_cast %add3A_1000 : i32 to index
        %get3A_1002 = arith.constant 16 : index
        %get3A_1003 = tpu.vector_load %arg12[%get3A_1001, %get3A_1002] {strides = array<i32>} : memref<128x64xf32, #tpu.memory_space<vmem>>, vector<1x16xf32>,
        %get3A_1004 = vector.shape_cast %get3A_1003 : vector<1x16xf32> to vector<16xf32>
        %add3A_1005 = arith.addf %add3A_994, %get3A_1004 : vector<16xf32>
        %max3A_1006 = arith.maximumf %max3A_995, %get3A_1004 : vector<16xf32>
        %min3A_1007 = arith.minimumf %min3A_996, %get3A_1004 : vector<16xf32>
        %mul3A_1008 = arith.mulf %get3A_1004, %get3A_1004 : vector<16xf32>
        %add3A_1009 = arith.addf %add3A_998, %mul3A_1008 : vector<16xf32>
        %add3A_1010 = arith.constant 3 : i32
        %add3A_1011 = arith.addi %mul3A_791, %add3A_1010 : i32
        %get3A_1012 = arith.index_cast %add3A_1011 : i32 to index
        %get3A_1013 = arith.constant 16 : index
        %get3A_1014 = tpu.vector_load %arg12[%get3A_1012, %get3A_1013] {strides = array<i32>} : memref<128x64xf32, #tpu.memory_space<vmem>>, vector<1x16xf32>,
        %get3A_1015 = vector.shape_cast %get3A_1014 : vector<1x16xf32> to vector<16xf32>
        %add3A_1016 = arith.addf %add3A_1005, %get3A_1015 : vector<16xf32>
        %max3A_1017 = arith.maximumf %max3A_1006, %get3A_1015 : vector<16xf32>
        %min3A_1018 = arith.minimumf %min3A_1007, %get3A_1015 : vector<16xf32>
        %mul3A_1019 = arith.mulf %get3A_1015, %get3A_1015 : vector<16xf32>
        %add3A_1020 = arith.addf %add3A_1009, %mul3A_1019 : vector<16xf32>
        %add3A_1021 = arith.constant 4 : i32
        %add3A_1022 = arith.addi %mul3A_791, %add3A_1021 : i32
        %get3A_1023 = arith.index_cast %add3A_1022 : i32 to index
        %get3A_1024 = arith.constant 16 : index
        %get3A_1025 = tpu.vector_load %arg12[%get3A_1023, %get3A_1024] {strides = array<i32>} : memref<128x64xf32, #tpu.memory_space<vmem>>, vector<1x16xf32>,
        %get3A_1026 = vector.shape_cast %get3A_1025 : vector<1x16xf32> to vector<16xf32>
        %add3A_1027 = arith.addf %add3A_1016, %get3A_1026 : vector<16xf32>
        %max3A_1028 = arith.maximumf %max3A_1017, %get3A_1026 : vector<16xf32>
        %min3A_1029 = arith.minimumf %min3A_1018, %get3A_1026 : vector<16xf32>
        %mul3A_1030 = arith.mulf %get3A_1026, %get3A_1026 : vector<16xf32>
        %add3A_1031 = arith.addf %add3A_1020, %mul3A_1030 : vector<16xf32>
        %add3A_1032 = arith.constant 5 : i32
        %add3A_1033 = arith.addi %mul3A_791, %add3A_1032 : i32
        %get3A_1034 = arith.index_cast %add3A_1033 : i32 to index
        %get3A_1035 = arith.constant 16 : index
        %get3A_1036 = tpu.vector_load %arg12[%get3A_1034, %get3A_1035] {strides = array<i32>} : memref<128x64xf32, #tpu.memory_space<vmem>>, vector<1x16xf32>,
        %get3A_1037 = vector.shape_cast %get3A_1036 : vector<1x16xf32> to vector<16xf32>
        %add3A_1038 = arith.addf %add3A_1027, %get3A_1037 : vector<16xf32>
        %max3A_1039 = arith.maximumf %max3A_1028, %get3A_1037 : vector<16xf32>
        %min3A_1040 = arith.minimumf %min3A_1029, %get3A_1037 : vector<16xf32>
        %mul3A_1041 = arith.mulf %get3A_1037, %get3A_1037 : vector<16xf32>
        %add3A_1042 = arith.addf %add3A_1031, %mul3A_1041 : vector<16xf32>
        %add3A_1043 = arith.constant 6 : i32
        %add3A_1044 = arith.addi %mul3A_791, %add3A_1043 : i32
        %get3A_1045 = arith.index_cast %add3A_1044 : i32 to index
        %get3A_1046 = arith.constant 16 : index
        %get3A_1047 = tpu.vector_load %arg12[%get3A_1045, %get3A_1046] {strides = array<i32>} : memref<128x64xf32, #tpu.memory_space<vmem>>, vector<1x16xf32>,
        %get3A_1048 = vector.shape_cast %get3A_1047 : vector<1x16xf32> to vector<16xf32>
        %add3A_1049 = arith.addf %add3A_1038, %get3A_1048 : vector<16xf32>
        %max3A_1050 = arith.maximumf %max3A_1039, %get3A_1048 : vector<16xf32>
        %min3A_1051 = arith.minimumf %min3A_1040, %get3A_1048 : vector<16xf32>
        %mul3A_1052 = arith.mulf %get3A_1048, %get3A_1048 : vector<16xf32>
        %add3A_1053 = arith.addf %add3A_1042, %mul3A_1052 : vector<16xf32>
        %add3A_1054 = arith.constant 7 : i32
        %add3A_1055 = arith.addi %mul3A_791, %add3A_1054 : i32
        %get3A_1056 = arith.index_cast %add3A_1055 : i32 to index
        %get3A_1057 = arith.constant 16 : index
        %get3A_1058 = tpu.vector_load %arg12[%get3A_1056, %get3A_1057] {strides = array<i32>} : memref<128x64xf32, #tpu.memory_space<vmem>>, vector<1x16xf32>,
        %get3A_1059 = vector.shape_cast %get3A_1058 : vector<1x16xf32> to vector<16xf32>
        %add3A_1060 = arith.addf %add3A_1049, %get3A_1059 : vector<16xf32>
        %max3A_1061 = arith.maximumf %max3A_1050, %get3A_1059 : vector<16xf32>
        %min3A_1062 = arith.minimumf %min3A_1051, %get3A_1059 : vector<16xf32>
        %mul3A_1063 = arith.mulf %get3A_1059, %get3A_1059 : vector<16xf32>
        %add3A_1064 = arith.addf %add3A_1053, %mul3A_1063 : vector<16xf32>
        %add3A_1065 = arith.constant 8 : i32
        %add3A_1066 = arith.addi %mul3A_791, %add3A_1065 : i32
        %get3A_1067 = arith.index_cast %add3A_1066 : i32 to index
        %get3A_1068 = arith.constant 16 : index
        %get3A_1069 = tpu.vector_load %arg12[%get3A_1067, %get3A_1068] {strides = array<i32>} : memref<128x64xf32, #tpu.memory_space<vmem>>, vector<1x16xf32>,
        %get3A_1070 = vector.shape_cast %get3A_1069 : vector<1x16xf32> to vector<16xf32>
        %add3A_1071 = arith.addf %add3A_1060, %get3A_1070 : vector<16xf32>
        %max3A_1072 = arith.maximumf %max3A_1061, %get3A_1070 : vector<16xf32>
        %min3A_1073 = arith.minimumf %min3A_1062, %get3A_1070 : vector<16xf32>
        %mul3A_1074 = arith.mulf %get3A_1070, %get3A_1070 : vector<16xf32>
        %add3A_1075 = arith.addf %add3A_1064, %mul3A_1074 : vector<16xf32>
        %add3A_1076 = arith.constant 9 : i32
        %add3A_1077 = arith.addi %mul3A_791, %add3A_1076 : i32
        %get3A_1078 = arith.index_cast %add3A_1077 : i32 to index
        %get3A_1079 = arith.constant 16 : index
        %get3A_1080 = tpu.vector_load %arg12[%get3A_1078, %get3A_1079] {strides = array<i32>} : memref<128x64xf32, #tpu.memory_space<vmem>>, vector<1x16xf32>,
        %get3A_1081 = vector.shape_cast %get3A_1080 : vector<1x16xf32> to vector<16xf32>
        %add3A_1082 = arith.addf %add3A_1071, %get3A_1081 : vector<16xf32>
        %max3A_1083 = arith.maximumf %max3A_1072, %get3A_1081 : vector<16xf32>
        %min3A_1084 = arith.minimumf %min3A_1073, %get3A_1081 : vector<16xf32>
        %mul3A_1085 = arith.mulf %get3A_1081, %get3A_1081 : vector<16xf32>
        %add3A_1086 = arith.addf %add3A_1075, %mul3A_1085 : vector<16xf32>
        %add3A_1087 = arith.constant 10 : i32
        %add3A_1088 = arith.addi %mul3A_791, %add3A_1087 : i32
        %get3A_1089 = arith.index_cast %add3A_1088 : i32 to index
        %get3A_1090 = arith.constant 16 : index
        %get3A_1091 = tpu.vector_load %arg12[%get3A_1089, %get3A_1090] {strides = array<i32>} : memref<128x64xf32, #tpu.memory_space<vmem>>, vector<1x16xf32>,
        %get3A_1092 = vector.shape_cast %get3A_1091 : vector<1x16xf32> to vector<16xf32>
        %add3A_1093 = arith.addf %add3A_1082, %get3A_1092 : vector<16xf32>
        %max3A_1094 = arith.maximumf %max3A_1083, %get3A_1092 : vector<16xf32>
        %min3A_1095 = arith.minimumf %min3A_1084, %get3A_1092 : vector<16xf32>
        %mul3A_1096 = arith.mulf %get3A_1092, %get3A_1092 : vector<16xf32>
        %add3A_1097 = arith.addf %add3A_1086, %mul3A_1096 : vector<16xf32>
        %add3A_1098 = arith.constant 11 : i32
        %add3A_1099 = arith.addi %mul3A_791, %add3A_1098 : i32
        %get3A_1100 = arith.index_cast %add3A_1099 : i32 to index
        %get3A_1101 = arith.constant 16 : index
        %get3A_1102 = tpu.vector_load %arg12[%get3A_1100, %get3A_1101] {strides = array<i32>} : memref<128x64xf32, #tpu.memory_space<vmem>>, vector<1x16xf32>,
        %get3A_1103 = vector.shape_cast %get3A_1102 : vector<1x16xf32> to vector<16xf32>
        %add3A_1104 = arith.addf %add3A_1093, %get3A_1103 : vector<16xf32>
        %max3A_1105 = arith.maximumf %max3A_1094, %get3A_1103 : vector<16xf32>
        %min3A_1106 = arith.minimumf %min3A_1095, %get3A_1103 : vector<16xf32>
        %mul3A_1107 = arith.mulf %get3A_1103, %get3A_1103 : vector<16xf32>
        %add3A_1108 = arith.addf %add3A_1097, %mul3A_1107 : vector<16xf32>
        %add3A_1109 = arith.constant 12 : i32
        %add3A_1110 = arith.addi %mul3A_791, %add3A_1109 : i32
        %get3A_1111 = arith.index_cast %add3A_1110 : i32 to index
        %get3A_1112 = arith.constant 16 : index
        %get3A_1113 = tpu.vector_load %arg12[%get3A_1111, %get3A_1112] {strides = array<i32>} : memref<128x64xf32, #tpu.memory_space<vmem>>, vector<1x16xf32>,
        %get3A_1114 = vector.shape_cast %get3A_1113 : vector<1x16xf32> to vector<16xf32>
        %add3A_1115 = arith.addf %add3A_1104, %get3A_1114 : vector<16xf32>
        %max3A_1116 = arith.maximumf %max3A_1105, %get3A_1114 : vector<16xf32>
        %min3A_1117 = arith.minimumf %min3A_1106, %get3A_1114 : vector<16xf32>
        %mul3A_1118 = arith.mulf %get3A_1114, %get3A_1114 : vector<16xf32>
        %add3A_1119 = arith.addf %add3A_1108, %mul3A_1118 : vector<16xf32>
        %add3A_1120 = arith.constant 13 : i32
        %add3A_1121 = arith.addi %mul3A_791, %add3A_1120 : i32
        %get3A_1122 = arith.index_cast %add3A_1121 : i32 to index
        %get3A_1123 = arith.constant 16 : index
        %get3A_1124 = tpu.vector_load %arg12[%get3A_1122, %get3A_1123] {strides = array<i32>} : memref<128x64xf32, #tpu.memory_space<vmem>>, vector<1x16xf32>,
        %get3A_1125 = vector.shape_cast %get3A_1124 : vector<1x16xf32> to vector<16xf32>
        %add3A_1126 = arith.addf %add3A_1115, %get3A_1125 : vector<16xf32>
        %max3A_1127 = arith.maximumf %max3A_1116, %get3A_1125 : vector<16xf32>
        %min3A_1128 = arith.minimumf %min3A_1117, %get3A_1125 : vector<16xf32>
        %mul3A_1129 = arith.mulf %get3A_1125, %get3A_1125 : vector<16xf32>
        %add3A_1130 = arith.addf %add3A_1119, %mul3A_1129 : vector<16xf32>
        %add3A_1131 = arith.constant 14 : i32
        %add3A_1132 = arith.addi %mul3A_791, %add3A_1131 : i32
        %get3A_1133 = arith.index_cast %add3A_1132 : i32 to index
        %get3A_1134 = arith.constant 16 : index
        %get3A_1135 = tpu.vector_load %arg12[%get3A_1133, %get3A_1134] {strides = array<i32>} : memref<128x64xf32, #tpu.memory_space<vmem>>, vector<1x16xf32>,
        %get3A_1136 = vector.shape_cast %get3A_1135 : vector<1x16xf32> to vector<16xf32>
        %add3A_1137 = arith.addf %add3A_1126, %get3A_1136 : vector<16xf32>
        %max3A_1138 = arith.maximumf %max3A_1127, %get3A_1136 : vector<16xf32>
        %min3A_1139 = arith.minimumf %min3A_1128, %get3A_1136 : vector<16xf32>
        %mul3A_1140 = arith.mulf %get3A_1136, %get3A_1136 : vector<16xf32>
        %add3A_1141 = arith.addf %add3A_1130, %mul3A_1140 : vector<16xf32>
        %add3A_1142 = arith.constant 15 : i32
        %add3A_1143 = arith.addi %mul3A_791, %add3A_1142 : i32
        %get3A_1144 = arith.index_cast %add3A_1143 : i32 to index
        %get3A_1145 = arith.constant 16 : index
        %get3A_1146 = tpu.vector_load %arg12[%get3A_1144, %get3A_1145] {strides = array<i32>} : memref<128x64xf32, #tpu.memory_space<vmem>>, vector<1x16xf32>,
        %get3A_1147 = vector.shape_cast %get3A_1146 : vector<1x16xf32> to vector<16xf32>
        %add3A_1148 = arith.addf %add3A_1137, %get3A_1147 : vector<16xf32>
        %max3A_1149 = arith.maximumf %max3A_1138, %get3A_1147 : vector<16xf32>
        %min3A_1150 = arith.minimumf %min3A_1139, %get3A_1147 : vector<16xf32>
        %mul3A_1151 = arith.mulf %get3A_1147, %get3A_1147 : vector<16xf32>
        %add3A_1152 = arith.addf %add3A_1141, %mul3A_1151 : vector<16xf32>
        %swap3A_1153 = arith.constant 0 : i32
        %swap3A_1154 = arith.index_cast %swap3A_1153 : i32 to index
        %swap3A_1155 = arith.index_cast %scan3A_785 : i32 to index
        %swap3A_1156 = arith.constant 16 : index
        %swap3A_1157 = tpu.vector_load %arg14[%swap3A_1154, %swap3A_1155, %swap3A_1156] {strides = array<i32>} : memref<2x8x64xf32, #tpu.memory_space<vmem>>, vector<1x1x16xf32>,
        %swap3A_1158 = vector.shape_cast %swap3A_1157 : vector<1x1x16xf32> to vector<16xf32>
        %swap3A_1159 = vector.shape_cast %add3A_1148 : vector<16xf32> to vector<1x1x16xf32>
        tpu.vector_store %arg14[%swap3A_1154, %swap3A_1155, %swap3A_1156], %swap3A_1159 {strides = array<i32>} : memref<2x8x64xf32, #tpu.memory_space<vmem>>, vector<1x1x16xf32>,
        %swap3A_1160 = arith.constant 0 : i32
        %swap3A_1161 = arith.index_cast %swap3A_1160 : i32 to index
        %swap3A_1162 = arith.index_cast %scan3A_785 : i32 to index
        %swap3A_1163 = arith.constant 16 : index
        %swap3A_1164 = tpu.vector_load %arg15[%swap3A_1161, %swap3A_1162, %swap3A_1163] {strides = array<i32>} : memref<2x8x64xf32, #tpu.memory_space<vmem>>, vector<1x1x16xf32>,
        %swap3A_1165 = vector.shape_cast %swap3A_1164 : vector<1x1x16xf32> to vector<16xf32>
        %swap3A_1166 = vector.shape_cast %max3A_1149 : vector<16xf32> to vector<1x1x16xf32>
        tpu.vector_store %arg15[%swap3A_1161, %swap3A_1162, %swap3A_1163], %swap3A_1166 {strides = array<i32>} : memref<2x8x64xf32, #tpu.memory_space<vmem>>, vector<1x1x16xf32>,
        %swap3A_1167 = arith.constant 0 : i32
        %swap3A_1168 = arith.index_cast %swap3A_1167 : i32 to index
        %swap3A_1169 = arith.index_cast %scan3A_785 : i32 to index
        %swap3A_1170 = arith.constant 16 : index
        %swap3A_1171 = tpu.vector_load %arg16[%swap3A_1168, %swap3A_1169, %swap3A_1170] {strides = array<i32>} : memref<2x8x64xf32, #tpu.memory_space<vmem>>, vector<1x1x16xf32>,
        %swap3A_1172 = vector.shape_cast %swap3A_1171 : vector<1x1x16xf32> to vector<16xf32>
        %swap3A_1173 = vector.shape_cast %min3A_1150 : vector<16xf32> to vector<1x1x16xf32>
        tpu.vector_store %arg16[%swap3A_1168, %swap3A_1169, %swap3A_1170], %swap3A_1173 {strides = array<i32>} : memref<2x8x64xf32, #tpu.memory_space<vmem>>, vector<1x1x16xf32>,
        %get3A_1174 = arith.index_cast %mul3A_791 : i32 to index
        %get3A_1175 = arith.constant 32 : index
        %get3A_1176 = tpu.vector_load %arg12[%get3A_1174, %get3A_1175] {strides = array<i32>} : memref<128x64xf32, #tpu.memory_space<vmem>>, vector<1x16xf32>,
        %get3A_1177 = vector.shape_cast %get3A_1176 : vector<1x16xf32> to vector<16xf32>
        %mul3A_1178 = arith.mulf %get3A_1177, %get3A_1177 : vector<16xf32>
        %add3A_1179 = arith.addf %scan3A_788, %mul3A_1178 : vector<16xf32>
        %add3A_1180 = arith.constant 1 : i32
        %add3A_1181 = arith.addi %mul3A_791, %add3A_1180 : i32
        %get3A_1182 = arith.index_cast %add3A_1181 : i32 to index
        %get3A_1183 = arith.constant 32 : index
        %get3A_1184 = tpu.vector_load %arg12[%get3A_1182, %get3A_1183] {strides = array<i32>} : memref<128x64xf32, #tpu.memory_space<vmem>>, vector<1x16xf32>,
        %get3A_1185 = vector.shape_cast %get3A_1184 : vector<1x16xf32> to vector<16xf32>
        %add3A_1186 = arith.addf %get3A_1177, %get3A_1185 : vector<16xf32>
        %max3A_1187 = arith.maximumf %get3A_1177, %get3A_1185 : vector<16xf32>
        %min3A_1188 = arith.minimumf %get3A_1177, %get3A_1185 : vector<16xf32>
        %mul3A_1189 = arith.mulf %get3A_1185, %get3A_1185 : vector<16xf32>
        %add3A_1190 = arith.addf %add3A_1179, %mul3A_1189 : vector<16xf32>
        %add3A_1191 = arith.constant 2 : i32
        %add3A_1192 = arith.addi %mul3A_791, %add3A_1191 : i32
        %get3A_1193 = arith.index_cast %add3A_1192 : i32 to index
        %get3A_1194 = arith.constant 32 : index
        %get3A_1195 = tpu.vector_load %arg12[%get3A_1193, %get3A_1194] {strides = array<i32>} : memref<128x64xf32, #tpu.memory_space<vmem>>, vector<1x16xf32>,
        %get3A_1196 = vector.shape_cast %get3A_1195 : vector<1x16xf32> to vector<16xf32>
        %add3A_1197 = arith.addf %add3A_1186, %get3A_1196 : vector<16xf32>
        %max3A_1198 = arith.maximumf %max3A_1187, %get3A_1196 : vector<16xf32>
        %min3A_1199 = arith.minimumf %min3A_1188, %get3A_1196 : vector<16xf32>
        %mul3A_1200 = arith.mulf %get3A_1196, %get3A_1196 : vector<16xf32>
        %add3A_1201 = arith.addf %add3A_1190, %mul3A_1200 : vector<16xf32>
        %add3A_1202 = arith.constant 3 : i32
        %add3A_1203 = arith.addi %mul3A_791, %add3A_1202 : i32
        %get3A_1204 = arith.index_cast %add3A_1203 : i32 to index
        %get3A_1205 = arith.constant 32 : index
        %get3A_1206 = tpu.vector_load %arg12[%get3A_1204, %get3A_1205] {strides = array<i32>} : memref<128x64xf32, #tpu.memory_space<vmem>>, vector<1x16xf32>,
        %get3A_1207 = vector.shape_cast %get3A_1206 : vector<1x16xf32> to vector<16xf32>
        %add3A_1208 = arith.addf %add3A_1197, %get3A_1207 : vector<16xf32>
        %max3A_1209 = arith.maximumf %max3A_1198, %get3A_1207 : vector<16xf32>
        %min3A_1210 = arith.minimumf %min3A_1199, %get3A_1207 : vector<16xf32>
        %mul3A_1211 = arith.mulf %get3A_1207, %get3A_1207 : vector<16xf32>
        %add3A_1212 = arith.addf %add3A_1201, %mul3A_1211 : vector<16xf32>
        %add3A_1213 = arith.constant 4 : i32
        %add3A_1214 = arith.addi %mul3A_791, %add3A_1213 : i32
        %get3A_1215 = arith.index_cast %add3A_1214 : i32 to index
        %get3A_1216 = arith.constant 32 : index
        %get3A_1217 = tpu.vector_load %arg12[%get3A_1215, %get3A_1216] {strides = array<i32>} : memref<128x64xf32, #tpu.memory_space<vmem>>, vector<1x16xf32>,
        %get3A_1218 = vector.shape_cast %get3A_1217 : vector<1x16xf32> to vector<16xf32>
        %add3A_1219 = arith.addf %add3A_1208, %get3A_1218 : vector<16xf32>
        %max3A_1220 = arith.maximumf %max3A_1209, %get3A_1218 : vector<16xf32>
        %min3A_1221 = arith.minimumf %min3A_1210, %get3A_1218 : vector<16xf32>
        %mul3A_1222 = arith.mulf %get3A_1218, %get3A_1218 : vector<16xf32>
        %add3A_1223 = arith.addf %add3A_1212, %mul3A_1222 : vector<16xf32>
        %add3A_1224 = arith.constant 5 : i32
        %add3A_1225 = arith.addi %mul3A_791, %add3A_1224 : i32
        %get3A_1226 = arith.index_cast %add3A_1225 : i32 to index
        %get3A_1227 = arith.constant 32 : index
        %get3A_1228 = tpu.vector_load %arg12[%get3A_1226, %get3A_1227] {strides = array<i32>} : memref<128x64xf32, #tpu.memory_space<vmem>>, vector<1x16xf32>,
        %get3A_1229 = vector.shape_cast %get3A_1228 : vector<1x16xf32> to vector<16xf32>
        %add3A_1230 = arith.addf %add3A_1219, %get3A_1229 : vector<16xf32>
        %max3A_1231 = arith.maximumf %max3A_1220, %get3A_1229 : vector<16xf32>
        %min3A_1232 = arith.minimumf %min3A_1221, %get3A_1229 : vector<16xf32>
        %mul3A_1233 = arith.mulf %get3A_1229, %get3A_1229 : vector<16xf32>
        %add3A_1234 = arith.addf %add3A_1223, %mul3A_1233 : vector<16xf32>
        %add3A_1235 = arith.constant 6 : i32
        %add3A_1236 = arith.addi %mul3A_791, %add3A_1235 : i32
        %get3A_1237 = arith.index_cast %add3A_1236 : i32 to index
        %get3A_1238 = arith.constant 32 : index
        %get3A_1239 = tpu.vector_load %arg12[%get3A_1237, %get3A_1238] {strides = array<i32>} : memref<128x64xf32, #tpu.memory_space<vmem>>, vector<1x16xf32>,
        %get3A_1240 = vector.shape_cast %get3A_1239 : vector<1x16xf32> to vector<16xf32>
        %add3A_1241 = arith.addf %add3A_1230, %get3A_1240 : vector<16xf32>
        %max3A_1242 = arith.maximumf %max3A_1231, %get3A_1240 : vector<16xf32>
        %min3A_1243 = arith.minimumf %min3A_1232, %get3A_1240 : vector<16xf32>
        %mul3A_1244 = arith.mulf %get3A_1240, %get3A_1240 : vector<16xf32>
        %add3A_1245 = arith.addf %add3A_1234, %mul3A_1244 : vector<16xf32>
        %add3A_1246 = arith.constant 7 : i32
        %add3A_1247 = arith.addi %mul3A_791, %add3A_1246 : i32
        %get3A_1248 = arith.index_cast %add3A_1247 : i32 to index
        %get3A_1249 = arith.constant 32 : index
        %get3A_1250 = tpu.vector_load %arg12[%get3A_1248, %get3A_1249] {strides = array<i32>} : memref<128x64xf32, #tpu.memory_space<vmem>>, vector<1x16xf32>,
        %get3A_1251 = vector.shape_cast %get3A_1250 : vector<1x16xf32> to vector<16xf32>
        %add3A_1252 = arith.addf %add3A_1241, %get3A_1251 : vector<16xf32>
        %max3A_1253 = arith.maximumf %max3A_1242, %get3A_1251 : vector<16xf32>
        %min3A_1254 = arith.minimumf %min3A_1243, %get3A_1251 : vector<16xf32>
        %mul3A_1255 = arith.mulf %get3A_1251, %get3A_1251 : vector<16xf32>
        %add3A_1256 = arith.addf %add3A_1245, %mul3A_1255 : vector<16xf32>
        %add3A_1257 = arith.constant 8 : i32
        %add3A_1258 = arith.addi %mul3A_791, %add3A_1257 : i32
        %get3A_1259 = arith.index_cast %add3A_1258 : i32 to index
        %get3A_1260 = arith.constant 32 : index
        %get3A_1261 = tpu.vector_load %arg12[%get3A_1259, %get3A_1260] {strides = array<i32>} : memref<128x64xf32, #tpu.memory_space<vmem>>, vector<1x16xf32>,
        %get3A_1262 = vector.shape_cast %get3A_1261 : vector<1x16xf32> to vector<16xf32>
        %add3A_1263 = arith.addf %add3A_1252, %get3A_1262 : vector<16xf32>
        %max3A_1264 = arith.maximumf %max3A_1253, %get3A_1262 : vector<16xf32>
        %min3A_1265 = arith.minimumf %min3A_1254, %get3A_1262 : vector<16xf32>
        %mul3A_1266 = arith.mulf %get3A_1262, %get3A_1262 : vector<16xf32>
        %add3A_1267 = arith.addf %add3A_1256, %mul3A_1266 : vector<16xf32>
        %add3A_1268 = arith.constant 9 : i32
        %add3A_1269 = arith.addi %mul3A_791, %add3A_1268 : i32
        %get3A_1270 = arith.index_cast %add3A_1269 : i32 to index
        %get3A_1271 = arith.constant 32 : index
        %get3A_1272 = tpu.vector_load %arg12[%get3A_1270, %get3A_1271] {strides = array<i32>} : memref<128x64xf32, #tpu.memory_space<vmem>>, vector<1x16xf32>,
        %get3A_1273 = vector.shape_cast %get3A_1272 : vector<1x16xf32> to vector<16xf32>
        %add3A_1274 = arith.addf %add3A_1263, %get3A_1273 : vector<16xf32>
        %max3A_1275 = arith.maximumf %max3A_1264, %get3A_1273 : vector<16xf32>
        %min3A_1276 = arith.minimumf %min3A_1265, %get3A_1273 : vector<16xf32>
        %mul3A_1277 = arith.mulf %get3A_1273, %get3A_1273 : vector<16xf32>
        %add3A_1278 = arith.addf %add3A_1267, %mul3A_1277 : vector<16xf32>
        %add3A_1279 = arith.constant 10 : i32
        %add3A_1280 = arith.addi %mul3A_791, %add3A_1279 : i32
        %get3A_1281 = arith.index_cast %add3A_1280 : i32 to index
        %get3A_1282 = arith.constant 32 : index
        %get3A_1283 = tpu.vector_load %arg12[%get3A_1281, %get3A_1282] {strides = array<i32>} : memref<128x64xf32, #tpu.memory_space<vmem>>, vector<1x16xf32>,
        %get3A_1284 = vector.shape_cast %get3A_1283 : vector<1x16xf32> to vector<16xf32>
        %add3A_1285 = arith.addf %add3A_1274, %get3A_1284 : vector<16xf32>
        %max3A_1286 = arith.maximumf %max3A_1275, %get3A_1284 : vector<16xf32>
        %min3A_1287 = arith.minimumf %min3A_1276, %get3A_1284 : vector<16xf32>
        %mul3A_1288 = arith.mulf %get3A_1284, %get3A_1284 : vector<16xf32>
        %add3A_1289 = arith.addf %add3A_1278, %mul3A_1288 : vector<16xf32>
        %add3A_1290 = arith.constant 11 : i32
        %add3A_1291 = arith.addi %mul3A_791, %add3A_1290 : i32
        %get3A_1292 = arith.index_cast %add3A_1291 : i32 to index
        %get3A_1293 = arith.constant 32 : index
        %get3A_1294 = tpu.vector_load %arg12[%get3A_1292, %get3A_1293] {strides = array<i32>} : memref<128x64xf32, #tpu.memory_space<vmem>>, vector<1x16xf32>,
        %get3A_1295 = vector.shape_cast %get3A_1294 : vector<1x16xf32> to vector<16xf32>
        %add3A_1296 = arith.addf %add3A_1285, %get3A_1295 : vector<16xf32>
        %max3A_1297 = arith.maximumf %max3A_1286, %get3A_1295 : vector<16xf32>
        %min3A_1298 = arith.minimumf %min3A_1287, %get3A_1295 : vector<16xf32>
        %mul3A_1299 = arith.mulf %get3A_1295, %get3A_1295 : vector<16xf32>
        %add3A_1300 = arith.addf %add3A_1289, %mul3A_1299 : vector<16xf32>
        %add3A_1301 = arith.constant 12 : i32
        %add3A_1302 = arith.addi %mul3A_791, %add3A_1301 : i32
        %get3A_1303 = arith.index_cast %add3A_1302 : i32 to index
        %get3A_1304 = arith.constant 32 : index
        %get3A_1305 = tpu.vector_load %arg12[%get3A_1303, %get3A_1304] {strides = array<i32>} : memref<128x64xf32, #tpu.memory_space<vmem>>, vector<1x16xf32>,
        %get3A_1306 = vector.shape_cast %get3A_1305 : vector<1x16xf32> to vector<16xf32>
        %add3A_1307 = arith.addf %add3A_1296, %get3A_1306 : vector<16xf32>
        %max3A_1308 = arith.maximumf %max3A_1297, %get3A_1306 : vector<16xf32>
        %min3A_1309 = arith.minimumf %min3A_1298, %get3A_1306 : vector<16xf32>
        %mul3A_1310 = arith.mulf %get3A_1306, %get3A_1306 : vector<16xf32>
        %add3A_1311 = arith.addf %add3A_1300, %mul3A_1310 : vector<16xf32>
        %add3A_1312 = arith.constant 13 : i32
        %add3A_1313 = arith.addi %mul3A_791, %add3A_1312 : i32
        %get3A_1314 = arith.index_cast %add3A_1313 : i32 to index
        %get3A_1315 = arith.constant 32 : index
        %get3A_1316 = tpu.vector_load %arg12[%get3A_1314, %get3A_1315] {strides = array<i32>} : memref<128x64xf32, #tpu.memory_space<vmem>>, vector<1x16xf32>,
        %get3A_1317 = vector.shape_cast %get3A_1316 : vector<1x16xf32> to vector<16xf32>
        %add3A_1318 = arith.addf %add3A_1307, %get3A_1317 : vector<16xf32>
        %max3A_1319 = arith.maximumf %max3A_1308, %get3A_1317 : vector<16xf32>
        %min3A_1320 = arith.minimumf %min3A_1309, %get3A_1317 : vector<16xf32>
        %mul3A_1321 = arith.mulf %get3A_1317, %get3A_1317 : vector<16xf32>
        %add3A_1322 = arith.addf %add3A_1311, %mul3A_1321 : vector<16xf32>
        %add3A_1323 = arith.constant 14 : i32
        %add3A_1324 = arith.addi %mul3A_791, %add3A_1323 : i32
        %get3A_1325 = arith.index_cast %add3A_1324 : i32 to index
        %get3A_1326 = arith.constant 32 : index
        %get3A_1327 = tpu.vector_load %arg12[%get3A_1325, %get3A_1326] {strides = array<i32>} : memref<128x64xf32, #tpu.memory_space<vmem>>, vector<1x16xf32>,
        %get3A_1328 = vector.shape_cast %get3A_1327 : vector<1x16xf32> to vector<16xf32>
        %add3A_1329 = arith.addf %add3A_1318, %get3A_1328 : vector<16xf32>
        %max3A_1330 = arith.maximumf %max3A_1319, %get3A_1328 : vector<16xf32>
        %min3A_1331 = arith.minimumf %min3A_1320, %get3A_1328 : vector<16xf32>
        %mul3A_1332 = arith.mulf %get3A_1328, %get3A_1328 : vector<16xf32>
        %add3A_1333 = arith.addf %add3A_1322, %mul3A_1332 : vector<16xf32>
        %add3A_1334 = arith.constant 15 : i32
        %add3A_1335 = arith.addi %mul3A_791, %add3A_1334 : i32
        %get3A_1336 = arith.index_cast %add3A_1335 : i32 to index
        %get3A_1337 = arith.constant 32 : index
        %get3A_1338 = tpu.vector_load %arg12[%get3A_1336, %get3A_1337] {strides = array<i32>} : memref<128x64xf32, #tpu.memory_space<vmem>>, vector<1x16xf32>,
        %get3A_1339 = vector.shape_cast %get3A_1338 : vector<1x16xf32> to vector<16xf32>
        %add3A_1340 = arith.addf %add3A_1329, %get3A_1339 : vector<16xf32>
        %max3A_1341 = arith.maximumf %max3A_1330, %get3A_1339 : vector<16xf32>
        %min3A_1342 = arith.minimumf %min3A_1331, %get3A_1339 : vector<16xf32>
        %mul3A_1343 = arith.mulf %get3A_1339, %get3A_1339 : vector<16xf32>
        %add3A_1344 = arith.addf %add3A_1333, %mul3A_1343 : vector<16xf32>
        %swap3A_1345 = arith.constant 0 : i32
        %swap3A_1346 = arith.index_cast %swap3A_1345 : i32 to index
        %swap3A_1347 = arith.index_cast %scan3A_785 : i32 to index
        %swap3A_1348 = arith.constant 32 : index
        %swap3A_1349 = tpu.vector_load %arg14[%swap3A_1346, %swap3A_1347, %swap3A_1348] {strides = array<i32>} : memref<2x8x64xf32, #tpu.memory_space<vmem>>, vector<1x1x16xf32>,
        %swap3A_1350 = vector.shape_cast %swap3A_1349 : vector<1x1x16xf32> to vector<16xf32>
        %swap3A_1351 = vector.shape_cast %add3A_1340 : vector<16xf32> to vector<1x1x16xf32>
        tpu.vector_store %arg14[%swap3A_1346, %swap3A_1347, %swap3A_1348], %swap3A_1351 {strides = array<i32>} : memref<2x8x64xf32, #tpu.memory_space<vmem>>, vector<1x1x16xf32>,
        %swap3A_1352 = arith.constant 0 : i32
        %swap3A_1353 = arith.index_cast %swap3A_1352 : i32 to index
        %swap3A_1354 = arith.index_cast %scan3A_785 : i32 to index
        %swap3A_1355 = arith.constant 32 : index
        %swap3A_1356 = tpu.vector_load %arg15[%swap3A_1353, %swap3A_1354, %swap3A_1355] {strides = array<i32>} : memref<2x8x64xf32, #tpu.memory_space<vmem>>, vector<1x1x16xf32>,
        %swap3A_1357 = vector.shape_cast %swap3A_1356 : vector<1x1x16xf32> to vector<16xf32>
        %swap3A_1358 = vector.shape_cast %max3A_1341 : vector<16xf32> to vector<1x1x16xf32>
        tpu.vector_store %arg15[%swap3A_1353, %swap3A_1354, %swap3A_1355], %swap3A_1358 {strides = array<i32>} : memref<2x8x64xf32, #tpu.memory_space<vmem>>, vector<1x1x16xf32>,
        %swap3A_1359 = arith.constant 0 : i32
        %swap3A_1360 = arith.index_cast %swap3A_1359 : i32 to index
        %swap3A_1361 = arith.index_cast %scan3A_785 : i32 to index
        %swap3A_1362 = arith.constant 32 : index
        %swap3A_1363 = tpu.vector_load %arg16[%swap3A_1360, %swap3A_1361, %swap3A_1362] {strides = array<i32>} : memref<2x8x64xf32, #tpu.memory_space<vmem>>, vector<1x1x16xf32>,
        %swap3A_1364 = vector.shape_cast %swap3A_1363 : vector<1x1x16xf32> to vector<16xf32>
        %swap3A_1365 = vector.shape_cast %min3A_1342 : vector<16xf32> to vector<1x1x16xf32>
        tpu.vector_store %arg16[%swap3A_1360, %swap3A_1361, %swap3A_1362], %swap3A_1365 {strides = array<i32>} : memref<2x8x64xf32, #tpu.memory_space<vmem>>, vector<1x1x16xf32>,
        %get3A_1366 = arith.index_cast %mul3A_791 : i32 to index
        %get3A_1367 = arith.constant 48 : index
        %get3A_1368 = tpu.vector_load %arg12[%get3A_1366, %get3A_1367] {strides = array<i32>} : memref<128x64xf32, #tpu.memory_space<vmem>>, vector<1x16xf32>,
        %get3A_1369 = vector.shape_cast %get3A_1368 : vector<1x16xf32> to vector<16xf32>
        %mul3A_1370 = arith.mulf %get3A_1369, %get3A_1369 : vector<16xf32>
        %add3A_1371 = arith.addf %scan3A_789, %mul3A_1370 : vector<16xf32>
        %add3A_1372 = arith.constant 1 : i32
        %add3A_1373 = arith.addi %mul3A_791, %add3A_1372 : i32
        %get3A_1374 = arith.index_cast %add3A_1373 : i32 to index
        %get3A_1375 = arith.constant 48 : index
        %get3A_1376 = tpu.vector_load %arg12[%get3A_1374, %get3A_1375] {strides = array<i32>} : memref<128x64xf32, #tpu.memory_space<vmem>>, vector<1x16xf32>,
        %get3A_1377 = vector.shape_cast %get3A_1376 : vector<1x16xf32> to vector<16xf32>
        %add3A_1378 = arith.addf %get3A_1369, %get3A_1377 : vector<16xf32>
        %max3A_1379 = arith.maximumf %get3A_1369, %get3A_1377 : vector<16xf32>
        %min3A_1380 = arith.minimumf %get3A_1369, %get3A_1377 : vector<16xf32>
        %mul3A_1381 = arith.mulf %get3A_1377, %get3A_1377 : vector<16xf32>
        %add3A_1382 = arith.addf %add3A_1371, %mul3A_1381 : vector<16xf32>
        %add3A_1383 = arith.constant 2 : i32
        %add3A_1384 = arith.addi %mul3A_791, %add3A_1383 : i32
        %get3A_1385 = arith.index_cast %add3A_1384 : i32 to index
        %get3A_1386 = arith.constant 48 : index
        %get3A_1387 = tpu.vector_load %arg12[%get3A_1385, %get3A_1386] {strides = array<i32>} : memref<128x64xf32, #tpu.memory_space<vmem>>, vector<1x16xf32>,
        %get3A_1388 = vector.shape_cast %get3A_1387 : vector<1x16xf32> to vector<16xf32>
        %add3A_1389 = arith.addf %add3A_1378, %get3A_1388 : vector<16xf32>
        %max3A_1390 = arith.maximumf %max3A_1379, %get3A_1388 : vector<16xf32>
        %min3A_1391 = arith.minimumf %min3A_1380, %get3A_1388 : vector<16xf32>
        %mul3A_1392 = arith.mulf %get3A_1388, %get3A_1388 : vector<16xf32>
        %add3A_1393 = arith.addf %add3A_1382, %mul3A_1392 : vector<16xf32>
        %add3A_1394 = arith.constant 3 : i32
        %add3A_1395 = arith.addi %mul3A_791, %add3A_1394 : i32
        %get3A_1396 = arith.index_cast %add3A_1395 : i32 to index
        %get3A_1397 = arith.constant 48 : index
        %get3A_1398 = tpu.vector_load %arg12[%get3A_1396, %get3A_1397] {strides = array<i32>} : memref<128x64xf32, #tpu.memory_space<vmem>>, vector<1x16xf32>,
        %get3A_1399 = vector.shape_cast %get3A_1398 : vector<1x16xf32> to vector<16xf32>
        %add3A_1400 = arith.addf %add3A_1389, %get3A_1399 : vector<16xf32>
        %max3A_1401 = arith.maximumf %max3A_1390, %get3A_1399 : vector<16xf32>
        %min3A_1402 = arith.minimumf %min3A_1391, %get3A_1399 : vector<16xf32>
        %mul3A_1403 = arith.mulf %get3A_1399, %get3A_1399 : vector<16xf32>
        %add3A_1404 = arith.addf %add3A_1393, %mul3A_1403 : vector<16xf32>
        %add3A_1405 = arith.constant 4 : i32
        %add3A_1406 = arith.addi %mul3A_791, %add3A_1405 : i32
        %get3A_1407 = arith.index_cast %add3A_1406 : i32 to index
        %get3A_1408 = arith.constant 48 : index
        %get3A_1409 = tpu.vector_load %arg12[%get3A_1407, %get3A_1408] {strides = array<i32>} : memref<128x64xf32, #tpu.memory_space<vmem>>, vector<1x16xf32>,
        %get3A_1410 = vector.shape_cast %get3A_1409 : vector<1x16xf32> to vector<16xf32>
        %add3A_1411 = arith.addf %add3A_1400, %get3A_1410 : vector<16xf32>
        %max3A_1412 = arith.maximumf %max3A_1401, %get3A_1410 : vector<16xf32>
        %min3A_1413 = arith.minimumf %min3A_1402, %get3A_1410 : vector<16xf32>
        %mul3A_1414 = arith.mulf %get3A_1410, %get3A_1410 : vector<16xf32>
        %add3A_1415 = arith.addf %add3A_1404, %mul3A_1414 : vector<16xf32>
        %add3A_1416 = arith.constant 5 : i32
        %add3A_1417 = arith.addi %mul3A_791, %add3A_1416 : i32
        %get3A_1418 = arith.index_cast %add3A_1417 : i32 to index
        %get3A_1419 = arith.constant 48 : index
        %get3A_1420 = tpu.vector_load %arg12[%get3A_1418, %get3A_1419] {strides = array<i32>} : memref<128x64xf32, #tpu.memory_space<vmem>>, vector<1x16xf32>,
        %get3A_1421 = vector.shape_cast %get3A_1420 : vector<1x16xf32> to vector<16xf32>
        %add3A_1422 = arith.addf %add3A_1411, %get3A_1421 : vector<16xf32>
        %max3A_1423 = arith.maximumf %max3A_1412, %get3A_1421 : vector<16xf32>
        %min3A_1424 = arith.minimumf %min3A_1413, %get3A_1421 : vector<16xf32>
        %mul3A_1425 = arith.mulf %get3A_1421, %get3A_1421 : vector<16xf32>
        %add3A_1426 = arith.addf %add3A_1415, %mul3A_1425 : vector<16xf32>
        %add3A_1427 = arith.constant 6 : i32
        %add3A_1428 = arith.addi %mul3A_791, %add3A_1427 : i32
        %get3A_1429 = arith.index_cast %add3A_1428 : i32 to index
        %get3A_1430 = arith.constant 48 : index
        %get3A_1431 = tpu.vector_load %arg12[%get3A_1429, %get3A_1430] {strides = array<i32>} : memref<128x64xf32, #tpu.memory_space<vmem>>, vector<1x16xf32>,
        %get3A_1432 = vector.shape_cast %get3A_1431 : vector<1x16xf32> to vector<16xf32>
        %add3A_1433 = arith.addf %add3A_1422, %get3A_1432 : vector<16xf32>
        %max3A_1434 = arith.maximumf %max3A_1423, %get3A_1432 : vector<16xf32>
        %min3A_1435 = arith.minimumf %min3A_1424, %get3A_1432 : vector<16xf32>
        %mul3A_1436 = arith.mulf %get3A_1432, %get3A_1432 : vector<16xf32>
        %add3A_1437 = arith.addf %add3A_1426, %mul3A_1436 : vector<16xf32>
        %add3A_1438 = arith.constant 7 : i32
        %add3A_1439 = arith.addi %mul3A_791, %add3A_1438 : i32
        %get3A_1440 = arith.index_cast %add3A_1439 : i32 to index
        %get3A_1441 = arith.constant 48 : index
        %get3A_1442 = tpu.vector_load %arg12[%get3A_1440, %get3A_1441] {strides = array<i32>} : memref<128x64xf32, #tpu.memory_space<vmem>>, vector<1x16xf32>,
        %get3A_1443 = vector.shape_cast %get3A_1442 : vector<1x16xf32> to vector<16xf32>
        %add3A_1444 = arith.addf %add3A_1433, %get3A_1443 : vector<16xf32>
        %max3A_1445 = arith.maximumf %max3A_1434, %get3A_1443 : vector<16xf32>
        %min3A_1446 = arith.minimumf %min3A_1435, %get3A_1443 : vector<16xf32>
        %mul3A_1447 = arith.mulf %get3A_1443, %get3A_1443 : vector<16xf32>
        %add3A_1448 = arith.addf %add3A_1437, %mul3A_1447 : vector<16xf32>
        %add3A_1449 = arith.constant 8 : i32
        %add3A_1450 = arith.addi %mul3A_791, %add3A_1449 : i32
        %get3A_1451 = arith.index_cast %add3A_1450 : i32 to index
        %get3A_1452 = arith.constant 48 : index
        %get3A_1453 = tpu.vector_load %arg12[%get3A_1451, %get3A_1452] {strides = array<i32>} : memref<128x64xf32, #tpu.memory_space<vmem>>, vector<1x16xf32>,
        %get3A_1454 = vector.shape_cast %get3A_1453 : vector<1x16xf32> to vector<16xf32>
        %add3A_1455 = arith.addf %add3A_1444, %get3A_1454 : vector<16xf32>
        %max3A_1456 = arith.maximumf %max3A_1445, %get3A_1454 : vector<16xf32>
        %min3A_1457 = arith.minimumf %min3A_1446, %get3A_1454 : vector<16xf32>
        %mul3A_1458 = arith.mulf %get3A_1454, %get3A_1454 : vector<16xf32>
        %add3A_1459 = arith.addf %add3A_1448, %mul3A_1458 : vector<16xf32>
        %add3A_1460 = arith.constant 9 : i32
        %add3A_1461 = arith.addi %mul3A_791, %add3A_1460 : i32
        %get3A_1462 = arith.index_cast %add3A_1461 : i32 to index
        %get3A_1463 = arith.constant 48 : index
        %get3A_1464 = tpu.vector_load %arg12[%get3A_1462, %get3A_1463] {strides = array<i32>} : memref<128x64xf32, #tpu.memory_space<vmem>>, vector<1x16xf32>,
        %get3A_1465 = vector.shape_cast %get3A_1464 : vector<1x16xf32> to vector<16xf32>
        %add3A_1466 = arith.addf %add3A_1455, %get3A_1465 : vector<16xf32>
        %max3A_1467 = arith.maximumf %max3A_1456, %get3A_1465 : vector<16xf32>
        %min3A_1468 = arith.minimumf %min3A_1457, %get3A_1465 : vector<16xf32>
        %mul3A_1469 = arith.mulf %get3A_1465, %get3A_1465 : vector<16xf32>
        %add3A_1470 = arith.addf %add3A_1459, %mul3A_1469 : vector<16xf32>
        %add3A_1471 = arith.constant 10 : i32
        %add3A_1472 = arith.addi %mul3A_791, %add3A_1471 : i32
        %get3A_1473 = arith.index_cast %add3A_1472 : i32 to index
        %get3A_1474 = arith.constant 48 : index
        %get3A_1475 = tpu.vector_load %arg12[%get3A_1473, %get3A_1474] {strides = array<i32>} : memref<128x64xf32, #tpu.memory_space<vmem>>, vector<1x16xf32>,
        %get3A_1476 = vector.shape_cast %get3A_1475 : vector<1x16xf32> to vector<16xf32>
        %add3A_1477 = arith.addf %add3A_1466, %get3A_1476 : vector<16xf32>
        %max3A_1478 = arith.maximumf %max3A_1467, %get3A_1476 : vector<16xf32>
        %min3A_1479 = arith.minimumf %min3A_1468, %get3A_1476 : vector<16xf32>
        %mul3A_1480 = arith.mulf %get3A_1476, %get3A_1476 : vector<16xf32>
        %add3A_1481 = arith.addf %add3A_1470, %mul3A_1480 : vector<16xf32>
        %add3A_1482 = arith.constant 11 : i32
        %add3A_1483 = arith.addi %mul3A_791, %add3A_1482 : i32
        %get3A_1484 = arith.index_cast %add3A_1483 : i32 to index
        %get3A_1485 = arith.constant 48 : index
        %get3A_1486 = tpu.vector_load %arg12[%get3A_1484, %get3A_1485] {strides = array<i32>} : memref<128x64xf32, #tpu.memory_space<vmem>>, vector<1x16xf32>,
        %get3A_1487 = vector.shape_cast %get3A_1486 : vector<1x16xf32> to vector<16xf32>
        %add3A_1488 = arith.addf %add3A_1477, %get3A_1487 : vector<16xf32>
        %max3A_1489 = arith.maximumf %max3A_1478, %get3A_1487 : vector<16xf32>
        %min3A_1490 = arith.minimumf %min3A_1479, %get3A_1487 : vector<16xf32>
        %mul3A_1491 = arith.mulf %get3A_1487, %get3A_1487 : vector<16xf32>
        %add3A_1492 = arith.addf %add3A_1481, %mul3A_1491 : vector<16xf32>
        %add3A_1493 = arith.constant 12 : i32
        %add3A_1494 = arith.addi %mul3A_791, %add3A_1493 : i32
        %get3A_1495 = arith.index_cast %add3A_1494 : i32 to index
        %get3A_1496 = arith.constant 48 : index
        %get3A_1497 = tpu.vector_load %arg12[%get3A_1495, %get3A_1496] {strides = array<i32>} : memref<128x64xf32, #tpu.memory_space<vmem>>, vector<1x16xf32>,
        %get3A_1498 = vector.shape_cast %get3A_1497 : vector<1x16xf32> to vector<16xf32>
        %add3A_1499 = arith.addf %add3A_1488, %get3A_1498 : vector<16xf32>
        %max3A_1500 = arith.maximumf %max3A_1489, %get3A_1498 : vector<16xf32>
        %min3A_1501 = arith.minimumf %min3A_1490, %get3A_1498 : vector<16xf32>
        %mul3A_1502 = arith.mulf %get3A_1498, %get3A_1498 : vector<16xf32>
        %add3A_1503 = arith.addf %add3A_1492, %mul3A_1502 : vector<16xf32>
        %add3A_1504 = arith.constant 13 : i32
        %add3A_1505 = arith.addi %mul3A_791, %add3A_1504 : i32
        %get3A_1506 = arith.index_cast %add3A_1505 : i32 to index
        %get3A_1507 = arith.constant 48 : index
        %get3A_1508 = tpu.vector_load %arg12[%get3A_1506, %get3A_1507] {strides = array<i32>} : memref<128x64xf32, #tpu.memory_space<vmem>>, vector<1x16xf32>,
        %get3A_1509 = vector.shape_cast %get3A_1508 : vector<1x16xf32> to vector<16xf32>
        %add3A_1510 = arith.addf %add3A_1499, %get3A_1509 : vector<16xf32>
        %max3A_1511 = arith.maximumf %max3A_1500, %get3A_1509 : vector<16xf32>
        %min3A_1512 = arith.minimumf %min3A_1501, %get3A_1509 : vector<16xf32>
        %mul3A_1513 = arith.mulf %get3A_1509, %get3A_1509 : vector<16xf32>
        %add3A_1514 = arith.addf %add3A_1503, %mul3A_1513 : vector<16xf32>
        %add3A_1515 = arith.constant 14 : i32
        %add3A_1516 = arith.addi %mul3A_791, %add3A_1515 : i32
        %get3A_1517 = arith.index_cast %add3A_1516 : i32 to index
        %get3A_1518 = arith.constant 48 : index
        %get3A_1519 = tpu.vector_load %arg12[%get3A_1517, %get3A_1518] {strides = array<i32>} : memref<128x64xf32, #tpu.memory_space<vmem>>, vector<1x16xf32>,
        %get3A_1520 = vector.shape_cast %get3A_1519 : vector<1x16xf32> to vector<16xf32>
        %add3A_1521 = arith.addf %add3A_1510, %get3A_1520 : vector<16xf32>
        %max3A_1522 = arith.maximumf %max3A_1511, %get3A_1520 : vector<16xf32>
        %min3A_1523 = arith.minimumf %min3A_1512, %get3A_1520 : vector<16xf32>
        %mul3A_1524 = arith.mulf %get3A_1520, %get3A_1520 : vector<16xf32>
        %add3A_1525 = arith.addf %add3A_1514, %mul3A_1524 : vector<16xf32>
        %add3A_1526 = arith.constant 15 : i32
        %add3A_1527 = arith.addi %mul3A_791, %add3A_1526 : i32
        %get3A_1528 = arith.index_cast %add3A_1527 : i32 to index
        %get3A_1529 = arith.constant 48 : index
        %get3A_1530 = tpu.vector_load %arg12[%get3A_1528, %get3A_1529] {strides = array<i32>} : memref<128x64xf32, #tpu.memory_space<vmem>>, vector<1x16xf32>,
        %get3A_1531 = vector.shape_cast %get3A_1530 : vector<1x16xf32> to vector<16xf32>
        %add3A_1532 = arith.addf %add3A_1521, %get3A_1531 : vector<16xf32>
        %max3A_1533 = arith.maximumf %max3A_1522, %get3A_1531 : vector<16xf32>
        %min3A_1534 = arith.minimumf %min3A_1523, %get3A_1531 : vector<16xf32>
        %mul3A_1535 = arith.mulf %get3A_1531, %get3A_1531 : vector<16xf32>
        %add3A_1536 = arith.addf %add3A_1525, %mul3A_1535 : vector<16xf32>
        %swap3A_1537 = arith.constant 0 : i32
        %swap3A_1538 = arith.index_cast %swap3A_1537 : i32 to index
        %swap3A_1539 = arith.index_cast %scan3A_785 : i32 to index
        %swap3A_1540 = arith.constant 48 : index
        %swap3A_1541 = tpu.vector_load %arg14[%swap3A_1538, %swap3A_1539, %swap3A_1540] {strides = array<i32>} : memref<2x8x64xf32, #tpu.memory_space<vmem>>, vector<1x1x16xf32>,
        %swap3A_1542 = vector.shape_cast %swap3A_1541 : vector<1x1x16xf32> to vector<16xf32>
        %swap3A_1543 = vector.shape_cast %add3A_1532 : vector<16xf32> to vector<1x1x16xf32>
        tpu.vector_store %arg14[%swap3A_1538, %swap3A_1539, %swap3A_1540], %swap3A_1543 {strides = array<i32>} : memref<2x8x64xf32, #tpu.memory_space<vmem>>, vector<1x1x16xf32>,
        %swap3A_1544 = arith.constant 0 : i32
        %swap3A_1545 = arith.index_cast %swap3A_1544 : i32 to index
        %swap3A_1546 = arith.index_cast %scan3A_785 : i32 to index
        %swap3A_1547 = arith.constant 48 : index
        %swap3A_1548 = tpu.vector_load %arg15[%swap3A_1545, %swap3A_1546, %swap3A_1547] {strides = array<i32>} : memref<2x8x64xf32, #tpu.memory_space<vmem>>, vector<1x1x16xf32>,
        %swap3A_1549 = vector.shape_cast %swap3A_1548 : vector<1x1x16xf32> to vector<16xf32>
        %swap3A_1550 = vector.shape_cast %max3A_1533 : vector<16xf32> to vector<1x1x16xf32>
        tpu.vector_store %arg15[%swap3A_1545, %swap3A_1546, %swap3A_1547], %swap3A_1550 {strides = array<i32>} : memref<2x8x64xf32, #tpu.memory_space<vmem>>, vector<1x1x16xf32>,
        %swap3A_1551 = arith.constant 0 : i32
        %swap3A_1552 = arith.index_cast %swap3A_1551 : i32 to index
        %swap3A_1553 = arith.index_cast %scan3A_785 : i32 to index
        %swap3A_1554 = arith.constant 48 : index
        %swap3A_1555 = tpu.vector_load %arg16[%swap3A_1552, %swap3A_1553, %swap3A_1554] {strides = array<i32>} : memref<2x8x64xf32, #tpu.memory_space<vmem>>, vector<1x1x16xf32>,
        %swap3A_1556 = vector.shape_cast %swap3A_1555 : vector<1x1x16xf32> to vector<16xf32>
        %swap3A_1557 = vector.shape_cast %min3A_1534 : vector<16xf32> to vector<1x1x16xf32>
        tpu.vector_store %arg16[%swap3A_1552, %swap3A_1553, %swap3A_1554], %swap3A_1557 {strides = array<i32>} : memref<2x8x64xf32, #tpu.memory_space<vmem>>, vector<1x1x16xf32>,
        scf.yield %add3A_960, %add3A_1152, %add3A_1344, %add3A_1536 : vector<16xf32>, vector<16xf32>, vector<16xf32>, vector<16xf32>
      }
      %scan3A_666 = arith.constant 8 : i32
      %mul3A_667 = arith.constant 8 : i32
      %mul3A_668 = arith.muli %add3A_652, %mul3A_667 : i32
      %add3A_669 = arith.addi %mul3A_2, %mul3A_668 : i32
      %dma_start3A_670 = arith.constant 0 : i32
      %dma_start3A_671 = arith.constant 0 : i32
      %dma_start3A_672 = arith.constant 0 : i32
      %dma_start3A_673 = tpu.memref_slice %arg14[%dma_start3A_670, %dma_start3A_671, %dma_start3A_672] : memref<2x8x64xf32, #tpu.memory_space<vmem>> -> memref<1x8x64xf32, #tpu.memory_space<vmem>>
      %dma_start3A_674 = tpu.memref_squeeze %dma_start3A_673 : memref<1x8x64xf32, #tpu.memory_space<vmem>> -> memref<8x64xf32, #tpu.memory_space<vmem>>
      %dma_start3A_675 = arith.constant 0 : i32
      %dma_start3A_676 = tpu.memref_slice %arg5[%add3A_669, %dma_start3A_675] : memref<16384x64xf32, #tpu.memory_space<hbm>> -> memref<8x64xf32, #tpu.memory_space<hbm>>
      %dma_start3A_677 = arith.constant 0 : i32
      %dma_start3A_678 = tpu.memref_slice %arg5[%add3A_669, %dma_start3A_677] : memref<16384x64xf32, #tpu.memory_space<hbm>> -> memref<8x64xf32, #tpu.memory_space<hbm>>
      %dma_start3A_679 = arith.constant 0 : i32
      %dma_start3A_680 = arith.constant 0 : i32
      %dma_start3A_681 = tpu.memref_slice %arg14[%dma_start3A_670, %dma_start3A_679, %dma_start3A_680] : memref<2x8x64xf32, #tpu.memory_space<vmem>> -> memref<1x8x64xf32, #tpu.memory_space<vmem>>
      %dma_start3A_682 = tpu.memref_squeeze %dma_start3A_681 : memref<1x8x64xf32, #tpu.memory_space<vmem>> -> memref<8x64xf32, #tpu.memory_space<vmem>>
      tpu.enqueue_dma source(%dma_start3A_682 : memref<8x64xf32, #tpu.memory_space<vmem>>) target(%dma_start3A_678 : memref<8x64xf32, #tpu.memory_space<hbm>>) target_semaphore(%arg20 : memref<!tpu.dma_semaphore, #tpu.memory_space<semaphore_mem>>)
      %dma_start3A_683 = arith.constant 0 : i32
      %dma_start3A_684 = arith.constant 0 : i32
      %dma_start3A_685 = arith.constant 0 : i32
      %dma_start3A_686 = tpu.memref_slice %arg15[%dma_start3A_683, %dma_start3A_684, %dma_start3A_685] : memref<2x8x64xf32, #tpu.memory_space<vmem>> -> memref<1x8x64xf32, #tpu.memory_space<vmem>>
      %dma_start3A_687 = tpu.memref_squeeze %dma_start3A_686 : memref<1x8x64xf32, #tpu.memory_space<vmem>> -> memref<8x64xf32, #tpu.memory_space<vmem>>
      %dma_start3A_688 = arith.constant 0 : i32
      %dma_start3A_689 = tpu.memref_slice %arg6[%add3A_669, %dma_start3A_688] : memref<16384x64xf32, #tpu.memory_space<hbm>> -> memref<8x64xf32, #tpu.memory_space<hbm>>
      %dma_start3A_690 = arith.constant 0 : i32
      %dma_start3A_691 = tpu.memref_slice %arg6[%add3A_669, %dma_start3A_690] : memref<16384x64xf32, #tpu.memory_space<hbm>> -> memref<8x64xf32, #tpu.memory_space<hbm>>
      %dma_start3A_692 = arith.constant 0 : i32
      %dma_start3A_693 = arith.constant 0 : i32
      %dma_start3A_694 = tpu.memref_slice %arg15[%dma_start3A_683, %dma_start3A_692, %dma_start3A_693] : memref<2x8x64xf32, #tpu.memory_space<vmem>> -> memref<1x8x64xf32, #tpu.memory_space<vmem>>
      %dma_start3A_695 = tpu.memref_squeeze %dma_start3A_694 : memref<1x8x64xf32, #tpu.memory_space<vmem>> -> memref<8x64xf32, #tpu.memory_space<vmem>>
      tpu.enqueue_dma source(%dma_start3A_695 : memref<8x64xf32, #tpu.memory_space<vmem>>) target(%dma_start3A_691 : memref<8x64xf32, #tpu.memory_space<hbm>>) target_semaphore(%arg20 : memref<!tpu.dma_semaphore, #tpu.memory_space<semaphore_mem>>)
      %dma_start3A_696 = arith.constant 0 : i32
      %dma_start3A_697 = arith.constant 0 : i32
      %dma_start3A_698 = arith.constant 0 : i32
      %dma_start3A_699 = tpu.memref_slice %arg16[%dma_start3A_696, %dma_start3A_697, %dma_start3A_698] : memref<2x8x64xf32, #tpu.memory_space<vmem>> -> memref<1x8x64xf32, #tpu.memory_space<vmem>>
      %dma_start3A_700 = tpu.memref_squeeze %dma_start3A_699 : memref<1x8x64xf32, #tpu.memory_space<vmem>> -> memref<8x64xf32, #tpu.memory_space<vmem>>
      %dma_start3A_701 = arith.constant 0 : i32
      %dma_start3A_702 = tpu.memref_slice %arg7[%add3A_669, %dma_start3A_701] : memref<16384x64xf32, #tpu.memory_space<hbm>> -> memref<8x64xf32, #tpu.memory_space<hbm>>
      %dma_start3A_703 = arith.constant 0 : i32
      %dma_start3A_704 = tpu.memref_slice %arg7[%add3A_669, %dma_start3A_703] : memref<16384x64xf32, #tpu.memory_space<hbm>> -> memref<8x64xf32, #tpu.memory_space<hbm>>
      %dma_start3A_705 = arith.constant 0 : i32
      %dma_start3A_706 = arith.constant 0 : i32
      %dma_start3A_707 = tpu.memref_slice %arg16[%dma_start3A_696, %dma_start3A_705, %dma_start3A_706] : memref<2x8x64xf32, #tpu.memory_space<vmem>> -> memref<1x8x64xf32, #tpu.memory_space<vmem>>
      %dma_start3A_708 = tpu.memref_squeeze %dma_start3A_707 : memref<1x8x64xf32, #tpu.memory_space<vmem>> -> memref<8x64xf32, #tpu.memory_space<vmem>>
      tpu.enqueue_dma source(%dma_start3A_708 : memref<8x64xf32, #tpu.memory_space<vmem>>) target(%dma_start3A_704 : memref<8x64xf32, #tpu.memory_space<hbm>>) target_semaphore(%arg20 : memref<!tpu.dma_semaphore, #tpu.memory_space<semaphore_mem>>)
      %add3A_709 = arith.constant 2 : i32
      %add3A_710 = arith.addi %add3A_652, %add3A_709 : i32
      %lt3A = arith.constant 64 : i32
      %lt3A_711 = arith.cmpi slt, %add3A_710, %lt3A : i32
      %convert_element_type3A_712 = arith.extui %lt3A_711 : i1 to i32
      %cond3A_713 = arith.constant 0 : i32
      %cond3A_714 = arith.cmpi ne, %convert_element_type3A_712, %cond3A_713 : i32
      scf.if %cond3A_714 {
        %add3A_785 = arith.constant 2 : i32
        %add3A_786 = arith.addi %add3A_652, %add3A_785 : i32
        %dma_start3A_787 = arith.constant 0 : i32
        %dma_start3A_788 = tpu.memref_slice %arg11[%add3A_786, %dma_start3A_787] : memref<64x128xi32, #tpu.memory_space<vmem>> -> memref<1x128xi32, #tpu.memory_space<vmem>>
        %dma_start3A_789 = tpu.memref_squeeze %dma_start3A_788 : memref<1x128xi32, #tpu.memory_space<vmem>> -> memref<128xi32, #tpu.memory_space<vmem>>
        %dma_start3A_790 = arith.constant 0 : i32
        %dma_start3A_791 = arith.constant 0 : i32
        %dma_start3A_792 = tpu.memref_slice %arg4[%dma_start3A_790, %dma_start3A_791] : memref<65536x64xf32, #tpu.memory_space<hbm>> -> memref<65536x64xf32, #tpu.memory_space<hbm>>
        tpu.enqueue_indirect_dma source(%dma_start3A_792 : memref<65536x64xf32, #tpu.memory_space<hbm>>) target(%arg12 : memref<128x64xf32, #tpu.memory_space<vmem>>) offsets(%dma_start3A_789 : memref<128xi32, #tpu.memory_space<vmem>>) semaphore(%arg18 : memref<!tpu.dma_semaphore, #tpu.memory_space<semaphore_mem>>)
      } else {
      }
      %mul3A_715 = arith.constant 2 : i32
      %mul3A_716 = arith.muli %scan3A_644, %mul3A_715 : i32
      %add3A_717 = arith.constant 1 : i32
      %add3A_718 = arith.addi %mul3A_716, %add3A_717 : i32
      %dma_wait3A_719 = arith.constant 0 : i32
      %dma_wait3A_720 = tpu.memref_slice %arg11[%add3A_718, %dma_wait3A_719] : memref<64x128xi32, #tpu.memory_space<vmem>> -> memref<1x128xi32, #tpu.memory_space<vmem>>
      %dma_wait3A_721 = tpu.memref_squeeze %dma_wait3A_720 : memref<1x128xi32, #tpu.memory_space<vmem>> -> memref<128xi32, #tpu.memory_space<vmem>>
      %dma_wait3A_722 = arith.constant 0 : i32
      %dma_wait3A_723 = arith.constant 0 : i32
      %dma_wait3A_724 = tpu.memref_slice %arg4[%dma_wait3A_722, %dma_wait3A_723] : memref<65536x64xf32, #tpu.memory_space<hbm>> -> memref<65536x64xf32, #tpu.memory_space<hbm>>
      tpu.wait_indirect_dma semaphore(%arg19 : memref<!tpu.dma_semaphore, #tpu.memory_space<semaphore_mem>>) src(%dma_wait3A_724 : memref<65536x64xf32, #tpu.memory_space<hbm>>) dst(%arg13 : memref<128x64xf32, #tpu.memory_space<vmem>>)
      %ge3A_725 = arith.constant 2 : i32
      %ge3A_726 = arith.cmpi sge, %add3A_718, %ge3A_725 : i32
      %convert_element_type3A_727 = arith.extui %ge3A_726 : i1 to i32
      %cond3A_728 = arith.constant 0 : i32
      %cond3A_729 = arith.cmpi ne, %convert_element_type3A_727, %cond3A_728 : i32
      scf.if %cond3A_729 {
        %dma_wait3A_785 = arith.constant 1 : i32
        %dma_wait3A_786 = arith.constant 0 : i32
        %dma_wait3A_787 = arith.constant 0 : i32
        %dma_wait3A_788 = tpu.memref_slice %arg14[%dma_wait3A_785, %dma_wait3A_786, %dma_wait3A_787] : memref<2x8x64xf32, #tpu.memory_space<vmem>> -> memref<1x8x64xf32, #tpu.memory_space<vmem>>
        %dma_wait3A_789 = tpu.memref_squeeze %dma_wait3A_788 : memref<1x8x64xf32, #tpu.memory_space<vmem>> -> memref<8x64xf32, #tpu.memory_space<vmem>>
        %dma_wait3A_790 = arith.constant 0 : i32
        %dma_wait3A_791 = tpu.memref_slice %arg5[%mul3A_2, %dma_wait3A_790] : memref<16384x64xf32, #tpu.memory_space<hbm>> -> memref<8x64xf32, #tpu.memory_space<hbm>>
        %dma_wait3A_792 = arith.constant 0 : i32
        %dma_wait3A_793 = tpu.memref_slice %arg5[%mul3A_2, %dma_wait3A_792] : memref<16384x64xf32, #tpu.memory_space<hbm>> -> memref<8x64xf32, #tpu.memory_space<hbm>>
        %dma_wait3A_794 = arith.constant 0 : i32
        %dma_wait3A_795 = arith.constant 0 : i32
        %dma_wait3A_796 = tpu.memref_slice %arg14[%dma_wait3A_785, %dma_wait3A_794, %dma_wait3A_795] : memref<2x8x64xf32, #tpu.memory_space<vmem>> -> memref<1x8x64xf32, #tpu.memory_space<vmem>>
        %dma_wait3A_797 = tpu.memref_squeeze %dma_wait3A_796 : memref<1x8x64xf32, #tpu.memory_space<vmem>> -> memref<8x64xf32, #tpu.memory_space<vmem>>
        tpu.wait_dma2 semaphore(%arg21 : memref<!tpu.dma_semaphore, #tpu.memory_space<semaphore_mem>>) src(%dma_wait3A_797 : memref<8x64xf32, #tpu.memory_space<vmem>>) dst(%dma_wait3A_793 : memref<8x64xf32, #tpu.memory_space<hbm>>)
        %dma_wait3A_798 = arith.constant 1 : i32
        %dma_wait3A_799 = arith.constant 0 : i32
        %dma_wait3A_800 = arith.constant 0 : i32
        %dma_wait3A_801 = tpu.memref_slice %arg15[%dma_wait3A_798, %dma_wait3A_799, %dma_wait3A_800] : memref<2x8x64xf32, #tpu.memory_space<vmem>> -> memref<1x8x64xf32, #tpu.memory_space<vmem>>
        %dma_wait3A_802 = tpu.memref_squeeze %dma_wait3A_801 : memref<1x8x64xf32, #tpu.memory_space<vmem>> -> memref<8x64xf32, #tpu.memory_space<vmem>>
        %dma_wait3A_803 = arith.constant 0 : i32
        %dma_wait3A_804 = tpu.memref_slice %arg6[%mul3A_2, %dma_wait3A_803] : memref<16384x64xf32, #tpu.memory_space<hbm>> -> memref<8x64xf32, #tpu.memory_space<hbm>>
        %dma_wait3A_805 = arith.constant 0 : i32
        %dma_wait3A_806 = tpu.memref_slice %arg6[%mul3A_2, %dma_wait3A_805] : memref<16384x64xf32, #tpu.memory_space<hbm>> -> memref<8x64xf32, #tpu.memory_space<hbm>>
        %dma_wait3A_807 = arith.constant 0 : i32
        %dma_wait3A_808 = arith.constant 0 : i32
        %dma_wait3A_809 = tpu.memref_slice %arg15[%dma_wait3A_798, %dma_wait3A_807, %dma_wait3A_808] : memref<2x8x64xf32, #tpu.memory_space<vmem>> -> memref<1x8x64xf32, #tpu.memory_space<vmem>>
        %dma_wait3A_810 = tpu.memref_squeeze %dma_wait3A_809 : memref<1x8x64xf32, #tpu.memory_space<vmem>> -> memref<8x64xf32, #tpu.memory_space<vmem>>
        tpu.wait_dma2 semaphore(%arg21 : memref<!tpu.dma_semaphore, #tpu.memory_space<semaphore_mem>>) src(%dma_wait3A_810 : memref<8x64xf32, #tpu.memory_space<vmem>>) dst(%dma_wait3A_806 : memref<8x64xf32, #tpu.memory_space<hbm>>)
        %dma_wait3A_811 = arith.constant 1 : i32
        %dma_wait3A_812 = arith.constant 0 : i32
        %dma_wait3A_813 = arith.constant 0 : i32
        %dma_wait3A_814 = tpu.memref_slice %arg16[%dma_wait3A_811, %dma_wait3A_812, %dma_wait3A_813] : memref<2x8x64xf32, #tpu.memory_space<vmem>> -> memref<1x8x64xf32, #tpu.memory_space<vmem>>
        %dma_wait3A_815 = tpu.memref_squeeze %dma_wait3A_814 : memref<1x8x64xf32, #tpu.memory_space<vmem>> -> memref<8x64xf32, #tpu.memory_space<vmem>>
        %dma_wait3A_816 = arith.constant 0 : i32
        %dma_wait3A_817 = tpu.memref_slice %arg7[%mul3A_2, %dma_wait3A_816] : memref<16384x64xf32, #tpu.memory_space<hbm>> -> memref<8x64xf32, #tpu.memory_space<hbm>>
        %dma_wait3A_818 = arith.constant 0 : i32
        %dma_wait3A_819 = tpu.memref_slice %arg7[%mul3A_2, %dma_wait3A_818] : memref<16384x64xf32, #tpu.memory_space<hbm>> -> memref<8x64xf32, #tpu.memory_space<hbm>>
        %dma_wait3A_820 = arith.constant 0 : i32
        %dma_wait3A_821 = arith.constant 0 : i32
        %dma_wait3A_822 = tpu.memref_slice %arg16[%dma_wait3A_811, %dma_wait3A_820, %dma_wait3A_821] : memref<2x8x64xf32, #tpu.memory_space<vmem>> -> memref<1x8x64xf32, #tpu.memory_space<vmem>>
        %dma_wait3A_823 = tpu.memref_squeeze %dma_wait3A_822 : memref<1x8x64xf32, #tpu.memory_space<vmem>> -> memref<8x64xf32, #tpu.memory_space<vmem>>
        tpu.wait_dma2 semaphore(%arg21 : memref<!tpu.dma_semaphore, #tpu.memory_space<semaphore_mem>>) src(%dma_wait3A_823 : memref<8x64xf32, #tpu.memory_space<vmem>>) dst(%dma_wait3A_819 : memref<8x64xf32, #tpu.memory_space<hbm>>)
      } else {
      }
      %scan3A_730 = arith.constant 0 : i32
      %scan3A_731 = arith.constant 8 : i32
      %scan3A_732 = arith.addi %scan3A_730, %scan3A_731 : i32
      %scan3A_733 = arith.constant 1 : i32
      %scan3A_734:4 = scf.for %scan3A_785 = %scan3A_730 to %scan3A_732 step %scan3A_733 iter_args(%scan3A_786 = %scan3A_665#0, %scan3A_787 = %scan3A_665#1, %scan3A_788 = %scan3A_665#2, %scan3A_789 = %scan3A_665#3) -> (vector<16xf32>, vector<16xf32>, vector<16xf32>, vector<16xf32>)  : i32 {
        %mul3A_790 = arith.constant 16 : i32
        %mul3A_791 = arith.muli %scan3A_785, %mul3A_790 : i32
        %get3A_792 = arith.index_cast %mul3A_791 : i32 to index
        %get3A_793 = arith.constant 0 : index
        %get3A_794 = tpu.vector_load %arg13[%get3A_792, %get3A_793] {strides = array<i32>} : memref<128x64xf32, #tpu.memory_space<vmem>>, vector<1x16xf32>,
        %get3A_795 = vector.shape_cast %get3A_794 : vector<1x16xf32> to vector<16xf32>
        %mul3A_796 = arith.mulf %get3A_795, %get3A_795 : vector<16xf32>
        %add3A_797 = arith.addf %scan3A_786, %mul3A_796 : vector<16xf32>
        %add3A_798 = arith.constant 1 : i32
        %add3A_799 = arith.addi %mul3A_791, %add3A_798 : i32
        %get3A_800 = arith.index_cast %add3A_799 : i32 to index
        %get3A_801 = arith.constant 0 : index
        %get3A_802 = tpu.vector_load %arg13[%get3A_800, %get3A_801] {strides = array<i32>} : memref<128x64xf32, #tpu.memory_space<vmem>>, vector<1x16xf32>,
        %get3A_803 = vector.shape_cast %get3A_802 : vector<1x16xf32> to vector<16xf32>
        %add3A_804 = arith.addf %get3A_795, %get3A_803 : vector<16xf32>
        %max3A = arith.maximumf %get3A_795, %get3A_803 : vector<16xf32>
        %min3A = arith.minimumf %get3A_795, %get3A_803 : vector<16xf32>
        %mul3A_805 = arith.mulf %get3A_803, %get3A_803 : vector<16xf32>
        %add3A_806 = arith.addf %add3A_797, %mul3A_805 : vector<16xf32>
        %add3A_807 = arith.constant 2 : i32
        %add3A_808 = arith.addi %mul3A_791, %add3A_807 : i32
        %get3A_809 = arith.index_cast %add3A_808 : i32 to index
        %get3A_810 = arith.constant 0 : index
        %get3A_811 = tpu.vector_load %arg13[%get3A_809, %get3A_810] {strides = array<i32>} : memref<128x64xf32, #tpu.memory_space<vmem>>, vector<1x16xf32>,
        %get3A_812 = vector.shape_cast %get3A_811 : vector<1x16xf32> to vector<16xf32>
        %add3A_813 = arith.addf %add3A_804, %get3A_812 : vector<16xf32>
        %max3A_814 = arith.maximumf %max3A, %get3A_812 : vector<16xf32>
        %min3A_815 = arith.minimumf %min3A, %get3A_812 : vector<16xf32>
        %mul3A_816 = arith.mulf %get3A_812, %get3A_812 : vector<16xf32>
        %add3A_817 = arith.addf %add3A_806, %mul3A_816 : vector<16xf32>
        %add3A_818 = arith.constant 3 : i32
        %add3A_819 = arith.addi %mul3A_791, %add3A_818 : i32
        %get3A_820 = arith.index_cast %add3A_819 : i32 to index
        %get3A_821 = arith.constant 0 : index
        %get3A_822 = tpu.vector_load %arg13[%get3A_820, %get3A_821] {strides = array<i32>} : memref<128x64xf32, #tpu.memory_space<vmem>>, vector<1x16xf32>,
        %get3A_823 = vector.shape_cast %get3A_822 : vector<1x16xf32> to vector<16xf32>
        %add3A_824 = arith.addf %add3A_813, %get3A_823 : vector<16xf32>
        %max3A_825 = arith.maximumf %max3A_814, %get3A_823 : vector<16xf32>
        %min3A_826 = arith.minimumf %min3A_815, %get3A_823 : vector<16xf32>
        %mul3A_827 = arith.mulf %get3A_823, %get3A_823 : vector<16xf32>
        %add3A_828 = arith.addf %add3A_817, %mul3A_827 : vector<16xf32>
        %add3A_829 = arith.constant 4 : i32
        %add3A_830 = arith.addi %mul3A_791, %add3A_829 : i32
        %get3A_831 = arith.index_cast %add3A_830 : i32 to index
        %get3A_832 = arith.constant 0 : index
        %get3A_833 = tpu.vector_load %arg13[%get3A_831, %get3A_832] {strides = array<i32>} : memref<128x64xf32, #tpu.memory_space<vmem>>, vector<1x16xf32>,
        %get3A_834 = vector.shape_cast %get3A_833 : vector<1x16xf32> to vector<16xf32>
        %add3A_835 = arith.addf %add3A_824, %get3A_834 : vector<16xf32>
        %max3A_836 = arith.maximumf %max3A_825, %get3A_834 : vector<16xf32>
        %min3A_837 = arith.minimumf %min3A_826, %get3A_834 : vector<16xf32>
        %mul3A_838 = arith.mulf %get3A_834, %get3A_834 : vector<16xf32>
        %add3A_839 = arith.addf %add3A_828, %mul3A_838 : vector<16xf32>
        %add3A_840 = arith.constant 5 : i32
        %add3A_841 = arith.addi %mul3A_791, %add3A_840 : i32
        %get3A_842 = arith.index_cast %add3A_841 : i32 to index
        %get3A_843 = arith.constant 0 : index
        %get3A_844 = tpu.vector_load %arg13[%get3A_842, %get3A_843] {strides = array<i32>} : memref<128x64xf32, #tpu.memory_space<vmem>>, vector<1x16xf32>,
        %get3A_845 = vector.shape_cast %get3A_844 : vector<1x16xf32> to vector<16xf32>
        %add3A_846 = arith.addf %add3A_835, %get3A_845 : vector<16xf32>
        %max3A_847 = arith.maximumf %max3A_836, %get3A_845 : vector<16xf32>
        %min3A_848 = arith.minimumf %min3A_837, %get3A_845 : vector<16xf32>
        %mul3A_849 = arith.mulf %get3A_845, %get3A_845 : vector<16xf32>
        %add3A_850 = arith.addf %add3A_839, %mul3A_849 : vector<16xf32>
        %add3A_851 = arith.constant 6 : i32
        %add3A_852 = arith.addi %mul3A_791, %add3A_851 : i32
        %get3A_853 = arith.index_cast %add3A_852 : i32 to index
        %get3A_854 = arith.constant 0 : index
        %get3A_855 = tpu.vector_load %arg13[%get3A_853, %get3A_854] {strides = array<i32>} : memref<128x64xf32, #tpu.memory_space<vmem>>, vector<1x16xf32>,
        %get3A_856 = vector.shape_cast %get3A_855 : vector<1x16xf32> to vector<16xf32>
        %add3A_857 = arith.addf %add3A_846, %get3A_856 : vector<16xf32>
        %max3A_858 = arith.maximumf %max3A_847, %get3A_856 : vector<16xf32>
        %min3A_859 = arith.minimumf %min3A_848, %get3A_856 : vector<16xf32>
        %mul3A_860 = arith.mulf %get3A_856, %get3A_856 : vector<16xf32>
        %add3A_861 = arith.addf %add3A_850, %mul3A_860 : vector<16xf32>
        %add3A_862 = arith.constant 7 : i32
        %add3A_863 = arith.addi %mul3A_791, %add3A_862 : i32
        %get3A_864 = arith.index_cast %add3A_863 : i32 to index
        %get3A_865 = arith.constant 0 : index
        %get3A_866 = tpu.vector_load %arg13[%get3A_864, %get3A_865] {strides = array<i32>} : memref<128x64xf32, #tpu.memory_space<vmem>>, vector<1x16xf32>,
        %get3A_867 = vector.shape_cast %get3A_866 : vector<1x16xf32> to vector<16xf32>
        %add3A_868 = arith.addf %add3A_857, %get3A_867 : vector<16xf32>
        %max3A_869 = arith.maximumf %max3A_858, %get3A_867 : vector<16xf32>
        %min3A_870 = arith.minimumf %min3A_859, %get3A_867 : vector<16xf32>
        %mul3A_871 = arith.mulf %get3A_867, %get3A_867 : vector<16xf32>
        %add3A_872 = arith.addf %add3A_861, %mul3A_871 : vector<16xf32>
        %add3A_873 = arith.constant 8 : i32
        %add3A_874 = arith.addi %mul3A_791, %add3A_873 : i32
        %get3A_875 = arith.index_cast %add3A_874 : i32 to index
        %get3A_876 = arith.constant 0 : index
        %get3A_877 = tpu.vector_load %arg13[%get3A_875, %get3A_876] {strides = array<i32>} : memref<128x64xf32, #tpu.memory_space<vmem>>, vector<1x16xf32>,
        %get3A_878 = vector.shape_cast %get3A_877 : vector<1x16xf32> to vector<16xf32>
        %add3A_879 = arith.addf %add3A_868, %get3A_878 : vector<16xf32>
        %max3A_880 = arith.maximumf %max3A_869, %get3A_878 : vector<16xf32>
        %min3A_881 = arith.minimumf %min3A_870, %get3A_878 : vector<16xf32>
        %mul3A_882 = arith.mulf %get3A_878, %get3A_878 : vector<16xf32>
        %add3A_883 = arith.addf %add3A_872, %mul3A_882 : vector<16xf32>
        %add3A_884 = arith.constant 9 : i32
        %add3A_885 = arith.addi %mul3A_791, %add3A_884 : i32
        %get3A_886 = arith.index_cast %add3A_885 : i32 to index
        %get3A_887 = arith.constant 0 : index
        %get3A_888 = tpu.vector_load %arg13[%get3A_886, %get3A_887] {strides = array<i32>} : memref<128x64xf32, #tpu.memory_space<vmem>>, vector<1x16xf32>,
        %get3A_889 = vector.shape_cast %get3A_888 : vector<1x16xf32> to vector<16xf32>
        %add3A_890 = arith.addf %add3A_879, %get3A_889 : vector<16xf32>
        %max3A_891 = arith.maximumf %max3A_880, %get3A_889 : vector<16xf32>
        %min3A_892 = arith.minimumf %min3A_881, %get3A_889 : vector<16xf32>
        %mul3A_893 = arith.mulf %get3A_889, %get3A_889 : vector<16xf32>
        %add3A_894 = arith.addf %add3A_883, %mul3A_893 : vector<16xf32>
        %add3A_895 = arith.constant 10 : i32
        %add3A_896 = arith.addi %mul3A_791, %add3A_895 : i32
        %get3A_897 = arith.index_cast %add3A_896 : i32 to index
        %get3A_898 = arith.constant 0 : index
        %get3A_899 = tpu.vector_load %arg13[%get3A_897, %get3A_898] {strides = array<i32>} : memref<128x64xf32, #tpu.memory_space<vmem>>, vector<1x16xf32>,
        %get3A_900 = vector.shape_cast %get3A_899 : vector<1x16xf32> to vector<16xf32>
        %add3A_901 = arith.addf %add3A_890, %get3A_900 : vector<16xf32>
        %max3A_902 = arith.maximumf %max3A_891, %get3A_900 : vector<16xf32>
        %min3A_903 = arith.minimumf %min3A_892, %get3A_900 : vector<16xf32>
        %mul3A_904 = arith.mulf %get3A_900, %get3A_900 : vector<16xf32>
        %add3A_905 = arith.addf %add3A_894, %mul3A_904 : vector<16xf32>
        %add3A_906 = arith.constant 11 : i32
        %add3A_907 = arith.addi %mul3A_791, %add3A_906 : i32
        %get3A_908 = arith.index_cast %add3A_907 : i32 to index
        %get3A_909 = arith.constant 0 : index
        %get3A_910 = tpu.vector_load %arg13[%get3A_908, %get3A_909] {strides = array<i32>} : memref<128x64xf32, #tpu.memory_space<vmem>>, vector<1x16xf32>,
        %get3A_911 = vector.shape_cast %get3A_910 : vector<1x16xf32> to vector<16xf32>
        %add3A_912 = arith.addf %add3A_901, %get3A_911 : vector<16xf32>
        %max3A_913 = arith.maximumf %max3A_902, %get3A_911 : vector<16xf32>
        %min3A_914 = arith.minimumf %min3A_903, %get3A_911 : vector<16xf32>
        %mul3A_915 = arith.mulf %get3A_911, %get3A_911 : vector<16xf32>
        %add3A_916 = arith.addf %add3A_905, %mul3A_915 : vector<16xf32>
        %add3A_917 = arith.constant 12 : i32
        %add3A_918 = arith.addi %mul3A_791, %add3A_917 : i32
        %get3A_919 = arith.index_cast %add3A_918 : i32 to index
        %get3A_920 = arith.constant 0 : index
        %get3A_921 = tpu.vector_load %arg13[%get3A_919, %get3A_920] {strides = array<i32>} : memref<128x64xf32, #tpu.memory_space<vmem>>, vector<1x16xf32>,
        %get3A_922 = vector.shape_cast %get3A_921 : vector<1x16xf32> to vector<16xf32>
        %add3A_923 = arith.addf %add3A_912, %get3A_922 : vector<16xf32>
        %max3A_924 = arith.maximumf %max3A_913, %get3A_922 : vector<16xf32>
        %min3A_925 = arith.minimumf %min3A_914, %get3A_922 : vector<16xf32>
        %mul3A_926 = arith.mulf %get3A_922, %get3A_922 : vector<16xf32>
        %add3A_927 = arith.addf %add3A_916, %mul3A_926 : vector<16xf32>
        %add3A_928 = arith.constant 13 : i32
        %add3A_929 = arith.addi %mul3A_791, %add3A_928 : i32
        %get3A_930 = arith.index_cast %add3A_929 : i32 to index
        %get3A_931 = arith.constant 0 : index
        %get3A_932 = tpu.vector_load %arg13[%get3A_930, %get3A_931] {strides = array<i32>} : memref<128x64xf32, #tpu.memory_space<vmem>>, vector<1x16xf32>,
        %get3A_933 = vector.shape_cast %get3A_932 : vector<1x16xf32> to vector<16xf32>
        %add3A_934 = arith.addf %add3A_923, %get3A_933 : vector<16xf32>
        %max3A_935 = arith.maximumf %max3A_924, %get3A_933 : vector<16xf32>
        %min3A_936 = arith.minimumf %min3A_925, %get3A_933 : vector<16xf32>
        %mul3A_937 = arith.mulf %get3A_933, %get3A_933 : vector<16xf32>
        %add3A_938 = arith.addf %add3A_927, %mul3A_937 : vector<16xf32>
        %add3A_939 = arith.constant 14 : i32
        %add3A_940 = arith.addi %mul3A_791, %add3A_939 : i32
        %get3A_941 = arith.index_cast %add3A_940 : i32 to index
        %get3A_942 = arith.constant 0 : index
        %get3A_943 = tpu.vector_load %arg13[%get3A_941, %get3A_942] {strides = array<i32>} : memref<128x64xf32, #tpu.memory_space<vmem>>, vector<1x16xf32>,
        %get3A_944 = vector.shape_cast %get3A_943 : vector<1x16xf32> to vector<16xf32>
        %add3A_945 = arith.addf %add3A_934, %get3A_944 : vector<16xf32>
        %max3A_946 = arith.maximumf %max3A_935, %get3A_944 : vector<16xf32>
        %min3A_947 = arith.minimumf %min3A_936, %get3A_944 : vector<16xf32>
        %mul3A_948 = arith.mulf %get3A_944, %get3A_944 : vector<16xf32>
        %add3A_949 = arith.addf %add3A_938, %mul3A_948 : vector<16xf32>
        %add3A_950 = arith.constant 15 : i32
        %add3A_951 = arith.addi %mul3A_791, %add3A_950 : i32
        %get3A_952 = arith.index_cast %add3A_951 : i32 to index
        %get3A_953 = arith.constant 0 : index
        %get3A_954 = tpu.vector_load %arg13[%get3A_952, %get3A_953] {strides = array<i32>} : memref<128x64xf32, #tpu.memory_space<vmem>>, vector<1x16xf32>,
        %get3A_955 = vector.shape_cast %get3A_954 : vector<1x16xf32> to vector<16xf32>
        %add3A_956 = arith.addf %add3A_945, %get3A_955 : vector<16xf32>
        %max3A_957 = arith.maximumf %max3A_946, %get3A_955 : vector<16xf32>
        %min3A_958 = arith.minimumf %min3A_947, %get3A_955 : vector<16xf32>
        %mul3A_959 = arith.mulf %get3A_955, %get3A_955 : vector<16xf32>
        %add3A_960 = arith.addf %add3A_949, %mul3A_959 : vector<16xf32>
        %swap3A_961 = arith.constant 1 : i32
        %swap3A_962 = arith.index_cast %swap3A_961 : i32 to index
        %swap3A_963 = arith.index_cast %scan3A_785 : i32 to index
        %swap3A_964 = arith.constant 0 : index
        %swap3A_965 = tpu.vector_load %arg14[%swap3A_962, %swap3A_963, %swap3A_964] {strides = array<i32>} : memref<2x8x64xf32, #tpu.memory_space<vmem>>, vector<1x1x16xf32>,
        %swap3A_966 = vector.shape_cast %swap3A_965 : vector<1x1x16xf32> to vector<16xf32>
        %swap3A_967 = vector.shape_cast %add3A_956 : vector<16xf32> to vector<1x1x16xf32>
        tpu.vector_store %arg14[%swap3A_962, %swap3A_963, %swap3A_964], %swap3A_967 {strides = array<i32>} : memref<2x8x64xf32, #tpu.memory_space<vmem>>, vector<1x1x16xf32>,
        %swap3A_968 = arith.constant 1 : i32
        %swap3A_969 = arith.index_cast %swap3A_968 : i32 to index
        %swap3A_970 = arith.index_cast %scan3A_785 : i32 to index
        %swap3A_971 = arith.constant 0 : index
        %swap3A_972 = tpu.vector_load %arg15[%swap3A_969, %swap3A_970, %swap3A_971] {strides = array<i32>} : memref<2x8x64xf32, #tpu.memory_space<vmem>>, vector<1x1x16xf32>,
        %swap3A_973 = vector.shape_cast %swap3A_972 : vector<1x1x16xf32> to vector<16xf32>
        %swap3A_974 = vector.shape_cast %max3A_957 : vector<16xf32> to vector<1x1x16xf32>
        tpu.vector_store %arg15[%swap3A_969, %swap3A_970, %swap3A_971], %swap3A_974 {strides = array<i32>} : memref<2x8x64xf32, #tpu.memory_space<vmem>>, vector<1x1x16xf32>,
        %swap3A_975 = arith.constant 1 : i32
        %swap3A_976 = arith.index_cast %swap3A_975 : i32 to index
        %swap3A_977 = arith.index_cast %scan3A_785 : i32 to index
        %swap3A_978 = arith.constant 0 : index
        %swap3A_979 = tpu.vector_load %arg16[%swap3A_976, %swap3A_977, %swap3A_978] {strides = array<i32>} : memref<2x8x64xf32, #tpu.memory_space<vmem>>, vector<1x1x16xf32>,
        %swap3A_980 = vector.shape_cast %swap3A_979 : vector<1x1x16xf32> to vector<16xf32>
        %swap3A_981 = vector.shape_cast %min3A_958 : vector<16xf32> to vector<1x1x16xf32>
        tpu.vector_store %arg16[%swap3A_976, %swap3A_977, %swap3A_978], %swap3A_981 {strides = array<i32>} : memref<2x8x64xf32, #tpu.memory_space<vmem>>, vector<1x1x16xf32>,
        %get3A_982 = arith.index_cast %mul3A_791 : i32 to index
        %get3A_983 = arith.constant 16 : index
        %get3A_984 = tpu.vector_load %arg13[%get3A_982, %get3A_983] {strides = array<i32>} : memref<128x64xf32, #tpu.memory_space<vmem>>, vector<1x16xf32>,
        %get3A_985 = vector.shape_cast %get3A_984 : vector<1x16xf32> to vector<16xf32>
        %mul3A_986 = arith.mulf %get3A_985, %get3A_985 : vector<16xf32>
        %add3A_987 = arith.addf %scan3A_787, %mul3A_986 : vector<16xf32>
        %add3A_988 = arith.constant 1 : i32
        %add3A_989 = arith.addi %mul3A_791, %add3A_988 : i32
        %get3A_990 = arith.index_cast %add3A_989 : i32 to index
        %get3A_991 = arith.constant 16 : index
        %get3A_992 = tpu.vector_load %arg13[%get3A_990, %get3A_991] {strides = array<i32>} : memref<128x64xf32, #tpu.memory_space<vmem>>, vector<1x16xf32>,
        %get3A_993 = vector.shape_cast %get3A_992 : vector<1x16xf32> to vector<16xf32>
        %add3A_994 = arith.addf %get3A_985, %get3A_993 : vector<16xf32>
        %max3A_995 = arith.maximumf %get3A_985, %get3A_993 : vector<16xf32>
        %min3A_996 = arith.minimumf %get3A_985, %get3A_993 : vector<16xf32>
        %mul3A_997 = arith.mulf %get3A_993, %get3A_993 : vector<16xf32>
        %add3A_998 = arith.addf %add3A_987, %mul3A_997 : vector<16xf32>
        %add3A_999 = arith.constant 2 : i32
        %add3A_1000 = arith.addi %mul3A_791, %add3A_999 : i32
        %get3A_1001 = arith.index_cast %add3A_1000 : i32 to index
        %get3A_1002 = arith.constant 16 : index
        %get3A_1003 = tpu.vector_load %arg13[%get3A_1001, %get3A_1002] {strides = array<i32>} : memref<128x64xf32, #tpu.memory_space<vmem>>, vector<1x16xf32>,
        %get3A_1004 = vector.shape_cast %get3A_1003 : vector<1x16xf32> to vector<16xf32>
        %add3A_1005 = arith.addf %add3A_994, %get3A_1004 : vector<16xf32>
        %max3A_1006 = arith.maximumf %max3A_995, %get3A_1004 : vector<16xf32>
        %min3A_1007 = arith.minimumf %min3A_996, %get3A_1004 : vector<16xf32>
        %mul3A_1008 = arith.mulf %get3A_1004, %get3A_1004 : vector<16xf32>
        %add3A_1009 = arith.addf %add3A_998, %mul3A_1008 : vector<16xf32>
        %add3A_1010 = arith.constant 3 : i32
        %add3A_1011 = arith.addi %mul3A_791, %add3A_1010 : i32
        %get3A_1012 = arith.index_cast %add3A_1011 : i32 to index
        %get3A_1013 = arith.constant 16 : index
        %get3A_1014 = tpu.vector_load %arg13[%get3A_1012, %get3A_1013] {strides = array<i32>} : memref<128x64xf32, #tpu.memory_space<vmem>>, vector<1x16xf32>,
        %get3A_1015 = vector.shape_cast %get3A_1014 : vector<1x16xf32> to vector<16xf32>
        %add3A_1016 = arith.addf %add3A_1005, %get3A_1015 : vector<16xf32>
        %max3A_1017 = arith.maximumf %max3A_1006, %get3A_1015 : vector<16xf32>
        %min3A_1018 = arith.minimumf %min3A_1007, %get3A_1015 : vector<16xf32>
        %mul3A_1019 = arith.mulf %get3A_1015, %get3A_1015 : vector<16xf32>
        %add3A_1020 = arith.addf %add3A_1009, %mul3A_1019 : vector<16xf32>
        %add3A_1021 = arith.constant 4 : i32
        %add3A_1022 = arith.addi %mul3A_791, %add3A_1021 : i32
        %get3A_1023 = arith.index_cast %add3A_1022 : i32 to index
        %get3A_1024 = arith.constant 16 : index
        %get3A_1025 = tpu.vector_load %arg13[%get3A_1023, %get3A_1024] {strides = array<i32>} : memref<128x64xf32, #tpu.memory_space<vmem>>, vector<1x16xf32>,
        %get3A_1026 = vector.shape_cast %get3A_1025 : vector<1x16xf32> to vector<16xf32>
        %add3A_1027 = arith.addf %add3A_1016, %get3A_1026 : vector<16xf32>
        %max3A_1028 = arith.maximumf %max3A_1017, %get3A_1026 : vector<16xf32>
        %min3A_1029 = arith.minimumf %min3A_1018, %get3A_1026 : vector<16xf32>
        %mul3A_1030 = arith.mulf %get3A_1026, %get3A_1026 : vector<16xf32>
        %add3A_1031 = arith.addf %add3A_1020, %mul3A_1030 : vector<16xf32>
        %add3A_1032 = arith.constant 5 : i32
        %add3A_1033 = arith.addi %mul3A_791, %add3A_1032 : i32
        %get3A_1034 = arith.index_cast %add3A_1033 : i32 to index
        %get3A_1035 = arith.constant 16 : index
        %get3A_1036 = tpu.vector_load %arg13[%get3A_1034, %get3A_1035] {strides = array<i32>} : memref<128x64xf32, #tpu.memory_space<vmem>>, vector<1x16xf32>,
        %get3A_1037 = vector.shape_cast %get3A_1036 : vector<1x16xf32> to vector<16xf32>
        %add3A_1038 = arith.addf %add3A_1027, %get3A_1037 : vector<16xf32>
        %max3A_1039 = arith.maximumf %max3A_1028, %get3A_1037 : vector<16xf32>
        %min3A_1040 = arith.minimumf %min3A_1029, %get3A_1037 : vector<16xf32>
        %mul3A_1041 = arith.mulf %get3A_1037, %get3A_1037 : vector<16xf32>
        %add3A_1042 = arith.addf %add3A_1031, %mul3A_1041 : vector<16xf32>
        %add3A_1043 = arith.constant 6 : i32
        %add3A_1044 = arith.addi %mul3A_791, %add3A_1043 : i32
        %get3A_1045 = arith.index_cast %add3A_1044 : i32 to index
        %get3A_1046 = arith.constant 16 : index
        %get3A_1047 = tpu.vector_load %arg13[%get3A_1045, %get3A_1046] {strides = array<i32>} : memref<128x64xf32, #tpu.memory_space<vmem>>, vector<1x16xf32>,
        %get3A_1048 = vector.shape_cast %get3A_1047 : vector<1x16xf32> to vector<16xf32>
        %add3A_1049 = arith.addf %add3A_1038, %get3A_1048 : vector<16xf32>
        %max3A_1050 = arith.maximumf %max3A_1039, %get3A_1048 : vector<16xf32>
        %min3A_1051 = arith.minimumf %min3A_1040, %get3A_1048 : vector<16xf32>
        %mul3A_1052 = arith.mulf %get3A_1048, %get3A_1048 : vector<16xf32>
        %add3A_1053 = arith.addf %add3A_1042, %mul3A_1052 : vector<16xf32>
        %add3A_1054 = arith.constant 7 : i32
        %add3A_1055 = arith.addi %mul3A_791, %add3A_1054 : i32
        %get3A_1056 = arith.index_cast %add3A_1055 : i32 to index
        %get3A_1057 = arith.constant 16 : index
        %get3A_1058 = tpu.vector_load %arg13[%get3A_1056, %get3A_1057] {strides = array<i32>} : memref<128x64xf32, #tpu.memory_space<vmem>>, vector<1x16xf32>,
        %get3A_1059 = vector.shape_cast %get3A_1058 : vector<1x16xf32> to vector<16xf32>
        %add3A_1060 = arith.addf %add3A_1049, %get3A_1059 : vector<16xf32>
        %max3A_1061 = arith.maximumf %max3A_1050, %get3A_1059 : vector<16xf32>
        %min3A_1062 = arith.minimumf %min3A_1051, %get3A_1059 : vector<16xf32>
        %mul3A_1063 = arith.mulf %get3A_1059, %get3A_1059 : vector<16xf32>
        %add3A_1064 = arith.addf %add3A_1053, %mul3A_1063 : vector<16xf32>
        %add3A_1065 = arith.constant 8 : i32
        %add3A_1066 = arith.addi %mul3A_791, %add3A_1065 : i32
        %get3A_1067 = arith.index_cast %add3A_1066 : i32 to index
        %get3A_1068 = arith.constant 16 : index
        %get3A_1069 = tpu.vector_load %arg13[%get3A_1067, %get3A_1068] {strides = array<i32>} : memref<128x64xf32, #tpu.memory_space<vmem>>, vector<1x16xf32>,
        %get3A_1070 = vector.shape_cast %get3A_1069 : vector<1x16xf32> to vector<16xf32>
        %add3A_1071 = arith.addf %add3A_1060, %get3A_1070 : vector<16xf32>
        %max3A_1072 = arith.maximumf %max3A_1061, %get3A_1070 : vector<16xf32>
        %min3A_1073 = arith.minimumf %min3A_1062, %get3A_1070 : vector<16xf32>
        %mul3A_1074 = arith.mulf %get3A_1070, %get3A_1070 : vector<16xf32>
        %add3A_1075 = arith.addf %add3A_1064, %mul3A_1074 : vector<16xf32>
        %add3A_1076 = arith.constant 9 : i32
        %add3A_1077 = arith.addi %mul3A_791, %add3A_1076 : i32
        %get3A_1078 = arith.index_cast %add3A_1077 : i32 to index
        %get3A_1079 = arith.constant 16 : index
        %get3A_1080 = tpu.vector_load %arg13[%get3A_1078, %get3A_1079] {strides = array<i32>} : memref<128x64xf32, #tpu.memory_space<vmem>>, vector<1x16xf32>,
        %get3A_1081 = vector.shape_cast %get3A_1080 : vector<1x16xf32> to vector<16xf32>
        %add3A_1082 = arith.addf %add3A_1071, %get3A_1081 : vector<16xf32>
        %max3A_1083 = arith.maximumf %max3A_1072, %get3A_1081 : vector<16xf32>
        %min3A_1084 = arith.minimumf %min3A_1073, %get3A_1081 : vector<16xf32>
        %mul3A_1085 = arith.mulf %get3A_1081, %get3A_1081 : vector<16xf32>
        %add3A_1086 = arith.addf %add3A_1075, %mul3A_1085 : vector<16xf32>
        %add3A_1087 = arith.constant 10 : i32
        %add3A_1088 = arith.addi %mul3A_791, %add3A_1087 : i32
        %get3A_1089 = arith.index_cast %add3A_1088 : i32 to index
        %get3A_1090 = arith.constant 16 : index
        %get3A_1091 = tpu.vector_load %arg13[%get3A_1089, %get3A_1090] {strides = array<i32>} : memref<128x64xf32, #tpu.memory_space<vmem>>, vector<1x16xf32>,
        %get3A_1092 = vector.shape_cast %get3A_1091 : vector<1x16xf32> to vector<16xf32>
        %add3A_1093 = arith.addf %add3A_1082, %get3A_1092 : vector<16xf32>
        %max3A_1094 = arith.maximumf %max3A_1083, %get3A_1092 : vector<16xf32>
        %min3A_1095 = arith.minimumf %min3A_1084, %get3A_1092 : vector<16xf32>
        %mul3A_1096 = arith.mulf %get3A_1092, %get3A_1092 : vector<16xf32>
        %add3A_1097 = arith.addf %add3A_1086, %mul3A_1096 : vector<16xf32>
        %add3A_1098 = arith.constant 11 : i32
        %add3A_1099 = arith.addi %mul3A_791, %add3A_1098 : i32
        %get3A_1100 = arith.index_cast %add3A_1099 : i32 to index
        %get3A_1101 = arith.constant 16 : index
        %get3A_1102 = tpu.vector_load %arg13[%get3A_1100, %get3A_1101] {strides = array<i32>} : memref<128x64xf32, #tpu.memory_space<vmem>>, vector<1x16xf32>,
        %get3A_1103 = vector.shape_cast %get3A_1102 : vector<1x16xf32> to vector<16xf32>
        %add3A_1104 = arith.addf %add3A_1093, %get3A_1103 : vector<16xf32>
        %max3A_1105 = arith.maximumf %max3A_1094, %get3A_1103 : vector<16xf32>
        %min3A_1106 = arith.minimumf %min3A_1095, %get3A_1103 : vector<16xf32>
        %mul3A_1107 = arith.mulf %get3A_1103, %get3A_1103 : vector<16xf32>
        %add3A_1108 = arith.addf %add3A_1097, %mul3A_1107 : vector<16xf32>
        %add3A_1109 = arith.constant 12 : i32
        %add3A_1110 = arith.addi %mul3A_791, %add3A_1109 : i32
        %get3A_1111 = arith.index_cast %add3A_1110 : i32 to index
        %get3A_1112 = arith.constant 16 : index
        %get3A_1113 = tpu.vector_load %arg13[%get3A_1111, %get3A_1112] {strides = array<i32>} : memref<128x64xf32, #tpu.memory_space<vmem>>, vector<1x16xf32>,
        %get3A_1114 = vector.shape_cast %get3A_1113 : vector<1x16xf32> to vector<16xf32>
        %add3A_1115 = arith.addf %add3A_1104, %get3A_1114 : vector<16xf32>
        %max3A_1116 = arith.maximumf %max3A_1105, %get3A_1114 : vector<16xf32>
        %min3A_1117 = arith.minimumf %min3A_1106, %get3A_1114 : vector<16xf32>
        %mul3A_1118 = arith.mulf %get3A_1114, %get3A_1114 : vector<16xf32>
        %add3A_1119 = arith.addf %add3A_1108, %mul3A_1118 : vector<16xf32>
        %add3A_1120 = arith.constant 13 : i32
        %add3A_1121 = arith.addi %mul3A_791, %add3A_1120 : i32
        %get3A_1122 = arith.index_cast %add3A_1121 : i32 to index
        %get3A_1123 = arith.constant 16 : index
        %get3A_1124 = tpu.vector_load %arg13[%get3A_1122, %get3A_1123] {strides = array<i32>} : memref<128x64xf32, #tpu.memory_space<vmem>>, vector<1x16xf32>,
        %get3A_1125 = vector.shape_cast %get3A_1124 : vector<1x16xf32> to vector<16xf32>
        %add3A_1126 = arith.addf %add3A_1115, %get3A_1125 : vector<16xf32>
        %max3A_1127 = arith.maximumf %max3A_1116, %get3A_1125 : vector<16xf32>
        %min3A_1128 = arith.minimumf %min3A_1117, %get3A_1125 : vector<16xf32>
        %mul3A_1129 = arith.mulf %get3A_1125, %get3A_1125 : vector<16xf32>
        %add3A_1130 = arith.addf %add3A_1119, %mul3A_1129 : vector<16xf32>
        %add3A_1131 = arith.constant 14 : i32
        %add3A_1132 = arith.addi %mul3A_791, %add3A_1131 : i32
        %get3A_1133 = arith.index_cast %add3A_1132 : i32 to index
        %get3A_1134 = arith.constant 16 : index
        %get3A_1135 = tpu.vector_load %arg13[%get3A_1133, %get3A_1134] {strides = array<i32>} : memref<128x64xf32, #tpu.memory_space<vmem>>, vector<1x16xf32>,
        %get3A_1136 = vector.shape_cast %get3A_1135 : vector<1x16xf32> to vector<16xf32>
        %add3A_1137 = arith.addf %add3A_1126, %get3A_1136 : vector<16xf32>
        %max3A_1138 = arith.maximumf %max3A_1127, %get3A_1136 : vector<16xf32>
        %min3A_1139 = arith.minimumf %min3A_1128, %get3A_1136 : vector<16xf32>
        %mul3A_1140 = arith.mulf %get3A_1136, %get3A_1136 : vector<16xf32>
        %add3A_1141 = arith.addf %add3A_1130, %mul3A_1140 : vector<16xf32>
        %add3A_1142 = arith.constant 15 : i32
        %add3A_1143 = arith.addi %mul3A_791, %add3A_1142 : i32
        %get3A_1144 = arith.index_cast %add3A_1143 : i32 to index
        %get3A_1145 = arith.constant 16 : index
        %get3A_1146 = tpu.vector_load %arg13[%get3A_1144, %get3A_1145] {strides = array<i32>} : memref<128x64xf32, #tpu.memory_space<vmem>>, vector<1x16xf32>,
        %get3A_1147 = vector.shape_cast %get3A_1146 : vector<1x16xf32> to vector<16xf32>
        %add3A_1148 = arith.addf %add3A_1137, %get3A_1147 : vector<16xf32>
        %max3A_1149 = arith.maximumf %max3A_1138, %get3A_1147 : vector<16xf32>
        %min3A_1150 = arith.minimumf %min3A_1139, %get3A_1147 : vector<16xf32>
        %mul3A_1151 = arith.mulf %get3A_1147, %get3A_1147 : vector<16xf32>
        %add3A_1152 = arith.addf %add3A_1141, %mul3A_1151 : vector<16xf32>
        %swap3A_1153 = arith.constant 1 : i32
        %swap3A_1154 = arith.index_cast %swap3A_1153 : i32 to index
        %swap3A_1155 = arith.index_cast %scan3A_785 : i32 to index
        %swap3A_1156 = arith.constant 16 : index
        %swap3A_1157 = tpu.vector_load %arg14[%swap3A_1154, %swap3A_1155, %swap3A_1156] {strides = array<i32>} : memref<2x8x64xf32, #tpu.memory_space<vmem>>, vector<1x1x16xf32>,
        %swap3A_1158 = vector.shape_cast %swap3A_1157 : vector<1x1x16xf32> to vector<16xf32>
        %swap3A_1159 = vector.shape_cast %add3A_1148 : vector<16xf32> to vector<1x1x16xf32>
        tpu.vector_store %arg14[%swap3A_1154, %swap3A_1155, %swap3A_1156], %swap3A_1159 {strides = array<i32>} : memref<2x8x64xf32, #tpu.memory_space<vmem>>, vector<1x1x16xf32>,
        %swap3A_1160 = arith.constant 1 : i32
        %swap3A_1161 = arith.index_cast %swap3A_1160 : i32 to index
        %swap3A_1162 = arith.index_cast %scan3A_785 : i32 to index
        %swap3A_1163 = arith.constant 16 : index
        %swap3A_1164 = tpu.vector_load %arg15[%swap3A_1161, %swap3A_1162, %swap3A_1163] {strides = array<i32>} : memref<2x8x64xf32, #tpu.memory_space<vmem>>, vector<1x1x16xf32>,
        %swap3A_1165 = vector.shape_cast %swap3A_1164 : vector<1x1x16xf32> to vector<16xf32>
        %swap3A_1166 = vector.shape_cast %max3A_1149 : vector<16xf32> to vector<1x1x16xf32>
        tpu.vector_store %arg15[%swap3A_1161, %swap3A_1162, %swap3A_1163], %swap3A_1166 {strides = array<i32>} : memref<2x8x64xf32, #tpu.memory_space<vmem>>, vector<1x1x16xf32>,
        %swap3A_1167 = arith.constant 1 : i32
        %swap3A_1168 = arith.index_cast %swap3A_1167 : i32 to index
        %swap3A_1169 = arith.index_cast %scan3A_785 : i32 to index
        %swap3A_1170 = arith.constant 16 : index
        %swap3A_1171 = tpu.vector_load %arg16[%swap3A_1168, %swap3A_1169, %swap3A_1170] {strides = array<i32>} : memref<2x8x64xf32, #tpu.memory_space<vmem>>, vector<1x1x16xf32>,
        %swap3A_1172 = vector.shape_cast %swap3A_1171 : vector<1x1x16xf32> to vector<16xf32>
        %swap3A_1173 = vector.shape_cast %min3A_1150 : vector<16xf32> to vector<1x1x16xf32>
        tpu.vector_store %arg16[%swap3A_1168, %swap3A_1169, %swap3A_1170], %swap3A_1173 {strides = array<i32>} : memref<2x8x64xf32, #tpu.memory_space<vmem>>, vector<1x1x16xf32>,
        %get3A_1174 = arith.index_cast %mul3A_791 : i32 to index
        %get3A_1175 = arith.constant 32 : index
        %get3A_1176 = tpu.vector_load %arg13[%get3A_1174, %get3A_1175] {strides = array<i32>} : memref<128x64xf32, #tpu.memory_space<vmem>>, vector<1x16xf32>,
        %get3A_1177 = vector.shape_cast %get3A_1176 : vector<1x16xf32> to vector<16xf32>
        %mul3A_1178 = arith.mulf %get3A_1177, %get3A_1177 : vector<16xf32>
        %add3A_1179 = arith.addf %scan3A_788, %mul3A_1178 : vector<16xf32>
        %add3A_1180 = arith.constant 1 : i32
        %add3A_1181 = arith.addi %mul3A_791, %add3A_1180 : i32
        %get3A_1182 = arith.index_cast %add3A_1181 : i32 to index
        %get3A_1183 = arith.constant 32 : index
        %get3A_1184 = tpu.vector_load %arg13[%get3A_1182, %get3A_1183] {strides = array<i32>} : memref<128x64xf32, #tpu.memory_space<vmem>>, vector<1x16xf32>,
        %get3A_1185 = vector.shape_cast %get3A_1184 : vector<1x16xf32> to vector<16xf32>
        %add3A_1186 = arith.addf %get3A_1177, %get3A_1185 : vector<16xf32>
        %max3A_1187 = arith.maximumf %get3A_1177, %get3A_1185 : vector<16xf32>
        %min3A_1188 = arith.minimumf %get3A_1177, %get3A_1185 : vector<16xf32>
        %mul3A_1189 = arith.mulf %get3A_1185, %get3A_1185 : vector<16xf32>
        %add3A_1190 = arith.addf %add3A_1179, %mul3A_1189 : vector<16xf32>
        %add3A_1191 = arith.constant 2 : i32
        %add3A_1192 = arith.addi %mul3A_791, %add3A_1191 : i32
        %get3A_1193 = arith.index_cast %add3A_1192 : i32 to index
        %get3A_1194 = arith.constant 32 : index
        %get3A_1195 = tpu.vector_load %arg13[%get3A_1193, %get3A_1194] {strides = array<i32>} : memref<128x64xf32, #tpu.memory_space<vmem>>, vector<1x16xf32>,
        %get3A_1196 = vector.shape_cast %get3A_1195 : vector<1x16xf32> to vector<16xf32>
        %add3A_1197 = arith.addf %add3A_1186, %get3A_1196 : vector<16xf32>
        %max3A_1198 = arith.maximumf %max3A_1187, %get3A_1196 : vector<16xf32>
        %min3A_1199 = arith.minimumf %min3A_1188, %get3A_1196 : vector<16xf32>
        %mul3A_1200 = arith.mulf %get3A_1196, %get3A_1196 : vector<16xf32>
        %add3A_1201 = arith.addf %add3A_1190, %mul3A_1200 : vector<16xf32>
        %add3A_1202 = arith.constant 3 : i32
        %add3A_1203 = arith.addi %mul3A_791, %add3A_1202 : i32
        %get3A_1204 = arith.index_cast %add3A_1203 : i32 to index
        %get3A_1205 = arith.constant 32 : index
        %get3A_1206 = tpu.vector_load %arg13[%get3A_1204, %get3A_1205] {strides = array<i32>} : memref<128x64xf32, #tpu.memory_space<vmem>>, vector<1x16xf32>,
        %get3A_1207 = vector.shape_cast %get3A_1206 : vector<1x16xf32> to vector<16xf32>
        %add3A_1208 = arith.addf %add3A_1197, %get3A_1207 : vector<16xf32>
        %max3A_1209 = arith.maximumf %max3A_1198, %get3A_1207 : vector<16xf32>
        %min3A_1210 = arith.minimumf %min3A_1199, %get3A_1207 : vector<16xf32>
        %mul3A_1211 = arith.mulf %get3A_1207, %get3A_1207 : vector<16xf32>
        %add3A_1212 = arith.addf %add3A_1201, %mul3A_1211 : vector<16xf32>
        %add3A_1213 = arith.constant 4 : i32
        %add3A_1214 = arith.addi %mul3A_791, %add3A_1213 : i32
        %get3A_1215 = arith.index_cast %add3A_1214 : i32 to index
        %get3A_1216 = arith.constant 32 : index
        %get3A_1217 = tpu.vector_load %arg13[%get3A_1215, %get3A_1216] {strides = array<i32>} : memref<128x64xf32, #tpu.memory_space<vmem>>, vector<1x16xf32>,
        %get3A_1218 = vector.shape_cast %get3A_1217 : vector<1x16xf32> to vector<16xf32>
        %add3A_1219 = arith.addf %add3A_1208, %get3A_1218 : vector<16xf32>
        %max3A_1220 = arith.maximumf %max3A_1209, %get3A_1218 : vector<16xf32>
        %min3A_1221 = arith.minimumf %min3A_1210, %get3A_1218 : vector<16xf32>
        %mul3A_1222 = arith.mulf %get3A_1218, %get3A_1218 : vector<16xf32>
        %add3A_1223 = arith.addf %add3A_1212, %mul3A_1222 : vector<16xf32>
        %add3A_1224 = arith.constant 5 : i32
        %add3A_1225 = arith.addi %mul3A_791, %add3A_1224 : i32
        %get3A_1226 = arith.index_cast %add3A_1225 : i32 to index
        %get3A_1227 = arith.constant 32 : index
        %get3A_1228 = tpu.vector_load %arg13[%get3A_1226, %get3A_1227] {strides = array<i32>} : memref<128x64xf32, #tpu.memory_space<vmem>>, vector<1x16xf32>,
        %get3A_1229 = vector.shape_cast %get3A_1228 : vector<1x16xf32> to vector<16xf32>
        %add3A_1230 = arith.addf %add3A_1219, %get3A_1229 : vector<16xf32>
        %max3A_1231 = arith.maximumf %max3A_1220, %get3A_1229 : vector<16xf32>
        %min3A_1232 = arith.minimumf %min3A_1221, %get3A_1229 : vector<16xf32>
        %mul3A_1233 = arith.mulf %get3A_1229, %get3A_1229 : vector<16xf32>
        %add3A_1234 = arith.addf %add3A_1223, %mul3A_1233 : vector<16xf32>
        %add3A_1235 = arith.constant 6 : i32
        %add3A_1236 = arith.addi %mul3A_791, %add3A_1235 : i32
        %get3A_1237 = arith.index_cast %add3A_1236 : i32 to index
        %get3A_1238 = arith.constant 32 : index
        %get3A_1239 = tpu.vector_load %arg13[%get3A_1237, %get3A_1238] {strides = array<i32>} : memref<128x64xf32, #tpu.memory_space<vmem>>, vector<1x16xf32>,
        %get3A_1240 = vector.shape_cast %get3A_1239 : vector<1x16xf32> to vector<16xf32>
        %add3A_1241 = arith.addf %add3A_1230, %get3A_1240 : vector<16xf32>
        %max3A_1242 = arith.maximumf %max3A_1231, %get3A_1240 : vector<16xf32>
        %min3A_1243 = arith.minimumf %min3A_1232, %get3A_1240 : vector<16xf32>
        %mul3A_1244 = arith.mulf %get3A_1240, %get3A_1240 : vector<16xf32>
        %add3A_1245 = arith.addf %add3A_1234, %mul3A_1244 : vector<16xf32>
        %add3A_1246 = arith.constant 7 : i32
        %add3A_1247 = arith.addi %mul3A_791, %add3A_1246 : i32
        %get3A_1248 = arith.index_cast %add3A_1247 : i32 to index
        %get3A_1249 = arith.constant 32 : index
        %get3A_1250 = tpu.vector_load %arg13[%get3A_1248, %get3A_1249] {strides = array<i32>} : memref<128x64xf32, #tpu.memory_space<vmem>>, vector<1x16xf32>,
        %get3A_1251 = vector.shape_cast %get3A_1250 : vector<1x16xf32> to vector<16xf32>
        %add3A_1252 = arith.addf %add3A_1241, %get3A_1251 : vector<16xf32>
        %max3A_1253 = arith.maximumf %max3A_1242, %get3A_1251 : vector<16xf32>
        %min3A_1254 = arith.minimumf %min3A_1243, %get3A_1251 : vector<16xf32>
        %mul3A_1255 = arith.mulf %get3A_1251, %get3A_1251 : vector<16xf32>
        %add3A_1256 = arith.addf %add3A_1245, %mul3A_1255 : vector<16xf32>
        %add3A_1257 = arith.constant 8 : i32
        %add3A_1258 = arith.addi %mul3A_791, %add3A_1257 : i32
        %get3A_1259 = arith.index_cast %add3A_1258 : i32 to index
        %get3A_1260 = arith.constant 32 : index
        %get3A_1261 = tpu.vector_load %arg13[%get3A_1259, %get3A_1260] {strides = array<i32>} : memref<128x64xf32, #tpu.memory_space<vmem>>, vector<1x16xf32>,
        %get3A_1262 = vector.shape_cast %get3A_1261 : vector<1x16xf32> to vector<16xf32>
        %add3A_1263 = arith.addf %add3A_1252, %get3A_1262 : vector<16xf32>
        %max3A_1264 = arith.maximumf %max3A_1253, %get3A_1262 : vector<16xf32>
        %min3A_1265 = arith.minimumf %min3A_1254, %get3A_1262 : vector<16xf32>
        %mul3A_1266 = arith.mulf %get3A_1262, %get3A_1262 : vector<16xf32>
        %add3A_1267 = arith.addf %add3A_1256, %mul3A_1266 : vector<16xf32>
        %add3A_1268 = arith.constant 9 : i32
        %add3A_1269 = arith.addi %mul3A_791, %add3A_1268 : i32
        %get3A_1270 = arith.index_cast %add3A_1269 : i32 to index
        %get3A_1271 = arith.constant 32 : index
        %get3A_1272 = tpu.vector_load %arg13[%get3A_1270, %get3A_1271] {strides = array<i32>} : memref<128x64xf32, #tpu.memory_space<vmem>>, vector<1x16xf32>,
        %get3A_1273 = vector.shape_cast %get3A_1272 : vector<1x16xf32> to vector<16xf32>
        %add3A_1274 = arith.addf %add3A_1263, %get3A_1273 : vector<16xf32>
        %max3A_1275 = arith.maximumf %max3A_1264, %get3A_1273 : vector<16xf32>
        %min3A_1276 = arith.minimumf %min3A_1265, %get3A_1273 : vector<16xf32>
        %mul3A_1277 = arith.mulf %get3A_1273, %get3A_1273 : vector<16xf32>
        %add3A_1278 = arith.addf %add3A_1267, %mul3A_1277 : vector<16xf32>
        %add3A_1279 = arith.constant 10 : i32
        %add3A_1280 = arith.addi %mul3A_791, %add3A_1279 : i32
        %get3A_1281 = arith.index_cast %add3A_1280 : i32 to index
        %get3A_1282 = arith.constant 32 : index
        %get3A_1283 = tpu.vector_load %arg13[%get3A_1281, %get3A_1282] {strides = array<i32>} : memref<128x64xf32, #tpu.memory_space<vmem>>, vector<1x16xf32>,
        %get3A_1284 = vector.shape_cast %get3A_1283 : vector<1x16xf32> to vector<16xf32>
        %add3A_1285 = arith.addf %add3A_1274, %get3A_1284 : vector<16xf32>
        %max3A_1286 = arith.maximumf %max3A_1275, %get3A_1284 : vector<16xf32>
        %min3A_1287 = arith.minimumf %min3A_1276, %get3A_1284 : vector<16xf32>
        %mul3A_1288 = arith.mulf %get3A_1284, %get3A_1284 : vector<16xf32>
        %add3A_1289 = arith.addf %add3A_1278, %mul3A_1288 : vector<16xf32>
        %add3A_1290 = arith.constant 11 : i32
        %add3A_1291 = arith.addi %mul3A_791, %add3A_1290 : i32
        %get3A_1292 = arith.index_cast %add3A_1291 : i32 to index
        %get3A_1293 = arith.constant 32 : index
        %get3A_1294 = tpu.vector_load %arg13[%get3A_1292, %get3A_1293] {strides = array<i32>} : memref<128x64xf32, #tpu.memory_space<vmem>>, vector<1x16xf32>,
        %get3A_1295 = vector.shape_cast %get3A_1294 : vector<1x16xf32> to vector<16xf32>
        %add3A_1296 = arith.addf %add3A_1285, %get3A_1295 : vector<16xf32>
        %max3A_1297 = arith.maximumf %max3A_1286, %get3A_1295 : vector<16xf32>
        %min3A_1298 = arith.minimumf %min3A_1287, %get3A_1295 : vector<16xf32>
        %mul3A_1299 = arith.mulf %get3A_1295, %get3A_1295 : vector<16xf32>
        %add3A_1300 = arith.addf %add3A_1289, %mul3A_1299 : vector<16xf32>
        %add3A_1301 = arith.constant 12 : i32
        %add3A_1302 = arith.addi %mul3A_791, %add3A_1301 : i32
        %get3A_1303 = arith.index_cast %add3A_1302 : i32 to index
        %get3A_1304 = arith.constant 32 : index
        %get3A_1305 = tpu.vector_load %arg13[%get3A_1303, %get3A_1304] {strides = array<i32>} : memref<128x64xf32, #tpu.memory_space<vmem>>, vector<1x16xf32>,
        %get3A_1306 = vector.shape_cast %get3A_1305 : vector<1x16xf32> to vector<16xf32>
        %add3A_1307 = arith.addf %add3A_1296, %get3A_1306 : vector<16xf32>
        %max3A_1308 = arith.maximumf %max3A_1297, %get3A_1306 : vector<16xf32>
        %min3A_1309 = arith.minimumf %min3A_1298, %get3A_1306 : vector<16xf32>
        %mul3A_1310 = arith.mulf %get3A_1306, %get3A_1306 : vector<16xf32>
        %add3A_1311 = arith.addf %add3A_1300, %mul3A_1310 : vector<16xf32>
        %add3A_1312 = arith.constant 13 : i32
        %add3A_1313 = arith.addi %mul3A_791, %add3A_1312 : i32
        %get3A_1314 = arith.index_cast %add3A_1313 : i32 to index
        %get3A_1315 = arith.constant 32 : index
        %get3A_1316 = tpu.vector_load %arg13[%get3A_1314, %get3A_1315] {strides = array<i32>} : memref<128x64xf32, #tpu.memory_space<vmem>>, vector<1x16xf32>,
        %get3A_1317 = vector.shape_cast %get3A_1316 : vector<1x16xf32> to vector<16xf32>
        %add3A_1318 = arith.addf %add3A_1307, %get3A_1317 : vector<16xf32>
        %max3A_1319 = arith.maximumf %max3A_1308, %get3A_1317 : vector<16xf32>
        %min3A_1320 = arith.minimumf %min3A_1309, %get3A_1317 : vector<16xf32>
        %mul3A_1321 = arith.mulf %get3A_1317, %get3A_1317 : vector<16xf32>
        %add3A_1322 = arith.addf %add3A_1311, %mul3A_1321 : vector<16xf32>
        %add3A_1323 = arith.constant 14 : i32
        %add3A_1324 = arith.addi %mul3A_791, %add3A_1323 : i32
        %get3A_1325 = arith.index_cast %add3A_1324 : i32 to index
        %get3A_1326 = arith.constant 32 : index
        %get3A_1327 = tpu.vector_load %arg13[%get3A_1325, %get3A_1326] {strides = array<i32>} : memref<128x64xf32, #tpu.memory_space<vmem>>, vector<1x16xf32>,
        %get3A_1328 = vector.shape_cast %get3A_1327 : vector<1x16xf32> to vector<16xf32>
        %add3A_1329 = arith.addf %add3A_1318, %get3A_1328 : vector<16xf32>
        %max3A_1330 = arith.maximumf %max3A_1319, %get3A_1328 : vector<16xf32>
        %min3A_1331 = arith.minimumf %min3A_1320, %get3A_1328 : vector<16xf32>
        %mul3A_1332 = arith.mulf %get3A_1328, %get3A_1328 : vector<16xf32>
        %add3A_1333 = arith.addf %add3A_1322, %mul3A_1332 : vector<16xf32>
        %add3A_1334 = arith.constant 15 : i32
        %add3A_1335 = arith.addi %mul3A_791, %add3A_1334 : i32
        %get3A_1336 = arith.index_cast %add3A_1335 : i32 to index
        %get3A_1337 = arith.constant 32 : index
        %get3A_1338 = tpu.vector_load %arg13[%get3A_1336, %get3A_1337] {strides = array<i32>} : memref<128x64xf32, #tpu.memory_space<vmem>>, vector<1x16xf32>,
        %get3A_1339 = vector.shape_cast %get3A_1338 : vector<1x16xf32> to vector<16xf32>
        %add3A_1340 = arith.addf %add3A_1329, %get3A_1339 : vector<16xf32>
        %max3A_1341 = arith.maximumf %max3A_1330, %get3A_1339 : vector<16xf32>
        %min3A_1342 = arith.minimumf %min3A_1331, %get3A_1339 : vector<16xf32>
        %mul3A_1343 = arith.mulf %get3A_1339, %get3A_1339 : vector<16xf32>
        %add3A_1344 = arith.addf %add3A_1333, %mul3A_1343 : vector<16xf32>
        %swap3A_1345 = arith.constant 1 : i32
        %swap3A_1346 = arith.index_cast %swap3A_1345 : i32 to index
        %swap3A_1347 = arith.index_cast %scan3A_785 : i32 to index
        %swap3A_1348 = arith.constant 32 : index
        %swap3A_1349 = tpu.vector_load %arg14[%swap3A_1346, %swap3A_1347, %swap3A_1348] {strides = array<i32>} : memref<2x8x64xf32, #tpu.memory_space<vmem>>, vector<1x1x16xf32>,
        %swap3A_1350 = vector.shape_cast %swap3A_1349 : vector<1x1x16xf32> to vector<16xf32>
        %swap3A_1351 = vector.shape_cast %add3A_1340 : vector<16xf32> to vector<1x1x16xf32>
        tpu.vector_store %arg14[%swap3A_1346, %swap3A_1347, %swap3A_1348], %swap3A_1351 {strides = array<i32>} : memref<2x8x64xf32, #tpu.memory_space<vmem>>, vector<1x1x16xf32>,
        %swap3A_1352 = arith.constant 1 : i32
        %swap3A_1353 = arith.index_cast %swap3A_1352 : i32 to index
        %swap3A_1354 = arith.index_cast %scan3A_785 : i32 to index
        %swap3A_1355 = arith.constant 32 : index
        %swap3A_1356 = tpu.vector_load %arg15[%swap3A_1353, %swap3A_1354, %swap3A_1355] {strides = array<i32>} : memref<2x8x64xf32, #tpu.memory_space<vmem>>, vector<1x1x16xf32>,
        %swap3A_1357 = vector.shape_cast %swap3A_1356 : vector<1x1x16xf32> to vector<16xf32>
        %swap3A_1358 = vector.shape_cast %max3A_1341 : vector<16xf32> to vector<1x1x16xf32>
        tpu.vector_store %arg15[%swap3A_1353, %swap3A_1354, %swap3A_1355], %swap3A_1358 {strides = array<i32>} : memref<2x8x64xf32, #tpu.memory_space<vmem>>, vector<1x1x16xf32>,
        %swap3A_1359 = arith.constant 1 : i32
        %swap3A_1360 = arith.index_cast %swap3A_1359 : i32 to index
        %swap3A_1361 = arith.index_cast %scan3A_785 : i32 to index
        %swap3A_1362 = arith.constant 32 : index
        %swap3A_1363 = tpu.vector_load %arg16[%swap3A_1360, %swap3A_1361, %swap3A_1362] {strides = array<i32>} : memref<2x8x64xf32, #tpu.memory_space<vmem>>, vector<1x1x16xf32>,
        %swap3A_1364 = vector.shape_cast %swap3A_1363 : vector<1x1x16xf32> to vector<16xf32>
        %swap3A_1365 = vector.shape_cast %min3A_1342 : vector<16xf32> to vector<1x1x16xf32>
        tpu.vector_store %arg16[%swap3A_1360, %swap3A_1361, %swap3A_1362], %swap3A_1365 {strides = array<i32>} : memref<2x8x64xf32, #tpu.memory_space<vmem>>, vector<1x1x16xf32>,
        %get3A_1366 = arith.index_cast %mul3A_791 : i32 to index
        %get3A_1367 = arith.constant 48 : index
        %get3A_1368 = tpu.vector_load %arg13[%get3A_1366, %get3A_1367] {strides = array<i32>} : memref<128x64xf32, #tpu.memory_space<vmem>>, vector<1x16xf32>,
        %get3A_1369 = vector.shape_cast %get3A_1368 : vector<1x16xf32> to vector<16xf32>
        %mul3A_1370 = arith.mulf %get3A_1369, %get3A_1369 : vector<16xf32>
        %add3A_1371 = arith.addf %scan3A_789, %mul3A_1370 : vector<16xf32>
        %add3A_1372 = arith.constant 1 : i32
        %add3A_1373 = arith.addi %mul3A_791, %add3A_1372 : i32
        %get3A_1374 = arith.index_cast %add3A_1373 : i32 to index
        %get3A_1375 = arith.constant 48 : index
        %get3A_1376 = tpu.vector_load %arg13[%get3A_1374, %get3A_1375] {strides = array<i32>} : memref<128x64xf32, #tpu.memory_space<vmem>>, vector<1x16xf32>,
        %get3A_1377 = vector.shape_cast %get3A_1376 : vector<1x16xf32> to vector<16xf32>
        %add3A_1378 = arith.addf %get3A_1369, %get3A_1377 : vector<16xf32>
        %max3A_1379 = arith.maximumf %get3A_1369, %get3A_1377 : vector<16xf32>
        %min3A_1380 = arith.minimumf %get3A_1369, %get3A_1377 : vector<16xf32>
        %mul3A_1381 = arith.mulf %get3A_1377, %get3A_1377 : vector<16xf32>
        %add3A_1382 = arith.addf %add3A_1371, %mul3A_1381 : vector<16xf32>
        %add3A_1383 = arith.constant 2 : i32
        %add3A_1384 = arith.addi %mul3A_791, %add3A_1383 : i32
        %get3A_1385 = arith.index_cast %add3A_1384 : i32 to index
        %get3A_1386 = arith.constant 48 : index
        %get3A_1387 = tpu.vector_load %arg13[%get3A_1385, %get3A_1386] {strides = array<i32>} : memref<128x64xf32, #tpu.memory_space<vmem>>, vector<1x16xf32>,
        %get3A_1388 = vector.shape_cast %get3A_1387 : vector<1x16xf32> to vector<16xf32>
        %add3A_1389 = arith.addf %add3A_1378, %get3A_1388 : vector<16xf32>
        %max3A_1390 = arith.maximumf %max3A_1379, %get3A_1388 : vector<16xf32>
        %min3A_1391 = arith.minimumf %min3A_1380, %get3A_1388 : vector<16xf32>
        %mul3A_1392 = arith.mulf %get3A_1388, %get3A_1388 : vector<16xf32>
        %add3A_1393 = arith.addf %add3A_1382, %mul3A_1392 : vector<16xf32>
        %add3A_1394 = arith.constant 3 : i32
        %add3A_1395 = arith.addi %mul3A_791, %add3A_1394 : i32
        %get3A_1396 = arith.index_cast %add3A_1395 : i32 to index
        %get3A_1397 = arith.constant 48 : index
        %get3A_1398 = tpu.vector_load %arg13[%get3A_1396, %get3A_1397] {strides = array<i32>} : memref<128x64xf32, #tpu.memory_space<vmem>>, vector<1x16xf32>,
        %get3A_1399 = vector.shape_cast %get3A_1398 : vector<1x16xf32> to vector<16xf32>
        %add3A_1400 = arith.addf %add3A_1389, %get3A_1399 : vector<16xf32>
        %max3A_1401 = arith.maximumf %max3A_1390, %get3A_1399 : vector<16xf32>
        %min3A_1402 = arith.minimumf %min3A_1391, %get3A_1399 : vector<16xf32>
        %mul3A_1403 = arith.mulf %get3A_1399, %get3A_1399 : vector<16xf32>
        %add3A_1404 = arith.addf %add3A_1393, %mul3A_1403 : vector<16xf32>
        %add3A_1405 = arith.constant 4 : i32
        %add3A_1406 = arith.addi %mul3A_791, %add3A_1405 : i32
        %get3A_1407 = arith.index_cast %add3A_1406 : i32 to index
        %get3A_1408 = arith.constant 48 : index
        %get3A_1409 = tpu.vector_load %arg13[%get3A_1407, %get3A_1408] {strides = array<i32>} : memref<128x64xf32, #tpu.memory_space<vmem>>, vector<1x16xf32>,
        %get3A_1410 = vector.shape_cast %get3A_1409 : vector<1x16xf32> to vector<16xf32>
        %add3A_1411 = arith.addf %add3A_1400, %get3A_1410 : vector<16xf32>
        %max3A_1412 = arith.maximumf %max3A_1401, %get3A_1410 : vector<16xf32>
        %min3A_1413 = arith.minimumf %min3A_1402, %get3A_1410 : vector<16xf32>
        %mul3A_1414 = arith.mulf %get3A_1410, %get3A_1410 : vector<16xf32>
        %add3A_1415 = arith.addf %add3A_1404, %mul3A_1414 : vector<16xf32>
        %add3A_1416 = arith.constant 5 : i32
        %add3A_1417 = arith.addi %mul3A_791, %add3A_1416 : i32
        %get3A_1418 = arith.index_cast %add3A_1417 : i32 to index
        %get3A_1419 = arith.constant 48 : index
        %get3A_1420 = tpu.vector_load %arg13[%get3A_1418, %get3A_1419] {strides = array<i32>} : memref<128x64xf32, #tpu.memory_space<vmem>>, vector<1x16xf32>,
        %get3A_1421 = vector.shape_cast %get3A_1420 : vector<1x16xf32> to vector<16xf32>
        %add3A_1422 = arith.addf %add3A_1411, %get3A_1421 : vector<16xf32>
        %max3A_1423 = arith.maximumf %max3A_1412, %get3A_1421 : vector<16xf32>
        %min3A_1424 = arith.minimumf %min3A_1413, %get3A_1421 : vector<16xf32>
        %mul3A_1425 = arith.mulf %get3A_1421, %get3A_1421 : vector<16xf32>
        %add3A_1426 = arith.addf %add3A_1415, %mul3A_1425 : vector<16xf32>
        %add3A_1427 = arith.constant 6 : i32
        %add3A_1428 = arith.addi %mul3A_791, %add3A_1427 : i32
        %get3A_1429 = arith.index_cast %add3A_1428 : i32 to index
        %get3A_1430 = arith.constant 48 : index
        %get3A_1431 = tpu.vector_load %arg13[%get3A_1429, %get3A_1430] {strides = array<i32>} : memref<128x64xf32, #tpu.memory_space<vmem>>, vector<1x16xf32>,
        %get3A_1432 = vector.shape_cast %get3A_1431 : vector<1x16xf32> to vector<16xf32>
        %add3A_1433 = arith.addf %add3A_1422, %get3A_1432 : vector<16xf32>
        %max3A_1434 = arith.maximumf %max3A_1423, %get3A_1432 : vector<16xf32>
        %min3A_1435 = arith.minimumf %min3A_1424, %get3A_1432 : vector<16xf32>
        %mul3A_1436 = arith.mulf %get3A_1432, %get3A_1432 : vector<16xf32>
        %add3A_1437 = arith.addf %add3A_1426, %mul3A_1436 : vector<16xf32>
        %add3A_1438 = arith.constant 7 : i32
        %add3A_1439 = arith.addi %mul3A_791, %add3A_1438 : i32
        %get3A_1440 = arith.index_cast %add3A_1439 : i32 to index
        %get3A_1441 = arith.constant 48 : index
        %get3A_1442 = tpu.vector_load %arg13[%get3A_1440, %get3A_1441] {strides = array<i32>} : memref<128x64xf32, #tpu.memory_space<vmem>>, vector<1x16xf32>,
        %get3A_1443 = vector.shape_cast %get3A_1442 : vector<1x16xf32> to vector<16xf32>
        %add3A_1444 = arith.addf %add3A_1433, %get3A_1443 : vector<16xf32>
        %max3A_1445 = arith.maximumf %max3A_1434, %get3A_1443 : vector<16xf32>
        %min3A_1446 = arith.minimumf %min3A_1435, %get3A_1443 : vector<16xf32>
        %mul3A_1447 = arith.mulf %get3A_1443, %get3A_1443 : vector<16xf32>
        %add3A_1448 = arith.addf %add3A_1437, %mul3A_1447 : vector<16xf32>
        %add3A_1449 = arith.constant 8 : i32
        %add3A_1450 = arith.addi %mul3A_791, %add3A_1449 : i32
        %get3A_1451 = arith.index_cast %add3A_1450 : i32 to index
        %get3A_1452 = arith.constant 48 : index
        %get3A_1453 = tpu.vector_load %arg13[%get3A_1451, %get3A_1452] {strides = array<i32>} : memref<128x64xf32, #tpu.memory_space<vmem>>, vector<1x16xf32>,
        %get3A_1454 = vector.shape_cast %get3A_1453 : vector<1x16xf32> to vector<16xf32>
        %add3A_1455 = arith.addf %add3A_1444, %get3A_1454 : vector<16xf32>
        %max3A_1456 = arith.maximumf %max3A_1445, %get3A_1454 : vector<16xf32>
        %min3A_1457 = arith.minimumf %min3A_1446, %get3A_1454 : vector<16xf32>
        %mul3A_1458 = arith.mulf %get3A_1454, %get3A_1454 : vector<16xf32>
        %add3A_1459 = arith.addf %add3A_1448, %mul3A_1458 : vector<16xf32>
        %add3A_1460 = arith.constant 9 : i32
        %add3A_1461 = arith.addi %mul3A_791, %add3A_1460 : i32
        %get3A_1462 = arith.index_cast %add3A_1461 : i32 to index
        %get3A_1463 = arith.constant 48 : index
        %get3A_1464 = tpu.vector_load %arg13[%get3A_1462, %get3A_1463] {strides = array<i32>} : memref<128x64xf32, #tpu.memory_space<vmem>>, vector<1x16xf32>,
        %get3A_1465 = vector.shape_cast %get3A_1464 : vector<1x16xf32> to vector<16xf32>
        %add3A_1466 = arith.addf %add3A_1455, %get3A_1465 : vector<16xf32>
        %max3A_1467 = arith.maximumf %max3A_1456, %get3A_1465 : vector<16xf32>
        %min3A_1468 = arith.minimumf %min3A_1457, %get3A_1465 : vector<16xf32>
        %mul3A_1469 = arith.mulf %get3A_1465, %get3A_1465 : vector<16xf32>
        %add3A_1470 = arith.addf %add3A_1459, %mul3A_1469 : vector<16xf32>
        %add3A_1471 = arith.constant 10 : i32
        %add3A_1472 = arith.addi %mul3A_791, %add3A_1471 : i32
        %get3A_1473 = arith.index_cast %add3A_1472 : i32 to index
        %get3A_1474 = arith.constant 48 : index
        %get3A_1475 = tpu.vector_load %arg13[%get3A_1473, %get3A_1474] {strides = array<i32>} : memref<128x64xf32, #tpu.memory_space<vmem>>, vector<1x16xf32>,
        %get3A_1476 = vector.shape_cast %get3A_1475 : vector<1x16xf32> to vector<16xf32>
        %add3A_1477 = arith.addf %add3A_1466, %get3A_1476 : vector<16xf32>
        %max3A_1478 = arith.maximumf %max3A_1467, %get3A_1476 : vector<16xf32>
        %min3A_1479 = arith.minimumf %min3A_1468, %get3A_1476 : vector<16xf32>
        %mul3A_1480 = arith.mulf %get3A_1476, %get3A_1476 : vector<16xf32>
        %add3A_1481 = arith.addf %add3A_1470, %mul3A_1480 : vector<16xf32>
        %add3A_1482 = arith.constant 11 : i32
        %add3A_1483 = arith.addi %mul3A_791, %add3A_1482 : i32
        %get3A_1484 = arith.index_cast %add3A_1483 : i32 to index
        %get3A_1485 = arith.constant 48 : index
        %get3A_1486 = tpu.vector_load %arg13[%get3A_1484, %get3A_1485] {strides = array<i32>} : memref<128x64xf32, #tpu.memory_space<vmem>>, vector<1x16xf32>,
        %get3A_1487 = vector.shape_cast %get3A_1486 : vector<1x16xf32> to vector<16xf32>
        %add3A_1488 = arith.addf %add3A_1477, %get3A_1487 : vector<16xf32>
        %max3A_1489 = arith.maximumf %max3A_1478, %get3A_1487 : vector<16xf32>
        %min3A_1490 = arith.minimumf %min3A_1479, %get3A_1487 : vector<16xf32>
        %mul3A_1491 = arith.mulf %get3A_1487, %get3A_1487 : vector<16xf32>
        %add3A_1492 = arith.addf %add3A_1481, %mul3A_1491 : vector<16xf32>
        %add3A_1493 = arith.constant 12 : i32
        %add3A_1494 = arith.addi %mul3A_791, %add3A_1493 : i32
        %get3A_1495 = arith.index_cast %add3A_1494 : i32 to index
        %get3A_1496 = arith.constant 48 : index
        %get3A_1497 = tpu.vector_load %arg13[%get3A_1495, %get3A_1496] {strides = array<i32>} : memref<128x64xf32, #tpu.memory_space<vmem>>, vector<1x16xf32>,
        %get3A_1498 = vector.shape_cast %get3A_1497 : vector<1x16xf32> to vector<16xf32>
        %add3A_1499 = arith.addf %add3A_1488, %get3A_1498 : vector<16xf32>
        %max3A_1500 = arith.maximumf %max3A_1489, %get3A_1498 : vector<16xf32>
        %min3A_1501 = arith.minimumf %min3A_1490, %get3A_1498 : vector<16xf32>
        %mul3A_1502 = arith.mulf %get3A_1498, %get3A_1498 : vector<16xf32>
        %add3A_1503 = arith.addf %add3A_1492, %mul3A_1502 : vector<16xf32>
        %add3A_1504 = arith.constant 13 : i32
        %add3A_1505 = arith.addi %mul3A_791, %add3A_1504 : i32
        %get3A_1506 = arith.index_cast %add3A_1505 : i32 to index
        %get3A_1507 = arith.constant 48 : index
        %get3A_1508 = tpu.vector_load %arg13[%get3A_1506, %get3A_1507] {strides = array<i32>} : memref<128x64xf32, #tpu.memory_space<vmem>>, vector<1x16xf32>,
        %get3A_1509 = vector.shape_cast %get3A_1508 : vector<1x16xf32> to vector<16xf32>
        %add3A_1510 = arith.addf %add3A_1499, %get3A_1509 : vector<16xf32>
        %max3A_1511 = arith.maximumf %max3A_1500, %get3A_1509 : vector<16xf32>
        %min3A_1512 = arith.minimumf %min3A_1501, %get3A_1509 : vector<16xf32>
        %mul3A_1513 = arith.mulf %get3A_1509, %get3A_1509 : vector<16xf32>
        %add3A_1514 = arith.addf %add3A_1503, %mul3A_1513 : vector<16xf32>
        %add3A_1515 = arith.constant 14 : i32
        %add3A_1516 = arith.addi %mul3A_791, %add3A_1515 : i32
        %get3A_1517 = arith.index_cast %add3A_1516 : i32 to index
        %get3A_1518 = arith.constant 48 : index
        %get3A_1519 = tpu.vector_load %arg13[%get3A_1517, %get3A_1518] {strides = array<i32>} : memref<128x64xf32, #tpu.memory_space<vmem>>, vector<1x16xf32>,
        %get3A_1520 = vector.shape_cast %get3A_1519 : vector<1x16xf32> to vector<16xf32>
        %add3A_1521 = arith.addf %add3A_1510, %get3A_1520 : vector<16xf32>
        %max3A_1522 = arith.maximumf %max3A_1511, %get3A_1520 : vector<16xf32>
        %min3A_1523 = arith.minimumf %min3A_1512, %get3A_1520 : vector<16xf32>
        %mul3A_1524 = arith.mulf %get3A_1520, %get3A_1520 : vector<16xf32>
        %add3A_1525 = arith.addf %add3A_1514, %mul3A_1524 : vector<16xf32>
        %add3A_1526 = arith.constant 15 : i32
        %add3A_1527 = arith.addi %mul3A_791, %add3A_1526 : i32
        %get3A_1528 = arith.index_cast %add3A_1527 : i32 to index
        %get3A_1529 = arith.constant 48 : index
        %get3A_1530 = tpu.vector_load %arg13[%get3A_1528, %get3A_1529] {strides = array<i32>} : memref<128x64xf32, #tpu.memory_space<vmem>>, vector<1x16xf32>,
        %get3A_1531 = vector.shape_cast %get3A_1530 : vector<1x16xf32> to vector<16xf32>
        %add3A_1532 = arith.addf %add3A_1521, %get3A_1531 : vector<16xf32>
        %max3A_1533 = arith.maximumf %max3A_1522, %get3A_1531 : vector<16xf32>
        %min3A_1534 = arith.minimumf %min3A_1523, %get3A_1531 : vector<16xf32>
        %mul3A_1535 = arith.mulf %get3A_1531, %get3A_1531 : vector<16xf32>
        %add3A_1536 = arith.addf %add3A_1525, %mul3A_1535 : vector<16xf32>
        %swap3A_1537 = arith.constant 1 : i32
        %swap3A_1538 = arith.index_cast %swap3A_1537 : i32 to index
        %swap3A_1539 = arith.index_cast %scan3A_785 : i32 to index
        %swap3A_1540 = arith.constant 48 : index
        %swap3A_1541 = tpu.vector_load %arg14[%swap3A_1538, %swap3A_1539, %swap3A_1540] {strides = array<i32>} : memref<2x8x64xf32, #tpu.memory_space<vmem>>, vector<1x1x16xf32>,
        %swap3A_1542 = vector.shape_cast %swap3A_1541 : vector<1x1x16xf32> to vector<16xf32>
        %swap3A_1543 = vector.shape_cast %add3A_1532 : vector<16xf32> to vector<1x1x16xf32>
        tpu.vector_store %arg14[%swap3A_1538, %swap3A_1539, %swap3A_1540], %swap3A_1543 {strides = array<i32>} : memref<2x8x64xf32, #tpu.memory_space<vmem>>, vector<1x1x16xf32>,
        %swap3A_1544 = arith.constant 1 : i32
        %swap3A_1545 = arith.index_cast %swap3A_1544 : i32 to index
        %swap3A_1546 = arith.index_cast %scan3A_785 : i32 to index
        %swap3A_1547 = arith.constant 48 : index
        %swap3A_1548 = tpu.vector_load %arg15[%swap3A_1545, %swap3A_1546, %swap3A_1547] {strides = array<i32>} : memref<2x8x64xf32, #tpu.memory_space<vmem>>, vector<1x1x16xf32>,
        %swap3A_1549 = vector.shape_cast %swap3A_1548 : vector<1x1x16xf32> to vector<16xf32>
        %swap3A_1550 = vector.shape_cast %max3A_1533 : vector<16xf32> to vector<1x1x16xf32>
        tpu.vector_store %arg15[%swap3A_1545, %swap3A_1546, %swap3A_1547], %swap3A_1550 {strides = array<i32>} : memref<2x8x64xf32, #tpu.memory_space<vmem>>, vector<1x1x16xf32>,
        %swap3A_1551 = arith.constant 1 : i32
        %swap3A_1552 = arith.index_cast %swap3A_1551 : i32 to index
        %swap3A_1553 = arith.index_cast %scan3A_785 : i32 to index
        %swap3A_1554 = arith.constant 48 : index
        %swap3A_1555 = tpu.vector_load %arg16[%swap3A_1552, %swap3A_1553, %swap3A_1554] {strides = array<i32>} : memref<2x8x64xf32, #tpu.memory_space<vmem>>, vector<1x1x16xf32>,
        %swap3A_1556 = vector.shape_cast %swap3A_1555 : vector<1x1x16xf32> to vector<16xf32>
        %swap3A_1557 = vector.shape_cast %min3A_1534 : vector<16xf32> to vector<1x1x16xf32>
        tpu.vector_store %arg16[%swap3A_1552, %swap3A_1553, %swap3A_1554], %swap3A_1557 {strides = array<i32>} : memref<2x8x64xf32, #tpu.memory_space<vmem>>, vector<1x1x16xf32>,
        scf.yield %add3A_960, %add3A_1152, %add3A_1344, %add3A_1536 : vector<16xf32>, vector<16xf32>, vector<16xf32>, vector<16xf32>
      }
      %scan3A_735 = arith.constant 8 : i32
      %mul3A_736 = arith.constant 8 : i32
      %mul3A_737 = arith.muli %add3A_718, %mul3A_736 : i32
      %add3A_738 = arith.addi %mul3A_2, %mul3A_737 : i32
      %dma_start3A_739 = arith.constant 1 : i32
      %dma_start3A_740 = arith.constant 0 : i32
      %dma_start3A_741 = arith.constant 0 : i32
      %dma_start3A_742 = tpu.memref_slice %arg14[%dma_start3A_739, %dma_start3A_740, %dma_start3A_741] : memref<2x8x64xf32, #tpu.memory_space<vmem>> -> memref<1x8x64xf32, #tpu.memory_space<vmem>>
      %dma_start3A_743 = tpu.memref_squeeze %dma_start3A_742 : memref<1x8x64xf32, #tpu.memory_space<vmem>> -> memref<8x64xf32, #tpu.memory_space<vmem>>
      %dma_start3A_744 = arith.constant 0 : i32
      %dma_start3A_745 = tpu.memref_slice %arg5[%add3A_738, %dma_start3A_744] : memref<16384x64xf32, #tpu.memory_space<hbm>> -> memref<8x64xf32, #tpu.memory_space<hbm>>
      %dma_start3A_746 = arith.constant 0 : i32
      %dma_start3A_747 = tpu.memref_slice %arg5[%add3A_738, %dma_start3A_746] : memref<16384x64xf32, #tpu.memory_space<hbm>> -> memref<8x64xf32, #tpu.memory_space<hbm>>
      %dma_start3A_748 = arith.constant 0 : i32
      %dma_start3A_749 = arith.constant 0 : i32
      %dma_start3A_750 = tpu.memref_slice %arg14[%dma_start3A_739, %dma_start3A_748, %dma_start3A_749] : memref<2x8x64xf32, #tpu.memory_space<vmem>> -> memref<1x8x64xf32, #tpu.memory_space<vmem>>
      %dma_start3A_751 = tpu.memref_squeeze %dma_start3A_750 : memref<1x8x64xf32, #tpu.memory_space<vmem>> -> memref<8x64xf32, #tpu.memory_space<vmem>>
      tpu.enqueue_dma source(%dma_start3A_751 : memref<8x64xf32, #tpu.memory_space<vmem>>) target(%dma_start3A_747 : memref<8x64xf32, #tpu.memory_space<hbm>>) target_semaphore(%arg21 : memref<!tpu.dma_semaphore, #tpu.memory_space<semaphore_mem>>)
      %dma_start3A_752 = arith.constant 1 : i32
      %dma_start3A_753 = arith.constant 0 : i32
      %dma_start3A_754 = arith.constant 0 : i32
      %dma_start3A_755 = tpu.memref_slice %arg15[%dma_start3A_752, %dma_start3A_753, %dma_start3A_754] : memref<2x8x64xf32, #tpu.memory_space<vmem>> -> memref<1x8x64xf32, #tpu.memory_space<vmem>>
      %dma_start3A_756 = tpu.memref_squeeze %dma_start3A_755 : memref<1x8x64xf32, #tpu.memory_space<vmem>> -> memref<8x64xf32, #tpu.memory_space<vmem>>
      %dma_start3A_757 = arith.constant 0 : i32
      %dma_start3A_758 = tpu.memref_slice %arg6[%add3A_738, %dma_start3A_757] : memref<16384x64xf32, #tpu.memory_space<hbm>> -> memref<8x64xf32, #tpu.memory_space<hbm>>
      %dma_start3A_759 = arith.constant 0 : i32
      %dma_start3A_760 = tpu.memref_slice %arg6[%add3A_738, %dma_start3A_759] : memref<16384x64xf32, #tpu.memory_space<hbm>> -> memref<8x64xf32, #tpu.memory_space<hbm>>
      %dma_start3A_761 = arith.constant 0 : i32
      %dma_start3A_762 = arith.constant 0 : i32
      %dma_start3A_763 = tpu.memref_slice %arg15[%dma_start3A_752, %dma_start3A_761, %dma_start3A_762] : memref<2x8x64xf32, #tpu.memory_space<vmem>> -> memref<1x8x64xf32, #tpu.memory_space<vmem>>
      %dma_start3A_764 = tpu.memref_squeeze %dma_start3A_763 : memref<1x8x64xf32, #tpu.memory_space<vmem>> -> memref<8x64xf32, #tpu.memory_space<vmem>>
      tpu.enqueue_dma source(%dma_start3A_764 : memref<8x64xf32, #tpu.memory_space<vmem>>) target(%dma_start3A_760 : memref<8x64xf32, #tpu.memory_space<hbm>>) target_semaphore(%arg21 : memref<!tpu.dma_semaphore, #tpu.memory_space<semaphore_mem>>)
      %dma_start3A_765 = arith.constant 1 : i32
      %dma_start3A_766 = arith.constant 0 : i32
      %dma_start3A_767 = arith.constant 0 : i32
      %dma_start3A_768 = tpu.memref_slice %arg16[%dma_start3A_765, %dma_start3A_766, %dma_start3A_767] : memref<2x8x64xf32, #tpu.memory_space<vmem>> -> memref<1x8x64xf32, #tpu.memory_space<vmem>>
      %dma_start3A_769 = tpu.memref_squeeze %dma_start3A_768 : memref<1x8x64xf32, #tpu.memory_space<vmem>> -> memref<8x64xf32, #tpu.memory_space<vmem>>
      %dma_start3A_770 = arith.constant 0 : i32
      %dma_start3A_771 = tpu.memref_slice %arg7[%add3A_738, %dma_start3A_770] : memref<16384x64xf32, #tpu.memory_space<hbm>> -> memref<8x64xf32, #tpu.memory_space<hbm>>
      %dma_start3A_772 = arith.constant 0 : i32
      %dma_start3A_773 = tpu.memref_slice %arg7[%add3A_738, %dma_start3A_772] : memref<16384x64xf32, #tpu.memory_space<hbm>> -> memref<8x64xf32, #tpu.memory_space<hbm>>
      %dma_start3A_774 = arith.constant 0 : i32
      %dma_start3A_775 = arith.constant 0 : i32
      %dma_start3A_776 = tpu.memref_slice %arg16[%dma_start3A_765, %dma_start3A_774, %dma_start3A_775] : memref<2x8x64xf32, #tpu.memory_space<vmem>> -> memref<1x8x64xf32, #tpu.memory_space<vmem>>
      %dma_start3A_777 = tpu.memref_squeeze %dma_start3A_776 : memref<1x8x64xf32, #tpu.memory_space<vmem>> -> memref<8x64xf32, #tpu.memory_space<vmem>>
      tpu.enqueue_dma source(%dma_start3A_777 : memref<8x64xf32, #tpu.memory_space<vmem>>) target(%dma_start3A_773 : memref<8x64xf32, #tpu.memory_space<hbm>>) target_semaphore(%arg21 : memref<!tpu.dma_semaphore, #tpu.memory_space<semaphore_mem>>)
      %add3A_778 = arith.constant 2 : i32
      %add3A_779 = arith.addi %add3A_718, %add3A_778 : i32
      %lt3A_780 = arith.constant 64 : i32
      %lt3A_781 = arith.cmpi slt, %add3A_779, %lt3A_780 : i32
      %convert_element_type3A_782 = arith.extui %lt3A_781 : i1 to i32
      %cond3A_783 = arith.constant 0 : i32
      %cond3A_784 = arith.cmpi ne, %convert_element_type3A_782, %cond3A_783 : i32
      scf.if %cond3A_784 {
        %add3A_785 = arith.constant 2 : i32
        %add3A_786 = arith.addi %add3A_718, %add3A_785 : i32
        %dma_start3A_787 = arith.constant 0 : i32
        %dma_start3A_788 = tpu.memref_slice %arg11[%add3A_786, %dma_start3A_787] : memref<64x128xi32, #tpu.memory_space<vmem>> -> memref<1x128xi32, #tpu.memory_space<vmem>>
        %dma_start3A_789 = tpu.memref_squeeze %dma_start3A_788 : memref<1x128xi32, #tpu.memory_space<vmem>> -> memref<128xi32, #tpu.memory_space<vmem>>
        %dma_start3A_790 = arith.constant 0 : i32
        %dma_start3A_791 = arith.constant 0 : i32
        %dma_start3A_792 = tpu.memref_slice %arg4[%dma_start3A_790, %dma_start3A_791] : memref<65536x64xf32, #tpu.memory_space<hbm>> -> memref<65536x64xf32, #tpu.memory_space<hbm>>
        tpu.enqueue_indirect_dma source(%dma_start3A_792 : memref<65536x64xf32, #tpu.memory_space<hbm>>) target(%arg13 : memref<128x64xf32, #tpu.memory_space<vmem>>) offsets(%dma_start3A_789 : memref<128xi32, #tpu.memory_space<vmem>>) semaphore(%arg19 : memref<!tpu.dma_semaphore, #tpu.memory_space<semaphore_mem>>)
      } else {
      }
      scf.yield %scan3A_734#0, %scan3A_734#1, %scan3A_734#2, %scan3A_734#3 : vector<16xf32>, vector<16xf32>, vector<16xf32>, vector<16xf32>
    }
    %scan3A_541 = arith.constant 32 : i32
    %dma_wait3A_542 = arith.constant 0 : i32
    %dma_wait3A_543 = arith.constant 0 : i32
    %dma_wait3A_544 = arith.constant 0 : i32
    %dma_wait3A_545 = tpu.memref_slice %arg14[%dma_wait3A_542, %dma_wait3A_543, %dma_wait3A_544] : memref<2x8x64xf32, #tpu.memory_space<vmem>> -> memref<1x8x64xf32, #tpu.memory_space<vmem>>
    %dma_wait3A_546 = tpu.memref_squeeze %dma_wait3A_545 : memref<1x8x64xf32, #tpu.memory_space<vmem>> -> memref<8x64xf32, #tpu.memory_space<vmem>>
    %dma_wait3A_547 = arith.constant 0 : i32
    %dma_wait3A_548 = tpu.memref_slice %arg5[%mul3A_2, %dma_wait3A_547] : memref<16384x64xf32, #tpu.memory_space<hbm>> -> memref<8x64xf32, #tpu.memory_space<hbm>>
    %dma_wait3A_549 = arith.constant 0 : i32
    %dma_wait3A_550 = tpu.memref_slice %arg5[%mul3A_2, %dma_wait3A_549] : memref<16384x64xf32, #tpu.memory_space<hbm>> -> memref<8x64xf32, #tpu.memory_space<hbm>>
    %dma_wait3A_551 = arith.constant 0 : i32
    %dma_wait3A_552 = arith.constant 0 : i32
    %dma_wait3A_553 = tpu.memref_slice %arg14[%dma_wait3A_542, %dma_wait3A_551, %dma_wait3A_552] : memref<2x8x64xf32, #tpu.memory_space<vmem>> -> memref<1x8x64xf32, #tpu.memory_space<vmem>>
    %dma_wait3A_554 = tpu.memref_squeeze %dma_wait3A_553 : memref<1x8x64xf32, #tpu.memory_space<vmem>> -> memref<8x64xf32, #tpu.memory_space<vmem>>
    tpu.wait_dma2 semaphore(%arg20 : memref<!tpu.dma_semaphore, #tpu.memory_space<semaphore_mem>>) src(%dma_wait3A_554 : memref<8x64xf32, #tpu.memory_space<vmem>>) dst(%dma_wait3A_550 : memref<8x64xf32, #tpu.memory_space<hbm>>)
    %dma_wait3A_555 = arith.constant 0 : i32
    %dma_wait3A_556 = arith.constant 0 : i32
    %dma_wait3A_557 = arith.constant 0 : i32
    %dma_wait3A_558 = tpu.memref_slice %arg15[%dma_wait3A_555, %dma_wait3A_556, %dma_wait3A_557] : memref<2x8x64xf32, #tpu.memory_space<vmem>> -> memref<1x8x64xf32, #tpu.memory_space<vmem>>
    %dma_wait3A_559 = tpu.memref_squeeze %dma_wait3A_558 : memref<1x8x64xf32, #tpu.memory_space<vmem>> -> memref<8x64xf32, #tpu.memory_space<vmem>>
    %dma_wait3A_560 = arith.constant 0 : i32
    %dma_wait3A_561 = tpu.memref_slice %arg6[%mul3A_2, %dma_wait3A_560] : memref<16384x64xf32, #tpu.memory_space<hbm>> -> memref<8x64xf32, #tpu.memory_space<hbm>>
    %dma_wait3A_562 = arith.constant 0 : i32
    %dma_wait3A_563 = tpu.memref_slice %arg6[%mul3A_2, %dma_wait3A_562] : memref<16384x64xf32, #tpu.memory_space<hbm>> -> memref<8x64xf32, #tpu.memory_space<hbm>>
    %dma_wait3A_564 = arith.constant 0 : i32
    %dma_wait3A_565 = arith.constant 0 : i32
    %dma_wait3A_566 = tpu.memref_slice %arg15[%dma_wait3A_555, %dma_wait3A_564, %dma_wait3A_565] : memref<2x8x64xf32, #tpu.memory_space<vmem>> -> memref<1x8x64xf32, #tpu.memory_space<vmem>>
    %dma_wait3A_567 = tpu.memref_squeeze %dma_wait3A_566 : memref<1x8x64xf32, #tpu.memory_space<vmem>> -> memref<8x64xf32, #tpu.memory_space<vmem>>
    tpu.wait_dma2 semaphore(%arg20 : memref<!tpu.dma_semaphore, #tpu.memory_space<semaphore_mem>>) src(%dma_wait3A_567 : memref<8x64xf32, #tpu.memory_space<vmem>>) dst(%dma_wait3A_563 : memref<8x64xf32, #tpu.memory_space<hbm>>)
    %dma_wait3A_568 = arith.constant 0 : i32
    %dma_wait3A_569 = arith.constant 0 : i32
    %dma_wait3A_570 = arith.constant 0 : i32
    %dma_wait3A_571 = tpu.memref_slice %arg16[%dma_wait3A_568, %dma_wait3A_569, %dma_wait3A_570] : memref<2x8x64xf32, #tpu.memory_space<vmem>> -> memref<1x8x64xf32, #tpu.memory_space<vmem>>
    %dma_wait3A_572 = tpu.memref_squeeze %dma_wait3A_571 : memref<1x8x64xf32, #tpu.memory_space<vmem>> -> memref<8x64xf32, #tpu.memory_space<vmem>>
    %dma_wait3A_573 = arith.constant 0 : i32
    %dma_wait3A_574 = tpu.memref_slice %arg7[%mul3A_2, %dma_wait3A_573] : memref<16384x64xf32, #tpu.memory_space<hbm>> -> memref<8x64xf32, #tpu.memory_space<hbm>>
    %dma_wait3A_575 = arith.constant 0 : i32
    %dma_wait3A_576 = tpu.memref_slice %arg7[%mul3A_2, %dma_wait3A_575] : memref<16384x64xf32, #tpu.memory_space<hbm>> -> memref<8x64xf32, #tpu.memory_space<hbm>>
    %dma_wait3A_577 = arith.constant 0 : i32
    %dma_wait3A_578 = arith.constant 0 : i32
    %dma_wait3A_579 = tpu.memref_slice %arg16[%dma_wait3A_568, %dma_wait3A_577, %dma_wait3A_578] : memref<2x8x64xf32, #tpu.memory_space<vmem>> -> memref<1x8x64xf32, #tpu.memory_space<vmem>>
    %dma_wait3A_580 = tpu.memref_squeeze %dma_wait3A_579 : memref<1x8x64xf32, #tpu.memory_space<vmem>> -> memref<8x64xf32, #tpu.memory_space<vmem>>
    tpu.wait_dma2 semaphore(%arg20 : memref<!tpu.dma_semaphore, #tpu.memory_space<semaphore_mem>>) src(%dma_wait3A_580 : memref<8x64xf32, #tpu.memory_space<vmem>>) dst(%dma_wait3A_576 : memref<8x64xf32, #tpu.memory_space<hbm>>)
    %dma_wait3A_581 = arith.constant 1 : i32
    %dma_wait3A_582 = arith.constant 0 : i32
    %dma_wait3A_583 = arith.constant 0 : i32
    %dma_wait3A_584 = tpu.memref_slice %arg14[%dma_wait3A_581, %dma_wait3A_582, %dma_wait3A_583] : memref<2x8x64xf32, #tpu.memory_space<vmem>> -> memref<1x8x64xf32, #tpu.memory_space<vmem>>
    %dma_wait3A_585 = tpu.memref_squeeze %dma_wait3A_584 : memref<1x8x64xf32, #tpu.memory_space<vmem>> -> memref<8x64xf32, #tpu.memory_space<vmem>>
    %dma_wait3A_586 = arith.constant 0 : i32
    %dma_wait3A_587 = tpu.memref_slice %arg5[%mul3A_2, %dma_wait3A_586] : memref<16384x64xf32, #tpu.memory_space<hbm>> -> memref<8x64xf32, #tpu.memory_space<hbm>>
    %dma_wait3A_588 = arith.constant 0 : i32
    %dma_wait3A_589 = tpu.memref_slice %arg5[%mul3A_2, %dma_wait3A_588] : memref<16384x64xf32, #tpu.memory_space<hbm>> -> memref<8x64xf32, #tpu.memory_space<hbm>>
    %dma_wait3A_590 = arith.constant 0 : i32
    %dma_wait3A_591 = arith.constant 0 : i32
    %dma_wait3A_592 = tpu.memref_slice %arg14[%dma_wait3A_581, %dma_wait3A_590, %dma_wait3A_591] : memref<2x8x64xf32, #tpu.memory_space<vmem>> -> memref<1x8x64xf32, #tpu.memory_space<vmem>>
    %dma_wait3A_593 = tpu.memref_squeeze %dma_wait3A_592 : memref<1x8x64xf32, #tpu.memory_space<vmem>> -> memref<8x64xf32, #tpu.memory_space<vmem>>
    tpu.wait_dma2 semaphore(%arg21 : memref<!tpu.dma_semaphore, #tpu.memory_space<semaphore_mem>>) src(%dma_wait3A_593 : memref<8x64xf32, #tpu.memory_space<vmem>>) dst(%dma_wait3A_589 : memref<8x64xf32, #tpu.memory_space<hbm>>)
    %dma_wait3A_594 = arith.constant 1 : i32
    %dma_wait3A_595 = arith.constant 0 : i32
    %dma_wait3A_596 = arith.constant 0 : i32
    %dma_wait3A_597 = tpu.memref_slice %arg15[%dma_wait3A_594, %dma_wait3A_595, %dma_wait3A_596] : memref<2x8x64xf32, #tpu.memory_space<vmem>> -> memref<1x8x64xf32, #tpu.memory_space<vmem>>
    %dma_wait3A_598 = tpu.memref_squeeze %dma_wait3A_597 : memref<1x8x64xf32, #tpu.memory_space<vmem>> -> memref<8x64xf32, #tpu.memory_space<vmem>>
    %dma_wait3A_599 = arith.constant 0 : i32
    %dma_wait3A_600 = tpu.memref_slice %arg6[%mul3A_2, %dma_wait3A_599] : memref<16384x64xf32, #tpu.memory_space<hbm>> -> memref<8x64xf32, #tpu.memory_space<hbm>>
    %dma_wait3A_601 = arith.constant 0 : i32
    %dma_wait3A_602 = tpu.memref_slice %arg6[%mul3A_2, %dma_wait3A_601] : memref<16384x64xf32, #tpu.memory_space<hbm>> -> memref<8x64xf32, #tpu.memory_space<hbm>>
    %dma_wait3A_603 = arith.constant 0 : i32
    %dma_wait3A_604 = arith.constant 0 : i32
    %dma_wait3A_605 = tpu.memref_slice %arg15[%dma_wait3A_594, %dma_wait3A_603, %dma_wait3A_604] : memref<2x8x64xf32, #tpu.memory_space<vmem>> -> memref<1x8x64xf32, #tpu.memory_space<vmem>>
    %dma_wait3A_606 = tpu.memref_squeeze %dma_wait3A_605 : memref<1x8x64xf32, #tpu.memory_space<vmem>> -> memref<8x64xf32, #tpu.memory_space<vmem>>
    tpu.wait_dma2 semaphore(%arg21 : memref<!tpu.dma_semaphore, #tpu.memory_space<semaphore_mem>>) src(%dma_wait3A_606 : memref<8x64xf32, #tpu.memory_space<vmem>>) dst(%dma_wait3A_602 : memref<8x64xf32, #tpu.memory_space<hbm>>)
    %dma_wait3A_607 = arith.constant 1 : i32
    %dma_wait3A_608 = arith.constant 0 : i32
    %dma_wait3A_609 = arith.constant 0 : i32
    %dma_wait3A_610 = tpu.memref_slice %arg16[%dma_wait3A_607, %dma_wait3A_608, %dma_wait3A_609] : memref<2x8x64xf32, #tpu.memory_space<vmem>> -> memref<1x8x64xf32, #tpu.memory_space<vmem>>
    %dma_wait3A_611 = tpu.memref_squeeze %dma_wait3A_610 : memref<1x8x64xf32, #tpu.memory_space<vmem>> -> memref<8x64xf32, #tpu.memory_space<vmem>>
    %dma_wait3A_612 = arith.constant 0 : i32
    %dma_wait3A_613 = tpu.memref_slice %arg7[%mul3A_2, %dma_wait3A_612] : memref<16384x64xf32, #tpu.memory_space<hbm>> -> memref<8x64xf32, #tpu.memory_space<hbm>>
    %dma_wait3A_614 = arith.constant 0 : i32
    %dma_wait3A_615 = tpu.memref_slice %arg7[%mul3A_2, %dma_wait3A_614] : memref<16384x64xf32, #tpu.memory_space<hbm>> -> memref<8x64xf32, #tpu.memory_space<hbm>>
    %dma_wait3A_616 = arith.constant 0 : i32
    %dma_wait3A_617 = arith.constant 0 : i32
    %dma_wait3A_618 = tpu.memref_slice %arg16[%dma_wait3A_607, %dma_wait3A_616, %dma_wait3A_617] : memref<2x8x64xf32, #tpu.memory_space<vmem>> -> memref<1x8x64xf32, #tpu.memory_space<vmem>>
    %dma_wait3A_619 = tpu.memref_squeeze %dma_wait3A_618 : memref<1x8x64xf32, #tpu.memory_space<vmem>> -> memref<8x64xf32, #tpu.memory_space<vmem>>
    tpu.wait_dma2 semaphore(%arg21 : memref<!tpu.dma_semaphore, #tpu.memory_space<semaphore_mem>>) src(%dma_wait3A_619 : memref<8x64xf32, #tpu.memory_space<vmem>>) dst(%dma_wait3A_615 : memref<8x64xf32, #tpu.memory_space<hbm>>)
    %swap3A_620 = arith.constant 0 : i32
    %swap3A_621 = arith.index_cast %swap3A_620 : i32 to index
    %swap3A_622 = arith.constant 0 : index
    %swap3A_623 = tpu.vector_load %arg17[%swap3A_621, %swap3A_622] {strides = array<i32>} : memref<1x64xf32, #tpu.memory_space<vmem>>, vector<1x16xf32>,
    %swap3A_624 = vector.shape_cast %swap3A_623 : vector<1x16xf32> to vector<16xf32>
    %swap3A_625 = vector.shape_cast %scan3A_540#0 : vector<16xf32> to vector<1x16xf32>
    tpu.vector_store %arg17[%swap3A_621, %swap3A_622], %swap3A_625 {strides = array<i32>} : memref<1x64xf32, #tpu.memory_space<vmem>>, vector<1x16xf32>,
    %swap3A_626 = arith.constant 0 : i32
    %swap3A_627 = arith.index_cast %swap3A_626 : i32 to index
    %swap3A_628 = arith.constant 16 : index
    %swap3A_629 = tpu.vector_load %arg17[%swap3A_627, %swap3A_628] {strides = array<i32>} : memref<1x64xf32, #tpu.memory_space<vmem>>, vector<1x16xf32>,
    %swap3A_630 = vector.shape_cast %swap3A_629 : vector<1x16xf32> to vector<16xf32>
    %swap3A_631 = vector.shape_cast %scan3A_540#1 : vector<16xf32> to vector<1x16xf32>
    tpu.vector_store %arg17[%swap3A_627, %swap3A_628], %swap3A_631 {strides = array<i32>} : memref<1x64xf32, #tpu.memory_space<vmem>>, vector<1x16xf32>,
    %swap3A_632 = arith.constant 0 : i32
    %swap3A_633 = arith.index_cast %swap3A_632 : i32 to index
    %swap3A_634 = arith.constant 32 : index
    %swap3A_635 = tpu.vector_load %arg17[%swap3A_633, %swap3A_634] {strides = array<i32>} : memref<1x64xf32, #tpu.memory_space<vmem>>, vector<1x16xf32>,
    %swap3A_636 = vector.shape_cast %swap3A_635 : vector<1x16xf32> to vector<16xf32>
    %swap3A_637 = vector.shape_cast %scan3A_540#2 : vector<16xf32> to vector<1x16xf32>
    tpu.vector_store %arg17[%swap3A_633, %swap3A_634], %swap3A_637 {strides = array<i32>} : memref<1x64xf32, #tpu.memory_space<vmem>>, vector<1x16xf32>,
    %swap3A_638 = arith.constant 0 : i32
    %swap3A_639 = arith.index_cast %swap3A_638 : i32 to index
    %swap3A_640 = arith.constant 48 : index
    %swap3A_641 = tpu.vector_load %arg17[%swap3A_639, %swap3A_640] {strides = array<i32>} : memref<1x64xf32, #tpu.memory_space<vmem>>, vector<1x16xf32>,
    %swap3A_642 = vector.shape_cast %swap3A_641 : vector<1x16xf32> to vector<16xf32>
    %swap3A_643 = vector.shape_cast %scan3A_540#3 : vector<16xf32> to vector<1x16xf32>
    tpu.vector_store %arg17[%swap3A_639, %swap3A_640], %swap3A_643 {strides = array<i32>} : memref<1x64xf32, #tpu.memory_space<vmem>>, vector<1x16xf32>,
    "tpu.region"() ({
      %run_scoped3A = tpu.sem_alloc : memref<!tpu.dma_semaphore, #tpu.memory_space<semaphore_mem>>
      %dma_start3A_644 = arith.constant 0 : i32
      %dma_start3A_645 = tpu.memref_slice %arg8[%add3A, %dma_start3A_644] : memref<32x64xf32, #tpu.memory_space<hbm>> -> memref<1x64xf32, #tpu.memory_space<hbm>>
      %dma_start3A_646 = arith.constant 0 : i32
      %dma_start3A_647 = tpu.memref_slice %arg8[%add3A, %dma_start3A_646] : memref<32x64xf32, #tpu.memory_space<hbm>> -> memref<1x64xf32, #tpu.memory_space<hbm>>
      tpu.enqueue_dma source(%arg17 : memref<1x64xf32, #tpu.memory_space<vmem>>) target(%dma_start3A_647 : memref<1x64xf32, #tpu.memory_space<hbm>>) target_semaphore(%run_scoped3A : memref<!tpu.dma_semaphore, #tpu.memory_space<semaphore_mem>>)
      %dma_wait3A_648 = arith.constant 0 : i32
      %dma_wait3A_649 = tpu.memref_slice %arg8[%add3A, %dma_wait3A_648] : memref<32x64xf32, #tpu.memory_space<hbm>> -> memref<1x64xf32, #tpu.memory_space<hbm>>
      %dma_wait3A_650 = arith.constant 0 : i32
      %dma_wait3A_651 = tpu.memref_slice %arg8[%add3A, %dma_wait3A_650] : memref<32x64xf32, #tpu.memory_space<hbm>> -> memref<1x64xf32, #tpu.memory_space<hbm>>
      tpu.wait_dma2 semaphore(%run_scoped3A : memref<!tpu.dma_semaphore, #tpu.memory_space<semaphore_mem>>) src(%arg17 : memref<1x64xf32, #tpu.memory_space<vmem>>) dst(%dma_wait3A_651 : memref<1x64xf32, #tpu.memory_space<hbm>>)
      tpu.yield
    }) : () -> ()
    return
  }
}

module attributes {stable_mosaic.version = 14 : i64} {
  func.func @_fps_body(%arg0: memref<4x8x2048xf32, #tpu.memory_space<vmem>>, %arg1: memref<4x8x2048xf32, #tpu.memory_space<vmem>>, %arg2: memref<4x8x2048xf32, #tpu.memory_space<vmem>>, %arg3: memref<4096x4xi32, #tpu.memory_space<vmem>>, %arg4: memref<4096x4xf32, #tpu.memory_space<vmem>>, %arg5: memref<4096x4xf32, #tpu.memory_space<vmem>>, %arg6: memref<4096x4xf32, #tpu.memory_space<vmem>>, %arg7: memref<8x2048xf32, #tpu.memory_space<vmem>>, %arg8: memref<8x2048xf32, #tpu.memory_space<vmem>>, %arg9: memref<8x2048xf32, #tpu.memory_space<vmem>>, %arg10: memref<8x2048xf32, #tpu.memory_space<vmem>>) attributes {dimension_semantics = [], scalar_prefetch = 0 : i64, scratch_operands = 4 : i64, tpu.core_type = #tpu.core_type<tc>} {
    %iota3A = tpu.iota {dimensions = array<i32: 0>} : vector<8x2048xi32>
    %mul3A = arith.constant 2048 : i32
    %mul3A_0 = vector.broadcast %mul3A : i32 to vector<8x2048xi32>
    %mul3A_1 = arith.muli %iota3A, %mul3A_0 : vector<8x2048xi32>
    %iota3A_2 = tpu.iota {dimensions = array<i32: 1>} : vector<8x2048xi32>
    %add3A = arith.addi %mul3A_1, %iota3A_2 : vector<8x2048xi32>
    %eq3A = arith.constant 0 : i32
    %eq3A_3 = vector.broadcast %eq3A : i32 to vector<8x2048xi32>
    %eq3A_4 = arith.cmpi eq, %add3A, %eq3A_3 : vector<8x2048xi32>
    %get3A = arith.constant 0 : index
    %get3A_5 = arith.constant 0 : index
    %get3A_6 = arith.constant 0 : index
    %get3A_7 = vector.load %arg0[%get3A, %get3A_5, %get3A_6] : memref<4x8x2048xf32, #tpu.memory_space<vmem>>, vector<1x8x2048xf32>
    %get3A_8 = vector.shape_cast %get3A_7 : vector<1x8x2048xf32> to vector<8x2048xf32>
    %jit3A = arith.constant 0.000000e+00 : f32
    %broadcast_in_dim3A = vector.broadcast %jit3A : f32 to vector<8x2048xf32>
    %select_n3A = arith.select %eq3A_4, %get3A_8, %broadcast_in_dim3A : vector<8x2048xi1>, vector<8x2048xf32>
    %reduce_sum3A = vector.shape_cast %select_n3A : vector<8x2048xf32> to vector<1x8x2048xf32>
    %reduce_sum3A_9 = arith.constant dense<0.000000e+00> : vector<1xf32>
    %reduce_sum3A_10 = vector.multi_reduction <add>, %reduce_sum3A, %reduce_sum3A_9 [1, 2] : vector<1x8x2048xf32> to vector<1xf32>
    %reduce_sum3A_11 = vector.shape_cast %reduce_sum3A_10 : vector<1xf32> to vector<1x1x1xf32>
    %reduce_sum3A_12 = vector.extract %reduce_sum3A_11[0, 0, 0] : f32 from vector<1x1x1xf32>
    %get3A_13 = arith.constant 0 : index
    %get3A_14 = arith.constant 0 : index
    %get3A_15 = arith.constant 0 : index
    %get3A_16 = vector.load %arg1[%get3A_13, %get3A_14, %get3A_15] : memref<4x8x2048xf32, #tpu.memory_space<vmem>>, vector<1x8x2048xf32>
    %get3A_17 = vector.shape_cast %get3A_16 : vector<1x8x2048xf32> to vector<8x2048xf32>
    %jit3A_18 = arith.constant 0.000000e+00 : f32
    %broadcast_in_dim3A_19 = vector.broadcast %jit3A_18 : f32 to vector<8x2048xf32>
    %select_n3A_20 = arith.select %eq3A_4, %get3A_17, %broadcast_in_dim3A_19 : vector<8x2048xi1>, vector<8x2048xf32>
    %reduce_sum3A_21 = vector.shape_cast %select_n3A_20 : vector<8x2048xf32> to vector<1x8x2048xf32>
    %reduce_sum3A_22 = arith.constant dense<0.000000e+00> : vector<1xf32>
    %reduce_sum3A_23 = vector.multi_reduction <add>, %reduce_sum3A_21, %reduce_sum3A_22 [1, 2] : vector<1x8x2048xf32> to vector<1xf32>
    %reduce_sum3A_24 = vector.shape_cast %reduce_sum3A_23 : vector<1xf32> to vector<1x1x1xf32>
    %reduce_sum3A_25 = vector.extract %reduce_sum3A_24[0, 0, 0] : f32 from vector<1x1x1xf32>
    %get3A_26 = arith.constant 0 : index
    %get3A_27 = arith.constant 0 : index
    %get3A_28 = arith.constant 0 : index
    %get3A_29 = vector.load %arg2[%get3A_26, %get3A_27, %get3A_28] : memref<4x8x2048xf32, #tpu.memory_space<vmem>>, vector<1x8x2048xf32>
    %get3A_30 = vector.shape_cast %get3A_29 : vector<1x8x2048xf32> to vector<8x2048xf32>
    %jit3A_31 = arith.constant 0.000000e+00 : f32
    %broadcast_in_dim3A_32 = vector.broadcast %jit3A_31 : f32 to vector<8x2048xf32>
    %select_n3A_33 = arith.select %eq3A_4, %get3A_30, %broadcast_in_dim3A_32 : vector<8x2048xi1>, vector<8x2048xf32>
    %reduce_sum3A_34 = vector.shape_cast %select_n3A_33 : vector<8x2048xf32> to vector<1x8x2048xf32>
    %reduce_sum3A_35 = arith.constant dense<0.000000e+00> : vector<1xf32>
    %reduce_sum3A_36 = vector.multi_reduction <add>, %reduce_sum3A_34, %reduce_sum3A_35 [1, 2] : vector<1x8x2048xf32> to vector<1xf32>
    %reduce_sum3A_37 = vector.shape_cast %reduce_sum3A_36 : vector<1xf32> to vector<1x1x1xf32>
    %reduce_sum3A_38 = vector.extract %reduce_sum3A_37[0, 0, 0] : f32 from vector<1x1x1xf32>
    %get3A_39 = arith.constant 0 : index
    %get3A_40 = arith.constant 0 : index
    %get3A_41 = arith.constant 0 : index
    %get3A_42 = vector.load %arg0[%get3A_39, %get3A_40, %get3A_41] : memref<4x8x2048xf32, #tpu.memory_space<vmem>>, vector<1x8x2048xf32>
    %get3A_43 = vector.shape_cast %get3A_42 : vector<1x8x2048xf32> to vector<8x2048xf32>
    %sub3A = vector.broadcast %reduce_sum3A_12 : f32 to vector<8x2048xf32>
    %sub3A_44 = arith.subf %get3A_43, %sub3A : vector<8x2048xf32>
    %get3A_45 = arith.constant 0 : index
    %get3A_46 = arith.constant 0 : index
    %get3A_47 = arith.constant 0 : index
    %get3A_48 = vector.load %arg1[%get3A_45, %get3A_46, %get3A_47] : memref<4x8x2048xf32, #tpu.memory_space<vmem>>, vector<1x8x2048xf32>
    %get3A_49 = vector.shape_cast %get3A_48 : vector<1x8x2048xf32> to vector<8x2048xf32>
    %sub3A_50 = vector.broadcast %reduce_sum3A_25 : f32 to vector<8x2048xf32>
    %sub3A_51 = arith.subf %get3A_49, %sub3A_50 : vector<8x2048xf32>
    %get3A_52 = arith.constant 0 : index
    %get3A_53 = arith.constant 0 : index
    %get3A_54 = arith.constant 0 : index
    %get3A_55 = vector.load %arg2[%get3A_52, %get3A_53, %get3A_54] : memref<4x8x2048xf32, #tpu.memory_space<vmem>>, vector<1x8x2048xf32>
    %get3A_56 = vector.shape_cast %get3A_55 : vector<1x8x2048xf32> to vector<8x2048xf32>
    %sub3A_57 = vector.broadcast %reduce_sum3A_38 : f32 to vector<8x2048xf32>
    %sub3A_58 = arith.subf %get3A_56, %sub3A_57 : vector<8x2048xf32>
    %mul3A_59 = arith.mulf %sub3A_44, %sub3A_44 : vector<8x2048xf32>
    %mul3A_60 = arith.mulf %sub3A_51, %sub3A_51 : vector<8x2048xf32>
    %add3A_61 = arith.addf %mul3A_59, %mul3A_60 : vector<8x2048xf32>
    %mul3A_62 = arith.mulf %sub3A_58, %sub3A_58 : vector<8x2048xf32>
    %add3A_63 = arith.addf %add3A_61, %mul3A_62 : vector<8x2048xf32>
    %swap3A = arith.constant 0 : index
    %swap3A_64 = arith.constant 0 : index
    %swap3A_65 = vector.load %arg7[%swap3A, %swap3A_64] : memref<8x2048xf32, #tpu.memory_space<vmem>>, vector<8x2048xf32>
    tpu.vector_store %arg7[%swap3A, %swap3A_64], %add3A_63 {strides = array<i32>} : memref<8x2048xf32, #tpu.memory_space<vmem>>, vector<8x2048xf32>,
    %get3A_66 = arith.constant 1 : index
    %get3A_67 = arith.constant 0 : index
    %get3A_68 = arith.constant 0 : index
    %get3A_69 = vector.load %arg0[%get3A_66, %get3A_67, %get3A_68] : memref<4x8x2048xf32, #tpu.memory_space<vmem>>, vector<1x8x2048xf32>
    %get3A_70 = vector.shape_cast %get3A_69 : vector<1x8x2048xf32> to vector<8x2048xf32>
    %jit3A_71 = arith.constant 0.000000e+00 : f32
    %broadcast_in_dim3A_72 = vector.broadcast %jit3A_71 : f32 to vector<8x2048xf32>
    %select_n3A_73 = arith.select %eq3A_4, %get3A_70, %broadcast_in_dim3A_72 : vector<8x2048xi1>, vector<8x2048xf32>
    %reduce_sum3A_74 = vector.shape_cast %select_n3A_73 : vector<8x2048xf32> to vector<1x8x2048xf32>
    %reduce_sum3A_75 = arith.constant dense<0.000000e+00> : vector<1xf32>
    %reduce_sum3A_76 = vector.multi_reduction <add>, %reduce_sum3A_74, %reduce_sum3A_75 [1, 2] : vector<1x8x2048xf32> to vector<1xf32>
    %reduce_sum3A_77 = vector.shape_cast %reduce_sum3A_76 : vector<1xf32> to vector<1x1x1xf32>
    %reduce_sum3A_78 = vector.extract %reduce_sum3A_77[0, 0, 0] : f32 from vector<1x1x1xf32>
    %get3A_79 = arith.constant 1 : index
    %get3A_80 = arith.constant 0 : index
    %get3A_81 = arith.constant 0 : index
    %get3A_82 = vector.load %arg1[%get3A_79, %get3A_80, %get3A_81] : memref<4x8x2048xf32, #tpu.memory_space<vmem>>, vector<1x8x2048xf32>
    %get3A_83 = vector.shape_cast %get3A_82 : vector<1x8x2048xf32> to vector<8x2048xf32>
    %jit3A_84 = arith.constant 0.000000e+00 : f32
    %broadcast_in_dim3A_85 = vector.broadcast %jit3A_84 : f32 to vector<8x2048xf32>
    %select_n3A_86 = arith.select %eq3A_4, %get3A_83, %broadcast_in_dim3A_85 : vector<8x2048xi1>, vector<8x2048xf32>
    %reduce_sum3A_87 = vector.shape_cast %select_n3A_86 : vector<8x2048xf32> to vector<1x8x2048xf32>
    %reduce_sum3A_88 = arith.constant dense<0.000000e+00> : vector<1xf32>
    %reduce_sum3A_89 = vector.multi_reduction <add>, %reduce_sum3A_87, %reduce_sum3A_88 [1, 2] : vector<1x8x2048xf32> to vector<1xf32>
    %reduce_sum3A_90 = vector.shape_cast %reduce_sum3A_89 : vector<1xf32> to vector<1x1x1xf32>
    %reduce_sum3A_91 = vector.extract %reduce_sum3A_90[0, 0, 0] : f32 from vector<1x1x1xf32>
    %get3A_92 = arith.constant 1 : index
    %get3A_93 = arith.constant 0 : index
    %get3A_94 = arith.constant 0 : index
    %get3A_95 = vector.load %arg2[%get3A_92, %get3A_93, %get3A_94] : memref<4x8x2048xf32, #tpu.memory_space<vmem>>, vector<1x8x2048xf32>
    %get3A_96 = vector.shape_cast %get3A_95 : vector<1x8x2048xf32> to vector<8x2048xf32>
    %jit3A_97 = arith.constant 0.000000e+00 : f32
    %broadcast_in_dim3A_98 = vector.broadcast %jit3A_97 : f32 to vector<8x2048xf32>
    %select_n3A_99 = arith.select %eq3A_4, %get3A_96, %broadcast_in_dim3A_98 : vector<8x2048xi1>, vector<8x2048xf32>
    %reduce_sum3A_100 = vector.shape_cast %select_n3A_99 : vector<8x2048xf32> to vector<1x8x2048xf32>
    %reduce_sum3A_101 = arith.constant dense<0.000000e+00> : vector<1xf32>
    %reduce_sum3A_102 = vector.multi_reduction <add>, %reduce_sum3A_100, %reduce_sum3A_101 [1, 2] : vector<1x8x2048xf32> to vector<1xf32>
    %reduce_sum3A_103 = vector.shape_cast %reduce_sum3A_102 : vector<1xf32> to vector<1x1x1xf32>
    %reduce_sum3A_104 = vector.extract %reduce_sum3A_103[0, 0, 0] : f32 from vector<1x1x1xf32>
    %get3A_105 = arith.constant 1 : index
    %get3A_106 = arith.constant 0 : index
    %get3A_107 = arith.constant 0 : index
    %get3A_108 = vector.load %arg0[%get3A_105, %get3A_106, %get3A_107] : memref<4x8x2048xf32, #tpu.memory_space<vmem>>, vector<1x8x2048xf32>
    %get3A_109 = vector.shape_cast %get3A_108 : vector<1x8x2048xf32> to vector<8x2048xf32>
    %sub3A_110 = vector.broadcast %reduce_sum3A_78 : f32 to vector<8x2048xf32>
    %sub3A_111 = arith.subf %get3A_109, %sub3A_110 : vector<8x2048xf32>
    %get3A_112 = arith.constant 1 : index
    %get3A_113 = arith.constant 0 : index
    %get3A_114 = arith.constant 0 : index
    %get3A_115 = vector.load %arg1[%get3A_112, %get3A_113, %get3A_114] : memref<4x8x2048xf32, #tpu.memory_space<vmem>>, vector<1x8x2048xf32>
    %get3A_116 = vector.shape_cast %get3A_115 : vector<1x8x2048xf32> to vector<8x2048xf32>
    %sub3A_117 = vector.broadcast %reduce_sum3A_91 : f32 to vector<8x2048xf32>
    %sub3A_118 = arith.subf %get3A_116, %sub3A_117 : vector<8x2048xf32>
    %get3A_119 = arith.constant 1 : index
    %get3A_120 = arith.constant 0 : index
    %get3A_121 = arith.constant 0 : index
    %get3A_122 = vector.load %arg2[%get3A_119, %get3A_120, %get3A_121] : memref<4x8x2048xf32, #tpu.memory_space<vmem>>, vector<1x8x2048xf32>
    %get3A_123 = vector.shape_cast %get3A_122 : vector<1x8x2048xf32> to vector<8x2048xf32>
    %sub3A_124 = vector.broadcast %reduce_sum3A_104 : f32 to vector<8x2048xf32>
    %sub3A_125 = arith.subf %get3A_123, %sub3A_124 : vector<8x2048xf32>
    %mul3A_126 = arith.mulf %sub3A_111, %sub3A_111 : vector<8x2048xf32>
    %mul3A_127 = arith.mulf %sub3A_118, %sub3A_118 : vector<8x2048xf32>
    %add3A_128 = arith.addf %mul3A_126, %mul3A_127 : vector<8x2048xf32>
    %mul3A_129 = arith.mulf %sub3A_125, %sub3A_125 : vector<8x2048xf32>
    %add3A_130 = arith.addf %add3A_128, %mul3A_129 : vector<8x2048xf32>
    %swap3A_131 = arith.constant 0 : index
    %swap3A_132 = arith.constant 0 : index
    %swap3A_133 = vector.load %arg8[%swap3A_131, %swap3A_132] : memref<8x2048xf32, #tpu.memory_space<vmem>>, vector<8x2048xf32>
    tpu.vector_store %arg8[%swap3A_131, %swap3A_132], %add3A_130 {strides = array<i32>} : memref<8x2048xf32, #tpu.memory_space<vmem>>, vector<8x2048xf32>,
    %get3A_134 = arith.constant 2 : index
    %get3A_135 = arith.constant 0 : index
    %get3A_136 = arith.constant 0 : index
    %get3A_137 = vector.load %arg0[%get3A_134, %get3A_135, %get3A_136] : memref<4x8x2048xf32, #tpu.memory_space<vmem>>, vector<1x8x2048xf32>
    %get3A_138 = vector.shape_cast %get3A_137 : vector<1x8x2048xf32> to vector<8x2048xf32>
    %jit3A_139 = arith.constant 0.000000e+00 : f32
    %broadcast_in_dim3A_140 = vector.broadcast %jit3A_139 : f32 to vector<8x2048xf32>
    %select_n3A_141 = arith.select %eq3A_4, %get3A_138, %broadcast_in_dim3A_140 : vector<8x2048xi1>, vector<8x2048xf32>
    %reduce_sum3A_142 = vector.shape_cast %select_n3A_141 : vector<8x2048xf32> to vector<1x8x2048xf32>
    %reduce_sum3A_143 = arith.constant dense<0.000000e+00> : vector<1xf32>
    %reduce_sum3A_144 = vector.multi_reduction <add>, %reduce_sum3A_142, %reduce_sum3A_143 [1, 2] : vector<1x8x2048xf32> to vector<1xf32>
    %reduce_sum3A_145 = vector.shape_cast %reduce_sum3A_144 : vector<1xf32> to vector<1x1x1xf32>
    %reduce_sum3A_146 = vector.extract %reduce_sum3A_145[0, 0, 0] : f32 from vector<1x1x1xf32>
    %get3A_147 = arith.constant 2 : index
    %get3A_148 = arith.constant 0 : index
    %get3A_149 = arith.constant 0 : index
    %get3A_150 = vector.load %arg1[%get3A_147, %get3A_148, %get3A_149] : memref<4x8x2048xf32, #tpu.memory_space<vmem>>, vector<1x8x2048xf32>
    %get3A_151 = vector.shape_cast %get3A_150 : vector<1x8x2048xf32> to vector<8x2048xf32>
    %jit3A_152 = arith.constant 0.000000e+00 : f32
    %broadcast_in_dim3A_153 = vector.broadcast %jit3A_152 : f32 to vector<8x2048xf32>
    %select_n3A_154 = arith.select %eq3A_4, %get3A_151, %broadcast_in_dim3A_153 : vector<8x2048xi1>, vector<8x2048xf32>
    %reduce_sum3A_155 = vector.shape_cast %select_n3A_154 : vector<8x2048xf32> to vector<1x8x2048xf32>
    %reduce_sum3A_156 = arith.constant dense<0.000000e+00> : vector<1xf32>
    %reduce_sum3A_157 = vector.multi_reduction <add>, %reduce_sum3A_155, %reduce_sum3A_156 [1, 2] : vector<1x8x2048xf32> to vector<1xf32>
    %reduce_sum3A_158 = vector.shape_cast %reduce_sum3A_157 : vector<1xf32> to vector<1x1x1xf32>
    %reduce_sum3A_159 = vector.extract %reduce_sum3A_158[0, 0, 0] : f32 from vector<1x1x1xf32>
    %get3A_160 = arith.constant 2 : index
    %get3A_161 = arith.constant 0 : index
    %get3A_162 = arith.constant 0 : index
    %get3A_163 = vector.load %arg2[%get3A_160, %get3A_161, %get3A_162] : memref<4x8x2048xf32, #tpu.memory_space<vmem>>, vector<1x8x2048xf32>
    %get3A_164 = vector.shape_cast %get3A_163 : vector<1x8x2048xf32> to vector<8x2048xf32>
    %jit3A_165 = arith.constant 0.000000e+00 : f32
    %broadcast_in_dim3A_166 = vector.broadcast %jit3A_165 : f32 to vector<8x2048xf32>
    %select_n3A_167 = arith.select %eq3A_4, %get3A_164, %broadcast_in_dim3A_166 : vector<8x2048xi1>, vector<8x2048xf32>
    %reduce_sum3A_168 = vector.shape_cast %select_n3A_167 : vector<8x2048xf32> to vector<1x8x2048xf32>
    %reduce_sum3A_169 = arith.constant dense<0.000000e+00> : vector<1xf32>
    %reduce_sum3A_170 = vector.multi_reduction <add>, %reduce_sum3A_168, %reduce_sum3A_169 [1, 2] : vector<1x8x2048xf32> to vector<1xf32>
    %reduce_sum3A_171 = vector.shape_cast %reduce_sum3A_170 : vector<1xf32> to vector<1x1x1xf32>
    %reduce_sum3A_172 = vector.extract %reduce_sum3A_171[0, 0, 0] : f32 from vector<1x1x1xf32>
    %get3A_173 = arith.constant 2 : index
    %get3A_174 = arith.constant 0 : index
    %get3A_175 = arith.constant 0 : index
    %get3A_176 = vector.load %arg0[%get3A_173, %get3A_174, %get3A_175] : memref<4x8x2048xf32, #tpu.memory_space<vmem>>, vector<1x8x2048xf32>
    %get3A_177 = vector.shape_cast %get3A_176 : vector<1x8x2048xf32> to vector<8x2048xf32>
    %sub3A_178 = vector.broadcast %reduce_sum3A_146 : f32 to vector<8x2048xf32>
    %sub3A_179 = arith.subf %get3A_177, %sub3A_178 : vector<8x2048xf32>
    %get3A_180 = arith.constant 2 : index
    %get3A_181 = arith.constant 0 : index
    %get3A_182 = arith.constant 0 : index
    %get3A_183 = vector.load %arg1[%get3A_180, %get3A_181, %get3A_182] : memref<4x8x2048xf32, #tpu.memory_space<vmem>>, vector<1x8x2048xf32>
    %get3A_184 = vector.shape_cast %get3A_183 : vector<1x8x2048xf32> to vector<8x2048xf32>
    %sub3A_185 = vector.broadcast %reduce_sum3A_159 : f32 to vector<8x2048xf32>
    %sub3A_186 = arith.subf %get3A_184, %sub3A_185 : vector<8x2048xf32>
    %get3A_187 = arith.constant 2 : index
    %get3A_188 = arith.constant 0 : index
    %get3A_189 = arith.constant 0 : index
    %get3A_190 = vector.load %arg2[%get3A_187, %get3A_188, %get3A_189] : memref<4x8x2048xf32, #tpu.memory_space<vmem>>, vector<1x8x2048xf32>
    %get3A_191 = vector.shape_cast %get3A_190 : vector<1x8x2048xf32> to vector<8x2048xf32>
    %sub3A_192 = vector.broadcast %reduce_sum3A_172 : f32 to vector<8x2048xf32>
    %sub3A_193 = arith.subf %get3A_191, %sub3A_192 : vector<8x2048xf32>
    %mul3A_194 = arith.mulf %sub3A_179, %sub3A_179 : vector<8x2048xf32>
    %mul3A_195 = arith.mulf %sub3A_186, %sub3A_186 : vector<8x2048xf32>
    %add3A_196 = arith.addf %mul3A_194, %mul3A_195 : vector<8x2048xf32>
    %mul3A_197 = arith.mulf %sub3A_193, %sub3A_193 : vector<8x2048xf32>
    %add3A_198 = arith.addf %add3A_196, %mul3A_197 : vector<8x2048xf32>
    %swap3A_199 = arith.constant 0 : index
    %swap3A_200 = arith.constant 0 : index
    %swap3A_201 = vector.load %arg9[%swap3A_199, %swap3A_200] : memref<8x2048xf32, #tpu.memory_space<vmem>>, vector<8x2048xf32>
    tpu.vector_store %arg9[%swap3A_199, %swap3A_200], %add3A_198 {strides = array<i32>} : memref<8x2048xf32, #tpu.memory_space<vmem>>, vector<8x2048xf32>,
    %get3A_202 = arith.constant 3 : index
    %get3A_203 = arith.constant 0 : index
    %get3A_204 = arith.constant 0 : index
    %get3A_205 = vector.load %arg0[%get3A_202, %get3A_203, %get3A_204] : memref<4x8x2048xf32, #tpu.memory_space<vmem>>, vector<1x8x2048xf32>
    %get3A_206 = vector.shape_cast %get3A_205 : vector<1x8x2048xf32> to vector<8x2048xf32>
    %jit3A_207 = arith.constant 0.000000e+00 : f32
    %broadcast_in_dim3A_208 = vector.broadcast %jit3A_207 : f32 to vector<8x2048xf32>
    %select_n3A_209 = arith.select %eq3A_4, %get3A_206, %broadcast_in_dim3A_208 : vector<8x2048xi1>, vector<8x2048xf32>
    %reduce_sum3A_210 = vector.shape_cast %select_n3A_209 : vector<8x2048xf32> to vector<1x8x2048xf32>
    %reduce_sum3A_211 = arith.constant dense<0.000000e+00> : vector<1xf32>
    %reduce_sum3A_212 = vector.multi_reduction <add>, %reduce_sum3A_210, %reduce_sum3A_211 [1, 2] : vector<1x8x2048xf32> to vector<1xf32>
    %reduce_sum3A_213 = vector.shape_cast %reduce_sum3A_212 : vector<1xf32> to vector<1x1x1xf32>
    %reduce_sum3A_214 = vector.extract %reduce_sum3A_213[0, 0, 0] : f32 from vector<1x1x1xf32>
    %get3A_215 = arith.constant 3 : index
    %get3A_216 = arith.constant 0 : index
    %get3A_217 = arith.constant 0 : index
    %get3A_218 = vector.load %arg1[%get3A_215, %get3A_216, %get3A_217] : memref<4x8x2048xf32, #tpu.memory_space<vmem>>, vector<1x8x2048xf32>
    %get3A_219 = vector.shape_cast %get3A_218 : vector<1x8x2048xf32> to vector<8x2048xf32>
    %jit3A_220 = arith.constant 0.000000e+00 : f32
    %broadcast_in_dim3A_221 = vector.broadcast %jit3A_220 : f32 to vector<8x2048xf32>
    %select_n3A_222 = arith.select %eq3A_4, %get3A_219, %broadcast_in_dim3A_221 : vector<8x2048xi1>, vector<8x2048xf32>
    %reduce_sum3A_223 = vector.shape_cast %select_n3A_222 : vector<8x2048xf32> to vector<1x8x2048xf32>
    %reduce_sum3A_224 = arith.constant dense<0.000000e+00> : vector<1xf32>
    %reduce_sum3A_225 = vector.multi_reduction <add>, %reduce_sum3A_223, %reduce_sum3A_224 [1, 2] : vector<1x8x2048xf32> to vector<1xf32>
    %reduce_sum3A_226 = vector.shape_cast %reduce_sum3A_225 : vector<1xf32> to vector<1x1x1xf32>
    %reduce_sum3A_227 = vector.extract %reduce_sum3A_226[0, 0, 0] : f32 from vector<1x1x1xf32>
    %get3A_228 = arith.constant 3 : index
    %get3A_229 = arith.constant 0 : index
    %get3A_230 = arith.constant 0 : index
    %get3A_231 = vector.load %arg2[%get3A_228, %get3A_229, %get3A_230] : memref<4x8x2048xf32, #tpu.memory_space<vmem>>, vector<1x8x2048xf32>
    %get3A_232 = vector.shape_cast %get3A_231 : vector<1x8x2048xf32> to vector<8x2048xf32>
    %jit3A_233 = arith.constant 0.000000e+00 : f32
    %broadcast_in_dim3A_234 = vector.broadcast %jit3A_233 : f32 to vector<8x2048xf32>
    %select_n3A_235 = arith.select %eq3A_4, %get3A_232, %broadcast_in_dim3A_234 : vector<8x2048xi1>, vector<8x2048xf32>
    %reduce_sum3A_236 = vector.shape_cast %select_n3A_235 : vector<8x2048xf32> to vector<1x8x2048xf32>
    %reduce_sum3A_237 = arith.constant dense<0.000000e+00> : vector<1xf32>
    %reduce_sum3A_238 = vector.multi_reduction <add>, %reduce_sum3A_236, %reduce_sum3A_237 [1, 2] : vector<1x8x2048xf32> to vector<1xf32>
    %reduce_sum3A_239 = vector.shape_cast %reduce_sum3A_238 : vector<1xf32> to vector<1x1x1xf32>
    %reduce_sum3A_240 = vector.extract %reduce_sum3A_239[0, 0, 0] : f32 from vector<1x1x1xf32>
    %get3A_241 = arith.constant 3 : index
    %get3A_242 = arith.constant 0 : index
    %get3A_243 = arith.constant 0 : index
    %get3A_244 = vector.load %arg0[%get3A_241, %get3A_242, %get3A_243] : memref<4x8x2048xf32, #tpu.memory_space<vmem>>, vector<1x8x2048xf32>
    %get3A_245 = vector.shape_cast %get3A_244 : vector<1x8x2048xf32> to vector<8x2048xf32>
    %sub3A_246 = vector.broadcast %reduce_sum3A_214 : f32 to vector<8x2048xf32>
    %sub3A_247 = arith.subf %get3A_245, %sub3A_246 : vector<8x2048xf32>
    %get3A_248 = arith.constant 3 : index
    %get3A_249 = arith.constant 0 : index
    %get3A_250 = arith.constant 0 : index
    %get3A_251 = vector.load %arg1[%get3A_248, %get3A_249, %get3A_250] : memref<4x8x2048xf32, #tpu.memory_space<vmem>>, vector<1x8x2048xf32>
    %get3A_252 = vector.shape_cast %get3A_251 : vector<1x8x2048xf32> to vector<8x2048xf32>
    %sub3A_253 = vector.broadcast %reduce_sum3A_227 : f32 to vector<8x2048xf32>
    %sub3A_254 = arith.subf %get3A_252, %sub3A_253 : vector<8x2048xf32>
    %get3A_255 = arith.constant 3 : index
    %get3A_256 = arith.constant 0 : index
    %get3A_257 = arith.constant 0 : index
    %get3A_258 = vector.load %arg2[%get3A_255, %get3A_256, %get3A_257] : memref<4x8x2048xf32, #tpu.memory_space<vmem>>, vector<1x8x2048xf32>
    %get3A_259 = vector.shape_cast %get3A_258 : vector<1x8x2048xf32> to vector<8x2048xf32>
    %sub3A_260 = vector.broadcast %reduce_sum3A_240 : f32 to vector<8x2048xf32>
    %sub3A_261 = arith.subf %get3A_259, %sub3A_260 : vector<8x2048xf32>
    %mul3A_262 = arith.mulf %sub3A_247, %sub3A_247 : vector<8x2048xf32>
    %mul3A_263 = arith.mulf %sub3A_254, %sub3A_254 : vector<8x2048xf32>
    %add3A_264 = arith.addf %mul3A_262, %mul3A_263 : vector<8x2048xf32>
    %mul3A_265 = arith.mulf %sub3A_261, %sub3A_261 : vector<8x2048xf32>
    %add3A_266 = arith.addf %add3A_264, %mul3A_265 : vector<8x2048xf32>
    %swap3A_267 = arith.constant 0 : index
    %swap3A_268 = arith.constant 0 : index
    %swap3A_269 = vector.load %arg10[%swap3A_267, %swap3A_268] : memref<8x2048xf32, #tpu.memory_space<vmem>>, vector<8x2048xf32>
    tpu.vector_store %arg10[%swap3A_267, %swap3A_268], %add3A_266 {strides = array<i32>} : memref<8x2048xf32, #tpu.memory_space<vmem>>, vector<8x2048xf32>,
    %broadcast_in_dim3A_270 = arith.constant 0 : i32
    %broadcast_in_dim3A_271 = vector.broadcast %broadcast_in_dim3A_270 : i32 to vector<1x4xi32>
    %swap3A_272 = arith.constant 0 : index
    %swap3A_273 = arith.constant 0 : index
    %swap3A_274 = vector.load %arg3[%swap3A_272, %swap3A_273] : memref<4096x4xi32, #tpu.memory_space<vmem>>, vector<1x4xi32>
    tpu.vector_store %arg3[%swap3A_272, %swap3A_273], %broadcast_in_dim3A_271 {strides = array<i32>} : memref<4096x4xi32, #tpu.memory_space<vmem>>, vector<1x4xi32>,
    %stack3A = vector.broadcast %reduce_sum3A_12 : f32 to vector<1xf32>
    %stack3A_275 = vector.broadcast %reduce_sum3A_78 : f32 to vector<1xf32>
    %stack3A_276 = vector.broadcast %reduce_sum3A_146 : f32 to vector<1xf32>
    %stack3A_277 = vector.broadcast %reduce_sum3A_214 : f32 to vector<1xf32>
    %stack3A_278 = tpu.concatenate %stack3A, %stack3A_275, %stack3A_276, %stack3A_277 in 0 : vector<1xf32>, vector<1xf32>, vector<1xf32>, vector<1xf32> -> vector<4xf32>
    %reshape3A = vector.shape_cast %stack3A_278 : vector<4xf32> to vector<1x4xf32>
    %swap3A_279 = arith.constant 0 : index
    %swap3A_280 = arith.constant 0 : index
    %swap3A_281 = vector.load %arg4[%swap3A_279, %swap3A_280] : memref<4096x4xf32, #tpu.memory_space<vmem>>, vector<1x4xf32>
    tpu.vector_store %arg4[%swap3A_279, %swap3A_280], %reshape3A {strides = array<i32>} : memref<4096x4xf32, #tpu.memory_space<vmem>>, vector<1x4xf32>,
    %stack3A_282 = vector.broadcast %reduce_sum3A_25 : f32 to vector<1xf32>
    %stack3A_283 = vector.broadcast %reduce_sum3A_91 : f32 to vector<1xf32>
    %stack3A_284 = vector.broadcast %reduce_sum3A_159 : f32 to vector<1xf32>
    %stack3A_285 = vector.broadcast %reduce_sum3A_227 : f32 to vector<1xf32>
    %stack3A_286 = tpu.concatenate %stack3A_282, %stack3A_283, %stack3A_284, %stack3A_285 in 0 : vector<1xf32>, vector<1xf32>, vector<1xf32>, vector<1xf32> -> vector<4xf32>
    %reshape3A_287 = vector.shape_cast %stack3A_286 : vector<4xf32> to vector<1x4xf32>
    %swap3A_288 = arith.constant 0 : index
    %swap3A_289 = arith.constant 0 : index
    %swap3A_290 = vector.load %arg5[%swap3A_288, %swap3A_289] : memref<4096x4xf32, #tpu.memory_space<vmem>>, vector<1x4xf32>
    tpu.vector_store %arg5[%swap3A_288, %swap3A_289], %reshape3A_287 {strides = array<i32>} : memref<4096x4xf32, #tpu.memory_space<vmem>>, vector<1x4xf32>,
    %stack3A_291 = vector.broadcast %reduce_sum3A_38 : f32 to vector<1xf32>
    %stack3A_292 = vector.broadcast %reduce_sum3A_104 : f32 to vector<1xf32>
    %stack3A_293 = vector.broadcast %reduce_sum3A_172 : f32 to vector<1xf32>
    %stack3A_294 = vector.broadcast %reduce_sum3A_240 : f32 to vector<1xf32>
    %stack3A_295 = tpu.concatenate %stack3A_291, %stack3A_292, %stack3A_293, %stack3A_294 in 0 : vector<1xf32>, vector<1xf32>, vector<1xf32>, vector<1xf32> -> vector<4xf32>
    %reshape3A_296 = vector.shape_cast %stack3A_295 : vector<4xf32> to vector<1x4xf32>
    %swap3A_297 = arith.constant 0 : index
    %swap3A_298 = arith.constant 0 : index
    %swap3A_299 = vector.load %arg6[%swap3A_297, %swap3A_298] : memref<4096x4xf32, #tpu.memory_space<vmem>>, vector<1x4xf32>
    tpu.vector_store %arg6[%swap3A_297, %swap3A_298], %reshape3A_296 {strides = array<i32>} : memref<4096x4xf32, #tpu.memory_space<vmem>>, vector<1x4xf32>,
    %scan3A = arith.constant 1073741824 : i32
    %scan3A_300 = arith.constant 0 : i32
    %scan3A_301 = arith.constant 2047 : i32
    %scan3A_302 = arith.addi %scan3A_300, %scan3A_301 : i32
    %scan3A_303 = arith.constant 1 : i32
    scf.for %scan3A_694 = %scan3A_300 to %scan3A_302 step %scan3A_303  : i32 {
      %mul3A_695 = arith.constant 2 : i32
      %mul3A_696 = arith.muli %mul3A_695, %scan3A_694 : i32
      %add3A_697 = arith.constant 1 : i32
      %add3A_698 = arith.addi %mul3A_696, %add3A_697 : i32
      %get3A_699 = arith.constant 0 : index
      %get3A_700 = arith.constant 0 : index
      %get3A_701 = vector.load %arg7[%get3A_699, %get3A_700] : memref<8x2048xf32, #tpu.memory_space<vmem>>, vector<8x2048xf32>
      %get3A_702 = arith.constant 0 : index
      %get3A_703 = arith.constant 0 : index
      %get3A_704 = vector.load %arg8[%get3A_702, %get3A_703] : memref<8x2048xf32, #tpu.memory_space<vmem>>, vector<8x2048xf32>
      %get3A_705 = arith.constant 0 : index
      %get3A_706 = arith.constant 0 : index
      %get3A_707 = vector.load %arg9[%get3A_705, %get3A_706] : memref<8x2048xf32, #tpu.memory_space<vmem>>, vector<8x2048xf32>
      %get3A_708 = arith.constant 0 : index
      %get3A_709 = arith.constant 0 : index
      %get3A_710 = vector.load %arg10[%get3A_708, %get3A_709] : memref<8x2048xf32, #tpu.memory_space<vmem>>, vector<8x2048xf32>
      %reduce_max3A_711 = vector.shape_cast %get3A_701 : vector<8x2048xf32> to vector<1x8x2048xf32>
      %reduce_max3A_712 = arith.constant dense<0xFF800000> : vector<1xf32>
      %reduce_max3A_713 = vector.multi_reduction <maximumf>, %reduce_max3A_711, %reduce_max3A_712 [1, 2] : vector<1x8x2048xf32> to vector<1xf32>
      %reduce_max3A_714 = vector.shape_cast %reduce_max3A_713 : vector<1xf32> to vector<1x1x1xf32>
      %reduce_max3A_715 = vector.extract %reduce_max3A_714[0, 0, 0] : f32 from vector<1x1x1xf32>
      %reduce_max3A_716 = vector.shape_cast %get3A_704 : vector<8x2048xf32> to vector<1x8x2048xf32>
      %reduce_max3A_717 = arith.constant dense<0xFF800000> : vector<1xf32>
      %reduce_max3A_718 = vector.multi_reduction <maximumf>, %reduce_max3A_716, %reduce_max3A_717 [1, 2] : vector<1x8x2048xf32> to vector<1xf32>
      %reduce_max3A_719 = vector.shape_cast %reduce_max3A_718 : vector<1xf32> to vector<1x1x1xf32>
      %reduce_max3A_720 = vector.extract %reduce_max3A_719[0, 0, 0] : f32 from vector<1x1x1xf32>
      %reduce_max3A_721 = vector.shape_cast %get3A_707 : vector<8x2048xf32> to vector<1x8x2048xf32>
      %reduce_max3A_722 = arith.constant dense<0xFF800000> : vector<1xf32>
      %reduce_max3A_723 = vector.multi_reduction <maximumf>, %reduce_max3A_721, %reduce_max3A_722 [1, 2] : vector<1x8x2048xf32> to vector<1xf32>
      %reduce_max3A_724 = vector.shape_cast %reduce_max3A_723 : vector<1xf32> to vector<1x1x1xf32>
      %reduce_max3A_725 = vector.extract %reduce_max3A_724[0, 0, 0] : f32 from vector<1x1x1xf32>
      %reduce_max3A_726 = vector.shape_cast %get3A_710 : vector<8x2048xf32> to vector<1x8x2048xf32>
      %reduce_max3A_727 = arith.constant dense<0xFF800000> : vector<1xf32>
      %reduce_max3A_728 = vector.multi_reduction <maximumf>, %reduce_max3A_726, %reduce_max3A_727 [1, 2] : vector<1x8x2048xf32> to vector<1xf32>
      %reduce_max3A_729 = vector.shape_cast %reduce_max3A_728 : vector<1xf32> to vector<1x1x1xf32>
      %reduce_max3A_730 = vector.extract %reduce_max3A_729[0, 0, 0] : f32 from vector<1x1x1xf32>
      %eq3A_731 = vector.broadcast %reduce_max3A_715 : f32 to vector<8x2048xf32>
      %eq3A_732 = arith.cmpf oeq, %get3A_701, %eq3A_731 : vector<8x2048xf32>
      %broadcast_in_dim3A_733 = vector.broadcast %scan3A : i32 to vector<8x2048xi32>
      %select_n3A_734 = arith.select %eq3A_732, %add3A, %broadcast_in_dim3A_733 : vector<8x2048xi1>, vector<8x2048xi32>
      %reduce_min3A_735 = vector.shape_cast %select_n3A_734 : vector<8x2048xi32> to vector<1x8x2048xi32>
      %reduce_min3A_736 = arith.constant dense<2147483647> : vector<1xi32>
      %reduce_min3A_737 = vector.multi_reduction <minsi>, %reduce_min3A_735, %reduce_min3A_736 [1, 2] : vector<1x8x2048xi32> to vector<1xi32>
      %reduce_min3A_738 = vector.shape_cast %reduce_min3A_737 : vector<1xi32> to vector<1x1x1xi32>
      %reduce_min3A_739 = vector.extract %reduce_min3A_738[0, 0, 0] : i32 from vector<1x1x1xi32>
      %eq3A_740 = vector.broadcast %reduce_max3A_720 : f32 to vector<8x2048xf32>
      %eq3A_741 = arith.cmpf oeq, %get3A_704, %eq3A_740 : vector<8x2048xf32>
      %broadcast_in_dim3A_742 = vector.broadcast %scan3A : i32 to vector<8x2048xi32>
      %select_n3A_743 = arith.select %eq3A_741, %add3A, %broadcast_in_dim3A_742 : vector<8x2048xi1>, vector<8x2048xi32>
      %reduce_min3A_744 = vector.shape_cast %select_n3A_743 : vector<8x2048xi32> to vector<1x8x2048xi32>
      %reduce_min3A_745 = arith.constant dense<2147483647> : vector<1xi32>
      %reduce_min3A_746 = vector.multi_reduction <minsi>, %reduce_min3A_744, %reduce_min3A_745 [1, 2] : vector<1x8x2048xi32> to vector<1xi32>
      %reduce_min3A_747 = vector.shape_cast %reduce_min3A_746 : vector<1xi32> to vector<1x1x1xi32>
      %reduce_min3A_748 = vector.extract %reduce_min3A_747[0, 0, 0] : i32 from vector<1x1x1xi32>
      %eq3A_749 = vector.broadcast %reduce_max3A_725 : f32 to vector<8x2048xf32>
      %eq3A_750 = arith.cmpf oeq, %get3A_707, %eq3A_749 : vector<8x2048xf32>
      %broadcast_in_dim3A_751 = vector.broadcast %scan3A : i32 to vector<8x2048xi32>
      %select_n3A_752 = arith.select %eq3A_750, %add3A, %broadcast_in_dim3A_751 : vector<8x2048xi1>, vector<8x2048xi32>
      %reduce_min3A_753 = vector.shape_cast %select_n3A_752 : vector<8x2048xi32> to vector<1x8x2048xi32>
      %reduce_min3A_754 = arith.constant dense<2147483647> : vector<1xi32>
      %reduce_min3A_755 = vector.multi_reduction <minsi>, %reduce_min3A_753, %reduce_min3A_754 [1, 2] : vector<1x8x2048xi32> to vector<1xi32>
      %reduce_min3A_756 = vector.shape_cast %reduce_min3A_755 : vector<1xi32> to vector<1x1x1xi32>
      %reduce_min3A_757 = vector.extract %reduce_min3A_756[0, 0, 0] : i32 from vector<1x1x1xi32>
      %eq3A_758 = vector.broadcast %reduce_max3A_730 : f32 to vector<8x2048xf32>
      %eq3A_759 = arith.cmpf oeq, %get3A_710, %eq3A_758 : vector<8x2048xf32>
      %broadcast_in_dim3A_760 = vector.broadcast %scan3A : i32 to vector<8x2048xi32>
      %select_n3A_761 = arith.select %eq3A_759, %add3A, %broadcast_in_dim3A_760 : vector<8x2048xi1>, vector<8x2048xi32>
      %reduce_min3A_762 = vector.shape_cast %select_n3A_761 : vector<8x2048xi32> to vector<1x8x2048xi32>
      %reduce_min3A_763 = arith.constant dense<2147483647> : vector<1xi32>
      %reduce_min3A_764 = vector.multi_reduction <minsi>, %reduce_min3A_762, %reduce_min3A_763 [1, 2] : vector<1x8x2048xi32> to vector<1xi32>
      %reduce_min3A_765 = vector.shape_cast %reduce_min3A_764 : vector<1xi32> to vector<1x1x1xi32>
      %reduce_min3A_766 = vector.extract %reduce_min3A_765[0, 0, 0] : i32 from vector<1x1x1xi32>
      %eq3A_767 = vector.broadcast %reduce_min3A_739 : i32 to vector<8x2048xi32>
      %eq3A_768 = arith.cmpi eq, %add3A, %eq3A_767 : vector<8x2048xi32>
      %eq3A_769 = vector.broadcast %reduce_min3A_748 : i32 to vector<8x2048xi32>
      %eq3A_770 = arith.cmpi eq, %add3A, %eq3A_769 : vector<8x2048xi32>
      %eq3A_771 = vector.broadcast %reduce_min3A_757 : i32 to vector<8x2048xi32>
      %eq3A_772 = arith.cmpi eq, %add3A, %eq3A_771 : vector<8x2048xi32>
      %eq3A_773 = vector.broadcast %reduce_min3A_766 : i32 to vector<8x2048xi32>
      %eq3A_774 = arith.cmpi eq, %add3A, %eq3A_773 : vector<8x2048xi32>
      %get3A_775 = arith.constant 0 : index
      %get3A_776 = arith.constant 0 : index
      %get3A_777 = arith.constant 0 : index
      %get3A_778 = vector.load %arg0[%get3A_775, %get3A_776, %get3A_777] : memref<4x8x2048xf32, #tpu.memory_space<vmem>>, vector<1x8x2048xf32>
      %get3A_779 = vector.shape_cast %get3A_778 : vector<1x8x2048xf32> to vector<8x2048xf32>
      %jit3A_780 = arith.constant 0.000000e+00 : f32
      %broadcast_in_dim3A_781 = vector.broadcast %jit3A_780 : f32 to vector<8x2048xf32>
      %select_n3A_782 = arith.select %eq3A_768, %get3A_779, %broadcast_in_dim3A_781 : vector<8x2048xi1>, vector<8x2048xf32>
      %reduce_sum3A_783 = vector.shape_cast %select_n3A_782 : vector<8x2048xf32> to vector<1x8x2048xf32>
      %reduce_sum3A_784 = arith.constant dense<0.000000e+00> : vector<1xf32>
      %reduce_sum3A_785 = vector.multi_reduction <add>, %reduce_sum3A_783, %reduce_sum3A_784 [1, 2] : vector<1x8x2048xf32> to vector<1xf32>
      %reduce_sum3A_786 = vector.shape_cast %reduce_sum3A_785 : vector<1xf32> to vector<1x1x1xf32>
      %reduce_sum3A_787 = vector.extract %reduce_sum3A_786[0, 0, 0] : f32 from vector<1x1x1xf32>
      %get3A_788 = arith.constant 1 : index
      %get3A_789 = arith.constant 0 : index
      %get3A_790 = arith.constant 0 : index
      %get3A_791 = vector.load %arg0[%get3A_788, %get3A_789, %get3A_790] : memref<4x8x2048xf32, #tpu.memory_space<vmem>>, vector<1x8x2048xf32>
      %get3A_792 = vector.shape_cast %get3A_791 : vector<1x8x2048xf32> to vector<8x2048xf32>
      %jit3A_793 = arith.constant 0.000000e+00 : f32
      %broadcast_in_dim3A_794 = vector.broadcast %jit3A_793 : f32 to vector<8x2048xf32>
      %select_n3A_795 = arith.select %eq3A_770, %get3A_792, %broadcast_in_dim3A_794 : vector<8x2048xi1>, vector<8x2048xf32>
      %reduce_sum3A_796 = vector.shape_cast %select_n3A_795 : vector<8x2048xf32> to vector<1x8x2048xf32>
      %reduce_sum3A_797 = arith.constant dense<0.000000e+00> : vector<1xf32>
      %reduce_sum3A_798 = vector.multi_reduction <add>, %reduce_sum3A_796, %reduce_sum3A_797 [1, 2] : vector<1x8x2048xf32> to vector<1xf32>
      %reduce_sum3A_799 = vector.shape_cast %reduce_sum3A_798 : vector<1xf32> to vector<1x1x1xf32>
      %reduce_sum3A_800 = vector.extract %reduce_sum3A_799[0, 0, 0] : f32 from vector<1x1x1xf32>
      %get3A_801 = arith.constant 2 : index
      %get3A_802 = arith.constant 0 : index
      %get3A_803 = arith.constant 0 : index
      %get3A_804 = vector.load %arg0[%get3A_801, %get3A_802, %get3A_803] : memref<4x8x2048xf32, #tpu.memory_space<vmem>>, vector<1x8x2048xf32>
      %get3A_805 = vector.shape_cast %get3A_804 : vector<1x8x2048xf32> to vector<8x2048xf32>
      %jit3A_806 = arith.constant 0.000000e+00 : f32
      %broadcast_in_dim3A_807 = vector.broadcast %jit3A_806 : f32 to vector<8x2048xf32>
      %select_n3A_808 = arith.select %eq3A_772, %get3A_805, %broadcast_in_dim3A_807 : vector<8x2048xi1>, vector<8x2048xf32>
      %reduce_sum3A_809 = vector.shape_cast %select_n3A_808 : vector<8x2048xf32> to vector<1x8x2048xf32>
      %reduce_sum3A_810 = arith.constant dense<0.000000e+00> : vector<1xf32>
      %reduce_sum3A_811 = vector.multi_reduction <add>, %reduce_sum3A_809, %reduce_sum3A_810 [1, 2] : vector<1x8x2048xf32> to vector<1xf32>
      %reduce_sum3A_812 = vector.shape_cast %reduce_sum3A_811 : vector<1xf32> to vector<1x1x1xf32>
      %reduce_sum3A_813 = vector.extract %reduce_sum3A_812[0, 0, 0] : f32 from vector<1x1x1xf32>
      %get3A_814 = arith.constant 3 : index
      %get3A_815 = arith.constant 0 : index
      %get3A_816 = arith.constant 0 : index
      %get3A_817 = vector.load %arg0[%get3A_814, %get3A_815, %get3A_816] : memref<4x8x2048xf32, #tpu.memory_space<vmem>>, vector<1x8x2048xf32>
      %get3A_818 = vector.shape_cast %get3A_817 : vector<1x8x2048xf32> to vector<8x2048xf32>
      %jit3A_819 = arith.constant 0.000000e+00 : f32
      %broadcast_in_dim3A_820 = vector.broadcast %jit3A_819 : f32 to vector<8x2048xf32>
      %select_n3A_821 = arith.select %eq3A_774, %get3A_818, %broadcast_in_dim3A_820 : vector<8x2048xi1>, vector<8x2048xf32>
      %reduce_sum3A_822 = vector.shape_cast %select_n3A_821 : vector<8x2048xf32> to vector<1x8x2048xf32>
      %reduce_sum3A_823 = arith.constant dense<0.000000e+00> : vector<1xf32>
      %reduce_sum3A_824 = vector.multi_reduction <add>, %reduce_sum3A_822, %reduce_sum3A_823 [1, 2] : vector<1x8x2048xf32> to vector<1xf32>
      %reduce_sum3A_825 = vector.shape_cast %reduce_sum3A_824 : vector<1xf32> to vector<1x1x1xf32>
      %reduce_sum3A_826 = vector.extract %reduce_sum3A_825[0, 0, 0] : f32 from vector<1x1x1xf32>
      %get3A_827 = arith.constant 0 : index
      %get3A_828 = arith.constant 0 : index
      %get3A_829 = arith.constant 0 : index
      %get3A_830 = vector.load %arg1[%get3A_827, %get3A_828, %get3A_829] : memref<4x8x2048xf32, #tpu.memory_space<vmem>>, vector<1x8x2048xf32>
      %get3A_831 = vector.shape_cast %get3A_830 : vector<1x8x2048xf32> to vector<8x2048xf32>
      %jit3A_832 = arith.constant 0.000000e+00 : f32
      %broadcast_in_dim3A_833 = vector.broadcast %jit3A_832 : f32 to vector<8x2048xf32>
      %select_n3A_834 = arith.select %eq3A_768, %get3A_831, %broadcast_in_dim3A_833 : vector<8x2048xi1>, vector<8x2048xf32>
      %reduce_sum3A_835 = vector.shape_cast %select_n3A_834 : vector<8x2048xf32> to vector<1x8x2048xf32>
      %reduce_sum3A_836 = arith.constant dense<0.000000e+00> : vector<1xf32>
      %reduce_sum3A_837 = vector.multi_reduction <add>, %reduce_sum3A_835, %reduce_sum3A_836 [1, 2] : vector<1x8x2048xf32> to vector<1xf32>
      %reduce_sum3A_838 = vector.shape_cast %reduce_sum3A_837 : vector<1xf32> to vector<1x1x1xf32>
      %reduce_sum3A_839 = vector.extract %reduce_sum3A_838[0, 0, 0] : f32 from vector<1x1x1xf32>
      %get3A_840 = arith.constant 1 : index
      %get3A_841 = arith.constant 0 : index
      %get3A_842 = arith.constant 0 : index
      %get3A_843 = vector.load %arg1[%get3A_840, %get3A_841, %get3A_842] : memref<4x8x2048xf32, #tpu.memory_space<vmem>>, vector<1x8x2048xf32>
      %get3A_844 = vector.shape_cast %get3A_843 : vector<1x8x2048xf32> to vector<8x2048xf32>
      %jit3A_845 = arith.constant 0.000000e+00 : f32
      %broadcast_in_dim3A_846 = vector.broadcast %jit3A_845 : f32 to vector<8x2048xf32>
      %select_n3A_847 = arith.select %eq3A_770, %get3A_844, %broadcast_in_dim3A_846 : vector<8x2048xi1>, vector<8x2048xf32>
      %reduce_sum3A_848 = vector.shape_cast %select_n3A_847 : vector<8x2048xf32> to vector<1x8x2048xf32>
      %reduce_sum3A_849 = arith.constant dense<0.000000e+00> : vector<1xf32>
      %reduce_sum3A_850 = vector.multi_reduction <add>, %reduce_sum3A_848, %reduce_sum3A_849 [1, 2] : vector<1x8x2048xf32> to vector<1xf32>
      %reduce_sum3A_851 = vector.shape_cast %reduce_sum3A_850 : vector<1xf32> to vector<1x1x1xf32>
      %reduce_sum3A_852 = vector.extract %reduce_sum3A_851[0, 0, 0] : f32 from vector<1x1x1xf32>
      %get3A_853 = arith.constant 2 : index
      %get3A_854 = arith.constant 0 : index
      %get3A_855 = arith.constant 0 : index
      %get3A_856 = vector.load %arg1[%get3A_853, %get3A_854, %get3A_855] : memref<4x8x2048xf32, #tpu.memory_space<vmem>>, vector<1x8x2048xf32>
      %get3A_857 = vector.shape_cast %get3A_856 : vector<1x8x2048xf32> to vector<8x2048xf32>
      %jit3A_858 = arith.constant 0.000000e+00 : f32
      %broadcast_in_dim3A_859 = vector.broadcast %jit3A_858 : f32 to vector<8x2048xf32>
      %select_n3A_860 = arith.select %eq3A_772, %get3A_857, %broadcast_in_dim3A_859 : vector<8x2048xi1>, vector<8x2048xf32>
      %reduce_sum3A_861 = vector.shape_cast %select_n3A_860 : vector<8x2048xf32> to vector<1x8x2048xf32>
      %reduce_sum3A_862 = arith.constant dense<0.000000e+00> : vector<1xf32>
      %reduce_sum3A_863 = vector.multi_reduction <add>, %reduce_sum3A_861, %reduce_sum3A_862 [1, 2] : vector<1x8x2048xf32> to vector<1xf32>
      %reduce_sum3A_864 = vector.shape_cast %reduce_sum3A_863 : vector<1xf32> to vector<1x1x1xf32>
      %reduce_sum3A_865 = vector.extract %reduce_sum3A_864[0, 0, 0] : f32 from vector<1x1x1xf32>
      %get3A_866 = arith.constant 3 : index
      %get3A_867 = arith.constant 0 : index
      %get3A_868 = arith.constant 0 : index
      %get3A_869 = vector.load %arg1[%get3A_866, %get3A_867, %get3A_868] : memref<4x8x2048xf32, #tpu.memory_space<vmem>>, vector<1x8x2048xf32>
      %get3A_870 = vector.shape_cast %get3A_869 : vector<1x8x2048xf32> to vector<8x2048xf32>
      %jit3A_871 = arith.constant 0.000000e+00 : f32
      %broadcast_in_dim3A_872 = vector.broadcast %jit3A_871 : f32 to vector<8x2048xf32>
      %select_n3A_873 = arith.select %eq3A_774, %get3A_870, %broadcast_in_dim3A_872 : vector<8x2048xi1>, vector<8x2048xf32>
      %reduce_sum3A_874 = vector.shape_cast %select_n3A_873 : vector<8x2048xf32> to vector<1x8x2048xf32>
      %reduce_sum3A_875 = arith.constant dense<0.000000e+00> : vector<1xf32>
      %reduce_sum3A_876 = vector.multi_reduction <add>, %reduce_sum3A_874, %reduce_sum3A_875 [1, 2] : vector<1x8x2048xf32> to vector<1xf32>
      %reduce_sum3A_877 = vector.shape_cast %reduce_sum3A_876 : vector<1xf32> to vector<1x1x1xf32>
      %reduce_sum3A_878 = vector.extract %reduce_sum3A_877[0, 0, 0] : f32 from vector<1x1x1xf32>
      %get3A_879 = arith.constant 0 : index
      %get3A_880 = arith.constant 0 : index
      %get3A_881 = arith.constant 0 : index
      %get3A_882 = vector.load %arg2[%get3A_879, %get3A_880, %get3A_881] : memref<4x8x2048xf32, #tpu.memory_space<vmem>>, vector<1x8x2048xf32>
      %get3A_883 = vector.shape_cast %get3A_882 : vector<1x8x2048xf32> to vector<8x2048xf32>
      %jit3A_884 = arith.constant 0.000000e+00 : f32
      %broadcast_in_dim3A_885 = vector.broadcast %jit3A_884 : f32 to vector<8x2048xf32>
      %select_n3A_886 = arith.select %eq3A_768, %get3A_883, %broadcast_in_dim3A_885 : vector<8x2048xi1>, vector<8x2048xf32>
      %reduce_sum3A_887 = vector.shape_cast %select_n3A_886 : vector<8x2048xf32> to vector<1x8x2048xf32>
      %reduce_sum3A_888 = arith.constant dense<0.000000e+00> : vector<1xf32>
      %reduce_sum3A_889 = vector.multi_reduction <add>, %reduce_sum3A_887, %reduce_sum3A_888 [1, 2] : vector<1x8x2048xf32> to vector<1xf32>
      %reduce_sum3A_890 = vector.shape_cast %reduce_sum3A_889 : vector<1xf32> to vector<1x1x1xf32>
      %reduce_sum3A_891 = vector.extract %reduce_sum3A_890[0, 0, 0] : f32 from vector<1x1x1xf32>
      %get3A_892 = arith.constant 1 : index
      %get3A_893 = arith.constant 0 : index
      %get3A_894 = arith.constant 0 : index
      %get3A_895 = vector.load %arg2[%get3A_892, %get3A_893, %get3A_894] : memref<4x8x2048xf32, #tpu.memory_space<vmem>>, vector<1x8x2048xf32>
      %get3A_896 = vector.shape_cast %get3A_895 : vector<1x8x2048xf32> to vector<8x2048xf32>
      %jit3A_897 = arith.constant 0.000000e+00 : f32
      %broadcast_in_dim3A_898 = vector.broadcast %jit3A_897 : f32 to vector<8x2048xf32>
      %select_n3A_899 = arith.select %eq3A_770, %get3A_896, %broadcast_in_dim3A_898 : vector<8x2048xi1>, vector<8x2048xf32>
      %reduce_sum3A_900 = vector.shape_cast %select_n3A_899 : vector<8x2048xf32> to vector<1x8x2048xf32>
      %reduce_sum3A_901 = arith.constant dense<0.000000e+00> : vector<1xf32>
      %reduce_sum3A_902 = vector.multi_reduction <add>, %reduce_sum3A_900, %reduce_sum3A_901 [1, 2] : vector<1x8x2048xf32> to vector<1xf32>
      %reduce_sum3A_903 = vector.shape_cast %reduce_sum3A_902 : vector<1xf32> to vector<1x1x1xf32>
      %reduce_sum3A_904 = vector.extract %reduce_sum3A_903[0, 0, 0] : f32 from vector<1x1x1xf32>
      %get3A_905 = arith.constant 2 : index
      %get3A_906 = arith.constant 0 : index
      %get3A_907 = arith.constant 0 : index
      %get3A_908 = vector.load %arg2[%get3A_905, %get3A_906, %get3A_907] : memref<4x8x2048xf32, #tpu.memory_space<vmem>>, vector<1x8x2048xf32>
      %get3A_909 = vector.shape_cast %get3A_908 : vector<1x8x2048xf32> to vector<8x2048xf32>
      %jit3A_910 = arith.constant 0.000000e+00 : f32
      %broadcast_in_dim3A_911 = vector.broadcast %jit3A_910 : f32 to vector<8x2048xf32>
      %select_n3A_912 = arith.select %eq3A_772, %get3A_909, %broadcast_in_dim3A_911 : vector<8x2048xi1>, vector<8x2048xf32>
      %reduce_sum3A_913 = vector.shape_cast %select_n3A_912 : vector<8x2048xf32> to vector<1x8x2048xf32>
      %reduce_sum3A_914 = arith.constant dense<0.000000e+00> : vector<1xf32>
      %reduce_sum3A_915 = vector.multi_reduction <add>, %reduce_sum3A_913, %reduce_sum3A_914 [1, 2] : vector<1x8x2048xf32> to vector<1xf32>
      %reduce_sum3A_916 = vector.shape_cast %reduce_sum3A_915 : vector<1xf32> to vector<1x1x1xf32>
      %reduce_sum3A_917 = vector.extract %reduce_sum3A_916[0, 0, 0] : f32 from vector<1x1x1xf32>
      %get3A_918 = arith.constant 3 : index
      %get3A_919 = arith.constant 0 : index
      %get3A_920 = arith.constant 0 : index
      %get3A_921 = vector.load %arg2[%get3A_918, %get3A_919, %get3A_920] : memref<4x8x2048xf32, #tpu.memory_space<vmem>>, vector<1x8x2048xf32>
      %get3A_922 = vector.shape_cast %get3A_921 : vector<1x8x2048xf32> to vector<8x2048xf32>
      %jit3A_923 = arith.constant 0.000000e+00 : f32
      %broadcast_in_dim3A_924 = vector.broadcast %jit3A_923 : f32 to vector<8x2048xf32>
      %select_n3A_925 = arith.select %eq3A_774, %get3A_922, %broadcast_in_dim3A_924 : vector<8x2048xi1>, vector<8x2048xf32>
      %reduce_sum3A_926 = vector.shape_cast %select_n3A_925 : vector<8x2048xf32> to vector<1x8x2048xf32>
      %reduce_sum3A_927 = arith.constant dense<0.000000e+00> : vector<1xf32>
      %reduce_sum3A_928 = vector.multi_reduction <add>, %reduce_sum3A_926, %reduce_sum3A_927 [1, 2] : vector<1x8x2048xf32> to vector<1xf32>
      %reduce_sum3A_929 = vector.shape_cast %reduce_sum3A_928 : vector<1xf32> to vector<1x1x1xf32>
      %reduce_sum3A_930 = vector.extract %reduce_sum3A_929[0, 0, 0] : f32 from vector<1x1x1xf32>
      %get3A_931 = arith.constant 0 : index
      %get3A_932 = arith.constant 0 : index
      %get3A_933 = arith.constant 0 : index
      %get3A_934 = vector.load %arg0[%get3A_931, %get3A_932, %get3A_933] : memref<4x8x2048xf32, #tpu.memory_space<vmem>>, vector<1x8x2048xf32>
      %get3A_935 = vector.shape_cast %get3A_934 : vector<1x8x2048xf32> to vector<8x2048xf32>
      %sub3A_936 = vector.broadcast %reduce_sum3A_787 : f32 to vector<8x2048xf32>
      %sub3A_937 = arith.subf %get3A_935, %sub3A_936 : vector<8x2048xf32>
      %get3A_938 = arith.constant 0 : index
      %get3A_939 = arith.constant 0 : index
      %get3A_940 = arith.constant 0 : index
      %get3A_941 = vector.load %arg1[%get3A_938, %get3A_939, %get3A_940] : memref<4x8x2048xf32, #tpu.memory_space<vmem>>, vector<1x8x2048xf32>
      %get3A_942 = vector.shape_cast %get3A_941 : vector<1x8x2048xf32> to vector<8x2048xf32>
      %sub3A_943 = vector.broadcast %reduce_sum3A_839 : f32 to vector<8x2048xf32>
      %sub3A_944 = arith.subf %get3A_942, %sub3A_943 : vector<8x2048xf32>
      %get3A_945 = arith.constant 0 : index
      %get3A_946 = arith.constant 0 : index
      %get3A_947 = arith.constant 0 : index
      %get3A_948 = vector.load %arg2[%get3A_945, %get3A_946, %get3A_947] : memref<4x8x2048xf32, #tpu.memory_space<vmem>>, vector<1x8x2048xf32>
      %get3A_949 = vector.shape_cast %get3A_948 : vector<1x8x2048xf32> to vector<8x2048xf32>
      %sub3A_950 = vector.broadcast %reduce_sum3A_891 : f32 to vector<8x2048xf32>
      %sub3A_951 = arith.subf %get3A_949, %sub3A_950 : vector<8x2048xf32>
      %mul3A_952 = arith.mulf %sub3A_937, %sub3A_937 : vector<8x2048xf32>
      %mul3A_953 = arith.mulf %sub3A_951, %sub3A_951 : vector<8x2048xf32>
      %add3A_954 = arith.addf %mul3A_952, %mul3A_953 : vector<8x2048xf32>
      %mul3A_955 = arith.mulf %sub3A_944, %sub3A_944 : vector<8x2048xf32>
      %add3A_956 = arith.addf %add3A_954, %mul3A_955 : vector<8x2048xf32>
      %min3A_957 = arith.minimumf %get3A_701, %add3A_956 : vector<8x2048xf32>
      %swap3A_958 = arith.constant 0 : index
      %swap3A_959 = arith.constant 0 : index
      %swap3A_960 = vector.load %arg7[%swap3A_958, %swap3A_959] : memref<8x2048xf32, #tpu.memory_space<vmem>>, vector<8x2048xf32>
      tpu.vector_store %arg7[%swap3A_958, %swap3A_959], %min3A_957 {strides = array<i32>} : memref<8x2048xf32, #tpu.memory_space<vmem>>, vector<8x2048xf32>,
      %get3A_961 = arith.constant 1 : index
      %get3A_962 = arith.constant 0 : index
      %get3A_963 = arith.constant 0 : index
      %get3A_964 = vector.load %arg0[%get3A_961, %get3A_962, %get3A_963] : memref<4x8x2048xf32, #tpu.memory_space<vmem>>, vector<1x8x2048xf32>
      %get3A_965 = vector.shape_cast %get3A_964 : vector<1x8x2048xf32> to vector<8x2048xf32>
      %sub3A_966 = vector.broadcast %reduce_sum3A_800 : f32 to vector<8x2048xf32>
      %sub3A_967 = arith.subf %get3A_965, %sub3A_966 : vector<8x2048xf32>
      %get3A_968 = arith.constant 1 : index
      %get3A_969 = arith.constant 0 : index
      %get3A_970 = arith.constant 0 : index
      %get3A_971 = vector.load %arg1[%get3A_968, %get3A_969, %get3A_970] : memref<4x8x2048xf32, #tpu.memory_space<vmem>>, vector<1x8x2048xf32>
      %get3A_972 = vector.shape_cast %get3A_971 : vector<1x8x2048xf32> to vector<8x2048xf32>
      %sub3A_973 = vector.broadcast %reduce_sum3A_852 : f32 to vector<8x2048xf32>
      %sub3A_974 = arith.subf %get3A_972, %sub3A_973 : vector<8x2048xf32>
      %get3A_975 = arith.constant 1 : index
      %get3A_976 = arith.constant 0 : index
      %get3A_977 = arith.constant 0 : index
      %get3A_978 = vector.load %arg2[%get3A_975, %get3A_976, %get3A_977] : memref<4x8x2048xf32, #tpu.memory_space<vmem>>, vector<1x8x2048xf32>
      %get3A_979 = vector.shape_cast %get3A_978 : vector<1x8x2048xf32> to vector<8x2048xf32>
      %sub3A_980 = vector.broadcast %reduce_sum3A_904 : f32 to vector<8x2048xf32>
      %sub3A_981 = arith.subf %get3A_979, %sub3A_980 : vector<8x2048xf32>
      %mul3A_982 = arith.mulf %sub3A_967, %sub3A_967 : vector<8x2048xf32>
      %mul3A_983 = arith.mulf %sub3A_981, %sub3A_981 : vector<8x2048xf32>
      %add3A_984 = arith.addf %mul3A_982, %mul3A_983 : vector<8x2048xf32>
      %mul3A_985 = arith.mulf %sub3A_974, %sub3A_974 : vector<8x2048xf32>
      %add3A_986 = arith.addf %add3A_984, %mul3A_985 : vector<8x2048xf32>
      %min3A_987 = arith.minimumf %get3A_704, %add3A_986 : vector<8x2048xf32>
      %swap3A_988 = arith.constant 0 : index
      %swap3A_989 = arith.constant 0 : index
      %swap3A_990 = vector.load %arg8[%swap3A_988, %swap3A_989] : memref<8x2048xf32, #tpu.memory_space<vmem>>, vector<8x2048xf32>
      tpu.vector_store %arg8[%swap3A_988, %swap3A_989], %min3A_987 {strides = array<i32>} : memref<8x2048xf32, #tpu.memory_space<vmem>>, vector<8x2048xf32>,
      %get3A_991 = arith.constant 2 : index
      %get3A_992 = arith.constant 0 : index
      %get3A_993 = arith.constant 0 : index
      %get3A_994 = vector.load %arg0[%get3A_991, %get3A_992, %get3A_993] : memref<4x8x2048xf32, #tpu.memory_space<vmem>>, vector<1x8x2048xf32>
      %get3A_995 = vector.shape_cast %get3A_994 : vector<1x8x2048xf32> to vector<8x2048xf32>
      %sub3A_996 = vector.broadcast %reduce_sum3A_813 : f32 to vector<8x2048xf32>
      %sub3A_997 = arith.subf %get3A_995, %sub3A_996 : vector<8x2048xf32>
      %get3A_998 = arith.constant 2 : index
      %get3A_999 = arith.constant 0 : index
      %get3A_1000 = arith.constant 0 : index
      %get3A_1001 = vector.load %arg1[%get3A_998, %get3A_999, %get3A_1000] : memref<4x8x2048xf32, #tpu.memory_space<vmem>>, vector<1x8x2048xf32>
      %get3A_1002 = vector.shape_cast %get3A_1001 : vector<1x8x2048xf32> to vector<8x2048xf32>
      %sub3A_1003 = vector.broadcast %reduce_sum3A_865 : f32 to vector<8x2048xf32>
      %sub3A_1004 = arith.subf %get3A_1002, %sub3A_1003 : vector<8x2048xf32>
      %get3A_1005 = arith.constant 2 : index
      %get3A_1006 = arith.constant 0 : index
      %get3A_1007 = arith.constant 0 : index
      %get3A_1008 = vector.load %arg2[%get3A_1005, %get3A_1006, %get3A_1007] : memref<4x8x2048xf32, #tpu.memory_space<vmem>>, vector<1x8x2048xf32>
      %get3A_1009 = vector.shape_cast %get3A_1008 : vector<1x8x2048xf32> to vector<8x2048xf32>
      %sub3A_1010 = vector.broadcast %reduce_sum3A_917 : f32 to vector<8x2048xf32>
      %sub3A_1011 = arith.subf %get3A_1009, %sub3A_1010 : vector<8x2048xf32>
      %mul3A_1012 = arith.mulf %sub3A_997, %sub3A_997 : vector<8x2048xf32>
      %mul3A_1013 = arith.mulf %sub3A_1011, %sub3A_1011 : vector<8x2048xf32>
      %add3A_1014 = arith.addf %mul3A_1012, %mul3A_1013 : vector<8x2048xf32>
      %mul3A_1015 = arith.mulf %sub3A_1004, %sub3A_1004 : vector<8x2048xf32>
      %add3A_1016 = arith.addf %add3A_1014, %mul3A_1015 : vector<8x2048xf32>
      %min3A_1017 = arith.minimumf %get3A_707, %add3A_1016 : vector<8x2048xf32>
      %swap3A_1018 = arith.constant 0 : index
      %swap3A_1019 = arith.constant 0 : index
      %swap3A_1020 = vector.load %arg9[%swap3A_1018, %swap3A_1019] : memref<8x2048xf32, #tpu.memory_space<vmem>>, vector<8x2048xf32>
      tpu.vector_store %arg9[%swap3A_1018, %swap3A_1019], %min3A_1017 {strides = array<i32>} : memref<8x2048xf32, #tpu.memory_space<vmem>>, vector<8x2048xf32>,
      %get3A_1021 = arith.constant 3 : index
      %get3A_1022 = arith.constant 0 : index
      %get3A_1023 = arith.constant 0 : index
      %get3A_1024 = vector.load %arg0[%get3A_1021, %get3A_1022, %get3A_1023] : memref<4x8x2048xf32, #tpu.memory_space<vmem>>, vector<1x8x2048xf32>
      %get3A_1025 = vector.shape_cast %get3A_1024 : vector<1x8x2048xf32> to vector<8x2048xf32>
      %sub3A_1026 = vector.broadcast %reduce_sum3A_826 : f32 to vector<8x2048xf32>
      %sub3A_1027 = arith.subf %get3A_1025, %sub3A_1026 : vector<8x2048xf32>
      %get3A_1028 = arith.constant 3 : index
      %get3A_1029 = arith.constant 0 : index
      %get3A_1030 = arith.constant 0 : index
      %get3A_1031 = vector.load %arg1[%get3A_1028, %get3A_1029, %get3A_1030] : memref<4x8x2048xf32, #tpu.memory_space<vmem>>, vector<1x8x2048xf32>
      %get3A_1032 = vector.shape_cast %get3A_1031 : vector<1x8x2048xf32> to vector<8x2048xf32>
      %sub3A_1033 = vector.broadcast %reduce_sum3A_878 : f32 to vector<8x2048xf32>
      %sub3A_1034 = arith.subf %get3A_1032, %sub3A_1033 : vector<8x2048xf32>
      %get3A_1035 = arith.constant 3 : index
      %get3A_1036 = arith.constant 0 : index
      %get3A_1037 = arith.constant 0 : index
      %get3A_1038 = vector.load %arg2[%get3A_1035, %get3A_1036, %get3A_1037] : memref<4x8x2048xf32, #tpu.memory_space<vmem>>, vector<1x8x2048xf32>
      %get3A_1039 = vector.shape_cast %get3A_1038 : vector<1x8x2048xf32> to vector<8x2048xf32>
      %sub3A_1040 = vector.broadcast %reduce_sum3A_930 : f32 to vector<8x2048xf32>
      %sub3A_1041 = arith.subf %get3A_1039, %sub3A_1040 : vector<8x2048xf32>
      %mul3A_1042 = arith.mulf %sub3A_1027, %sub3A_1027 : vector<8x2048xf32>
      %mul3A_1043 = arith.mulf %sub3A_1041, %sub3A_1041 : vector<8x2048xf32>
      %add3A_1044 = arith.addf %mul3A_1042, %mul3A_1043 : vector<8x2048xf32>
      %mul3A_1045 = arith.mulf %sub3A_1034, %sub3A_1034 : vector<8x2048xf32>
      %add3A_1046 = arith.addf %add3A_1044, %mul3A_1045 : vector<8x2048xf32>
      %min3A_1047 = arith.minimumf %get3A_710, %add3A_1046 : vector<8x2048xf32>
      %swap3A_1048 = arith.constant 0 : index
      %swap3A_1049 = arith.constant 0 : index
      %swap3A_1050 = vector.load %arg10[%swap3A_1048, %swap3A_1049] : memref<8x2048xf32, #tpu.memory_space<vmem>>, vector<8x2048xf32>
      tpu.vector_store %arg10[%swap3A_1048, %swap3A_1049], %min3A_1047 {strides = array<i32>} : memref<8x2048xf32, #tpu.memory_space<vmem>>, vector<8x2048xf32>,
      %stack3A_1051 = vector.broadcast %reduce_min3A_739 : i32 to vector<1xi32>
      %stack3A_1052 = vector.broadcast %reduce_min3A_748 : i32 to vector<1xi32>
      %stack3A_1053 = vector.broadcast %reduce_min3A_757 : i32 to vector<1xi32>
      %stack3A_1054 = vector.broadcast %reduce_min3A_766 : i32 to vector<1xi32>
      %stack3A_1055 = tpu.concatenate %stack3A_1051, %stack3A_1052, %stack3A_1053, %stack3A_1054 in 0 : vector<1xi32>, vector<1xi32>, vector<1xi32>, vector<1xi32> -> vector<4xi32>
      %reshape3A_1056 = vector.shape_cast %stack3A_1055 : vector<4xi32> to vector<1x4xi32>
      %swap3A_1057 = arith.index_cast %add3A_698 : i32 to index
      %swap3A_1058 = arith.constant 0 : index
      %swap3A_1059 = vector.load %arg3[%swap3A_1057, %swap3A_1058] : memref<4096x4xi32, #tpu.memory_space<vmem>>, vector<1x4xi32>
      tpu.vector_store %arg3[%swap3A_1057, %swap3A_1058], %reshape3A_1056 {strides = array<i32>} : memref<4096x4xi32, #tpu.memory_space<vmem>>, vector<1x4xi32>,
      %stack3A_1060 = vector.broadcast %reduce_sum3A_787 : f32 to vector<1xf32>
      %stack3A_1061 = vector.broadcast %reduce_sum3A_800 : f32 to vector<1xf32>
      %stack3A_1062 = vector.broadcast %reduce_sum3A_813 : f32 to vector<1xf32>
      %stack3A_1063 = vector.broadcast %reduce_sum3A_826 : f32 to vector<1xf32>
      %stack3A_1064 = tpu.concatenate %stack3A_1060, %stack3A_1061, %stack3A_1062, %stack3A_1063 in 0 : vector<1xf32>, vector<1xf32>, vector<1xf32>, vector<1xf32> -> vector<4xf32>
      %reshape3A_1065 = vector.shape_cast %stack3A_1064 : vector<4xf32> to vector<1x4xf32>
      %swap3A_1066 = arith.index_cast %add3A_698 : i32 to index
      %swap3A_1067 = arith.constant 0 : index
      %swap3A_1068 = vector.load %arg4[%swap3A_1066, %swap3A_1067] : memref<4096x4xf32, #tpu.memory_space<vmem>>, vector<1x4xf32>
      tpu.vector_store %arg4[%swap3A_1066, %swap3A_1067], %reshape3A_1065 {strides = array<i32>} : memref<4096x4xf32, #tpu.memory_space<vmem>>, vector<1x4xf32>,
      %stack3A_1069 = vector.broadcast %reduce_sum3A_839 : f32 to vector<1xf32>
      %stack3A_1070 = vector.broadcast %reduce_sum3A_852 : f32 to vector<1xf32>
      %stack3A_1071 = vector.broadcast %reduce_sum3A_865 : f32 to vector<1xf32>
      %stack3A_1072 = vector.broadcast %reduce_sum3A_878 : f32 to vector<1xf32>
      %stack3A_1073 = tpu.concatenate %stack3A_1069, %stack3A_1070, %stack3A_1071, %stack3A_1072 in 0 : vector<1xf32>, vector<1xf32>, vector<1xf32>, vector<1xf32> -> vector<4xf32>
      %reshape3A_1074 = vector.shape_cast %stack3A_1073 : vector<4xf32> to vector<1x4xf32>
      %swap3A_1075 = arith.index_cast %add3A_698 : i32 to index
      %swap3A_1076 = arith.constant 0 : index
      %swap3A_1077 = vector.load %arg5[%swap3A_1075, %swap3A_1076] : memref<4096x4xf32, #tpu.memory_space<vmem>>, vector<1x4xf32>
      tpu.vector_store %arg5[%swap3A_1075, %swap3A_1076], %reshape3A_1074 {strides = array<i32>} : memref<4096x4xf32, #tpu.memory_space<vmem>>, vector<1x4xf32>,
      %stack3A_1078 = vector.broadcast %reduce_sum3A_891 : f32 to vector<1xf32>
      %stack3A_1079 = vector.broadcast %reduce_sum3A_904 : f32 to vector<1xf32>
      %stack3A_1080 = vector.broadcast %reduce_sum3A_917 : f32 to vector<1xf32>
      %stack3A_1081 = vector.broadcast %reduce_sum3A_930 : f32 to vector<1xf32>
      %stack3A_1082 = tpu.concatenate %stack3A_1078, %stack3A_1079, %stack3A_1080, %stack3A_1081 in 0 : vector<1xf32>, vector<1xf32>, vector<1xf32>, vector<1xf32> -> vector<4xf32>
      %reshape3A_1083 = vector.shape_cast %stack3A_1082 : vector<4xf32> to vector<1x4xf32>
      %swap3A_1084 = arith.index_cast %add3A_698 : i32 to index
      %swap3A_1085 = arith.constant 0 : index
      %swap3A_1086 = vector.load %arg6[%swap3A_1084, %swap3A_1085] : memref<4096x4xf32, #tpu.memory_space<vmem>>, vector<1x4xf32>
      tpu.vector_store %arg6[%swap3A_1084, %swap3A_1085], %reshape3A_1083 {strides = array<i32>} : memref<4096x4xf32, #tpu.memory_space<vmem>>, vector<1x4xf32>,
      %add3A_1087 = arith.constant 1 : i32
      %add3A_1088 = arith.addi %add3A_698, %add3A_1087 : i32
      %reduce_max3A_1089 = vector.shape_cast %min3A_957 : vector<8x2048xf32> to vector<1x8x2048xf32>
      %reduce_max3A_1090 = arith.constant dense<0xFF800000> : vector<1xf32>
      %reduce_max3A_1091 = vector.multi_reduction <maximumf>, %reduce_max3A_1089, %reduce_max3A_1090 [1, 2] : vector<1x8x2048xf32> to vector<1xf32>
      %reduce_max3A_1092 = vector.shape_cast %reduce_max3A_1091 : vector<1xf32> to vector<1x1x1xf32>
      %reduce_max3A_1093 = vector.extract %reduce_max3A_1092[0, 0, 0] : f32 from vector<1x1x1xf32>
      %reduce_max3A_1094 = vector.shape_cast %min3A_987 : vector<8x2048xf32> to vector<1x8x2048xf32>
      %reduce_max3A_1095 = arith.constant dense<0xFF800000> : vector<1xf32>
      %reduce_max3A_1096 = vector.multi_reduction <maximumf>, %reduce_max3A_1094, %reduce_max3A_1095 [1, 2] : vector<1x8x2048xf32> to vector<1xf32>
      %reduce_max3A_1097 = vector.shape_cast %reduce_max3A_1096 : vector<1xf32> to vector<1x1x1xf32>
      %reduce_max3A_1098 = vector.extract %reduce_max3A_1097[0, 0, 0] : f32 from vector<1x1x1xf32>
      %reduce_max3A_1099 = vector.shape_cast %min3A_1017 : vector<8x2048xf32> to vector<1x8x2048xf32>
      %reduce_max3A_1100 = arith.constant dense<0xFF800000> : vector<1xf32>
      %reduce_max3A_1101 = vector.multi_reduction <maximumf>, %reduce_max3A_1099, %reduce_max3A_1100 [1, 2] : vector<1x8x2048xf32> to vector<1xf32>
      %reduce_max3A_1102 = vector.shape_cast %reduce_max3A_1101 : vector<1xf32> to vector<1x1x1xf32>
      %reduce_max3A_1103 = vector.extract %reduce_max3A_1102[0, 0, 0] : f32 from vector<1x1x1xf32>
      %reduce_max3A_1104 = vector.shape_cast %min3A_1047 : vector<8x2048xf32> to vector<1x8x2048xf32>
      %reduce_max3A_1105 = arith.constant dense<0xFF800000> : vector<1xf32>
      %reduce_max3A_1106 = vector.multi_reduction <maximumf>, %reduce_max3A_1104, %reduce_max3A_1105 [1, 2] : vector<1x8x2048xf32> to vector<1xf32>
      %reduce_max3A_1107 = vector.shape_cast %reduce_max3A_1106 : vector<1xf32> to vector<1x1x1xf32>
      %reduce_max3A_1108 = vector.extract %reduce_max3A_1107[0, 0, 0] : f32 from vector<1x1x1xf32>
      %eq3A_1109 = vector.broadcast %reduce_max3A_1093 : f32 to vector<8x2048xf32>
      %eq3A_1110 = arith.cmpf oeq, %min3A_957, %eq3A_1109 : vector<8x2048xf32>
      %broadcast_in_dim3A_1111 = vector.broadcast %scan3A : i32 to vector<8x2048xi32>
      %select_n3A_1112 = arith.select %eq3A_1110, %add3A, %broadcast_in_dim3A_1111 : vector<8x2048xi1>, vector<8x2048xi32>
      %reduce_min3A_1113 = vector.shape_cast %select_n3A_1112 : vector<8x2048xi32> to vector<1x8x2048xi32>
      %reduce_min3A_1114 = arith.constant dense<2147483647> : vector<1xi32>
      %reduce_min3A_1115 = vector.multi_reduction <minsi>, %reduce_min3A_1113, %reduce_min3A_1114 [1, 2] : vector<1x8x2048xi32> to vector<1xi32>
      %reduce_min3A_1116 = vector.shape_cast %reduce_min3A_1115 : vector<1xi32> to vector<1x1x1xi32>
      %reduce_min3A_1117 = vector.extract %reduce_min3A_1116[0, 0, 0] : i32 from vector<1x1x1xi32>
      %eq3A_1118 = vector.broadcast %reduce_max3A_1098 : f32 to vector<8x2048xf32>
      %eq3A_1119 = arith.cmpf oeq, %min3A_987, %eq3A_1118 : vector<8x2048xf32>
      %broadcast_in_dim3A_1120 = vector.broadcast %scan3A : i32 to vector<8x2048xi32>
      %select_n3A_1121 = arith.select %eq3A_1119, %add3A, %broadcast_in_dim3A_1120 : vector<8x2048xi1>, vector<8x2048xi32>
      %reduce_min3A_1122 = vector.shape_cast %select_n3A_1121 : vector<8x2048xi32> to vector<1x8x2048xi32>
      %reduce_min3A_1123 = arith.constant dense<2147483647> : vector<1xi32>
      %reduce_min3A_1124 = vector.multi_reduction <minsi>, %reduce_min3A_1122, %reduce_min3A_1123 [1, 2] : vector<1x8x2048xi32> to vector<1xi32>
      %reduce_min3A_1125 = vector.shape_cast %reduce_min3A_1124 : vector<1xi32> to vector<1x1x1xi32>
      %reduce_min3A_1126 = vector.extract %reduce_min3A_1125[0, 0, 0] : i32 from vector<1x1x1xi32>
      %eq3A_1127 = vector.broadcast %reduce_max3A_1103 : f32 to vector<8x2048xf32>
      %eq3A_1128 = arith.cmpf oeq, %min3A_1017, %eq3A_1127 : vector<8x2048xf32>
      %broadcast_in_dim3A_1129 = vector.broadcast %scan3A : i32 to vector<8x2048xi32>
      %select_n3A_1130 = arith.select %eq3A_1128, %add3A, %broadcast_in_dim3A_1129 : vector<8x2048xi1>, vector<8x2048xi32>
      %reduce_min3A_1131 = vector.shape_cast %select_n3A_1130 : vector<8x2048xi32> to vector<1x8x2048xi32>
      %reduce_min3A_1132 = arith.constant dense<2147483647> : vector<1xi32>
      %reduce_min3A_1133 = vector.multi_reduction <minsi>, %reduce_min3A_1131, %reduce_min3A_1132 [1, 2] : vector<1x8x2048xi32> to vector<1xi32>
      %reduce_min3A_1134 = vector.shape_cast %reduce_min3A_1133 : vector<1xi32> to vector<1x1x1xi32>
      %reduce_min3A_1135 = vector.extract %reduce_min3A_1134[0, 0, 0] : i32 from vector<1x1x1xi32>
      %eq3A_1136 = vector.broadcast %reduce_max3A_1108 : f32 to vector<8x2048xf32>
      %eq3A_1137 = arith.cmpf oeq, %min3A_1047, %eq3A_1136 : vector<8x2048xf32>
      %broadcast_in_dim3A_1138 = vector.broadcast %scan3A : i32 to vector<8x2048xi32>
      %select_n3A_1139 = arith.select %eq3A_1137, %add3A, %broadcast_in_dim3A_1138 : vector<8x2048xi1>, vector<8x2048xi32>
      %reduce_min3A_1140 = vector.shape_cast %select_n3A_1139 : vector<8x2048xi32> to vector<1x8x2048xi32>
      %reduce_min3A_1141 = arith.constant dense<2147483647> : vector<1xi32>
      %reduce_min3A_1142 = vector.multi_reduction <minsi>, %reduce_min3A_1140, %reduce_min3A_1141 [1, 2] : vector<1x8x2048xi32> to vector<1xi32>
      %reduce_min3A_1143 = vector.shape_cast %reduce_min3A_1142 : vector<1xi32> to vector<1x1x1xi32>
      %reduce_min3A_1144 = vector.extract %reduce_min3A_1143[0, 0, 0] : i32 from vector<1x1x1xi32>
      %eq3A_1145 = vector.broadcast %reduce_min3A_1117 : i32 to vector<8x2048xi32>
      %eq3A_1146 = arith.cmpi eq, %add3A, %eq3A_1145 : vector<8x2048xi32>
      %eq3A_1147 = vector.broadcast %reduce_min3A_1126 : i32 to vector<8x2048xi32>
      %eq3A_1148 = arith.cmpi eq, %add3A, %eq3A_1147 : vector<8x2048xi32>
      %eq3A_1149 = vector.broadcast %reduce_min3A_1135 : i32 to vector<8x2048xi32>
      %eq3A_1150 = arith.cmpi eq, %add3A, %eq3A_1149 : vector<8x2048xi32>
      %eq3A_1151 = vector.broadcast %reduce_min3A_1144 : i32 to vector<8x2048xi32>
      %eq3A_1152 = arith.cmpi eq, %add3A, %eq3A_1151 : vector<8x2048xi32>
      %get3A_1153 = arith.constant 0 : index
      %get3A_1154 = arith.constant 0 : index
      %get3A_1155 = arith.constant 0 : index
      %get3A_1156 = vector.load %arg0[%get3A_1153, %get3A_1154, %get3A_1155] : memref<4x8x2048xf32, #tpu.memory_space<vmem>>, vector<1x8x2048xf32>
      %get3A_1157 = vector.shape_cast %get3A_1156 : vector<1x8x2048xf32> to vector<8x2048xf32>
      %jit3A_1158 = arith.constant 0.000000e+00 : f32
      %broadcast_in_dim3A_1159 = vector.broadcast %jit3A_1158 : f32 to vector<8x2048xf32>
      %select_n3A_1160 = arith.select %eq3A_1146, %get3A_1157, %broadcast_in_dim3A_1159 : vector<8x2048xi1>, vector<8x2048xf32>
      %reduce_sum3A_1161 = vector.shape_cast %select_n3A_1160 : vector<8x2048xf32> to vector<1x8x2048xf32>
      %reduce_sum3A_1162 = arith.constant dense<0.000000e+00> : vector<1xf32>
      %reduce_sum3A_1163 = vector.multi_reduction <add>, %reduce_sum3A_1161, %reduce_sum3A_1162 [1, 2] : vector<1x8x2048xf32> to vector<1xf32>
      %reduce_sum3A_1164 = vector.shape_cast %reduce_sum3A_1163 : vector<1xf32> to vector<1x1x1xf32>
      %reduce_sum3A_1165 = vector.extract %reduce_sum3A_1164[0, 0, 0] : f32 from vector<1x1x1xf32>
      %get3A_1166 = arith.constant 1 : index
      %get3A_1167 = arith.constant 0 : index
      %get3A_1168 = arith.constant 0 : index
      %get3A_1169 = vector.load %arg0[%get3A_1166, %get3A_1167, %get3A_1168] : memref<4x8x2048xf32, #tpu.memory_space<vmem>>, vector<1x8x2048xf32>
      %get3A_1170 = vector.shape_cast %get3A_1169 : vector<1x8x2048xf32> to vector<8x2048xf32>
      %jit3A_1171 = arith.constant 0.000000e+00 : f32
      %broadcast_in_dim3A_1172 = vector.broadcast %jit3A_1171 : f32 to vector<8x2048xf32>
      %select_n3A_1173 = arith.select %eq3A_1148, %get3A_1170, %broadcast_in_dim3A_1172 : vector<8x2048xi1>, vector<8x2048xf32>
      %reduce_sum3A_1174 = vector.shape_cast %select_n3A_1173 : vector<8x2048xf32> to vector<1x8x2048xf32>
      %reduce_sum3A_1175 = arith.constant dense<0.000000e+00> : vector<1xf32>
      %reduce_sum3A_1176 = vector.multi_reduction <add>, %reduce_sum3A_1174, %reduce_sum3A_1175 [1, 2] : vector<1x8x2048xf32> to vector<1xf32>
      %reduce_sum3A_1177 = vector.shape_cast %reduce_sum3A_1176 : vector<1xf32> to vector<1x1x1xf32>
      %reduce_sum3A_1178 = vector.extract %reduce_sum3A_1177[0, 0, 0] : f32 from vector<1x1x1xf32>
      %get3A_1179 = arith.constant 2 : index
      %get3A_1180 = arith.constant 0 : index
      %get3A_1181 = arith.constant 0 : index
      %get3A_1182 = vector.load %arg0[%get3A_1179, %get3A_1180, %get3A_1181] : memref<4x8x2048xf32, #tpu.memory_space<vmem>>, vector<1x8x2048xf32>
      %get3A_1183 = vector.shape_cast %get3A_1182 : vector<1x8x2048xf32> to vector<8x2048xf32>
      %jit3A_1184 = arith.constant 0.000000e+00 : f32
      %broadcast_in_dim3A_1185 = vector.broadcast %jit3A_1184 : f32 to vector<8x2048xf32>
      %select_n3A_1186 = arith.select %eq3A_1150, %get3A_1183, %broadcast_in_dim3A_1185 : vector<8x2048xi1>, vector<8x2048xf32>
      %reduce_sum3A_1187 = vector.shape_cast %select_n3A_1186 : vector<8x2048xf32> to vector<1x8x2048xf32>
      %reduce_sum3A_1188 = arith.constant dense<0.000000e+00> : vector<1xf32>
      %reduce_sum3A_1189 = vector.multi_reduction <add>, %reduce_sum3A_1187, %reduce_sum3A_1188 [1, 2] : vector<1x8x2048xf32> to vector<1xf32>
      %reduce_sum3A_1190 = vector.shape_cast %reduce_sum3A_1189 : vector<1xf32> to vector<1x1x1xf32>
      %reduce_sum3A_1191 = vector.extract %reduce_sum3A_1190[0, 0, 0] : f32 from vector<1x1x1xf32>
      %get3A_1192 = arith.constant 3 : index
      %get3A_1193 = arith.constant 0 : index
      %get3A_1194 = arith.constant 0 : index
      %get3A_1195 = vector.load %arg0[%get3A_1192, %get3A_1193, %get3A_1194] : memref<4x8x2048xf32, #tpu.memory_space<vmem>>, vector<1x8x2048xf32>
      %get3A_1196 = vector.shape_cast %get3A_1195 : vector<1x8x2048xf32> to vector<8x2048xf32>
      %jit3A_1197 = arith.constant 0.000000e+00 : f32
      %broadcast_in_dim3A_1198 = vector.broadcast %jit3A_1197 : f32 to vector<8x2048xf32>
      %select_n3A_1199 = arith.select %eq3A_1152, %get3A_1196, %broadcast_in_dim3A_1198 : vector<8x2048xi1>, vector<8x2048xf32>
      %reduce_sum3A_1200 = vector.shape_cast %select_n3A_1199 : vector<8x2048xf32> to vector<1x8x2048xf32>
      %reduce_sum3A_1201 = arith.constant dense<0.000000e+00> : vector<1xf32>
      %reduce_sum3A_1202 = vector.multi_reduction <add>, %reduce_sum3A_1200, %reduce_sum3A_1201 [1, 2] : vector<1x8x2048xf32> to vector<1xf32>
      %reduce_sum3A_1203 = vector.shape_cast %reduce_sum3A_1202 : vector<1xf32> to vector<1x1x1xf32>
      %reduce_sum3A_1204 = vector.extract %reduce_sum3A_1203[0, 0, 0] : f32 from vector<1x1x1xf32>
      %get3A_1205 = arith.constant 0 : index
      %get3A_1206 = arith.constant 0 : index
      %get3A_1207 = arith.constant 0 : index
      %get3A_1208 = vector.load %arg1[%get3A_1205, %get3A_1206, %get3A_1207] : memref<4x8x2048xf32, #tpu.memory_space<vmem>>, vector<1x8x2048xf32>
      %get3A_1209 = vector.shape_cast %get3A_1208 : vector<1x8x2048xf32> to vector<8x2048xf32>
      %jit3A_1210 = arith.constant 0.000000e+00 : f32
      %broadcast_in_dim3A_1211 = vector.broadcast %jit3A_1210 : f32 to vector<8x2048xf32>
      %select_n3A_1212 = arith.select %eq3A_1146, %get3A_1209, %broadcast_in_dim3A_1211 : vector<8x2048xi1>, vector<8x2048xf32>
      %reduce_sum3A_1213 = vector.shape_cast %select_n3A_1212 : vector<8x2048xf32> to vector<1x8x2048xf32>
      %reduce_sum3A_1214 = arith.constant dense<0.000000e+00> : vector<1xf32>
      %reduce_sum3A_1215 = vector.multi_reduction <add>, %reduce_sum3A_1213, %reduce_sum3A_1214 [1, 2] : vector<1x8x2048xf32> to vector<1xf32>
      %reduce_sum3A_1216 = vector.shape_cast %reduce_sum3A_1215 : vector<1xf32> to vector<1x1x1xf32>
      %reduce_sum3A_1217 = vector.extract %reduce_sum3A_1216[0, 0, 0] : f32 from vector<1x1x1xf32>
      %get3A_1218 = arith.constant 1 : index
      %get3A_1219 = arith.constant 0 : index
      %get3A_1220 = arith.constant 0 : index
      %get3A_1221 = vector.load %arg1[%get3A_1218, %get3A_1219, %get3A_1220] : memref<4x8x2048xf32, #tpu.memory_space<vmem>>, vector<1x8x2048xf32>
      %get3A_1222 = vector.shape_cast %get3A_1221 : vector<1x8x2048xf32> to vector<8x2048xf32>
      %jit3A_1223 = arith.constant 0.000000e+00 : f32
      %broadcast_in_dim3A_1224 = vector.broadcast %jit3A_1223 : f32 to vector<8x2048xf32>
      %select_n3A_1225 = arith.select %eq3A_1148, %get3A_1222, %broadcast_in_dim3A_1224 : vector<8x2048xi1>, vector<8x2048xf32>
      %reduce_sum3A_1226 = vector.shape_cast %select_n3A_1225 : vector<8x2048xf32> to vector<1x8x2048xf32>
      %reduce_sum3A_1227 = arith.constant dense<0.000000e+00> : vector<1xf32>
      %reduce_sum3A_1228 = vector.multi_reduction <add>, %reduce_sum3A_1226, %reduce_sum3A_1227 [1, 2] : vector<1x8x2048xf32> to vector<1xf32>
      %reduce_sum3A_1229 = vector.shape_cast %reduce_sum3A_1228 : vector<1xf32> to vector<1x1x1xf32>
      %reduce_sum3A_1230 = vector.extract %reduce_sum3A_1229[0, 0, 0] : f32 from vector<1x1x1xf32>
      %get3A_1231 = arith.constant 2 : index
      %get3A_1232 = arith.constant 0 : index
      %get3A_1233 = arith.constant 0 : index
      %get3A_1234 = vector.load %arg1[%get3A_1231, %get3A_1232, %get3A_1233] : memref<4x8x2048xf32, #tpu.memory_space<vmem>>, vector<1x8x2048xf32>
      %get3A_1235 = vector.shape_cast %get3A_1234 : vector<1x8x2048xf32> to vector<8x2048xf32>
      %jit3A_1236 = arith.constant 0.000000e+00 : f32
      %broadcast_in_dim3A_1237 = vector.broadcast %jit3A_1236 : f32 to vector<8x2048xf32>
      %select_n3A_1238 = arith.select %eq3A_1150, %get3A_1235, %broadcast_in_dim3A_1237 : vector<8x2048xi1>, vector<8x2048xf32>
      %reduce_sum3A_1239 = vector.shape_cast %select_n3A_1238 : vector<8x2048xf32> to vector<1x8x2048xf32>
      %reduce_sum3A_1240 = arith.constant dense<0.000000e+00> : vector<1xf32>
      %reduce_sum3A_1241 = vector.multi_reduction <add>, %reduce_sum3A_1239, %reduce_sum3A_1240 [1, 2] : vector<1x8x2048xf32> to vector<1xf32>
      %reduce_sum3A_1242 = vector.shape_cast %reduce_sum3A_1241 : vector<1xf32> to vector<1x1x1xf32>
      %reduce_sum3A_1243 = vector.extract %reduce_sum3A_1242[0, 0, 0] : f32 from vector<1x1x1xf32>
      %get3A_1244 = arith.constant 3 : index
      %get3A_1245 = arith.constant 0 : index
      %get3A_1246 = arith.constant 0 : index
      %get3A_1247 = vector.load %arg1[%get3A_1244, %get3A_1245, %get3A_1246] : memref<4x8x2048xf32, #tpu.memory_space<vmem>>, vector<1x8x2048xf32>
      %get3A_1248 = vector.shape_cast %get3A_1247 : vector<1x8x2048xf32> to vector<8x2048xf32>
      %jit3A_1249 = arith.constant 0.000000e+00 : f32
      %broadcast_in_dim3A_1250 = vector.broadcast %jit3A_1249 : f32 to vector<8x2048xf32>
      %select_n3A_1251 = arith.select %eq3A_1152, %get3A_1248, %broadcast_in_dim3A_1250 : vector<8x2048xi1>, vector<8x2048xf32>
      %reduce_sum3A_1252 = vector.shape_cast %select_n3A_1251 : vector<8x2048xf32> to vector<1x8x2048xf32>
      %reduce_sum3A_1253 = arith.constant dense<0.000000e+00> : vector<1xf32>
      %reduce_sum3A_1254 = vector.multi_reduction <add>, %reduce_sum3A_1252, %reduce_sum3A_1253 [1, 2] : vector<1x8x2048xf32> to vector<1xf32>
      %reduce_sum3A_1255 = vector.shape_cast %reduce_sum3A_1254 : vector<1xf32> to vector<1x1x1xf32>
      %reduce_sum3A_1256 = vector.extract %reduce_sum3A_1255[0, 0, 0] : f32 from vector<1x1x1xf32>
      %get3A_1257 = arith.constant 0 : index
      %get3A_1258 = arith.constant 0 : index
      %get3A_1259 = arith.constant 0 : index
      %get3A_1260 = vector.load %arg2[%get3A_1257, %get3A_1258, %get3A_1259] : memref<4x8x2048xf32, #tpu.memory_space<vmem>>, vector<1x8x2048xf32>
      %get3A_1261 = vector.shape_cast %get3A_1260 : vector<1x8x2048xf32> to vector<8x2048xf32>
      %jit3A_1262 = arith.constant 0.000000e+00 : f32
      %broadcast_in_dim3A_1263 = vector.broadcast %jit3A_1262 : f32 to vector<8x2048xf32>
      %select_n3A_1264 = arith.select %eq3A_1146, %get3A_1261, %broadcast_in_dim3A_1263 : vector<8x2048xi1>, vector<8x2048xf32>
      %reduce_sum3A_1265 = vector.shape_cast %select_n3A_1264 : vector<8x2048xf32> to vector<1x8x2048xf32>
      %reduce_sum3A_1266 = arith.constant dense<0.000000e+00> : vector<1xf32>
      %reduce_sum3A_1267 = vector.multi_reduction <add>, %reduce_sum3A_1265, %reduce_sum3A_1266 [1, 2] : vector<1x8x2048xf32> to vector<1xf32>
      %reduce_sum3A_1268 = vector.shape_cast %reduce_sum3A_1267 : vector<1xf32> to vector<1x1x1xf32>
      %reduce_sum3A_1269 = vector.extract %reduce_sum3A_1268[0, 0, 0] : f32 from vector<1x1x1xf32>
      %get3A_1270 = arith.constant 1 : index
      %get3A_1271 = arith.constant 0 : index
      %get3A_1272 = arith.constant 0 : index
      %get3A_1273 = vector.load %arg2[%get3A_1270, %get3A_1271, %get3A_1272] : memref<4x8x2048xf32, #tpu.memory_space<vmem>>, vector<1x8x2048xf32>
      %get3A_1274 = vector.shape_cast %get3A_1273 : vector<1x8x2048xf32> to vector<8x2048xf32>
      %jit3A_1275 = arith.constant 0.000000e+00 : f32
      %broadcast_in_dim3A_1276 = vector.broadcast %jit3A_1275 : f32 to vector<8x2048xf32>
      %select_n3A_1277 = arith.select %eq3A_1148, %get3A_1274, %broadcast_in_dim3A_1276 : vector<8x2048xi1>, vector<8x2048xf32>
      %reduce_sum3A_1278 = vector.shape_cast %select_n3A_1277 : vector<8x2048xf32> to vector<1x8x2048xf32>
      %reduce_sum3A_1279 = arith.constant dense<0.000000e+00> : vector<1xf32>
      %reduce_sum3A_1280 = vector.multi_reduction <add>, %reduce_sum3A_1278, %reduce_sum3A_1279 [1, 2] : vector<1x8x2048xf32> to vector<1xf32>
      %reduce_sum3A_1281 = vector.shape_cast %reduce_sum3A_1280 : vector<1xf32> to vector<1x1x1xf32>
      %reduce_sum3A_1282 = vector.extract %reduce_sum3A_1281[0, 0, 0] : f32 from vector<1x1x1xf32>
      %get3A_1283 = arith.constant 2 : index
      %get3A_1284 = arith.constant 0 : index
      %get3A_1285 = arith.constant 0 : index
      %get3A_1286 = vector.load %arg2[%get3A_1283, %get3A_1284, %get3A_1285] : memref<4x8x2048xf32, #tpu.memory_space<vmem>>, vector<1x8x2048xf32>
      %get3A_1287 = vector.shape_cast %get3A_1286 : vector<1x8x2048xf32> to vector<8x2048xf32>
      %jit3A_1288 = arith.constant 0.000000e+00 : f32
      %broadcast_in_dim3A_1289 = vector.broadcast %jit3A_1288 : f32 to vector<8x2048xf32>
      %select_n3A_1290 = arith.select %eq3A_1150, %get3A_1287, %broadcast_in_dim3A_1289 : vector<8x2048xi1>, vector<8x2048xf32>
      %reduce_sum3A_1291 = vector.shape_cast %select_n3A_1290 : vector<8x2048xf32> to vector<1x8x2048xf32>
      %reduce_sum3A_1292 = arith.constant dense<0.000000e+00> : vector<1xf32>
      %reduce_sum3A_1293 = vector.multi_reduction <add>, %reduce_sum3A_1291, %reduce_sum3A_1292 [1, 2] : vector<1x8x2048xf32> to vector<1xf32>
      %reduce_sum3A_1294 = vector.shape_cast %reduce_sum3A_1293 : vector<1xf32> to vector<1x1x1xf32>
      %reduce_sum3A_1295 = vector.extract %reduce_sum3A_1294[0, 0, 0] : f32 from vector<1x1x1xf32>
      %get3A_1296 = arith.constant 3 : index
      %get3A_1297 = arith.constant 0 : index
      %get3A_1298 = arith.constant 0 : index
      %get3A_1299 = vector.load %arg2[%get3A_1296, %get3A_1297, %get3A_1298] : memref<4x8x2048xf32, #tpu.memory_space<vmem>>, vector<1x8x2048xf32>
      %get3A_1300 = vector.shape_cast %get3A_1299 : vector<1x8x2048xf32> to vector<8x2048xf32>
      %jit3A_1301 = arith.constant 0.000000e+00 : f32
      %broadcast_in_dim3A_1302 = vector.broadcast %jit3A_1301 : f32 to vector<8x2048xf32>
      %select_n3A_1303 = arith.select %eq3A_1152, %get3A_1300, %broadcast_in_dim3A_1302 : vector<8x2048xi1>, vector<8x2048xf32>
      %reduce_sum3A_1304 = vector.shape_cast %select_n3A_1303 : vector<8x2048xf32> to vector<1x8x2048xf32>
      %reduce_sum3A_1305 = arith.constant dense<0.000000e+00> : vector<1xf32>
      %reduce_sum3A_1306 = vector.multi_reduction <add>, %reduce_sum3A_1304, %reduce_sum3A_1305 [1, 2] : vector<1x8x2048xf32> to vector<1xf32>
      %reduce_sum3A_1307 = vector.shape_cast %reduce_sum3A_1306 : vector<1xf32> to vector<1x1x1xf32>
      %reduce_sum3A_1308 = vector.extract %reduce_sum3A_1307[0, 0, 0] : f32 from vector<1x1x1xf32>
      %get3A_1309 = arith.constant 0 : index
      %get3A_1310 = arith.constant 0 : index
      %get3A_1311 = arith.constant 0 : index
      %get3A_1312 = vector.load %arg0[%get3A_1309, %get3A_1310, %get3A_1311] : memref<4x8x2048xf32, #tpu.memory_space<vmem>>, vector<1x8x2048xf32>
      %get3A_1313 = vector.shape_cast %get3A_1312 : vector<1x8x2048xf32> to vector<8x2048xf32>
      %sub3A_1314 = vector.broadcast %reduce_sum3A_1165 : f32 to vector<8x2048xf32>
      %sub3A_1315 = arith.subf %get3A_1313, %sub3A_1314 : vector<8x2048xf32>
      %get3A_1316 = arith.constant 0 : index
      %get3A_1317 = arith.constant 0 : index
      %get3A_1318 = arith.constant 0 : index
      %get3A_1319 = vector.load %arg1[%get3A_1316, %get3A_1317, %get3A_1318] : memref<4x8x2048xf32, #tpu.memory_space<vmem>>, vector<1x8x2048xf32>
      %get3A_1320 = vector.shape_cast %get3A_1319 : vector<1x8x2048xf32> to vector<8x2048xf32>
      %sub3A_1321 = vector.broadcast %reduce_sum3A_1217 : f32 to vector<8x2048xf32>
      %sub3A_1322 = arith.subf %get3A_1320, %sub3A_1321 : vector<8x2048xf32>
      %get3A_1323 = arith.constant 0 : index
      %get3A_1324 = arith.constant 0 : index
      %get3A_1325 = arith.constant 0 : index
      %get3A_1326 = vector.load %arg2[%get3A_1323, %get3A_1324, %get3A_1325] : memref<4x8x2048xf32, #tpu.memory_space<vmem>>, vector<1x8x2048xf32>
      %get3A_1327 = vector.shape_cast %get3A_1326 : vector<1x8x2048xf32> to vector<8x2048xf32>
      %sub3A_1328 = vector.broadcast %reduce_sum3A_1269 : f32 to vector<8x2048xf32>
      %sub3A_1329 = arith.subf %get3A_1327, %sub3A_1328 : vector<8x2048xf32>
      %mul3A_1330 = arith.mulf %sub3A_1315, %sub3A_1315 : vector<8x2048xf32>
      %mul3A_1331 = arith.mulf %sub3A_1329, %sub3A_1329 : vector<8x2048xf32>
      %add3A_1332 = arith.addf %mul3A_1330, %mul3A_1331 : vector<8x2048xf32>
      %mul3A_1333 = arith.mulf %sub3A_1322, %sub3A_1322 : vector<8x2048xf32>
      %add3A_1334 = arith.addf %add3A_1332, %mul3A_1333 : vector<8x2048xf32>
      %min3A_1335 = arith.minimumf %min3A_957, %add3A_1334 : vector<8x2048xf32>
      %swap3A_1336 = arith.constant 0 : index
      %swap3A_1337 = arith.constant 0 : index
      %swap3A_1338 = vector.load %arg7[%swap3A_1336, %swap3A_1337] : memref<8x2048xf32, #tpu.memory_space<vmem>>, vector<8x2048xf32>
      tpu.vector_store %arg7[%swap3A_1336, %swap3A_1337], %min3A_1335 {strides = array<i32>} : memref<8x2048xf32, #tpu.memory_space<vmem>>, vector<8x2048xf32>,
      %get3A_1339 = arith.constant 1 : index
      %get3A_1340 = arith.constant 0 : index
      %get3A_1341 = arith.constant 0 : index
      %get3A_1342 = vector.load %arg0[%get3A_1339, %get3A_1340, %get3A_1341] : memref<4x8x2048xf32, #tpu.memory_space<vmem>>, vector<1x8x2048xf32>
      %get3A_1343 = vector.shape_cast %get3A_1342 : vector<1x8x2048xf32> to vector<8x2048xf32>
      %sub3A_1344 = vector.broadcast %reduce_sum3A_1178 : f32 to vector<8x2048xf32>
      %sub3A_1345 = arith.subf %get3A_1343, %sub3A_1344 : vector<8x2048xf32>
      %get3A_1346 = arith.constant 1 : index
      %get3A_1347 = arith.constant 0 : index
      %get3A_1348 = arith.constant 0 : index
      %get3A_1349 = vector.load %arg1[%get3A_1346, %get3A_1347, %get3A_1348] : memref<4x8x2048xf32, #tpu.memory_space<vmem>>, vector<1x8x2048xf32>
      %get3A_1350 = vector.shape_cast %get3A_1349 : vector<1x8x2048xf32> to vector<8x2048xf32>
      %sub3A_1351 = vector.broadcast %reduce_sum3A_1230 : f32 to vector<8x2048xf32>
      %sub3A_1352 = arith.subf %get3A_1350, %sub3A_1351 : vector<8x2048xf32>
      %get3A_1353 = arith.constant 1 : index
      %get3A_1354 = arith.constant 0 : index
      %get3A_1355 = arith.constant 0 : index
      %get3A_1356 = vector.load %arg2[%get3A_1353, %get3A_1354, %get3A_1355] : memref<4x8x2048xf32, #tpu.memory_space<vmem>>, vector<1x8x2048xf32>
      %get3A_1357 = vector.shape_cast %get3A_1356 : vector<1x8x2048xf32> to vector<8x2048xf32>
      %sub3A_1358 = vector.broadcast %reduce_sum3A_1282 : f32 to vector<8x2048xf32>
      %sub3A_1359 = arith.subf %get3A_1357, %sub3A_1358 : vector<8x2048xf32>
      %mul3A_1360 = arith.mulf %sub3A_1345, %sub3A_1345 : vector<8x2048xf32>
      %mul3A_1361 = arith.mulf %sub3A_1359, %sub3A_1359 : vector<8x2048xf32>
      %add3A_1362 = arith.addf %mul3A_1360, %mul3A_1361 : vector<8x2048xf32>
      %mul3A_1363 = arith.mulf %sub3A_1352, %sub3A_1352 : vector<8x2048xf32>
      %add3A_1364 = arith.addf %add3A_1362, %mul3A_1363 : vector<8x2048xf32>
      %min3A_1365 = arith.minimumf %min3A_987, %add3A_1364 : vector<8x2048xf32>
      %swap3A_1366 = arith.constant 0 : index
      %swap3A_1367 = arith.constant 0 : index
      %swap3A_1368 = vector.load %arg8[%swap3A_1366, %swap3A_1367] : memref<8x2048xf32, #tpu.memory_space<vmem>>, vector<8x2048xf32>
      tpu.vector_store %arg8[%swap3A_1366, %swap3A_1367], %min3A_1365 {strides = array<i32>} : memref<8x2048xf32, #tpu.memory_space<vmem>>, vector<8x2048xf32>,
      %get3A_1369 = arith.constant 2 : index
      %get3A_1370 = arith.constant 0 : index
      %get3A_1371 = arith.constant 0 : index
      %get3A_1372 = vector.load %arg0[%get3A_1369, %get3A_1370, %get3A_1371] : memref<4x8x2048xf32, #tpu.memory_space<vmem>>, vector<1x8x2048xf32>
      %get3A_1373 = vector.shape_cast %get3A_1372 : vector<1x8x2048xf32> to vector<8x2048xf32>
      %sub3A_1374 = vector.broadcast %reduce_sum3A_1191 : f32 to vector<8x2048xf32>
      %sub3A_1375 = arith.subf %get3A_1373, %sub3A_1374 : vector<8x2048xf32>
      %get3A_1376 = arith.constant 2 : index
      %get3A_1377 = arith.constant 0 : index
      %get3A_1378 = arith.constant 0 : index
      %get3A_1379 = vector.load %arg1[%get3A_1376, %get3A_1377, %get3A_1378] : memref<4x8x2048xf32, #tpu.memory_space<vmem>>, vector<1x8x2048xf32>
      %get3A_1380 = vector.shape_cast %get3A_1379 : vector<1x8x2048xf32> to vector<8x2048xf32>
      %sub3A_1381 = vector.broadcast %reduce_sum3A_1243 : f32 to vector<8x2048xf32>
      %sub3A_1382 = arith.subf %get3A_1380, %sub3A_1381 : vector<8x2048xf32>
      %get3A_1383 = arith.constant 2 : index
      %get3A_1384 = arith.constant 0 : index
      %get3A_1385 = arith.constant 0 : index
      %get3A_1386 = vector.load %arg2[%get3A_1383, %get3A_1384, %get3A_1385] : memref<4x8x2048xf32, #tpu.memory_space<vmem>>, vector<1x8x2048xf32>
      %get3A_1387 = vector.shape_cast %get3A_1386 : vector<1x8x2048xf32> to vector<8x2048xf32>
      %sub3A_1388 = vector.broadcast %reduce_sum3A_1295 : f32 to vector<8x2048xf32>
      %sub3A_1389 = arith.subf %get3A_1387, %sub3A_1388 : vector<8x2048xf32>
      %mul3A_1390 = arith.mulf %sub3A_1375, %sub3A_1375 : vector<8x2048xf32>
      %mul3A_1391 = arith.mulf %sub3A_1389, %sub3A_1389 : vector<8x2048xf32>
      %add3A_1392 = arith.addf %mul3A_1390, %mul3A_1391 : vector<8x2048xf32>
      %mul3A_1393 = arith.mulf %sub3A_1382, %sub3A_1382 : vector<8x2048xf32>
      %add3A_1394 = arith.addf %add3A_1392, %mul3A_1393 : vector<8x2048xf32>
      %min3A_1395 = arith.minimumf %min3A_1017, %add3A_1394 : vector<8x2048xf32>
      %swap3A_1396 = arith.constant 0 : index
      %swap3A_1397 = arith.constant 0 : index
      %swap3A_1398 = vector.load %arg9[%swap3A_1396, %swap3A_1397] : memref<8x2048xf32, #tpu.memory_space<vmem>>, vector<8x2048xf32>
      tpu.vector_store %arg9[%swap3A_1396, %swap3A_1397], %min3A_1395 {strides = array<i32>} : memref<8x2048xf32, #tpu.memory_space<vmem>>, vector<8x2048xf32>,
      %get3A_1399 = arith.constant 3 : index
      %get3A_1400 = arith.constant 0 : index
      %get3A_1401 = arith.constant 0 : index
      %get3A_1402 = vector.load %arg0[%get3A_1399, %get3A_1400, %get3A_1401] : memref<4x8x2048xf32, #tpu.memory_space<vmem>>, vector<1x8x2048xf32>
      %get3A_1403 = vector.shape_cast %get3A_1402 : vector<1x8x2048xf32> to vector<8x2048xf32>
      %sub3A_1404 = vector.broadcast %reduce_sum3A_1204 : f32 to vector<8x2048xf32>
      %sub3A_1405 = arith.subf %get3A_1403, %sub3A_1404 : vector<8x2048xf32>
      %get3A_1406 = arith.constant 3 : index
      %get3A_1407 = arith.constant 0 : index
      %get3A_1408 = arith.constant 0 : index
      %get3A_1409 = vector.load %arg1[%get3A_1406, %get3A_1407, %get3A_1408] : memref<4x8x2048xf32, #tpu.memory_space<vmem>>, vector<1x8x2048xf32>
      %get3A_1410 = vector.shape_cast %get3A_1409 : vector<1x8x2048xf32> to vector<8x2048xf32>
      %sub3A_1411 = vector.broadcast %reduce_sum3A_1256 : f32 to vector<8x2048xf32>
      %sub3A_1412 = arith.subf %get3A_1410, %sub3A_1411 : vector<8x2048xf32>
      %get3A_1413 = arith.constant 3 : index
      %get3A_1414 = arith.constant 0 : index
      %get3A_1415 = arith.constant 0 : index
      %get3A_1416 = vector.load %arg2[%get3A_1413, %get3A_1414, %get3A_1415] : memref<4x8x2048xf32, #tpu.memory_space<vmem>>, vector<1x8x2048xf32>
      %get3A_1417 = vector.shape_cast %get3A_1416 : vector<1x8x2048xf32> to vector<8x2048xf32>
      %sub3A_1418 = vector.broadcast %reduce_sum3A_1308 : f32 to vector<8x2048xf32>
      %sub3A_1419 = arith.subf %get3A_1417, %sub3A_1418 : vector<8x2048xf32>
      %mul3A_1420 = arith.mulf %sub3A_1405, %sub3A_1405 : vector<8x2048xf32>
      %mul3A_1421 = arith.mulf %sub3A_1419, %sub3A_1419 : vector<8x2048xf32>
      %add3A_1422 = arith.addf %mul3A_1420, %mul3A_1421 : vector<8x2048xf32>
      %mul3A_1423 = arith.mulf %sub3A_1412, %sub3A_1412 : vector<8x2048xf32>
      %add3A_1424 = arith.addf %add3A_1422, %mul3A_1423 : vector<8x2048xf32>
      %min3A_1425 = arith.minimumf %min3A_1047, %add3A_1424 : vector<8x2048xf32>
      %swap3A_1426 = arith.constant 0 : index
      %swap3A_1427 = arith.constant 0 : index
      %swap3A_1428 = vector.load %arg10[%swap3A_1426, %swap3A_1427] : memref<8x2048xf32, #tpu.memory_space<vmem>>, vector<8x2048xf32>
      tpu.vector_store %arg10[%swap3A_1426, %swap3A_1427], %min3A_1425 {strides = array<i32>} : memref<8x2048xf32, #tpu.memory_space<vmem>>, vector<8x2048xf32>,
      %stack3A_1429 = vector.broadcast %reduce_min3A_1117 : i32 to vector<1xi32>
      %stack3A_1430 = vector.broadcast %reduce_min3A_1126 : i32 to vector<1xi32>
      %stack3A_1431 = vector.broadcast %reduce_min3A_1135 : i32 to vector<1xi32>
      %stack3A_1432 = vector.broadcast %reduce_min3A_1144 : i32 to vector<1xi32>
      %stack3A_1433 = tpu.concatenate %stack3A_1429, %stack3A_1430, %stack3A_1431, %stack3A_1432 in 0 : vector<1xi32>, vector<1xi32>, vector<1xi32>, vector<1xi32> -> vector<4xi32>
      %reshape3A_1434 = vector.shape_cast %stack3A_1433 : vector<4xi32> to vector<1x4xi32>
      %swap3A_1435 = arith.index_cast %add3A_1088 : i32 to index
      %swap3A_1436 = arith.constant 0 : index
      %swap3A_1437 = vector.load %arg3[%swap3A_1435, %swap3A_1436] : memref<4096x4xi32, #tpu.memory_space<vmem>>, vector<1x4xi32>
      tpu.vector_store %arg3[%swap3A_1435, %swap3A_1436], %reshape3A_1434 {strides = array<i32>} : memref<4096x4xi32, #tpu.memory_space<vmem>>, vector<1x4xi32>,
      %stack3A_1438 = vector.broadcast %reduce_sum3A_1165 : f32 to vector<1xf32>
      %stack3A_1439 = vector.broadcast %reduce_sum3A_1178 : f32 to vector<1xf32>
      %stack3A_1440 = vector.broadcast %reduce_sum3A_1191 : f32 to vector<1xf32>
      %stack3A_1441 = vector.broadcast %reduce_sum3A_1204 : f32 to vector<1xf32>
      %stack3A_1442 = tpu.concatenate %stack3A_1438, %stack3A_1439, %stack3A_1440, %stack3A_1441 in 0 : vector<1xf32>, vector<1xf32>, vector<1xf32>, vector<1xf32> -> vector<4xf32>
      %reshape3A_1443 = vector.shape_cast %stack3A_1442 : vector<4xf32> to vector<1x4xf32>
      %swap3A_1444 = arith.index_cast %add3A_1088 : i32 to index
      %swap3A_1445 = arith.constant 0 : index
      %swap3A_1446 = vector.load %arg4[%swap3A_1444, %swap3A_1445] : memref<4096x4xf32, #tpu.memory_space<vmem>>, vector<1x4xf32>
      tpu.vector_store %arg4[%swap3A_1444, %swap3A_1445], %reshape3A_1443 {strides = array<i32>} : memref<4096x4xf32, #tpu.memory_space<vmem>>, vector<1x4xf32>,
      %stack3A_1447 = vector.broadcast %reduce_sum3A_1217 : f32 to vector<1xf32>
      %stack3A_1448 = vector.broadcast %reduce_sum3A_1230 : f32 to vector<1xf32>
      %stack3A_1449 = vector.broadcast %reduce_sum3A_1243 : f32 to vector<1xf32>
      %stack3A_1450 = vector.broadcast %reduce_sum3A_1256 : f32 to vector<1xf32>
      %stack3A_1451 = tpu.concatenate %stack3A_1447, %stack3A_1448, %stack3A_1449, %stack3A_1450 in 0 : vector<1xf32>, vector<1xf32>, vector<1xf32>, vector<1xf32> -> vector<4xf32>
      %reshape3A_1452 = vector.shape_cast %stack3A_1451 : vector<4xf32> to vector<1x4xf32>
      %swap3A_1453 = arith.index_cast %add3A_1088 : i32 to index
      %swap3A_1454 = arith.constant 0 : index
      %swap3A_1455 = vector.load %arg5[%swap3A_1453, %swap3A_1454] : memref<4096x4xf32, #tpu.memory_space<vmem>>, vector<1x4xf32>
      tpu.vector_store %arg5[%swap3A_1453, %swap3A_1454], %reshape3A_1452 {strides = array<i32>} : memref<4096x4xf32, #tpu.memory_space<vmem>>, vector<1x4xf32>,
      %stack3A_1456 = vector.broadcast %reduce_sum3A_1269 : f32 to vector<1xf32>
      %stack3A_1457 = vector.broadcast %reduce_sum3A_1282 : f32 to vector<1xf32>
      %stack3A_1458 = vector.broadcast %reduce_sum3A_1295 : f32 to vector<1xf32>
      %stack3A_1459 = vector.broadcast %reduce_sum3A_1308 : f32 to vector<1xf32>
      %stack3A_1460 = tpu.concatenate %stack3A_1456, %stack3A_1457, %stack3A_1458, %stack3A_1459 in 0 : vector<1xf32>, vector<1xf32>, vector<1xf32>, vector<1xf32> -> vector<4xf32>
      %reshape3A_1461 = vector.shape_cast %stack3A_1460 : vector<4xf32> to vector<1x4xf32>
      %swap3A_1462 = arith.index_cast %add3A_1088 : i32 to index
      %swap3A_1463 = arith.constant 0 : index
      %swap3A_1464 = vector.load %arg6[%swap3A_1462, %swap3A_1463] : memref<4096x4xf32, #tpu.memory_space<vmem>>, vector<1x4xf32>
      tpu.vector_store %arg6[%swap3A_1462, %swap3A_1463], %reshape3A_1461 {strides = array<i32>} : memref<4096x4xf32, #tpu.memory_space<vmem>>, vector<1x4xf32>,
    }
    %scan3A_304 = arith.constant 2047 : i32
    %get3A_305 = arith.constant 0 : index
    %get3A_306 = arith.constant 0 : index
    %get3A_307 = vector.load %arg7[%get3A_305, %get3A_306] : memref<8x2048xf32, #tpu.memory_space<vmem>>, vector<8x2048xf32>
    %get3A_308 = arith.constant 0 : index
    %get3A_309 = arith.constant 0 : index
    %get3A_310 = vector.load %arg8[%get3A_308, %get3A_309] : memref<8x2048xf32, #tpu.memory_space<vmem>>, vector<8x2048xf32>
    %get3A_311 = arith.constant 0 : index
    %get3A_312 = arith.constant 0 : index
    %get3A_313 = vector.load %arg9[%get3A_311, %get3A_312] : memref<8x2048xf32, #tpu.memory_space<vmem>>, vector<8x2048xf32>
    %get3A_314 = arith.constant 0 : index
    %get3A_315 = arith.constant 0 : index
    %get3A_316 = vector.load %arg10[%get3A_314, %get3A_315] : memref<8x2048xf32, #tpu.memory_space<vmem>>, vector<8x2048xf32>
    %reduce_max3A = vector.shape_cast %get3A_307 : vector<8x2048xf32> to vector<1x8x2048xf32>
    %reduce_max3A_317 = arith.constant dense<0xFF800000> : vector<1xf32>
    %reduce_max3A_318 = vector.multi_reduction <maximumf>, %reduce_max3A, %reduce_max3A_317 [1, 2] : vector<1x8x2048xf32> to vector<1xf32>
    %reduce_max3A_319 = vector.shape_cast %reduce_max3A_318 : vector<1xf32> to vector<1x1x1xf32>
    %reduce_max3A_320 = vector.extract %reduce_max3A_319[0, 0, 0] : f32 from vector<1x1x1xf32>
    %reduce_max3A_321 = vector.shape_cast %get3A_310 : vector<8x2048xf32> to vector<1x8x2048xf32>
    %reduce_max3A_322 = arith.constant dense<0xFF800000> : vector<1xf32>
    %reduce_max3A_323 = vector.multi_reduction <maximumf>, %reduce_max3A_321, %reduce_max3A_322 [1, 2] : vector<1x8x2048xf32> to vector<1xf32>
    %reduce_max3A_324 = vector.shape_cast %reduce_max3A_323 : vector<1xf32> to vector<1x1x1xf32>
    %reduce_max3A_325 = vector.extract %reduce_max3A_324[0, 0, 0] : f32 from vector<1x1x1xf32>
    %reduce_max3A_326 = vector.shape_cast %get3A_313 : vector<8x2048xf32> to vector<1x8x2048xf32>
    %reduce_max3A_327 = arith.constant dense<0xFF800000> : vector<1xf32>
    %reduce_max3A_328 = vector.multi_reduction <maximumf>, %reduce_max3A_326, %reduce_max3A_327 [1, 2] : vector<1x8x2048xf32> to vector<1xf32>
    %reduce_max3A_329 = vector.shape_cast %reduce_max3A_328 : vector<1xf32> to vector<1x1x1xf32>
    %reduce_max3A_330 = vector.extract %reduce_max3A_329[0, 0, 0] : f32 from vector<1x1x1xf32>
    %reduce_max3A_331 = vector.shape_cast %get3A_316 : vector<8x2048xf32> to vector<1x8x2048xf32>
    %reduce_max3A_332 = arith.constant dense<0xFF800000> : vector<1xf32>
    %reduce_max3A_333 = vector.multi_reduction <maximumf>, %reduce_max3A_331, %reduce_max3A_332 [1, 2] : vector<1x8x2048xf32> to vector<1xf32>
    %reduce_max3A_334 = vector.shape_cast %reduce_max3A_333 : vector<1xf32> to vector<1x1x1xf32>
    %reduce_max3A_335 = vector.extract %reduce_max3A_334[0, 0, 0] : f32 from vector<1x1x1xf32>
    %eq3A_336 = vector.broadcast %reduce_max3A_320 : f32 to vector<8x2048xf32>
    %eq3A_337 = arith.cmpf oeq, %get3A_307, %eq3A_336 : vector<8x2048xf32>
    %jit3A_338 = arith.constant 1073741824 : i32
    %broadcast_in_dim3A_339 = vector.broadcast %jit3A_338 : i32 to vector<8x2048xi32>
    %select_n3A_340 = arith.select %eq3A_337, %add3A, %broadcast_in_dim3A_339 : vector<8x2048xi1>, vector<8x2048xi32>
    %reduce_min3A = vector.shape_cast %select_n3A_340 : vector<8x2048xi32> to vector<1x8x2048xi32>
    %reduce_min3A_341 = arith.constant dense<2147483647> : vector<1xi32>
    %reduce_min3A_342 = vector.multi_reduction <minsi>, %reduce_min3A, %reduce_min3A_341 [1, 2] : vector<1x8x2048xi32> to vector<1xi32>
    %reduce_min3A_343 = vector.shape_cast %reduce_min3A_342 : vector<1xi32> to vector<1x1x1xi32>
    %reduce_min3A_344 = vector.extract %reduce_min3A_343[0, 0, 0] : i32 from vector<1x1x1xi32>
    %eq3A_345 = vector.broadcast %reduce_max3A_325 : f32 to vector<8x2048xf32>
    %eq3A_346 = arith.cmpf oeq, %get3A_310, %eq3A_345 : vector<8x2048xf32>
    %jit3A_347 = arith.constant 1073741824 : i32
    %broadcast_in_dim3A_348 = vector.broadcast %jit3A_347 : i32 to vector<8x2048xi32>
    %select_n3A_349 = arith.select %eq3A_346, %add3A, %broadcast_in_dim3A_348 : vector<8x2048xi1>, vector<8x2048xi32>
    %reduce_min3A_350 = vector.shape_cast %select_n3A_349 : vector<8x2048xi32> to vector<1x8x2048xi32>
    %reduce_min3A_351 = arith.constant dense<2147483647> : vector<1xi32>
    %reduce_min3A_352 = vector.multi_reduction <minsi>, %reduce_min3A_350, %reduce_min3A_351 [1, 2] : vector<1x8x2048xi32> to vector<1xi32>
    %reduce_min3A_353 = vector.shape_cast %reduce_min3A_352 : vector<1xi32> to vector<1x1x1xi32>
    %reduce_min3A_354 = vector.extract %reduce_min3A_353[0, 0, 0] : i32 from vector<1x1x1xi32>
    %eq3A_355 = vector.broadcast %reduce_max3A_330 : f32 to vector<8x2048xf32>
    %eq3A_356 = arith.cmpf oeq, %get3A_313, %eq3A_355 : vector<8x2048xf32>
    %jit3A_357 = arith.constant 1073741824 : i32
    %broadcast_in_dim3A_358 = vector.broadcast %jit3A_357 : i32 to vector<8x2048xi32>
    %select_n3A_359 = arith.select %eq3A_356, %add3A, %broadcast_in_dim3A_358 : vector<8x2048xi1>, vector<8x2048xi32>
    %reduce_min3A_360 = vector.shape_cast %select_n3A_359 : vector<8x2048xi32> to vector<1x8x2048xi32>
    %reduce_min3A_361 = arith.constant dense<2147483647> : vector<1xi32>
    %reduce_min3A_362 = vector.multi_reduction <minsi>, %reduce_min3A_360, %reduce_min3A_361 [1, 2] : vector<1x8x2048xi32> to vector<1xi32>
    %reduce_min3A_363 = vector.shape_cast %reduce_min3A_362 : vector<1xi32> to vector<1x1x1xi32>
    %reduce_min3A_364 = vector.extract %reduce_min3A_363[0, 0, 0] : i32 from vector<1x1x1xi32>
    %eq3A_365 = vector.broadcast %reduce_max3A_335 : f32 to vector<8x2048xf32>
    %eq3A_366 = arith.cmpf oeq, %get3A_316, %eq3A_365 : vector<8x2048xf32>
    %jit3A_367 = arith.constant 1073741824 : i32
    %broadcast_in_dim3A_368 = vector.broadcast %jit3A_367 : i32 to vector<8x2048xi32>
    %select_n3A_369 = arith.select %eq3A_366, %add3A, %broadcast_in_dim3A_368 : vector<8x2048xi1>, vector<8x2048xi32>
    %reduce_min3A_370 = vector.shape_cast %select_n3A_369 : vector<8x2048xi32> to vector<1x8x2048xi32>
    %reduce_min3A_371 = arith.constant dense<2147483647> : vector<1xi32>
    %reduce_min3A_372 = vector.multi_reduction <minsi>, %reduce_min3A_370, %reduce_min3A_371 [1, 2] : vector<1x8x2048xi32> to vector<1xi32>
    %reduce_min3A_373 = vector.shape_cast %reduce_min3A_372 : vector<1xi32> to vector<1x1x1xi32>
    %reduce_min3A_374 = vector.extract %reduce_min3A_373[0, 0, 0] : i32 from vector<1x1x1xi32>
    %eq3A_375 = vector.broadcast %reduce_min3A_344 : i32 to vector<8x2048xi32>
    %eq3A_376 = arith.cmpi eq, %add3A, %eq3A_375 : vector<8x2048xi32>
    %eq3A_377 = vector.broadcast %reduce_min3A_354 : i32 to vector<8x2048xi32>
    %eq3A_378 = arith.cmpi eq, %add3A, %eq3A_377 : vector<8x2048xi32>
    %eq3A_379 = vector.broadcast %reduce_min3A_364 : i32 to vector<8x2048xi32>
    %eq3A_380 = arith.cmpi eq, %add3A, %eq3A_379 : vector<8x2048xi32>
    %eq3A_381 = vector.broadcast %reduce_min3A_374 : i32 to vector<8x2048xi32>
    %eq3A_382 = arith.cmpi eq, %add3A, %eq3A_381 : vector<8x2048xi32>
    %get3A_383 = arith.constant 0 : index
    %get3A_384 = arith.constant 0 : index
    %get3A_385 = arith.constant 0 : index
    %get3A_386 = vector.load %arg0[%get3A_383, %get3A_384, %get3A_385] : memref<4x8x2048xf32, #tpu.memory_space<vmem>>, vector<1x8x2048xf32>
    %get3A_387 = vector.shape_cast %get3A_386 : vector<1x8x2048xf32> to vector<8x2048xf32>
    %jit3A_388 = arith.constant 0.000000e+00 : f32
    %broadcast_in_dim3A_389 = vector.broadcast %jit3A_388 : f32 to vector<8x2048xf32>
    %select_n3A_390 = arith.select %eq3A_376, %get3A_387, %broadcast_in_dim3A_389 : vector<8x2048xi1>, vector<8x2048xf32>
    %reduce_sum3A_391 = vector.shape_cast %select_n3A_390 : vector<8x2048xf32> to vector<1x8x2048xf32>
    %reduce_sum3A_392 = arith.constant dense<0.000000e+00> : vector<1xf32>
    %reduce_sum3A_393 = vector.multi_reduction <add>, %reduce_sum3A_391, %reduce_sum3A_392 [1, 2] : vector<1x8x2048xf32> to vector<1xf32>
    %reduce_sum3A_394 = vector.shape_cast %reduce_sum3A_393 : vector<1xf32> to vector<1x1x1xf32>
    %reduce_sum3A_395 = vector.extract %reduce_sum3A_394[0, 0, 0] : f32 from vector<1x1x1xf32>
    %get3A_396 = arith.constant 1 : index
    %get3A_397 = arith.constant 0 : index
    %get3A_398 = arith.constant 0 : index
    %get3A_399 = vector.load %arg0[%get3A_396, %get3A_397, %get3A_398] : memref<4x8x2048xf32, #tpu.memory_space<vmem>>, vector<1x8x2048xf32>
    %get3A_400 = vector.shape_cast %get3A_399 : vector<1x8x2048xf32> to vector<8x2048xf32>
    %jit3A_401 = arith.constant 0.000000e+00 : f32
    %broadcast_in_dim3A_402 = vector.broadcast %jit3A_401 : f32 to vector<8x2048xf32>
    %select_n3A_403 = arith.select %eq3A_378, %get3A_400, %broadcast_in_dim3A_402 : vector<8x2048xi1>, vector<8x2048xf32>
    %reduce_sum3A_404 = vector.shape_cast %select_n3A_403 : vector<8x2048xf32> to vector<1x8x2048xf32>
    %reduce_sum3A_405 = arith.constant dense<0.000000e+00> : vector<1xf32>
    %reduce_sum3A_406 = vector.multi_reduction <add>, %reduce_sum3A_404, %reduce_sum3A_405 [1, 2] : vector<1x8x2048xf32> to vector<1xf32>
    %reduce_sum3A_407 = vector.shape_cast %reduce_sum3A_406 : vector<1xf32> to vector<1x1x1xf32>
    %reduce_sum3A_408 = vector.extract %reduce_sum3A_407[0, 0, 0] : f32 from vector<1x1x1xf32>
    %get3A_409 = arith.constant 2 : index
    %get3A_410 = arith.constant 0 : index
    %get3A_411 = arith.constant 0 : index
    %get3A_412 = vector.load %arg0[%get3A_409, %get3A_410, %get3A_411] : memref<4x8x2048xf32, #tpu.memory_space<vmem>>, vector<1x8x2048xf32>
    %get3A_413 = vector.shape_cast %get3A_412 : vector<1x8x2048xf32> to vector<8x2048xf32>
    %jit3A_414 = arith.constant 0.000000e+00 : f32
    %broadcast_in_dim3A_415 = vector.broadcast %jit3A_414 : f32 to vector<8x2048xf32>
    %select_n3A_416 = arith.select %eq3A_380, %get3A_413, %broadcast_in_dim3A_415 : vector<8x2048xi1>, vector<8x2048xf32>
    %reduce_sum3A_417 = vector.shape_cast %select_n3A_416 : vector<8x2048xf32> to vector<1x8x2048xf32>
    %reduce_sum3A_418 = arith.constant dense<0.000000e+00> : vector<1xf32>
    %reduce_sum3A_419 = vector.multi_reduction <add>, %reduce_sum3A_417, %reduce_sum3A_418 [1, 2] : vector<1x8x2048xf32> to vector<1xf32>
    %reduce_sum3A_420 = vector.shape_cast %reduce_sum3A_419 : vector<1xf32> to vector<1x1x1xf32>
    %reduce_sum3A_421 = vector.extract %reduce_sum3A_420[0, 0, 0] : f32 from vector<1x1x1xf32>
    %get3A_422 = arith.constant 3 : index
    %get3A_423 = arith.constant 0 : index
    %get3A_424 = arith.constant 0 : index
    %get3A_425 = vector.load %arg0[%get3A_422, %get3A_423, %get3A_424] : memref<4x8x2048xf32, #tpu.memory_space<vmem>>, vector<1x8x2048xf32>
    %get3A_426 = vector.shape_cast %get3A_425 : vector<1x8x2048xf32> to vector<8x2048xf32>
    %jit3A_427 = arith.constant 0.000000e+00 : f32
    %broadcast_in_dim3A_428 = vector.broadcast %jit3A_427 : f32 to vector<8x2048xf32>
    %select_n3A_429 = arith.select %eq3A_382, %get3A_426, %broadcast_in_dim3A_428 : vector<8x2048xi1>, vector<8x2048xf32>
    %reduce_sum3A_430 = vector.shape_cast %select_n3A_429 : vector<8x2048xf32> to vector<1x8x2048xf32>
    %reduce_sum3A_431 = arith.constant dense<0.000000e+00> : vector<1xf32>
    %reduce_sum3A_432 = vector.multi_reduction <add>, %reduce_sum3A_430, %reduce_sum3A_431 [1, 2] : vector<1x8x2048xf32> to vector<1xf32>
    %reduce_sum3A_433 = vector.shape_cast %reduce_sum3A_432 : vector<1xf32> to vector<1x1x1xf32>
    %reduce_sum3A_434 = vector.extract %reduce_sum3A_433[0, 0, 0] : f32 from vector<1x1x1xf32>
    %get3A_435 = arith.constant 0 : index
    %get3A_436 = arith.constant 0 : index
    %get3A_437 = arith.constant 0 : index
    %get3A_438 = vector.load %arg1[%get3A_435, %get3A_436, %get3A_437] : memref<4x8x2048xf32, #tpu.memory_space<vmem>>, vector<1x8x2048xf32>
    %get3A_439 = vector.shape_cast %get3A_438 : vector<1x8x2048xf32> to vector<8x2048xf32>
    %jit3A_440 = arith.constant 0.000000e+00 : f32
    %broadcast_in_dim3A_441 = vector.broadcast %jit3A_440 : f32 to vector<8x2048xf32>
    %select_n3A_442 = arith.select %eq3A_376, %get3A_439, %broadcast_in_dim3A_441 : vector<8x2048xi1>, vector<8x2048xf32>
    %reduce_sum3A_443 = vector.shape_cast %select_n3A_442 : vector<8x2048xf32> to vector<1x8x2048xf32>
    %reduce_sum3A_444 = arith.constant dense<0.000000e+00> : vector<1xf32>
    %reduce_sum3A_445 = vector.multi_reduction <add>, %reduce_sum3A_443, %reduce_sum3A_444 [1, 2] : vector<1x8x2048xf32> to vector<1xf32>
    %reduce_sum3A_446 = vector.shape_cast %reduce_sum3A_445 : vector<1xf32> to vector<1x1x1xf32>
    %reduce_sum3A_447 = vector.extract %reduce_sum3A_446[0, 0, 0] : f32 from vector<1x1x1xf32>
    %get3A_448 = arith.constant 1 : index
    %get3A_449 = arith.constant 0 : index
    %get3A_450 = arith.constant 0 : index
    %get3A_451 = vector.load %arg1[%get3A_448, %get3A_449, %get3A_450] : memref<4x8x2048xf32, #tpu.memory_space<vmem>>, vector<1x8x2048xf32>
    %get3A_452 = vector.shape_cast %get3A_451 : vector<1x8x2048xf32> to vector<8x2048xf32>
    %jit3A_453 = arith.constant 0.000000e+00 : f32
    %broadcast_in_dim3A_454 = vector.broadcast %jit3A_453 : f32 to vector<8x2048xf32>
    %select_n3A_455 = arith.select %eq3A_378, %get3A_452, %broadcast_in_dim3A_454 : vector<8x2048xi1>, vector<8x2048xf32>
    %reduce_sum3A_456 = vector.shape_cast %select_n3A_455 : vector<8x2048xf32> to vector<1x8x2048xf32>
    %reduce_sum3A_457 = arith.constant dense<0.000000e+00> : vector<1xf32>
    %reduce_sum3A_458 = vector.multi_reduction <add>, %reduce_sum3A_456, %reduce_sum3A_457 [1, 2] : vector<1x8x2048xf32> to vector<1xf32>
    %reduce_sum3A_459 = vector.shape_cast %reduce_sum3A_458 : vector<1xf32> to vector<1x1x1xf32>
    %reduce_sum3A_460 = vector.extract %reduce_sum3A_459[0, 0, 0] : f32 from vector<1x1x1xf32>
    %get3A_461 = arith.constant 2 : index
    %get3A_462 = arith.constant 0 : index
    %get3A_463 = arith.constant 0 : index
    %get3A_464 = vector.load %arg1[%get3A_461, %get3A_462, %get3A_463] : memref<4x8x2048xf32, #tpu.memory_space<vmem>>, vector<1x8x2048xf32>
    %get3A_465 = vector.shape_cast %get3A_464 : vector<1x8x2048xf32> to vector<8x2048xf32>
    %jit3A_466 = arith.constant 0.000000e+00 : f32
    %broadcast_in_dim3A_467 = vector.broadcast %jit3A_466 : f32 to vector<8x2048xf32>
    %select_n3A_468 = arith.select %eq3A_380, %get3A_465, %broadcast_in_dim3A_467 : vector<8x2048xi1>, vector<8x2048xf32>
    %reduce_sum3A_469 = vector.shape_cast %select_n3A_468 : vector<8x2048xf32> to vector<1x8x2048xf32>
    %reduce_sum3A_470 = arith.constant dense<0.000000e+00> : vector<1xf32>
    %reduce_sum3A_471 = vector.multi_reduction <add>, %reduce_sum3A_469, %reduce_sum3A_470 [1, 2] : vector<1x8x2048xf32> to vector<1xf32>
    %reduce_sum3A_472 = vector.shape_cast %reduce_sum3A_471 : vector<1xf32> to vector<1x1x1xf32>
    %reduce_sum3A_473 = vector.extract %reduce_sum3A_472[0, 0, 0] : f32 from vector<1x1x1xf32>
    %get3A_474 = arith.constant 3 : index
    %get3A_475 = arith.constant 0 : index
    %get3A_476 = arith.constant 0 : index
    %get3A_477 = vector.load %arg1[%get3A_474, %get3A_475, %get3A_476] : memref<4x8x2048xf32, #tpu.memory_space<vmem>>, vector<1x8x2048xf32>
    %get3A_478 = vector.shape_cast %get3A_477 : vector<1x8x2048xf32> to vector<8x2048xf32>
    %jit3A_479 = arith.constant 0.000000e+00 : f32
    %broadcast_in_dim3A_480 = vector.broadcast %jit3A_479 : f32 to vector<8x2048xf32>
    %select_n3A_481 = arith.select %eq3A_382, %get3A_478, %broadcast_in_dim3A_480 : vector<8x2048xi1>, vector<8x2048xf32>
    %reduce_sum3A_482 = vector.shape_cast %select_n3A_481 : vector<8x2048xf32> to vector<1x8x2048xf32>
    %reduce_sum3A_483 = arith.constant dense<0.000000e+00> : vector<1xf32>
    %reduce_sum3A_484 = vector.multi_reduction <add>, %reduce_sum3A_482, %reduce_sum3A_483 [1, 2] : vector<1x8x2048xf32> to vector<1xf32>
    %reduce_sum3A_485 = vector.shape_cast %reduce_sum3A_484 : vector<1xf32> to vector<1x1x1xf32>
    %reduce_sum3A_486 = vector.extract %reduce_sum3A_485[0, 0, 0] : f32 from vector<1x1x1xf32>
    %get3A_487 = arith.constant 0 : index
    %get3A_488 = arith.constant 0 : index
    %get3A_489 = arith.constant 0 : index
    %get3A_490 = vector.load %arg2[%get3A_487, %get3A_488, %get3A_489] : memref<4x8x2048xf32, #tpu.memory_space<vmem>>, vector<1x8x2048xf32>
    %get3A_491 = vector.shape_cast %get3A_490 : vector<1x8x2048xf32> to vector<8x2048xf32>
    %jit3A_492 = arith.constant 0.000000e+00 : f32
    %broadcast_in_dim3A_493 = vector.broadcast %jit3A_492 : f32 to vector<8x2048xf32>
    %select_n3A_494 = arith.select %eq3A_376, %get3A_491, %broadcast_in_dim3A_493 : vector<8x2048xi1>, vector<8x2048xf32>
    %reduce_sum3A_495 = vector.shape_cast %select_n3A_494 : vector<8x2048xf32> to vector<1x8x2048xf32>
    %reduce_sum3A_496 = arith.constant dense<0.000000e+00> : vector<1xf32>
    %reduce_sum3A_497 = vector.multi_reduction <add>, %reduce_sum3A_495, %reduce_sum3A_496 [1, 2] : vector<1x8x2048xf32> to vector<1xf32>
    %reduce_sum3A_498 = vector.shape_cast %reduce_sum3A_497 : vector<1xf32> to vector<1x1x1xf32>
    %reduce_sum3A_499 = vector.extract %reduce_sum3A_498[0, 0, 0] : f32 from vector<1x1x1xf32>
    %get3A_500 = arith.constant 1 : index
    %get3A_501 = arith.constant 0 : index
    %get3A_502 = arith.constant 0 : index
    %get3A_503 = vector.load %arg2[%get3A_500, %get3A_501, %get3A_502] : memref<4x8x2048xf32, #tpu.memory_space<vmem>>, vector<1x8x2048xf32>
    %get3A_504 = vector.shape_cast %get3A_503 : vector<1x8x2048xf32> to vector<8x2048xf32>
    %jit3A_505 = arith.constant 0.000000e+00 : f32
    %broadcast_in_dim3A_506 = vector.broadcast %jit3A_505 : f32 to vector<8x2048xf32>
    %select_n3A_507 = arith.select %eq3A_378, %get3A_504, %broadcast_in_dim3A_506 : vector<8x2048xi1>, vector<8x2048xf32>
    %reduce_sum3A_508 = vector.shape_cast %select_n3A_507 : vector<8x2048xf32> to vector<1x8x2048xf32>
    %reduce_sum3A_509 = arith.constant dense<0.000000e+00> : vector<1xf32>
    %reduce_sum3A_510 = vector.multi_reduction <add>, %reduce_sum3A_508, %reduce_sum3A_509 [1, 2] : vector<1x8x2048xf32> to vector<1xf32>
    %reduce_sum3A_511 = vector.shape_cast %reduce_sum3A_510 : vector<1xf32> to vector<1x1x1xf32>
    %reduce_sum3A_512 = vector.extract %reduce_sum3A_511[0, 0, 0] : f32 from vector<1x1x1xf32>
    %get3A_513 = arith.constant 2 : index
    %get3A_514 = arith.constant 0 : index
    %get3A_515 = arith.constant 0 : index
    %get3A_516 = vector.load %arg2[%get3A_513, %get3A_514, %get3A_515] : memref<4x8x2048xf32, #tpu.memory_space<vmem>>, vector<1x8x2048xf32>
    %get3A_517 = vector.shape_cast %get3A_516 : vector<1x8x2048xf32> to vector<8x2048xf32>
    %jit3A_518 = arith.constant 0.000000e+00 : f32
    %broadcast_in_dim3A_519 = vector.broadcast %jit3A_518 : f32 to vector<8x2048xf32>
    %select_n3A_520 = arith.select %eq3A_380, %get3A_517, %broadcast_in_dim3A_519 : vector<8x2048xi1>, vector<8x2048xf32>
    %reduce_sum3A_521 = vector.shape_cast %select_n3A_520 : vector<8x2048xf32> to vector<1x8x2048xf32>
    %reduce_sum3A_522 = arith.constant dense<0.000000e+00> : vector<1xf32>
    %reduce_sum3A_523 = vector.multi_reduction <add>, %reduce_sum3A_521, %reduce_sum3A_522 [1, 2] : vector<1x8x2048xf32> to vector<1xf32>
    %reduce_sum3A_524 = vector.shape_cast %reduce_sum3A_523 : vector<1xf32> to vector<1x1x1xf32>
    %reduce_sum3A_525 = vector.extract %reduce_sum3A_524[0, 0, 0] : f32 from vector<1x1x1xf32>
    %get3A_526 = arith.constant 3 : index
    %get3A_527 = arith.constant 0 : index
    %get3A_528 = arith.constant 0 : index
    %get3A_529 = vector.load %arg2[%get3A_526, %get3A_527, %get3A_528] : memref<4x8x2048xf32, #tpu.memory_space<vmem>>, vector<1x8x2048xf32>
    %get3A_530 = vector.shape_cast %get3A_529 : vector<1x8x2048xf32> to vector<8x2048xf32>
    %jit3A_531 = arith.constant 0.000000e+00 : f32
    %broadcast_in_dim3A_532 = vector.broadcast %jit3A_531 : f32 to vector<8x2048xf32>
    %select_n3A_533 = arith.select %eq3A_382, %get3A_530, %broadcast_in_dim3A_532 : vector<8x2048xi1>, vector<8x2048xf32>
    %reduce_sum3A_534 = vector.shape_cast %select_n3A_533 : vector<8x2048xf32> to vector<1x8x2048xf32>
    %reduce_sum3A_535 = arith.constant dense<0.000000e+00> : vector<1xf32>
    %reduce_sum3A_536 = vector.multi_reduction <add>, %reduce_sum3A_534, %reduce_sum3A_535 [1, 2] : vector<1x8x2048xf32> to vector<1xf32>
    %reduce_sum3A_537 = vector.shape_cast %reduce_sum3A_536 : vector<1xf32> to vector<1x1x1xf32>
    %reduce_sum3A_538 = vector.extract %reduce_sum3A_537[0, 0, 0] : f32 from vector<1x1x1xf32>
    %get3A_539 = arith.constant 0 : index
    %get3A_540 = arith.constant 0 : index
    %get3A_541 = arith.constant 0 : index
    %get3A_542 = vector.load %arg0[%get3A_539, %get3A_540, %get3A_541] : memref<4x8x2048xf32, #tpu.memory_space<vmem>>, vector<1x8x2048xf32>
    %get3A_543 = vector.shape_cast %get3A_542 : vector<1x8x2048xf32> to vector<8x2048xf32>
    %sub3A_544 = vector.broadcast %reduce_sum3A_395 : f32 to vector<8x2048xf32>
    %sub3A_545 = arith.subf %get3A_543, %sub3A_544 : vector<8x2048xf32>
    %get3A_546 = arith.constant 0 : index
    %get3A_547 = arith.constant 0 : index
    %get3A_548 = arith.constant 0 : index
    %get3A_549 = vector.load %arg1[%get3A_546, %get3A_547, %get3A_548] : memref<4x8x2048xf32, #tpu.memory_space<vmem>>, vector<1x8x2048xf32>
    %get3A_550 = vector.shape_cast %get3A_549 : vector<1x8x2048xf32> to vector<8x2048xf32>
    %sub3A_551 = vector.broadcast %reduce_sum3A_447 : f32 to vector<8x2048xf32>
    %sub3A_552 = arith.subf %get3A_550, %sub3A_551 : vector<8x2048xf32>
    %get3A_553 = arith.constant 0 : index
    %get3A_554 = arith.constant 0 : index
    %get3A_555 = arith.constant 0 : index
    %get3A_556 = vector.load %arg2[%get3A_553, %get3A_554, %get3A_555] : memref<4x8x2048xf32, #tpu.memory_space<vmem>>, vector<1x8x2048xf32>
    %get3A_557 = vector.shape_cast %get3A_556 : vector<1x8x2048xf32> to vector<8x2048xf32>
    %sub3A_558 = vector.broadcast %reduce_sum3A_499 : f32 to vector<8x2048xf32>
    %sub3A_559 = arith.subf %get3A_557, %sub3A_558 : vector<8x2048xf32>
    %mul3A_560 = arith.mulf %sub3A_545, %sub3A_545 : vector<8x2048xf32>
    %mul3A_561 = arith.mulf %sub3A_559, %sub3A_559 : vector<8x2048xf32>
    %add3A_562 = arith.addf %mul3A_560, %mul3A_561 : vector<8x2048xf32>
    %mul3A_563 = arith.mulf %sub3A_552, %sub3A_552 : vector<8x2048xf32>
    %add3A_564 = arith.addf %add3A_562, %mul3A_563 : vector<8x2048xf32>
    %min3A = arith.minimumf %get3A_307, %add3A_564 : vector<8x2048xf32>
    %swap3A_565 = arith.constant 0 : index
    %swap3A_566 = arith.constant 0 : index
    %swap3A_567 = vector.load %arg7[%swap3A_565, %swap3A_566] : memref<8x2048xf32, #tpu.memory_space<vmem>>, vector<8x2048xf32>
    tpu.vector_store %arg7[%swap3A_565, %swap3A_566], %min3A {strides = array<i32>} : memref<8x2048xf32, #tpu.memory_space<vmem>>, vector<8x2048xf32>,
    %get3A_568 = arith.constant 1 : index
    %get3A_569 = arith.constant 0 : index
    %get3A_570 = arith.constant 0 : index
    %get3A_571 = vector.load %arg0[%get3A_568, %get3A_569, %get3A_570] : memref<4x8x2048xf32, #tpu.memory_space<vmem>>, vector<1x8x2048xf32>
    %get3A_572 = vector.shape_cast %get3A_571 : vector<1x8x2048xf32> to vector<8x2048xf32>
    %sub3A_573 = vector.broadcast %reduce_sum3A_408 : f32 to vector<8x2048xf32>
    %sub3A_574 = arith.subf %get3A_572, %sub3A_573 : vector<8x2048xf32>
    %get3A_575 = arith.constant 1 : index
    %get3A_576 = arith.constant 0 : index
    %get3A_577 = arith.constant 0 : index
    %get3A_578 = vector.load %arg1[%get3A_575, %get3A_576, %get3A_577] : memref<4x8x2048xf32, #tpu.memory_space<vmem>>, vector<1x8x2048xf32>
    %get3A_579 = vector.shape_cast %get3A_578 : vector<1x8x2048xf32> to vector<8x2048xf32>
    %sub3A_580 = vector.broadcast %reduce_sum3A_460 : f32 to vector<8x2048xf32>
    %sub3A_581 = arith.subf %get3A_579, %sub3A_580 : vector<8x2048xf32>
    %get3A_582 = arith.constant 1 : index
    %get3A_583 = arith.constant 0 : index
    %get3A_584 = arith.constant 0 : index
    %get3A_585 = vector.load %arg2[%get3A_582, %get3A_583, %get3A_584] : memref<4x8x2048xf32, #tpu.memory_space<vmem>>, vector<1x8x2048xf32>
    %get3A_586 = vector.shape_cast %get3A_585 : vector<1x8x2048xf32> to vector<8x2048xf32>
    %sub3A_587 = vector.broadcast %reduce_sum3A_512 : f32 to vector<8x2048xf32>
    %sub3A_588 = arith.subf %get3A_586, %sub3A_587 : vector<8x2048xf32>
    %mul3A_589 = arith.mulf %sub3A_574, %sub3A_574 : vector<8x2048xf32>
    %mul3A_590 = arith.mulf %sub3A_588, %sub3A_588 : vector<8x2048xf32>
    %add3A_591 = arith.addf %mul3A_589, %mul3A_590 : vector<8x2048xf32>
    %mul3A_592 = arith.mulf %sub3A_581, %sub3A_581 : vector<8x2048xf32>
    %add3A_593 = arith.addf %add3A_591, %mul3A_592 : vector<8x2048xf32>
    %min3A_594 = arith.minimumf %get3A_310, %add3A_593 : vector<8x2048xf32>
    %swap3A_595 = arith.constant 0 : index
    %swap3A_596 = arith.constant 0 : index
    %swap3A_597 = vector.load %arg8[%swap3A_595, %swap3A_596] : memref<8x2048xf32, #tpu.memory_space<vmem>>, vector<8x2048xf32>
    tpu.vector_store %arg8[%swap3A_595, %swap3A_596], %min3A_594 {strides = array<i32>} : memref<8x2048xf32, #tpu.memory_space<vmem>>, vector<8x2048xf32>,
    %get3A_598 = arith.constant 2 : index
    %get3A_599 = arith.constant 0 : index
    %get3A_600 = arith.constant 0 : index
    %get3A_601 = vector.load %arg0[%get3A_598, %get3A_599, %get3A_600] : memref<4x8x2048xf32, #tpu.memory_space<vmem>>, vector<1x8x2048xf32>
    %get3A_602 = vector.shape_cast %get3A_601 : vector<1x8x2048xf32> to vector<8x2048xf32>
    %sub3A_603 = vector.broadcast %reduce_sum3A_421 : f32 to vector<8x2048xf32>
    %sub3A_604 = arith.subf %get3A_602, %sub3A_603 : vector<8x2048xf32>
    %get3A_605 = arith.constant 2 : index
    %get3A_606 = arith.constant 0 : index
    %get3A_607 = arith.constant 0 : index
    %get3A_608 = vector.load %arg1[%get3A_605, %get3A_606, %get3A_607] : memref<4x8x2048xf32, #tpu.memory_space<vmem>>, vector<1x8x2048xf32>
    %get3A_609 = vector.shape_cast %get3A_608 : vector<1x8x2048xf32> to vector<8x2048xf32>
    %sub3A_610 = vector.broadcast %reduce_sum3A_473 : f32 to vector<8x2048xf32>
    %sub3A_611 = arith.subf %get3A_609, %sub3A_610 : vector<8x2048xf32>
    %get3A_612 = arith.constant 2 : index
    %get3A_613 = arith.constant 0 : index
    %get3A_614 = arith.constant 0 : index
    %get3A_615 = vector.load %arg2[%get3A_612, %get3A_613, %get3A_614] : memref<4x8x2048xf32, #tpu.memory_space<vmem>>, vector<1x8x2048xf32>
    %get3A_616 = vector.shape_cast %get3A_615 : vector<1x8x2048xf32> to vector<8x2048xf32>
    %sub3A_617 = vector.broadcast %reduce_sum3A_525 : f32 to vector<8x2048xf32>
    %sub3A_618 = arith.subf %get3A_616, %sub3A_617 : vector<8x2048xf32>
    %mul3A_619 = arith.mulf %sub3A_604, %sub3A_604 : vector<8x2048xf32>
    %mul3A_620 = arith.mulf %sub3A_618, %sub3A_618 : vector<8x2048xf32>
    %add3A_621 = arith.addf %mul3A_619, %mul3A_620 : vector<8x2048xf32>
    %mul3A_622 = arith.mulf %sub3A_611, %sub3A_611 : vector<8x2048xf32>
    %add3A_623 = arith.addf %add3A_621, %mul3A_622 : vector<8x2048xf32>
    %min3A_624 = arith.minimumf %get3A_313, %add3A_623 : vector<8x2048xf32>
    %swap3A_625 = arith.constant 0 : index
    %swap3A_626 = arith.constant 0 : index
    %swap3A_627 = vector.load %arg9[%swap3A_625, %swap3A_626] : memref<8x2048xf32, #tpu.memory_space<vmem>>, vector<8x2048xf32>
    tpu.vector_store %arg9[%swap3A_625, %swap3A_626], %min3A_624 {strides = array<i32>} : memref<8x2048xf32, #tpu.memory_space<vmem>>, vector<8x2048xf32>,
    %get3A_628 = arith.constant 3 : index
    %get3A_629 = arith.constant 0 : index
    %get3A_630 = arith.constant 0 : index
    %get3A_631 = vector.load %arg0[%get3A_628, %get3A_629, %get3A_630] : memref<4x8x2048xf32, #tpu.memory_space<vmem>>, vector<1x8x2048xf32>
    %get3A_632 = vector.shape_cast %get3A_631 : vector<1x8x2048xf32> to vector<8x2048xf32>
    %sub3A_633 = vector.broadcast %reduce_sum3A_434 : f32 to vector<8x2048xf32>
    %sub3A_634 = arith.subf %get3A_632, %sub3A_633 : vector<8x2048xf32>
    %get3A_635 = arith.constant 3 : index
    %get3A_636 = arith.constant 0 : index
    %get3A_637 = arith.constant 0 : index
    %get3A_638 = vector.load %arg1[%get3A_635, %get3A_636, %get3A_637] : memref<4x8x2048xf32, #tpu.memory_space<vmem>>, vector<1x8x2048xf32>
    %get3A_639 = vector.shape_cast %get3A_638 : vector<1x8x2048xf32> to vector<8x2048xf32>
    %sub3A_640 = vector.broadcast %reduce_sum3A_486 : f32 to vector<8x2048xf32>
    %sub3A_641 = arith.subf %get3A_639, %sub3A_640 : vector<8x2048xf32>
    %get3A_642 = arith.constant 3 : index
    %get3A_643 = arith.constant 0 : index
    %get3A_644 = arith.constant 0 : index
    %get3A_645 = vector.load %arg2[%get3A_642, %get3A_643, %get3A_644] : memref<4x8x2048xf32, #tpu.memory_space<vmem>>, vector<1x8x2048xf32>
    %get3A_646 = vector.shape_cast %get3A_645 : vector<1x8x2048xf32> to vector<8x2048xf32>
    %sub3A_647 = vector.broadcast %reduce_sum3A_538 : f32 to vector<8x2048xf32>
    %sub3A_648 = arith.subf %get3A_646, %sub3A_647 : vector<8x2048xf32>
    %mul3A_649 = arith.mulf %sub3A_634, %sub3A_634 : vector<8x2048xf32>
    %mul3A_650 = arith.mulf %sub3A_648, %sub3A_648 : vector<8x2048xf32>
    %add3A_651 = arith.addf %mul3A_649, %mul3A_650 : vector<8x2048xf32>
    %mul3A_652 = arith.mulf %sub3A_641, %sub3A_641 : vector<8x2048xf32>
    %add3A_653 = arith.addf %add3A_651, %mul3A_652 : vector<8x2048xf32>
    %min3A_654 = arith.minimumf %get3A_316, %add3A_653 : vector<8x2048xf32>
    %swap3A_655 = arith.constant 0 : index
    %swap3A_656 = arith.constant 0 : index
    %swap3A_657 = vector.load %arg10[%swap3A_655, %swap3A_656] : memref<8x2048xf32, #tpu.memory_space<vmem>>, vector<8x2048xf32>
    tpu.vector_store %arg10[%swap3A_655, %swap3A_656], %min3A_654 {strides = array<i32>} : memref<8x2048xf32, #tpu.memory_space<vmem>>, vector<8x2048xf32>,
    %stack3A_658 = vector.broadcast %reduce_min3A_344 : i32 to vector<1xi32>
    %stack3A_659 = vector.broadcast %reduce_min3A_354 : i32 to vector<1xi32>
    %stack3A_660 = vector.broadcast %reduce_min3A_364 : i32 to vector<1xi32>
    %stack3A_661 = vector.broadcast %reduce_min3A_374 : i32 to vector<1xi32>
    %stack3A_662 = tpu.concatenate %stack3A_658, %stack3A_659, %stack3A_660, %stack3A_661 in 0 : vector<1xi32>, vector<1xi32>, vector<1xi32>, vector<1xi32> -> vector<4xi32>
    %reshape3A_663 = vector.shape_cast %stack3A_662 : vector<4xi32> to vector<1x4xi32>
    %swap3A_664 = arith.constant 4095 : index
    %swap3A_665 = arith.constant 0 : index
    %swap3A_666 = vector.load %arg3[%swap3A_664, %swap3A_665] : memref<4096x4xi32, #tpu.memory_space<vmem>>, vector<1x4xi32>
    tpu.vector_store %arg3[%swap3A_664, %swap3A_665], %reshape3A_663 {strides = array<i32>} : memref<4096x4xi32, #tpu.memory_space<vmem>>, vector<1x4xi32>,
    %stack3A_667 = vector.broadcast %reduce_sum3A_395 : f32 to vector<1xf32>
    %stack3A_668 = vector.broadcast %reduce_sum3A_408 : f32 to vector<1xf32>
    %stack3A_669 = vector.broadcast %reduce_sum3A_421 : f32 to vector<1xf32>
    %stack3A_670 = vector.broadcast %reduce_sum3A_434 : f32 to vector<1xf32>
    %stack3A_671 = tpu.concatenate %stack3A_667, %stack3A_668, %stack3A_669, %stack3A_670 in 0 : vector<1xf32>, vector<1xf32>, vector<1xf32>, vector<1xf32> -> vector<4xf32>
    %reshape3A_672 = vector.shape_cast %stack3A_671 : vector<4xf32> to vector<1x4xf32>
    %swap3A_673 = arith.constant 4095 : index
    %swap3A_674 = arith.constant 0 : index
    %swap3A_675 = vector.load %arg4[%swap3A_673, %swap3A_674] : memref<4096x4xf32, #tpu.memory_space<vmem>>, vector<1x4xf32>
    tpu.vector_store %arg4[%swap3A_673, %swap3A_674], %reshape3A_672 {strides = array<i32>} : memref<4096x4xf32, #tpu.memory_space<vmem>>, vector<1x4xf32>,
    %stack3A_676 = vector.broadcast %reduce_sum3A_447 : f32 to vector<1xf32>
    %stack3A_677 = vector.broadcast %reduce_sum3A_460 : f32 to vector<1xf32>
    %stack3A_678 = vector.broadcast %reduce_sum3A_473 : f32 to vector<1xf32>
    %stack3A_679 = vector.broadcast %reduce_sum3A_486 : f32 to vector<1xf32>
    %stack3A_680 = tpu.concatenate %stack3A_676, %stack3A_677, %stack3A_678, %stack3A_679 in 0 : vector<1xf32>, vector<1xf32>, vector<1xf32>, vector<1xf32> -> vector<4xf32>
    %reshape3A_681 = vector.shape_cast %stack3A_680 : vector<4xf32> to vector<1x4xf32>
    %swap3A_682 = arith.constant 4095 : index
    %swap3A_683 = arith.constant 0 : index
    %swap3A_684 = vector.load %arg5[%swap3A_682, %swap3A_683] : memref<4096x4xf32, #tpu.memory_space<vmem>>, vector<1x4xf32>
    tpu.vector_store %arg5[%swap3A_682, %swap3A_683], %reshape3A_681 {strides = array<i32>} : memref<4096x4xf32, #tpu.memory_space<vmem>>, vector<1x4xf32>,
    %stack3A_685 = vector.broadcast %reduce_sum3A_499 : f32 to vector<1xf32>
    %stack3A_686 = vector.broadcast %reduce_sum3A_512 : f32 to vector<1xf32>
    %stack3A_687 = vector.broadcast %reduce_sum3A_525 : f32 to vector<1xf32>
    %stack3A_688 = vector.broadcast %reduce_sum3A_538 : f32 to vector<1xf32>
    %stack3A_689 = tpu.concatenate %stack3A_685, %stack3A_686, %stack3A_687, %stack3A_688 in 0 : vector<1xf32>, vector<1xf32>, vector<1xf32>, vector<1xf32> -> vector<4xf32>
    %reshape3A_690 = vector.shape_cast %stack3A_689 : vector<4xf32> to vector<1x4xf32>
    %swap3A_691 = arith.constant 4095 : index
    %swap3A_692 = arith.constant 0 : index
    %swap3A_693 = vector.load %arg6[%swap3A_691, %swap3A_692] : memref<4096x4xf32, #tpu.memory_space<vmem>>, vector<1x4xf32>
    tpu.vector_store %arg6[%swap3A_691, %swap3A_692], %reshape3A_690 {strides = array<i32>} : memref<4096x4xf32, #tpu.memory_space<vmem>>, vector<1x4xf32>,
    return
  }
}

module attributes {stable_mosaic.version = 14 : i64} {
  func.func @_mm_body(%arg0: i32, %arg1: memref<2048x128xf32, #tpu.memory_space<vmem>>, %arg2: memref<128x64xf32, #tpu.memory_space<vmem>>, %arg3: memref<2048x64xf32, #tpu.memory_space<vmem>>) attributes {dimension_semantics = [#tpu.dimension_semantics<arbitrary>], iteration_bounds = array<i64: 32>, scalar_prefetch = 0 : i64, scratch_operands = 0 : i64, tpu.core_type = #tpu.core_type<tc>, window_params = [{transform_indices = @transform_0, window_bounds = array<i64: 2048, 128>}, {pipeline_mode = #tpu.pipeline_mode<synchronous>, transform_indices = @transform_1, window_bounds = array<i64: 128, 64>}, {transform_indices = @transform_2, window_bounds = array<i64: 2048, 64>}]} {
    %get3A = arith.constant 0 : index
    %get3A_0 = arith.constant 0 : index
    %get3A_1 = vector.load %arg1[%get3A, %get3A_0] : memref<2048x128xf32, #tpu.memory_space<vmem>>, vector<2048x128xf32>
    %get3A_2 = arith.constant 0 : index
    %get3A_3 = arith.constant 0 : index
    %get3A_4 = vector.load %arg2[%get3A_2, %get3A_3] : memref<128x64xf32, #tpu.memory_space<vmem>>, vector<128x64xf32>
    %dot_general3A = arith.constant dense<0.000000e+00> : vector<2048x64xf32>
    %dot_general3A_5 = tpu.matmul %get3A_1, %get3A_4, %dot_general3A {dimension_numbers = #tpu.dot_dimension_numbers<[1], [0], [0], [1], [0, 0, 1, 1], [], []>, transpose_lhs_hint = false} : vector<2048x128xf32>, vector<128x64xf32>, vector<2048x64xf32> -> vector<2048x64xf32>
    %swap3A = arith.constant 0 : index
    %swap3A_6 = arith.constant 0 : index
    %swap3A_7 = vector.load %arg3[%swap3A, %swap3A_6] : memref<2048x64xf32, #tpu.memory_space<vmem>>, vector<2048x64xf32>
    tpu.vector_store %arg3[%swap3A, %swap3A_6], %dot_general3A_5 {strides = array<i32>} : memref<2048x64xf32, #tpu.memory_space<vmem>>, vector<2048x64xf32>,
    return
  }
  func.func @transform_0(%arg0: i32) -> (i32, i32) {
    %c0_i32 = arith.constant 0 : i32
    %c0_i32_0 = arith.constant 0 : i32
    return %arg0, %c0_i32 : i32, i32
  }
  func.func @transform_1(%arg0: i32) -> (i32, i32) {
    %c0_i32 = arith.constant 0 : i32
    %c0_i32_0 = arith.constant 0 : i32
    %c0_i32_1 = arith.constant 0 : i32
    return %c0_i32, %c0_i32_0 : i32, i32
  }
  func.func @transform_2(%arg0: i32) -> (i32, i32) {
    %c0_i32 = arith.constant 0 : i32
    %c0_i32_0 = arith.constant 0 : i32
    return %arg0, %c0_i32 : i32, i32
  }
}

module attributes {stable_mosaic.version = 14 : i64} {
  func.func @_fin_body(%arg0: memref<16384x64xf32, #tpu.memory_space<vmem>>, %arg1: memref<16384x64xf32, #tpu.memory_space<vmem>>, %arg2: memref<16384x64xf32, #tpu.memory_space<vmem>>, %arg3: memref<32x64xf32, #tpu.memory_space<vmem>>, %arg4: memref<16384x8xf32, #tpu.memory_space<vmem>>, %arg5: memref<8x64xf32, #tpu.memory_space<vmem>>, %arg6: memref<1x64xf32, #tpu.memory_space<vmem>>, %arg7: memref<1x64xf32, #tpu.memory_space<vmem>>, %arg8: memref<16384x64xf32, #tpu.memory_space<vmem>>) attributes {dimension_semantics = [], scalar_prefetch = 0 : i64, scratch_operands = 0 : i64, tpu.core_type = #tpu.core_type<tc>} {
    %get3A = arith.constant 0 : index
    %get3A_0 = arith.constant 0 : index
    %get3A_1 = vector.load %arg4[%get3A, %get3A_0] : memref<16384x8xf32, #tpu.memory_space<vmem>>, vector<16384x8xf32>
    %get3A_2 = arith.constant 0 : index
    %get3A_3 = arith.constant 0 : index
    %get3A_4 = vector.load %arg5[%get3A_2, %get3A_3] : memref<8x64xf32, #tpu.memory_space<vmem>>, vector<8x64xf32>
    %dot_general3A = arith.constant dense<0.000000e+00> : vector<16384x64xf32>
    %dot_general3A_5 = tpu.matmul %get3A_1, %get3A_4, %dot_general3A {dimension_numbers = #tpu.dot_dimension_numbers<[1], [0], [0], [1], [0, 0, 1, 1], [], []>, transpose_lhs_hint = false} : vector<16384x8xf32>, vector<8x64xf32>, vector<16384x64xf32> -> vector<16384x64xf32>
    %get3A_6 = arith.constant 0 : index
    %get3A_7 = arith.constant 0 : index
    %get3A_8 = vector.load %arg0[%get3A_6, %get3A_7] : memref<16384x64xf32, #tpu.memory_space<vmem>>, vector<16384x64xf32>
    %reduce_sum3A = arith.constant dense<0.000000e+00> : vector<64xf32>
    %reduce_sum3A_9 = vector.multi_reduction <add>, %get3A_8, %reduce_sum3A [0] : vector<16384x64xf32> to vector<64xf32>
    %reduce_sum3A_10 = arith.constant dense<0.000000e+00> : vector<64xf32>
    %reduce_sum3A_11 = vector.multi_reduction <add>, %dot_general3A_5, %reduce_sum3A_10 [0] : vector<16384x64xf32> to vector<64xf32>
    %mul3A = arith.constant 1.600000e+01 : f32
    %mul3A_12 = vector.broadcast %mul3A : f32 to vector<64xf32>
    %mul3A_13 = arith.mulf %mul3A_12, %reduce_sum3A_11 : vector<64xf32>
    %sub3A = arith.subf %reduce_sum3A_9, %mul3A_13 : vector<64xf32>
    %get3A_14 = arith.constant 0 : index
    %get3A_15 = arith.constant 0 : index
    %get3A_16 = vector.load %arg3[%get3A_14, %get3A_15] : memref<32x64xf32, #tpu.memory_space<vmem>>, vector<32x64xf32>
    %reduce_sum3A_17 = arith.constant dense<0.000000e+00> : vector<64xf32>
    %reduce_sum3A_18 = vector.multi_reduction <add>, %get3A_16, %reduce_sum3A_17 [0] : vector<32x64xf32> to vector<64xf32>
    %mul3A_19 = arith.mulf %dot_general3A_5, %get3A_8 : vector<16384x64xf32>
    %reduce_sum3A_20 = arith.constant dense<0.000000e+00> : vector<64xf32>
    %reduce_sum3A_21 = vector.multi_reduction <add>, %mul3A_19, %reduce_sum3A_20 [0] : vector<16384x64xf32> to vector<64xf32>
    %mul3A_22 = arith.constant 2.000000e+00 : f32
    %mul3A_23 = vector.broadcast %mul3A_22 : f32 to vector<64xf32>
    %mul3A_24 = arith.mulf %mul3A_23, %reduce_sum3A_21 : vector<64xf32>
    %sub3A_25 = arith.subf %reduce_sum3A_18, %mul3A_24 : vector<64xf32>
    %mul3A_26 = arith.mulf %dot_general3A_5, %dot_general3A_5 : vector<16384x64xf32>
    %reduce_sum3A_27 = arith.constant dense<0.000000e+00> : vector<64xf32>
    %reduce_sum3A_28 = vector.multi_reduction <add>, %mul3A_26, %reduce_sum3A_27 [0] : vector<16384x64xf32> to vector<64xf32>
    %mul3A_29 = arith.constant 1.600000e+01 : f32
    %mul3A_30 = vector.broadcast %mul3A_29 : f32 to vector<64xf32>
    %mul3A_31 = arith.mulf %mul3A_30, %reduce_sum3A_28 : vector<64xf32>
    %add3A = arith.addf %sub3A_25, %mul3A_31 : vector<64xf32>
    %div3A = arith.constant 2.621440e+05 : f32
    %div3A_32 = vector.broadcast %div3A : f32 to vector<64xf32>
    %div3A_33 = arith.divf %sub3A, %div3A_32 : vector<64xf32>
    %div3A_34 = arith.constant 2.621440e+05 : f32
    %div3A_35 = vector.broadcast %div3A_34 : f32 to vector<64xf32>
    %div3A_36 = arith.divf %add3A, %div3A_35 : vector<64xf32>
    %mul3A_37 = arith.mulf %div3A_33, %div3A_33 : vector<64xf32>
    %sub3A_38 = arith.subf %div3A_36, %mul3A_37 : vector<64xf32>
    %add3A_39 = arith.constant 9.99999974E-6 : f32
    %add3A_40 = vector.broadcast %add3A_39 : f32 to vector<64xf32>
    %add3A_41 = arith.addf %sub3A_38, %add3A_40 : vector<64xf32>
    %sqrt3A = math.sqrt %add3A_41 : vector<64xf32>
    %div3A_42 = arith.constant 1.000000e+00 : f32
    %div3A_43 = vector.broadcast %div3A_42 : f32 to vector<64xf32>
    %div3A_44 = arith.divf %div3A_43, %sqrt3A : vector<64xf32>
    %get3A_45 = arith.constant 0 : index
    %get3A_46 = arith.constant 0 : index
    %get3A_47 = vector.load %arg6[%get3A_45, %get3A_46] : memref<1x64xf32, #tpu.memory_space<vmem>>, vector<1x64xf32>
    %broadcast_in_dim3A = vector.shape_cast %div3A_44 : vector<64xf32> to vector<1x64xf32>
    %mul3A_48 = arith.mulf %get3A_47, %broadcast_in_dim3A : vector<1x64xf32>
    %get3A_49 = arith.constant 0 : index
    %get3A_50 = arith.constant 0 : index
    %get3A_51 = vector.load %arg7[%get3A_49, %get3A_50] : memref<1x64xf32, #tpu.memory_space<vmem>>, vector<1x64xf32>
    %broadcast_in_dim3A_52 = vector.shape_cast %div3A_33 : vector<64xf32> to vector<1x64xf32>
    %mul3A_53 = arith.mulf %broadcast_in_dim3A_52, %mul3A_48 : vector<1x64xf32>
    %sub3A_54 = arith.subf %get3A_51, %mul3A_53 : vector<1x64xf32>
    %ge3A = arith.constant 0.000000e+00 : f32
    %ge3A_55 = vector.broadcast %ge3A : f32 to vector<1x64xf32>
    %ge3A_56 = arith.cmpf oge, %mul3A_48, %ge3A_55 : vector<1x64xf32>
    %get3A_57 = arith.constant 0 : index
    %get3A_58 = arith.constant 0 : index
    %get3A_59 = vector.load %arg1[%get3A_57, %get3A_58] : memref<16384x64xf32, #tpu.memory_space<vmem>>, vector<16384x64xf32>
    %get3A_60 = arith.constant 0 : index
    %get3A_61 = arith.constant 0 : index
    %get3A_62 = vector.load %arg2[%get3A_60, %get3A_61] : memref<16384x64xf32, #tpu.memory_space<vmem>>, vector<16384x64xf32>
    %broadcast_in_dim3A_63 = vector.shape_cast %ge3A_56 : vector<1x64xi1> to vector<1x64xi1>
    %broadcast_in_dim3A_64 = vector.broadcast %broadcast_in_dim3A_63 : vector<1x64xi1> to vector<16384x64xi1>
    %select_n3A = arith.select %broadcast_in_dim3A_64, %get3A_59, %get3A_62 : vector<16384x64xi1>, vector<16384x64xf32>
    %sub3A_65 = arith.subf %select_n3A, %dot_general3A_5 : vector<16384x64xf32>
    %mul3A_66 = vector.broadcast %mul3A_48 : vector<1x64xf32> to vector<16384x64xf32>
    %mul3A_67 = arith.mulf %mul3A_66, %sub3A_65 : vector<16384x64xf32>
    %add3A_68 = vector.broadcast %sub3A_54 : vector<1x64xf32> to vector<16384x64xf32>
    %add3A_69 = arith.addf %mul3A_67, %add3A_68 : vector<16384x64xf32>
    %max3A = arith.constant 0.000000e+00 : f32
    %max3A_70 = vector.broadcast %max3A : f32 to vector<16384x64xf32>
    %max3A_71 = arith.maximumf %add3A_69, %max3A_70 : vector<16384x64xf32>
    %swap3A = arith.constant 0 : index
    %swap3A_72 = arith.constant 0 : index
    %swap3A_73 = vector.load %arg8[%swap3A, %swap3A_72] : memref<16384x64xf32, #tpu.memory_space<vmem>>, vector<16384x64xf32>
    tpu.vector_store %arg8[%swap3A, %swap3A_72], %max3A_71 {strides = array<i32>} : memref<16384x64xf32, #tpu.memory_space<vmem>>, vector<16384x64xf32>,
    return
  }
}

</mosaic_0001>

<sc_bundles>
// kernel: kernel.6.cloned.1.call-start
scs
__scs_entry_jumppad:
0x0: {  	(pc) =	sbr.rel $0x88, $3  }
0x1: {  	(tag) =	ssettag $0x0;
	lr =	simm.s32 $0x1  }
0x2: {  	[smem:$0x3F9B] =	sst lr;
	_ =	strace $0xD0000000  }
0x3: {  	_ = 	snop  }
0x4: {  	_ = 	snop  }
0x5: {  	_ = 	snop  }
0x6: {  	_ = 	snop  }
0x7: {  	_ = 	snop  }
__scs_overlays_trampoline_lowered:
0x8: {  	[smem:$0x3FAA] =	sst s0  }
0x9: {  	[smem:$0x3FAB] =	sst s1  }
0xa: {  	[smem:$0x3FAC] =	sst s2  }
0xb: {  	[smem:$0x3FAD] =	sst s3  }
0xc: {  	[smem:$0x3FAE] =	sst s4  }
0xd: {  	[smem:$0x3FAF] =	sst s5  }
0xe: {  	[smem:$0x3FB0] =	sst s6  }
0xf: {  	[smem:$0x3FB1] =	sst s7  }
0x10: {  	[smem:$0x3FB2] =	sst s8  }
0x11: {  	[smem:$0x3FB3] =	sst s9;
	s0 =	simm.s32 @!p0 $0x0  }
0x12: {  	s1 =	sld [smem:$0x3F99];
	s0 =	simm.s32 @p0 $0x1  }
0x13: {  	[smem:$0x3FB4] =	sst s0;
	s0 =	simm.s32 @!p1 $0x0  }
0x14: {  	s2 =	sld [smem:$0x3F98];
	s0 =	simm.s32 @p1 $0x1  }
0x15: {  	[smem:$0x3FB5] =	sst s0;
	s0 =	simm.s32 @!p2 $0x0  }
0x16: {  	s3 =	sld [smem:$0x3FDB];
	s0 =	simm.s32 @p2 $0x1  }
0x17: {  	s4 =	simm.s32 $0x1BF5;
	[smem:$0x3FB7] =	sst s0  }
0x18: {  	s0 =	sld [smem:$0x3F9A];
	_ =	swait.ge [sflag:s4], $0x0  }
0x19: {  	s7 =	sld [smem:$0x3F9B]  }
0x1a: {  	s8 =	sadd.s32 $0xFFFFE003, lr  }
0x1b: {  	s9 =	sadd.s32 $0xFFFFFEF7, lr;
	s5 =	simm.s32 $0xFFFFFFFF;
	p2 =	slt.u32 s8, $0xFFFFF086  }
0x1c: {  	p1 =	slt.u32 s9, $0xF7A;
	s5 =	simm.s32 @!p2 $0x0  }
0x1d: {  	s5 =	simm.s32 @p1 $0x1;
	p0 =	seq.s32 s7, s2  }
0x1e: {  	s7 =	smul.u32 @!p0 $0xF7A, s2;
	p2 =	seq.s32 @!p0 s5, $0x0  }
0x1f: {  	s9 =	smul.u32 $0xF7A, s1;
	s8 =	simm.s32 @!p0 $0x1BF5;
	p2 =	por !p2, p0  }
0x20: {  	[sflag:s8] =	ssyncset.s32 @!p0 $0xFFFFF086;
	s6 =	sadd.s32 @!p0 s3, s7;
	s7 =	simm.s32 @!p0 $0x108  }
0x21: {  	s3 =	sadd.s32 s3, s9;
	s6 =	sadd.s32 @!p0 $0x88, s6;
	s7 =	simm.s32 @p2 $0x1082  }
0x22: {  	[simem:s7], [sflag:s8] =	dma.local @!p0 [hbm:s6], $0xF7A  }
0x23: {  	s9 =	sor.u32 $0xD0000000, s2;
	s6 =	simm.s32 $0x108;
	_ =	swait.ge @!p0 [sflag:s8], $0x0  }
0x24: {  	s3 =	sadd.s32 $0x88, s3;
	s6 =	simm.s32 @!p1 $0x1082;
	[sflag:s4] =	ssyncset.s32 $0xFFFFF086  }
0x25: {  	[simem:s6], [sflag:s4] =	dma.local [hbm:s3], $0xF7A  }
0x26: {  	[smem:$0x3F9B] =	sst s1;
	(tag) =	ssettag s2;
	_ =	strace s9  }
0x27: {  	s1 =	sld [smem:$0x3FAB]  }
0x28: {  	s2 =	sld [smem:$0x3FAC]  }
0x29: {  	s4 =	sld [smem:$0x3FAE]  }
0x2a: {  	p0 =	seq.s32 s5, $0x0;
	s5 =	sld [smem:$0x3FAF]  }
0x2b: {  	s6 =	sld [smem:$0x3FB0]  }
0x2c: {  	s7 =	sld [smem:$0x3FB1]  }
0x2d: {  	s3 =	simm.s32 $0x108;
	s8 =	sld [smem:$0x3FB2]  }
0x2e: {  	s3 =	simm.s32 @!p0 $0x1082;
	s9 =	sld [smem:$0x3FB3]  }
0x2f: {  	lr =	sadd.s32 s0, s3;
	s0 =	sld [smem:$0x3FAA]  }
0x30: {  	s3 =	sld [smem:$0x3FAD]  }
0x31: {  	[smem:$0x3FB6] =	sst s10  }
0x32: {  	s10 =	sld [smem:$0x3FB4];
	_ =	sdelay $0x3  }
0x33: {  	p0 =	seq.s32 s10, $0x1;
	s10 =	sld [smem:$0x3FB6];
	_ =	sdelay $0x3  }
0x34: {  	[smem:$0x3FB6] =	sst s10  }
0x35: {  	s10 =	sld [smem:$0x3FB5];
	_ =	sdelay $0x3  }
0x36: {  	p1 =	seq.s32 s10, $0x1;
	s10 =	sld [smem:$0x3FB6];
	_ =	sdelay $0x3  }
0x37: {  	[smem:$0x3FB6] =	sst s10  }
0x38: {  	s10 =	sld [smem:$0x3FB7]  }
0x39: {  	_ = 	snop;
	(pc) =	sbr.ind lr, $3  }
0x3a: {  	_ = 	snop  }
0x3b: {  	_ = 	snop  }
0x3c: {  	p2 =	seq.s32 s10, $0x1;
	s10 =	sld [smem:$0x3FB6]  }
0x3d: {  	_ =	shalt  }
0x3e: {  	_ =	shalt  }
0x3f: {  	_ =	shalt  }
0x40: {  	_ =	shalt  }
0x41: {  	_ =	shalt  }
0x42: {  	_ =	shalt  }
0x43: {  	_ =	shalt  }
0x44: {  	_ =	shalt  }
0x45: {  	_ =	shalt  }
0x46: {  	_ =	shalt  }
0x47: {  	_ =	shalt  }
0x48: {  	_ =	shalt  }
0x49: {  	_ =	shalt  }
0x4a: {  	_ =	shalt  }
0x4b: {  	_ =	shalt  }
0x4c: {  	_ =	shalt  }
0x4d: {  	_ =	shalt  }
0x4e: {  	_ =	shalt  }
0x4f: {  	_ =	shalt  }
0x50: {  	_ =	shalt  }
0x51: {  	_ =	shalt  }
0x52: {  	_ =	shalt  }
0x53: {  	_ =	shalt  }
0x54: {  	_ =	shalt  }
0x55: {  	_ =	shalt  }
0x56: {  	_ =	shalt  }
0x57: {  	_ =	shalt  }
0x58: {  	_ =	shalt  }
0x59: {  	_ =	shalt  }
0x5a: {  	_ =	shalt  }
0x5b: {  	_ =	shalt  }
0x5c: {  	_ =	shalt  }
0x5d: {  	_ =	shalt  }
0x5e: {  	_ =	shalt  }
0x5f: {  	_ =	shalt  }
0x60: {  	_ =	shalt  }
0x61: {  	_ =	shalt  }
0x62: {  	_ =	shalt  }
0x63: {  	_ =	shalt  }
0x64: {  	_ =	shalt  }
0x65: {  	_ =	shalt  }
0x66: {  	_ =	shalt  }
0x67: {  	_ =	shalt  }
0x68: {  	_ =	shalt  }
0x69: {  	_ =	shalt  }
0x6a: {  	_ =	shalt  }
0x6b: {  	_ =	shalt  }
0x6c: {  	_ =	shalt  }
0x6d: {  	_ =	shalt  }
0x6e: {  	_ =	shalt  }
0x6f: {  	_ =	shalt  }
0x70: {  	_ =	shalt  }
0x71: {  	_ =	shalt  }
0x72: {  	_ =	shalt  }
0x73: {  	_ =	shalt  }
0x74: {  	_ =	shalt  }
0x75: {  	_ =	shalt  }
0x76: {  	_ =	shalt  }
0x77: {  	_ =	shalt  }
0x78: {  	_ =	shalt  }
0x79: {  	_ =	shalt  }
0x7a: {  	_ =	shalt  }
0x7b: {  	_ =	shalt  }
0x7c: {  	_ =	shalt  }
0x7d: {  	_ =	shalt  }
0x7e: {  	_ =	shalt  }
0x7f: {  	_ =	shalt  }
0x80: {  	_ =	shalt  }
0x81: {  	_ =	shalt  }
0x82: {  	_ =	shalt  }
0x83: {  	_ =	shalt  }
0x84: {  	_ =	shalt  }
0x85: {  	_ =	shalt  }
0x86: {  	_ =	shalt  }
0x87: {  	_ =	shalt  }
.Lfunc_end0:
.L_simem_size_0:
called_computation.1_lowered:
.L_overlay_start_0:
0x88: {  	s2 =	sld [smem:$0x3FD9]  }
0x89: {  	s3 =	sld [smem:$0x3FFE];
	_ =	sdelay $0x1  }
0x8a: {  	s1 =	srdreg.scid  }
0x8b: {  	s0 =	sand.u32 $0x1, s1  }
0x8c: {  	s14 =	sshll.u32 s0, $0xA;
	s2 =	sadd.s32 s3, s2  }
0x8d: {  	s2 =	sadd.s32 s2, s14  }
0x8e: {  	[smem:$0x3FC2] =	sst s2  }
0x8f: {  	_ = 	snop  }
0x90: {  	s2 =	sld [smem:$0x3FD0];
	_ =	sdelay $0x2  }
0x91: {  	s15 =	simm.s32 $0xA;
	s4 =	simm.s32 $0x10  }
0x92: {  	[smem:s4], [sflag:s15] =	dma.local [hbm:s2], $0x1  }
0x93: {  	_ =	swait.eq [sflag:s15], $0x1  }
0x94: {  	[sflag:s15] =	ssyncset.done $0x0  }
0x95: {  	s16 =	sld [smem:$0x10];
	[sflag:s15] =	ssyncadd.s32 $0xFFFFFFFF  }
0x96: {  	s17 =	sld [smem:$0x12];
	(tm) =	ssettm $0x1  }
0x97: {  	s18 =	sld [smem:$0x3FFB];
	_ =	sdelay $0x3  }
0x98: {  	_ =	strace s18  }
0x99: {  	s4 =	sld [smem:$0x3FFC];
	_ =	sdelay $0x3  }
0x9a: {  	_ =	strace s4  }
0x9b: {  	s4 =	sld [smem:$0x3FFD];
	_ =	sdelay $0x3  }
0x9c: {  	_ =	strace s4  }
0x9d: {  	_ =	strace $0x8FFFFFFF  }
0x9e: {  	s19 =	sld [smem:$0x3FDB];
	_ =	sdelay $0x1  }
0x9f: {  	s5 =	simm.s32 $_scs_section_size  }
0xa0: {  	s6 =	simm.s32 $_size__tile_overlayer_lowered;
	s7 =	simm.s32 $_tile_overlayer_lowered  }
0xa1: {  	s22 =	simm.s32 $0x1BFF;
	s21 =	sshll.u32 s7, $0x1;
	s4 =	sadd.s32 s5, s19  }
0xa2: {  	s8 =	simm.s32 $0x0;
	s20 =	sshll.u32 s6, $0x1;
	s6 =	sadd.s32 s21, s4  }
0xa3: {  	[timem:s8], [sflag:s22] =	dma.local [hbm:s6], s20  }
0xa4: {  	_ =	swait.ge [sflag:s22], s20  }
0xa5: {  	s5 =	ssub.s32 $0x0, s20;
	[sflag:s22] =	ssyncset.done $0x0  }
0xa6: {  	[sflag:s22] =	ssyncadd.s32 s5;
	_ =	sdelay $0x1  }
0xa7: {  	s23 =	simm.s32 $0x1B8B  }
0xa8: {  	_ =	swait.ge [sflag:s23], $0x1  }
0xa9: {  	[sflag:s23] =	ssyncset.done $0x0  }
0xaa: {  	s25 =	simm.s32 $0x1B8E;
	s24 =	sld [smem:$0x3FFE];
	[sflag:s23] =	ssyncadd.s32 $0xFFFFFFFF  }
0xab: {  	s26 =	simm.s32 $execute0_lowered;
	[smem:$0x3FD2] =	sst s25  }
0xac: {  	s6 =	sshll.u32 s26, $0x1;
	_ =	strace $0x80000049;
	[dreg:$0x1] =	wrdreg $0xFFFFFFFF  }
0xad: {  	s28 =	simm.s32 $_size_execute0_lowered;
	s4 =	sadd.s32 s4, s6;
	[dreg:$0x0] =	wrdreg $0x0  }
0xae: {  	s6 =	sshll.u32 s28, $0x1;
	[dreg:$0x2] =	wrdreg s4  }
0xaf: {  	[dreg:$0x3] =	wrdreg s6  }
0xb0: {  	[dreg:$0x4] =	wrdreg $0xC0  }
0xb1: {  	_ =	task [dreg:s8], $0x5FFFF  }
0xb2: {  	[dreg:$0x1] =	wrdreg $0xFFFFFFFF  }
0xb3: {  	[dreg:$0x0] =	wrdreg $0x60  }
0xb4: {  	[dreg:$0x2] =	wrdreg s24  }
0xb5: {  	[dreg:$0x3] =	wrdreg s17  }
0xb6: {  	[dreg:$0x4] =	wrdreg s16  }
0xb7: {  	[dreg:$0x5] =	wrdreg $0x9  }
0xb8: {  	_ =	task.clear_ibuf [dreg:s8], $0x6FFFF;
	_ =	strace $0x90000049  }
0xb9: {  	s29 =	simm.s32 $0x9;
	_ =	strace $0x8000004B  }
0xba: {  	_ =	swait.ge [sflag:s29], $0x1  }
0xbb: {  	[sflag:s29] =	ssyncadd.s32 $0xFFFFFFFF  }
0xbc: {  	_ =	strace $0x9000004B  }
0xbd: {  	_ =	sfence  }
0xbe: {  	s30 =	sld [smem:$0x0];
	_ =	sdelay $0x2  }
0xbf: {  	s31 =	sshll.u32 s1, $0xD;
	s1 =	sshrl.u32 s1, $0x2  }
0xc0: {  	s3 =	sand.u32 $0x4000, s31;
	s1 =	sadd.s32 s1, s30  }
0xc1: {  	s0 =	sor.u32 s3, s0;
	s1 =	sshll.u32 s1, $0x11  }
0xc2: {  	s0 =	sor.u32 s1, s0  }
0xc3: {  	s0 =	sadd.s32 $0x8F2B, s0  }
0xc4: {  	[sflag:s0] =	ssyncadd.remote.s32 $0x1  }
0xc5: {  	_ =	sfence.sel $0xFFFF  }
0xc6: {  	[dreg:$0x0] =	wrdreg $0xFFFFFFFF;
	(pc) =	sbr.abs _section_cstart, $3  }
0xc7: {  	[dreg:$0x1] =	wrdreg $0xFFFFFFFF  }
0xc8: {  	_ =	task.clear_ibuf [dreg:s8], $0x2FFFF;
	_ =	strace $0x9FFFFFFF  }
0xc9: {  	(tm) =	ssettm $0x7FFFFFFF  }
tec
execute0_lowered:
.L_overlay_start_1:
0x0: {  	(tag) =	ssettag $0x1  }
0x1: {  	s0 =	rddreg [dreg:$0x0]  }
0x2: {  	s2 =	rddreg [dreg:$0x1]  }
0x3: {  	s1 =	srdreg.scid;
	s12 =	stileid.u32  }
0x4: {  	s3 =	rddreg [dreg:$0x2];
	s4 =	simm.s32 $0x0;
	s13 =	simm.s32 $0x80  }
0x5: {  	s20 =	simm.s32 $0x5;
	s22 =	simm.s32 $0x4200;
	s24 =	simm.s32 $0x6200  }
0x6: {  	s25 =	simm.s32 $0x1;
	s28 =	simm.s32 $0x8600;
	s29 =	simm.s32 $0x8A00  }
0x7: {  	s30 =	simm.s32 $0x2;
	s31 =	simm.s32 $0x4;
	s14 =	simm.s32 $0x8C00  }
0x8: {  	s15 =	simm.s32 $0x3;
	s17 =	simm.s32 $0x0;
	s1 =	sand.u32 $0x1, s1  }
0x9: {  	s5 =	sshll.u32 s12, $0x1;
	[smem:$0x7FF] =	sst s4;
	s6 =	sadd.s32 $0x1A1C00, s0  }
0xa: {  	s7 =	sadd.s32 $0x181C00, s0;
	s26 =	sshll.u32 s12, $0xC;
	s12 =	simm.s32 $0x6  }
0xb: {  	s8 =	sor.u32 s1, s5;
	_ =	strace $0x8000004A;
	s1 =	ssub.s32 $0x2, s1  }
0xc: {  	s5 =	sshll.u32 s8, $0x6;
	s10 =	sshll.u32 s8, $0x3;
	s11 =	sshrl.u32 s1, $0x1  }
.Ltmp0:
0xd: {  	s8 =	sshll.u32 s8, $0xC;
	s9 =	sadd.s32 s5, s0;
	(pc) =	sbr.rel .LBB2_1-.Ltmp0, $4  }
0xe: {  	s5 =	sadd.s32 $0x101C00, s0;
	s0 =	sadd.s32 s10, s0;
	s1 =	ssub.s32 s1, s11  }
0xf: {  	s10 =	sand.u32 $0xC000, s26;
	s26 =	simm.s32 $0x8200;
	s9 =	sadd.s32 $0x201C00, s9  }
0x10: {  	s0 =	sadd.s32 $0x1C1C00, s0;
	s11 =	smax.u32 s1, $0x1;
	[dreg:$0x4] =	wrdreg s9  }
0x11: {  	s1 =	simm.s32 $0x8400;
	v0 =	vmov s10;
	[dreg:$0x5] =	wrdreg s0;
	s0 =	simm.s32 $0x8800  }
.LBB2_14:
0x12: {  	_ =	swait.ge [sflag:s15], $0x200  }
0x13: {  	[sflag:s15] =	ssyncset.done $0x0  }
0x14: {  	[sflag:s15] =	ssyncadd.s32 $0xFFFFFE00  }
0x15: {  	_ =	swait.ge [sflag:s15], $0x200  }
0x16: {  	[sflag:s15] =	ssyncset.done $0x0  }
0x17: {  	[sflag:s15] =	ssyncadd.s32 $0xFFFFFE00  }
0x18: {  	_ =	swait.ge [sflag:s15], $0x200  }
0x19: {  	[sflag:s15] =	ssyncset.done $0x0  }
0x1a: {  	[sflag:s15] =	ssyncadd.s32 $0xFFFFFE00  }
0x1b: {  	_ =	swait.ge [sflag:s31], $0x200  }
0x1c: {  	[sflag:s31] =	ssyncset.done $0x0  }
0x1d: {  	[sflag:s31] =	ssyncadd.s32 $0xFFFFFE00  }
0x1e: {  	_ =	swait.ge [sflag:s31], $0x200  }
0x1f: {  	[sflag:s31] =	ssyncset.done $0x0  }
0x20: {  	[sflag:s31] =	ssyncadd.s32 $0xFFFFFE00  }
0x21: {  	_ =	swait.ge [sflag:s31], $0x200  }
0x22: {  	[sflag:s31] =	ssyncset.done $0x0  }
0x23: {  	[sflag:s31] =	ssyncadd.s32 $0xFFFFFE00  }
0x24: {  	[tilespmem:$0x8E00] =	vst v2  }
0x25: {  	s17 =	sadd.s32 $0x1, s17;
	[tilespmem:$0x8E10] =	vst v3  }
0x26: {  	p0 =	sne.s32 s17, s11;
	[tilespmem:$0x8E20] =	vst v1  }
.Ltmp1:
0x27: {  	s10 =	simm.s32 $0x8E00;
	s9 =	rddreg [dreg:$0x5];
	[tilespmem:$0x8E30] =	vst v4;
	(pc) =	sbr.rel @!p0 .LBB2_15-.Ltmp1, $4  }
0x28: {  	[hbm4b:s9+s4] =	stream.linear.scatter [tilespmem:s10], [sflag:$0x6], $0x40, $0x38;
	[tilespmem:$0x8E40] =	vst v63  }
0x29: {  	_ =	swait.ge [sflag:s12], $0x40  }
0x2a: {  	[sflag:s12] =	ssyncset.done $0x0  }
0x2b: {  	[sflag:s12] =	ssyncadd.s32 $0xFFFFFFC0  }
.LBB2_1:
0x2c: {  	s9 =	rddreg [dreg:$0x4]  }
0x2d: {  	[tilespmem:s4], [sflag:$0x6] =	stream.linear.gather [hbm4b:s9+s4], $0x200, $0x38;
	[tilespmem:$0x8E40] =	vst v63  }
0x2e: {  	_ =	swait.ge [sflag:s12], $0x200  }
0x2f: {  	[sflag:s12] =	ssyncset.done $0x0  }
0x30: {  	[sflag:s12] =	ssyncadd.s32 $0xFFFFFE00  }
0x31: {  	v1 =	vld [tilespmem:$0x0]  }
0x32: {  	v2 =	vld [tilespmem:$0x10]  }
0x33: {  	v3 =	vld [tilespmem:$0x20]  }
0x34: {  	v4 =	vld [tilespmem:$0x30]  }
0x35: {  	v5 =	vld [tilespmem:$0x40]  }
0x36: {  	v6 =	vld [tilespmem:$0x50];
	v1 =	vadd.s32 v0, v1  }
0x37: {  	[tilespmem:$0x0] =	vst v1;
	v1 =	vadd.s32 v0, v2;
	v2 =	vld [tilespmem:$0x60]  }
0x38: {  	[tilespmem:$0x10] =	vst v1;
	v1 =	vadd.s32 v0, v3;
	v3 =	vld [tilespmem:$0x70]  }
0x39: {  	[tilespmem:$0x20] =	vst v1;
	v1 =	vadd.s32 v0, v4;
	v4 =	vld [tilespmem:$0x80]  }
0x3a: {  	[tilespmem:$0x30] =	vst v1;
	v1 =	vadd.s32 v0, v5;
	v5 =	vld [tilespmem:$0x90]  }
0x3b: {  	[tilespmem:$0x40] =	vst v1;
	v1 =	vadd.s32 v0, v6;
	v6 =	vld [tilespmem:$0xA0]  }
0x3c: {  	[tilespmem:$0x50] =	vst v1;
	v1 =	vadd.s32 v0, v2;
	v2 =	vld [tilespmem:$0xB0]  }
0x3d: {  	[tilespmem:$0x60] =	vst v1;
	v1 =	vadd.s32 v0, v3;
	v3 =	vld [tilespmem:$0xC0]  }
0x3e: {  	[tilespmem:$0x70] =	vst v1;
	v1 =	vadd.s32 v0, v4;
	v4 =	vld [tilespmem:$0xD0]  }
0x3f: {  	[tilespmem:$0x80] =	vst v1;
	v1 =	vadd.s32 v0, v5;
	v5 =	vld [tilespmem:$0xE0]  }
0x40: {  	[tilespmem:$0x90] =	vst v1;
	v1 =	vadd.s32 v0, v6;
	v6 =	vld [tilespmem:$0xF0]  }
0x41: {  	[tilespmem:$0xA0] =	vst v1;
	v1 =	vadd.s32 v0, v2;
	v2 =	vld [tilespmem:$0x100]  }
0x42: {  	[tilespmem:$0xB0] =	vst v1;
	v1 =	vadd.s32 v0, v3;
	v3 =	vld [tilespmem:$0x110]  }
0x43: {  	[tilespmem:$0xC0] =	vst v1;
	v1 =	vadd.s32 v0, v4;
	v4 =	vld [tilespmem:$0x120]  }
0x44: {  	[tilespmem:$0xD0] =	vst v1;
	v1 =	vadd.s32 v0, v5;
	v5 =	vld [tilespmem:$0x130]  }
0x45: {  	[tilespmem:$0xE0] =	vst v1;
	v1 =	vadd.s32 v0, v6;
	v6 =	vld [tilespmem:$0x140]  }
0x46: {  	[tilespmem:$0xF0] =	vst v1;
	v1 =	vadd.s32 v0, v2;
	v2 =	vld [tilespmem:$0x150]  }
0x47: {  	[tilespmem:$0x100] =	vst v1;
	v1 =	vadd.s32 v0, v3;
	v3 =	vld [tilespmem:$0x160]  }
0x48: {  	[tilespmem:$0x110] =	vst v1;
	v1 =	vadd.s32 v0, v4;
	v4 =	vld [tilespmem:$0x170]  }
0x49: {  	[tilespmem:$0x120] =	vst v1;
	v1 =	vadd.s32 v0, v5;
	v5 =	vld [tilespmem:$0x180]  }
0x4a: {  	[tilespmem:$0x130] =	vst v1;
	v1 =	vadd.s32 v0, v6;
	v6 =	vld [tilespmem:$0x190]  }
0x4b: {  	[tilespmem:$0x140] =	vst v1;
	v1 =	vadd.s32 v0, v2;
	v2 =	vld [tilespmem:$0x1A0]  }
0x4c: {  	[tilespmem:$0x150] =	vst v1;
	v1 =	vadd.s32 v0, v3;
	v3 =	vld [tilespmem:$0x1B0]  }
0x4d: {  	[tilespmem:$0x160] =	vst v1;
	v1 =	vadd.s32 v0, v4;
	v4 =	vld [tilespmem:$0x1C0]  }
0x4e: {  	[tilespmem:$0x170] =	vst v1;
	v1 =	vadd.s32 v0, v5;
	v5 =	vld [tilespmem:$0x1D0]  }
0x4f: {  	[tilespmem:$0x180] =	vst v1;
	v1 =	vadd.s32 v0, v6;
	v6 =	vld [tilespmem:$0x1E0]  }
0x50: {  	[tilespmem:$0x190] =	vst v1;
	v1 =	vadd.s32 v0, v2;
	v2 =	vld [tilespmem:$0x1F0]  }
0x51: {  	[tilespmem:$0x1A0] =	vst v1;
	v1 =	vadd.s32 v0, v3  }
0x52: {  	[tilespmem:$0x1B0] =	vst v1;
	v1 =	vadd.s32 v0, v4  }
0x53: {  	[tilespmem:$0x1C0] =	vst v1;
	v1 =	vadd.s32 v0, v5  }
0x54: {  	[tilespmem:$0x1D0] =	vst v1;
	v1 =	vadd.s32 v0, v6  }
0x55: {  	[tilespmem:$0x1E0] =	vst v1;
	v1 =	vadd.s32 v0, v2  }
0x56: {  	s16 =	simm.s32 $0x200;
	[tilespmem:$0x1F0] =	vst v1  }
0x57: {  	[tilespmem:s16], [sflag:$0x5] =	stream.indirect.gather [hbm4b:s2+s13], $0x10, s4, s13, $0xb8;
	[tilespmem:$0x8E40] =	vst v63  }
0x58: {  	s18 =	simm.s32 $0xA00  }
0x59: {  	[tilespmem:s18], [sflag:$0x5] =	stream.indirect.gather [hbm4b:s2+s13], $0x10, s13, s13, $0xb8;
	[tilespmem:$0x8E40] =	vst v63  }
0x5a: {  	s19 =	simm.s32 $0x100;
	s10 =	simm.s32 $0x1200  }
0x5b: {  	[tilespmem:s10], [sflag:$0x5] =	stream.indirect.gather [hbm4b:s2+s13], $0x10, s19, s13, $0xb8;
	[tilespmem:$0x8E40] =	vst v63  }
0x5c: {  	s21 =	simm.s32 $0x180;
	s23 =	simm.s32 $0x1A00  }
0x5d: {  	[tilespmem:s23], [sflag:$0x5] =	stream.indirect.gather [hbm4b:s2+s13], $0x10, s21, s13, $0xb8;
	[tilespmem:$0x8E40] =	vst v63  }
0x5e: {  	_ =	swait.ge [sflag:s20], $0x800  }
0x5f: {  	[sflag:s20] =	ssyncset.done $0x0  }
0x60: {  	[sflag:s20] =	ssyncadd.s32 $0xFFFFF800  }
0x61: {  	_ =	swait.ge [sflag:s20], $0x800  }
0x62: {  	[sflag:s20] =	ssyncset.done $0x0  }
0x63: {  	[sflag:s20] =	ssyncadd.s32 $0xFFFFF800  }
0x64: {  	_ =	swait.ge [sflag:s20], $0x800  }
0x65: {  	[sflag:s20] =	ssyncset.done $0x0  }
0x66: {  	[sflag:s20] =	ssyncadd.s32 $0xFFFFF800  }
0x67: {  	_ =	swait.ge [sflag:s20], $0x800  }
0x68: {  	[sflag:s20] =	ssyncset.done $0x0  }
0x69: {  	s10 =	simm.s32 $0x0;
	[sflag:s20] =	ssyncadd.s32 $0xFFFFF800  }
0x6a: {  	v2 =	vld [tilespmem:s10+$0x270]  }
0x6b: {  	v5 =	vld [tilespmem:s10+$0x200]  }
0x6c: {  	v6 =	vld [tilespmem:s10+$0x210]  }
0x6d: {  	v4 =	vld [tilespmem:s10+$0x220]  }
0x6e: {  	v3 =	vld [tilespmem:s10+$0x230]  }
0x6f: {  	v1 =	vld [tilespmem:s10+$0x240];
	v7 =	vadd.s32 v0, v2  }
0x70: {  	v2 =	vld [tilespmem:s10+$0x250];
	v5 =	vadd.s32 v0, v5;
	[tilespmem:s10+$0x2270] =	vst v7  }
0x71: {  	s9 =	simm.s32 $0x80;
	s16 =	simm.s32 $0x400;
	v6 =	vadd.s32 v0, v6;
	[tilespmem:s10+$0x2200] =	vst v5;
	v5 =	vld [tilespmem:s10+$0x260]  }
.LBB2_2:
0x72: {  	p0 =	sne.s32 s16, $0x7E00;
	v7 =	vld [tilespmem:s9+$0x270];
	[tilespmem:s10+$0x2210] =	vst v6;
	v4 =	vadd.s32 v0, v4  }
0x73: {  	v6 =	vld [tilespmem:s9+$0x200];
	[tilespmem:s10+$0x2220] =	vst v4;
	v3 =	vadd.s32 v0, v3  }
0x74: {  	v8 =	vld [tilespmem:s9+$0x210];
	[tilespmem:s10+$0x2230] =	vst v3;
	v1 =	vadd.s32 v0, v1  }
.Ltmp2:
0x75: {  	v4 =	vld [tilespmem:s9+$0x220];
	[tilespmem:s10+$0x2240] =	vst v1;
	v1 =	vadd.s32 v0, v2;
	(pc) =	sbr.rel @p0 .LBB2_2-.Ltmp2, $4  }
0x76: {  	v3 =	vld [tilespmem:s9+$0x230];
	[tilespmem:s10+$0x2250] =	vst v1;
	v2 =	vadd.s32 v0, v5  }
0x77: {  	v1 =	vld [tilespmem:s9+$0x240];
	v5 =	vadd.s32 v0, v7;
	[tilespmem:s10+$0x2260] =	vst v2;
	s10 =	smov.u32 s9  }
0x78: {  	v6 =	vadd.s32 v0, v6;
	v2 =	vld [tilespmem:s10+$0x250];
	[tilespmem:s10+$0x2270] =	vst v5  }
0x79: {  	s9 =	sshra.s32 s16, $0x2;
	s16 =	sadd.s32 $0x200, s16;
	[tilespmem:s10+$0x2200] =	vst v6;
	v6 =	vadd.s32 v0, v8;
	v5 =	vld [tilespmem:s10+$0x260]  }
0x7a: {  	v7 =	vld [tilespmem:s9+$0x270];
	[tilespmem:s10+$0x2210] =	vst v6;
	v4 =	vadd.s32 v0, v4  }
0x7b: {  	v6 =	vld [tilespmem:s9+$0x200];
	[tilespmem:s10+$0x2220] =	vst v4;
	v3 =	vadd.s32 v0, v3  }
0x7c: {  	v4 =	vld [tilespmem:s9+$0x210];
	[tilespmem:s10+$0x2230] =	vst v3;
	v1 =	vadd.s32 v0, v1  }
0x7d: {  	v3 =	vld [tilespmem:s9+$0x220];
	[tilespmem:s10+$0x2240] =	vst v1;
	v1 =	vadd.s32 v0, v2  }
0x7e: {  	v2 =	vld [tilespmem:s9+$0x230];
	[tilespmem:s10+$0x2250] =	vst v1;
	v1 =	vadd.s32 v0, v5  }
0x7f: {  	v5 =	vld [tilespmem:s9+$0x240];
	[tilespmem:s10+$0x2260] =	vst v1;
	v1 =	vadd.s32 v0, v7  }
0x80: {  	v7 =	vld [tilespmem:s9+$0x250];
	v6 =	vadd.s32 v0, v6;
	[tilespmem:s9+$0x2270] =	vst v1  }
0x81: {  	[tilespmem:s9+$0x2200] =	vst v6;
	v1 =	vadd.s32 v0, v4;
	v4 =	vld [tilespmem:s9+$0x260]  }
0x82: {  	[tilespmem:s9+$0x2210] =	vst v1;
	v1 =	vadd.s32 v0, v3  }
0x83: {  	[tilespmem:s9+$0x2220] =	vst v1;
	v1 =	vadd.s32 v0, v2  }
0x84: {  	[tilespmem:s9+$0x2230] =	vst v1;
	v1 =	vadd.s32 v0, v5  }
0x85: {  	[tilespmem:s9+$0x2240] =	vst v1;
	v1 =	vadd.s32 v0, v7  }
0x86: {  	[tilespmem:s9+$0x2250] =	vst v1;
	v1 =	vadd.s32 v0, v4  }
0x87: {  	s21 =	simm.s32 $0x2200;
	[tilespmem:s9+$0x2260] =	vst v1  }
0x88: {  	[tilespmem:s22], [sflag:$0x1] =	stream.indirect.gather [hbm4b:s5+s13], $0x40, s21, s13, $0xb8;
	[tilespmem:$0x8E40] =	vst v63  }
0x89: {  	s23 =	simm.s32 $0x2280;
	s18 =	simm.s32 $0x0;
	v3 =	vimm.f32 $0.0e+00  }
0x8a: {  	v2 =	vimm.f32 $0.0e+00;
	v4 =	vimm.f32 $0.0e+00;
	v1 =	vimm.f32 $0.0e+00;
	[tilespmem:s24], [sflag:$0x2] =	stream.indirect.gather [hbm4b:s5+s13], $0x40, s23, s13, $0xb8;
	[tilespmem:$0x8E40] =	vst v63  }
.LBB2_4:
0x8b: {  	_ =	swait.ge [sflag:s25], $0x2000  }
0x8c: {  	p0 =	seq.s32 s18, $0x0;
	[sflag:s25] =	ssyncset.done $0x0  }
0x8d: {  	s9 =	simm.s32 @!p0 $0x3;
	[sflag:s25] =	ssyncadd.s32 $0xFFFFE000  }
0x8e: {  	_ =	swait.ge @!p0 [sflag:s9], $0x200  }
0x8f: {  	[sflag:s9] =	ssyncset.done @!p0 $0x0  }
0x90: {  	[sflag:s9] =	ssyncadd.s32 @!p0 $0xFFFFFE00  }
0x91: {  	_ =	swait.ge @!p0 [sflag:s9], $0x200  }
0x92: {  	[sflag:s9] =	ssyncset.done @!p0 $0x0  }
0x93: {  	[sflag:s9] =	ssyncadd.s32 @!p0 $0xFFFFFE00  }
0x94: {  	_ =	swait.ge @!p0 [sflag:s9], $0x200  }
0x95: {  	[sflag:s9] =	ssyncset.done @!p0 $0x0  }
0x96: {  	s21 =	simm.s32 $0x4400;
	[sflag:s9] =	ssyncadd.s32 @!p0 $0xFFFFFE00  }
0x97: {  	v11 =	vld [tilespmem:s21+$0xFFFFFE40]  }
0x98: {  	v12 =	vld [tilespmem:s21+$0xFFFFFE00];
	_ =	sdelay $0x1  }
0x99: {  	v19 =	vld [tilespmem:s21+$0xFFFFFE80];
	_ =	sdelay $0x1  }
0x9a: {  	v20 =	vld [tilespmem:s21+$0xFFFFFEC0]  }
0x9b: {  	v5 =	vadd.f32 v11, v12  }
0x9c: {  	v18 =	vld [tilespmem:s21+$0xFFFFFF00]  }
0x9d: {  	v5 =	vadd.f32 v19, v5  }
0x9e: {  	v17 =	vld [tilespmem:s21+$0xFFFFFF40]  }
0x9f: {  	v5 =	vadd.f32 v20, v5  }
0xa0: {  	v16 =	vld [tilespmem:s21+$0xFFFFFF80]  }
0xa1: {  	v5 =	vadd.f32 v18, v5  }
0xa2: {  	v15 =	vld [tilespmem:s21+$0xFFFFFFC0]  }
0xa3: {  	v5 =	vadd.f32 v17, v5  }
0xa4: {  	v14 =	vld [tilespmem:s21+$0x0]  }
0xa5: {  	v5 =	vadd.f32 v16, v5  }
0xa6: {  	v13 =	vld [tilespmem:s21+$0x40]  }
0xa7: {  	v5 =	vadd.f32 v15, v5  }
0xa8: {  	v8 =	vld [tilespmem:s21+$0x80];
	v6 =	vmax.f32 v12, v11  }
0xa9: {  	v7 =	vmin.f32 v12, v11;
	v6 =	vmax.f32 v6, v19;
	v5 =	vadd.f32 v14, v5  }
0xaa: {  	v9 =	vld [tilespmem:s21+$0xC0];
	v7 =	vmin.f32 v7, v19;
	v6 =	vmax.f32 v6, v20  }
0xab: {  	v7 =	vmin.f32 v7, v20;
	v6 =	vmax.f32 v6, v18;
	v5 =	vadd.f32 v13, v5  }
0xac: {  	v10 =	vld [tilespmem:s21+$0x100];
	v7 =	vmin.f32 v7, v18;
	v6 =	vmax.f32 v6, v17  }
0xad: {  	v7 =	vmin.f32 v7, v17;
	v6 =	vmax.f32 v6, v16;
	v5 =	vadd.f32 v8, v5  }
0xae: {  	v21 =	vmin.f32 v7, v16;
	v7 =	vld [tilespmem:s21+$0x140];
	v6 =	vmax.f32 v6, v15  }
0xaf: {  	v21 =	vmin.f32 v21, v15;
	v6 =	vmax.f32 v6, v14;
	v22 =	vadd.f32 v9, v5  }
0xb0: {  	v39 =	vmax.f32 v6, v13;
	v6 =	vld [tilespmem:s21+$0x180];
	v5 =	vmin.f32 v21, v14  }
0xb1: {  	v21 =	vmax.f32 v39, v8;
	v23 =	vmin.f32 v5, v13;
	v5 =	vld [tilespmem:s21+$0x1C0];
	v22 =	vadd.f32 v10, v22  }
0xb2: {  	v21 =	vmax.f32 v21, v9;
	v23 =	vmin.f32 v23, v8  }
0xb3: {  	v21 =	vmax.f32 v21, v10;
	v23 =	vmin.f32 v23, v9;
	v22 =	vadd.f32 v7, v22  }
0xb4: {  	v21 =	vmax.f32 v21, v7;
	v23 =	vmin.f32 v23, v10  }
0xb5: {  	v21 =	vmax.f32 v21, v6;
	v23 =	vmin.f32 v23, v7;
	v22 =	vadd.f32 v6, v22  }
0xb6: {  	s23 =	simm.s32 $0x0;
	v23 =	vmin.f32 v23, v6;
	v21 =	vmax.f32 v21, v5  }
0xb7: {  	v23 =	vmin.f32 v23, v5;
	[tilespmem:s23+$0x8600] =	vst v21;
	v40 =	vadd.f32 v5, v22  }
0xb8: {  	[tilespmem:s23+$0x8A00] =	vst v23  }
0xb9: {  	[tilespmem:s23+$0x8200] =	vst v40  }
0xba: {  	v21 =	vld [tilespmem:s21+$0xFFFFFE10]  }
0xbb: {  	v41 =	vld [tilespmem:s21+$0xFFFFFE50];
	_ =	sdelay $0x1  }
0xbc: {  	v23 =	vld [tilespmem:s21+$0xFFFFFE90];
	_ =	sdelay $0x1  }
0xbd: {  	v24 =	vld [tilespmem:s21+$0xFFFFFED0]  }
0xbe: {  	v25 =	vadd.f32 v41, v21  }
0xbf: {  	v26 =	vld [tilespmem:s21+$0xFFFFFF10]  }
0xc0: {  	v25 =	vadd.f32 v23, v25  }
0xc1: {  	v27 =	vld [tilespmem:s21+$0xFFFFFF50]  }
0xc2: {  	v25 =	vadd.f32 v24, v25  }
0xc3: {  	v28 =	vld [tilespmem:s21+$0xFFFFFF90]  }
0xc4: {  	v25 =	vadd.f32 v26, v25  }
0xc5: {  	v12 =	vmul.f32 v12, v12;
	v29 =	vld [tilespmem:s21+$0xFFFFFFD0]  }
0xc6: {  	v25 =	vadd.f32 v27, v25  }
0xc7: {  	v11 =	vmul.f32 v11, v11;
	v2 =	vadd.f32 v12, v2;
	v30 =	vld [tilespmem:s21+$0x10]  }
0xc8: {  	v25 =	vadd.f32 v28, v25  }
0xc9: {  	v2 =	vadd.f32 v11, v2;
	v11 =	vmul.f32 v19, v19;
	v31 =	vld [tilespmem:s21+$0x50]  }
0xca: {  	v42 =	vmul.f32 v20, v20;
	v43 =	vadd.f32 v29, v25  }
0xcb: {  	v2 =	vadd.f32 v11, v2;
	v18 =	vmul.f32 v18, v18;
	v45 =	vld [tilespmem:s21+$0x90];
	v44 =	vmax.f32 v21, v41  }
0xcc: {  	v32 =	vmin.f32 v21, v41;
	v19 =	vmax.f32 v44, v23;
	v20 =	vadd.f32 v30, v43  }
0xcd: {  	v33 =	vadd.f32 v42, v2;
	v46 =	vld [tilespmem:s21+$0xD0];
	v11 =	vmin.f32 v32, v23;
	v19 =	vmax.f32 v19, v24  }
0xce: {  	v11 =	vmin.f32 v11, v24;
	v19 =	vmax.f32 v19, v26;
	v20 =	vadd.f32 v31, v20  }
0xcf: {  	v17 =	vmul.f32 v17, v17;
	v12 =	vld [tilespmem:s21+$0x110];
	v2 =	vmin.f32 v11, v26;
	v11 =	vmax.f32 v19, v27  }
0xd0: {  	v2 =	vmin.f32 v2, v27;
	v11 =	vmax.f32 v11, v28;
	v47 =	vadd.f32 v45, v20  }
0xd1: {  	v48 =	vmul.f32 v21, v21;
	v2 =	vmin.f32 v2, v28;
	v49 =	vmax.f32 v11, v29;
	v11 =	vld [tilespmem:s21+$0x150]  }
0xd2: {  	v2 =	vmin.f32 v2, v29;
	v21 =	vmax.f32 v49, v30;
	v19 =	vadd.f32 v46, v47  }
0xd3: {  	v2 =	vmin.f32 v2, v30;
	v21 =	vmax.f32 v21, v31;
	v20 =	vadd.f32 v48, v3;
	v3 =	vld [tilespmem:s21+$0x190]  }
0xd4: {  	v34 =	vmin.f32 v2, v31;
	v2 =	vld [tilespmem:s21+$0x1D0];
	v21 =	vmax.f32 v21, v45;
	v19 =	vadd.f32 v12, v19  }
0xd5: {  	v22 =	vmul.f32 v41, v41;
	v34 =	vmin.f32 v34, v45;
	v21 =	vmax.f32 v21, v46  }
0xd6: {  	v34 =	vmin.f32 v34, v46;
	v21 =	vmax.f32 v21, v12;
	v19 =	vadd.f32 v11, v19  }
0xd7: {  	v50 =	vmin.f32 v34, v12;
	v21 =	vmax.f32 v21, v11;
	v20 =	vadd.f32 v22, v20  }
0xd8: {  	v22 =	vmin.f32 v50, v11;
	v21 =	vmax.f32 v21, v3;
	v19 =	vadd.f32 v3, v19  }
0xd9: {  	v18 =	vadd.f32 v18, v33;
	v22 =	vmin.f32 v22, v3;
	v21 =	vmax.f32 v21, v2  }
0xda: {  	v51 =	vmin.f32 v22, v2;
	[tilespmem:s23+$0x8610] =	vst v21;
	v19 =	vadd.f32 v2, v19  }
0xdb: {  	v16 =	vmul.f32 v16, v16;
	v17 =	vadd.f32 v17, v18;
	[tilespmem:s23+$0x8A10] =	vst v51  }
0xdc: {  	[tilespmem:s23+$0x8210] =	vst v19  }
0xdd: {  	v15 =	vmul.f32 v15, v15;
	v16 =	vadd.f32 v16, v17;
	v55 =	vld [tilespmem:s21+$0xFFFFFE20]  }
0xde: {  	v56 =	vld [tilespmem:s21+$0xFFFFFE60]  }
0xdf: {  	v15 =	vadd.f32 v15, v16;
	v14 =	vmul.f32 v14, v14  }
0xe0: {  	v23 =	vmul.f32 v23, v23;
	v58 =	vld [tilespmem:s21+$0xFFFFFEA0]  }
0xe1: {  	v13 =	vmul.f32 v13, v13;
	v14 =	vadd.f32 v14, v15  }
0xe2: {  	v52 =	vmul.f32 v24, v24;
	v20 =	vadd.f32 v23, v20;
	v60 =	vld [tilespmem:s21+$0xFFFFFEE0]  }
0xe3: {  	v8 =	vmul.f32 v8, v8;
	v13 =	vadd.f32 v13, v14;
	v62 =	vadd.f32 v56, v55  }
0xe4: {  	v54 =	vmul.f32 v26, v26;
	v53 =	vadd.f32 v52, v20;
	v63 =	vld [tilespmem:s21+$0xFFFFFF20]  }
0xe5: {  	v9 =	vmul.f32 v9, v9;
	v8 =	vadd.f32 v8, v13;
	v20 =	vadd.f32 v58, v62  }
0xe6: {  	v57 =	vmul.f32 v27, v27;
	v59 =	vmul.f32 v28, v28;
	v19 =	vadd.f32 v54, v53;
	v28 =	vld [tilespmem:s21+$0xFFFFFF60]  }
0xe7: {  	v10 =	vmul.f32 v10, v10;
	v8 =	vadd.f32 v9, v8;
	v20 =	vadd.f32 v60, v20  }
0xe8: {  	v7 =	vmul.f32 v7, v7;
	v27 =	vmul.f32 v30, v30;
	v30 =	vld [tilespmem:s21+$0xFFFFFFA0];
	v19 =	vadd.f32 v57, v19  }
0xe9: {  	v8 =	vadd.f32 v10, v8;
	v61 =	vmul.f32 v29, v29;
	v20 =	vadd.f32 v63, v20  }
0xea: {  	v33 =	vmul.f32 v46, v46;
	v29 =	vmul.f32 v31, v31;
	v9 =	vld [tilespmem:s21+$0xFFFFFFE0];
	v19 =	vadd.f32 v59, v19  }
0xeb: {  	v31 =	vmul.f32 v45, v45;
	v12 =	vmul.f32 v12, v12;
	v20 =	vadd.f32 v28, v20  }
0xec: {  	v34 =	vld [tilespmem:s21+$0x20];
	v19 =	vadd.f32 v61, v19;
	v10 =	vmul.f32 v55, v55;
	v35 =	vmax.f32 v55, v56  }
0xed: {  	v21 =	vmin.f32 v55, v56;
	v18 =	vmul.f32 v56, v56;
	v20 =	vadd.f32 v30, v20  }
0xee: {  	v17 =	vmul.f32 v58, v58;
	v22 =	vmax.f32 v35, v58;
	v1 =	vadd.f32 v10, v1;
	v10 =	vld [tilespmem:s21+$0x60]  }
0xef: {  	v21 =	vmin.f32 v21, v58;
	v22 =	vmax.f32 v22, v60;
	v20 =	vadd.f32 v9, v20  }
0xf0: {  	v36 =	vld [tilespmem:s21+$0xA0];
	v37 =	vmul.f32 v60, v60;
	v16 =	vmin.f32 v21, v60;
	v38 =	vmax.f32 v22, v63  }
0xf1: {  	v16 =	vmin.f32 v16, v63;
	v1 =	vadd.f32 v18, v1;
	v20 =	vadd.f32 v34, v20  }
0xf2: {  	v39 =	vld [tilespmem:s21+$0xE0];
	v15 =	vmul.f32 v63, v63;
	v40 =	vmax.f32 v38, v28;
	v16 =	vmin.f32 v16, v28  }
0xf3: {  	v16 =	vmin.f32 v16, v30;
	v1 =	vadd.f32 v17, v1;
	v20 =	vadd.f32 v10, v20  }
0xf4: {  	v41 =	vld [tilespmem:s21+$0x120];
	v14 =	vmul.f32 v28, v28;
	v17 =	vmax.f32 v40, v30;
	v16 =	vmin.f32 v16, v9  }
0xf5: {  	v17 =	vmax.f32 v17, v9;
	v1 =	vadd.f32 v37, v1;
	v42 =	vadd.f32 v36, v20  }
0xf6: {  	v43 =	vld [tilespmem:s21+$0x160];
	v13 =	vmul.f32 v30, v30;
	v16 =	vmin.f32 v16, v34;
	v44 =	vmax.f32 v17, v34  }
0xf7: {  	v1 =	vadd.f32 v15, v1;
	v15 =	vmax.f32 v44, v10;
	v45 =	vadd.f32 v39, v42  }
0xf8: {  	v46 =	vld [tilespmem:s21+$0x1A0];
	v19 =	vadd.f32 v27, v19;
	v47 =	vmin.f32 v16, v10;
	v15 =	vmax.f32 v15, v36  }
0xf9: {  	v48 =	vld [tilespmem:s21+$0x1E0];
	v1 =	vadd.f32 v14, v1;
	v50 =	vmax.f32 v15, v39;
	v17 =	vadd.f32 v41, v45  }
0xfa: {  	v19 =	vadd.f32 v29, v19;
	v49 =	vmin.f32 v47, v36;
	v14 =	vmax.f32 v50, v41  }
0xfb: {  	v1 =	vadd.f32 v13, v1;
	v13 =	vmin.f32 v49, v39;
	v51 =	vadd.f32 v43, v17  }
0xfc: {  	v19 =	vadd.f32 v31, v19;
	v14 =	vmax.f32 v14, v43;
	v13 =	vmin.f32 v13, v41  }
0xfd: {  	v14 =	vmax.f32 v14, v46;
	v13 =	vmin.f32 v13, v43;
	v15 =	vadd.f32 v46, v51  }
0xfe: {  	v9 =	vmul.f32 v9, v9;
	v14 =	vmax.f32 v14, v48;
	v13 =	vmin.f32 v13, v46  }
0xff: {  	v19 =	vadd.f32 v33, v19;
	[tilespmem:s23+$0x8620] =	vst v14;
	v13 =	vmin.f32 v13, v48;
	v52 =	vadd.f32 v48, v15  }
0x100: {  	v1 =	vadd.f32 v9, v1;
	v9 =	vmul.f32 v34, v34;
	[tilespmem:s23+$0x8A20] =	vst v13  }
0x101: {  	v7 =	vadd.f32 v7, v8;
	v11 =	vmul.f32 v11, v11;
	v8 =	vadd.f32 v12, v19;
	[tilespmem:s23+$0x8220] =	vst v52  }
0x102: {  	v6 =	vmul.f32 v6, v6;
	v1 =	vadd.f32 v9, v1;
	v9 =	vmul.f32 v10, v10;
	v10 =	vld [tilespmem:s21+$0xFFFFFE30]  }
0x103: {  	v3 =	vmul.f32 v3, v3;
	v8 =	vadd.f32 v11, v8;
	v11 =	vld [tilespmem:s21+$0xFFFFFE70]  }
0x104: {  	v6 =	vadd.f32 v6, v7;
	v7 =	vmul.f32 v36, v36;
	v1 =	vadd.f32 v9, v1  }
0x105: {  	v5 =	vmul.f32 v5, v5;
	v3 =	vadd.f32 v3, v8;
	v8 =	vmul.f32 v2, v2;
	v9 =	vld [tilespmem:s21+$0xFFFFFEB0]  }
0x106: {  	v1 =	vadd.f32 v7, v1;
	v7 =	vmul.f32 v39, v39  }
0x107: {  	v2 =	vadd.f32 v5, v6;
	v3 =	vadd.f32 v8, v3;
	v5 =	vld [tilespmem:s21+$0xFFFFFEF0];
	v6 =	vmul.f32 v10, v10  }
0x108: {  	v1 =	vadd.f32 v7, v1;
	v53 =	vld [tilespmem:s21+$0xFFFFFF30];
	v7 =	vadd.f32 v11, v10  }
0x109: {  	v13 =	vld [tilespmem:s21+$0xFFFFFF70];
	v54 =	vmax.f32 v10, v11;
	v4 =	vadd.f32 v6, v4;
	v6 =	vmul.f32 v11, v11  }
0x10a: {  	v10 =	vmin.f32 v10, v11;
	v14 =	vmax.f32 v54, v9;
	v7 =	vadd.f32 v9, v7;
	v11 =	vld [tilespmem:s21+$0xFFFFFFB0]  }
0x10b: {  	v4 =	vadd.f32 v6, v4;
	v6 =	vmul.f32 v9, v9;
	v9 =	vmin.f32 v10, v9  }
0x10c: {  	v55 =	vld [tilespmem:s21+$0xFFFFFFF0];
	v10 =	vmax.f32 v14, v5;
	v7 =	vadd.f32 v5, v7;
	v9 =	vmin.f32 v9, v5  }
0x10d: {  	v5 =	vmul.f32 v5, v5;
	v10 =	vmax.f32 v10, v53;
	v4 =	vadd.f32 v6, v4  }
0x10e: {  	v6 =	vld [tilespmem:s21+$0x30];
	v9 =	vmin.f32 v9, v53;
	v7 =	vadd.f32 v53, v7;
	v10 =	vmax.f32 v10, v13  }
0x10f: {  	v56 =	vld [tilespmem:s21+$0x70];
	v9 =	vmin.f32 v9, v13;
	v10 =	vmax.f32 v10, v11;
	v4 =	vadd.f32 v5, v4  }
0x110: {  	v57 =	vld [tilespmem:s21+$0xB0];
	v5 =	vmul.f32 v53, v53;
	v7 =	vadd.f32 v13, v7;
	v9 =	vmin.f32 v9, v11  }
0x111: {  	v8 =	vmul.f32 v41, v41;
	v10 =	vmax.f32 v10, v55;
	v9 =	vmin.f32 v9, v55  }
0x112: {  	v58 =	vld [tilespmem:s21+$0xF0];
	v4 =	vadd.f32 v5, v4;
	v5 =	vmul.f32 v13, v13;
	v7 =	vadd.f32 v11, v7  }
0x113: {  	v11 =	vmul.f32 v11, v11;
	v10 =	vmax.f32 v10, v6;
	v9 =	vmin.f32 v9, v6  }
0x114: {  	v4 =	vadd.f32 v5, v4;
	v5 =	vld [tilespmem:s21+$0x130];
	v9 =	vmin.f32 v9, v56;
	v7 =	vadd.f32 v55, v7  }
0x115: {  	v1 =	vadd.f32 v8, v1;
	v8 =	vmax.f32 v10, v56;
	v9 =	vmin.f32 v9, v57  }
0x116: {  	v10 =	vld [tilespmem:s21+$0x170];
	v4 =	vadd.f32 v11, v4;
	v11 =	vmul.f32 v55, v55;
	v7 =	vadd.f32 v6, v7  }
0x117: {  	v59 =	vmul.f32 v43, v43;
	v8 =	vmax.f32 v8, v57;
	v9 =	vmin.f32 v9, v58  }
0x118: {  	v60 =	vld [tilespmem:s21+$0x1B0];
	v6 =	vmul.f32 v6, v6;
	v11 =	vadd.f32 v11, v4;
	v7 =	vadd.f32 v56, v7  }
0x119: {  	v61 =	vmul.f32 v46, v46;
	v8 =	vmax.f32 v8, v58;
	v9 =	vmin.f32 v9, v5  }
0x11a: {  	v4 =	vld [tilespmem:s21+$0x1F0];
	v6 =	vadd.f32 v6, v11;
	v11 =	vmul.f32 v56, v56;
	v7 =	vadd.f32 v57, v7  }
0x11b: {  	v62 =	vmul.f32 v48, v48;
	v8 =	vmax.f32 v8, v5;
	v9 =	vmin.f32 v9, v10  }
0x11c: {  	v6 =	vadd.f32 v11, v6;
	v11 =	vmul.f32 v57, v57;
	v7 =	vadd.f32 v58, v7  }
0x11d: {  	v1 =	vadd.f32 v59, v1;
	v8 =	vmax.f32 v8, v10;
	v9 =	vmin.f32 v9, v60  }
0x11e: {  	v6 =	vadd.f32 v11, v6;
	v11 =	vmul.f32 v58, v58;
	v7 =	vadd.f32 v5, v7  }
0x11f: {  	v1 =	vadd.f32 v61, v1;
	v8 =	vmax.f32 v8, v60;
	v9 =	vmin.f32 v9, v4  }
0x120: {  	v6 =	vadd.f32 v11, v6;
	v11 =	vmul.f32 v5, v5;
	v63 =	vadd.f32 v10, v7  }
0x121: {  	v1 =	vadd.f32 v62, v1;
	[tilespmem:s23+$0x8A30] =	vst v9;
	v5 =	vmul.f32 v60, v60;
	v7 =	vmax.f32 v8, v4  }
0x122: {  	s19 =	sshll.u32 s18, $0xA;
	s16 =	simm.s32 $0x100;
	[tilespmem:s23+$0x8630] =	vst v7;
	v7 =	vmul.f32 v10, v10;
	v6 =	vadd.f32 v11, v6;
	v8 =	vadd.f32 v60, v63  }
.LBB2_5:
0x123: {  	p1 =	sne.s32 s16, $0x700  }
0x124: {  	v6 =	vadd.f32 v7, v6;
	s21 =	sadd.s32 $0x400, s21;
	s9 =	smov.u32 s16;
	s16 =	sadd.s32 $0x100, s16  }
0x125: {  	v7 =	vadd.f32 v4, v8  }
0x126: {  	v4 =	vmul.f32 v4, v4;
	v5 =	vadd.f32 v5, v6  }
0x127: {  	[tilespmem:s23+$0x8230] =	vst v7  }
0x128: {  	v6 =	vld [tilespmem:s21+$0xFFFFFE40];
	v4 =	vadd.f32 v4, v5  }
0x129: {  	v5 =	vld [tilespmem:s21+$0xFFFFFE00]  }
0x12a: {  	v7 =	vld [tilespmem:s21+$0xFFFFFE80]  }
0x12b: {  	v8 =	vld [tilespmem:s21+$0xFFFFFEC0];
	_ =	sdelay $0x1  }
0x12c: {  	v9 =	vld [tilespmem:s21+$0xFFFFFF00]  }
0x12d: {  	v10 =	vadd.f32 v6, v5;
	v11 =	vmax.f32 v5, v6;
	v12 =	vmin.f32 v5, v6  }
0x12e: {  	v5 =	vmul.f32 v5, v5;
	v11 =	vmax.f32 v11, v7;
	v12 =	vmin.f32 v12, v7;
	v13 =	vld [tilespmem:s21+$0xFFFFFF40]  }
0x12f: {  	v10 =	vadd.f32 v7, v10;
	v11 =	vmax.f32 v11, v8;
	v12 =	vmin.f32 v12, v8  }
0x130: {  	v2 =	vadd.f32 v5, v2;
	v5 =	vmul.f32 v6, v6;
	v6 =	vld [tilespmem:s21+$0xFFFFFF80]  }
0x131: {  	v10 =	vadd.f32 v8, v10;
	v8 =	vmul.f32 v8, v8;
	v12 =	vmin.f32 v12, v9;
	v14 =	vld [tilespmem:s21+$0xFFFFFFC0]  }
0x132: {  	v2 =	vadd.f32 v5, v2;
	v5 =	vmul.f32 v7, v7;
	v7 =	vmax.f32 v11, v9;
	v11 =	vld [tilespmem:s21+$0x0]  }
0x133: {  	v10 =	vadd.f32 v9, v10;
	v7 =	vmax.f32 v7, v13;
	v12 =	vmin.f32 v12, v13;
	v15 =	vld [tilespmem:s21+$0x40]  }
0x134: {  	v2 =	vadd.f32 v5, v2;
	v5 =	vmul.f32 v9, v9;
	v9 =	vmul.f32 v13, v13;
	v16 =	vld [tilespmem:s21+$0x80]  }
0x135: {  	v10 =	vadd.f32 v13, v10;
	v7 =	vmax.f32 v7, v6;
	v12 =	vmin.f32 v12, v6;
	v13 =	vld [tilespmem:s21+$0xC0]  }
0x136: {  	v17 =	vmul.f32 v6, v6;
	v7 =	vmax.f32 v7, v14;
	v12 =	vmin.f32 v12, v14;
	v18 =	vld [tilespmem:s21+$0x100]  }
0x137: {  	v6 =	vadd.f32 v6, v10;
	v7 =	vmax.f32 v7, v11;
	v10 =	vmin.f32 v12, v11;
	v12 =	vld [tilespmem:s21+$0x140]  }
0x138: {  	v2 =	vadd.f32 v8, v2;
	v7 =	vmax.f32 v7, v15;
	v8 =	vmin.f32 v10, v15;
	v10 =	vld [tilespmem:s21+$0x180]  }
0x139: {  	v6 =	vadd.f32 v14, v6;
	v7 =	vmax.f32 v7, v16;
	v8 =	vmin.f32 v8, v16  }
0x13a: {  	v2 =	vadd.f32 v5, v2;
	v5 =	vmax.f32 v7, v13;
	v7 =	vmin.f32 v8, v13  }
0x13b: {  	v6 =	vadd.f32 v11, v6;
	v5 =	vmax.f32 v5, v18;
	v7 =	vmin.f32 v7, v18  }
0x13c: {  	v2 =	vadd.f32 v9, v2;
	v5 =	vmax.f32 v5, v12;
	v7 =	vmin.f32 v7, v12  }
0x13d: {  	v6 =	vadd.f32 v15, v6;
	v5 =	vmax.f32 v5, v10;
	v7 =	vmin.f32 v7, v10  }
0x13e: {  	v9 =	vmul.f32 v15, v15;
	v8 =	vmul.f32 v14, v14;
	v2 =	vadd.f32 v17, v2  }
0x13f: {  	v6 =	vadd.f32 v16, v6  }
0x140: {  	v2 =	vadd.f32 v8, v2;
	v8 =	vmul.f32 v11, v11  }
0x141: {  	v6 =	vadd.f32 v13, v6;
	v11 =	vld [tilespmem:s21+$0x1C0]  }
0x142: {  	v2 =	vadd.f32 v8, v2;
	v8 =	vmul.f32 v16, v16  }
0x143: {  	v6 =	vadd.f32 v18, v6  }
0x144: {  	v2 =	vadd.f32 v9, v2;
	v9 =	vmul.f32 v13, v13  }
0x145: {  	v13 =	vmul.f32 v18, v18;
	v6 =	vadd.f32 v12, v6  }
0x146: {  	s23 =	sshra.s32 s9, $0x2;
	v2 =	vadd.f32 v8, v2;
	v5 =	vmax.f32 v5, v11;
	v7 =	vmin.f32 v7, v11  }
0x147: {  	v6 =	vadd.f32 v10, v6;
	[tilespmem:s23+$0x8600] =	vst v5  }
0x148: {  	v2 =	vadd.f32 v9, v2;
	[tilespmem:s23+$0x8A00] =	vst v7  }
0x149: {  	v5 =	vadd.f32 v11, v6  }
0x14a: {  	v2 =	vadd.f32 v13, v2;
	v6 =	vmul.f32 v12, v12  }
0x14b: {  	[tilespmem:s23+$0x8200] =	vst v5  }
0x14c: {  	v2 =	vadd.f32 v6, v2;
	v5 =	vmul.f32 v10, v10;
	v6 =	vld [tilespmem:s21+$0xFFFFFE10]  }
0x14d: {  	v7 =	vld [tilespmem:s21+$0xFFFFFE50]  }
0x14e: {  	v2 =	vadd.f32 v5, v2;
	v5 =	vmul.f32 v11, v11  }
0x14f: {  	v8 =	vld [tilespmem:s21+$0xFFFFFE90]  }
0x150: {  	v2 =	vadd.f32 v5, v2  }
0x151: {  	v5 =	vmul.f32 v6, v6;
	v9 =	vld [tilespmem:s21+$0xFFFFFED0]  }
0x152: {  	v10 =	vadd.f32 v7, v6;
	v11 =	vmax.f32 v6, v7;
	v6 =	vmin.f32 v6, v7  }
0x153: {  	v3 =	vadd.f32 v5, v3;
	v5 =	vmul.f32 v7, v7;
	v7 =	vld [tilespmem:s21+$0xFFFFFF10]  }
0x154: {  	v10 =	vadd.f32 v8, v10;
	v11 =	vmax.f32 v11, v8;
	v6 =	vmin.f32 v6, v8  }
0x155: {  	v3 =	vadd.f32 v5, v3;
	v5 =	vmul.f32 v8, v8;
	v8 =	vld [tilespmem:s21+$0xFFFFFF50]  }
0x156: {  	v10 =	vadd.f32 v9, v10;
	v11 =	vmax.f32 v11, v9;
	v6 =	vmin.f32 v6, v9  }
0x157: {  	v3 =	vadd.f32 v5, v3;
	v5 =	vmul.f32 v9, v9;
	v9 =	vld [tilespmem:s21+$0xFFFFFF90]  }
0x158: {  	v10 =	vadd.f32 v7, v10;
	v12 =	vld [tilespmem:s21+$0xFFFFFFD0]  }
0x159: {  	v3 =	vadd.f32 v5, v3;
	v5 =	vmul.f32 v7, v7;
	v13 =	vld [tilespmem:s21+$0x10]  }
0x15a: {  	v11 =	vmax.f32 v11, v7;
	v6 =	vmin.f32 v6, v7;
	v7 =	vadd.f32 v8, v10;
	v10 =	vld [tilespmem:s21+$0x50]  }
0x15b: {  	v6 =	vmin.f32 v6, v8;
	v3 =	vadd.f32 v5, v3;
	v5 =	vmax.f32 v11, v8;
	v11 =	vld [tilespmem:s21+$0x90]  }
0x15c: {  	v7 =	vadd.f32 v9, v7;
	v5 =	vmax.f32 v5, v9;
	v6 =	vmin.f32 v6, v9;
	v14 =	vld [tilespmem:s21+$0xD0]  }
0x15d: {  	v5 =	vmax.f32 v5, v12;
	v6 =	vmin.f32 v6, v12;
	v15 =	vmul.f32 v12, v12;
	v16 =	vld [tilespmem:s21+$0x110]  }
0x15e: {  	v7 =	vadd.f32 v12, v7;
	v5 =	vmax.f32 v5, v13;
	v12 =	vmul.f32 v13, v13;
	v17 =	vld [tilespmem:s21+$0x150]  }
0x15f: {  	v8 =	vmul.f32 v8, v8;
	v6 =	vmin.f32 v6, v13;
	v5 =	vmax.f32 v5, v10;
	v18 =	vld [tilespmem:s21+$0x190]  }
0x160: {  	v6 =	vmin.f32 v6, v10;
	v7 =	vadd.f32 v13, v7;
	v5 =	vmax.f32 v5, v11;
	v13 =	vld [tilespmem:s21+$0x1D0]  }
0x161: {  	v9 =	vmul.f32 v9, v9;
	v6 =	vmin.f32 v6, v11;
	v5 =	vmax.f32 v5, v14  }
0x162: {  	v6 =	vmin.f32 v6, v14;
	v7 =	vadd.f32 v10, v7;
	v5 =	vmax.f32 v5, v16  }
0x163: {  	v3 =	vadd.f32 v8, v3;
	v6 =	vmin.f32 v6, v16;
	v5 =	vmax.f32 v5, v17  }
0x164: {  	v6 =	vmin.f32 v6, v17;
	v7 =	vadd.f32 v11, v7;
	v5 =	vmax.f32 v5, v18  }
0x165: {  	v3 =	vadd.f32 v9, v3;
	v6 =	vmin.f32 v6, v18;
	v5 =	vmax.f32 v5, v13  }
0x166: {  	v6 =	vmin.f32 v6, v13;
	v7 =	vadd.f32 v14, v7;
	[tilespmem:s23+$0x8610] =	vst v5  }
0x167: {  	v3 =	vadd.f32 v15, v3;
	[tilespmem:s23+$0x8A10] =	vst v6  }
0x168: {  	v5 =	vadd.f32 v16, v7  }
0x169: {  	v3 =	vadd.f32 v12, v3;
	v6 =	vmul.f32 v10, v10  }
0x16a: {  	v5 =	vadd.f32 v17, v5  }
0x16b: {  	v3 =	vadd.f32 v6, v3;
	v6 =	vmul.f32 v11, v11  }
0x16c: {  	v5 =	vadd.f32 v18, v5  }
0x16d: {  	v3 =	vadd.f32 v6, v3;
	v6 =	vmul.f32 v14, v14  }
0x16e: {  	v5 =	vadd.f32 v13, v5  }
0x16f: {  	v3 =	vadd.f32 v6, v3;
	v6 =	vmul.f32 v16, v16  }
0x170: {  	[tilespmem:s23+$0x8210] =	vst v5  }
0x171: {  	v3 =	vadd.f32 v6, v3;
	v5 =	vmul.f32 v17, v17;
	v6 =	vld [tilespmem:s21+$0xFFFFFE20]  }
0x172: {  	v7 =	vld [tilespmem:s21+$0xFFFFFE60]  }
0x173: {  	v3 =	vadd.f32 v5, v3;
	v5 =	vmul.f32 v18, v18;
	v8 =	vld [tilespmem:s21+$0xFFFFFEA0]  }
0x174: {  	v9 =	vld [tilespmem:s21+$0xFFFFFEE0]  }
0x175: {  	v3 =	vadd.f32 v5, v3;
	v5 =	vld [tilespmem:s21+$0xFFFFFF20]  }
0x176: {  	v10 =	vmul.f32 v13, v13;
	v11 =	vmul.f32 v6, v6;
	v12 =	vld [tilespmem:s21+$0xFFFFFF60]  }
0x177: {  	v13 =	vadd.f32 v7, v6;
	v14 =	vmax.f32 v6, v7;
	v6 =	vmin.f32 v6, v7;
	v15 =	vld [tilespmem:s21+$0xFFFFFFA0]  }
0x178: {  	v7 =	vmul.f32 v7, v7;
	v14 =	vmax.f32 v14, v8;
	v6 =	vmin.f32 v6, v8;
	v16 =	vld [tilespmem:s21+$0xFFFFFFE0]  }
0x179: {  	v13 =	vadd.f32 v8, v13;
	v14 =	vmax.f32 v14, v9;
	v17 =	vmul.f32 v9, v9;
	v18 =	vld [tilespmem:s21+$0x20]  }
0x17a: {  	v1 =	vadd.f32 v11, v1;
	v6 =	vmin.f32 v6, v9;
	v11 =	vmax.f32 v14, v5;
	v14 =	vld [tilespmem:s21+$0x60]  }
0x17b: {  	v6 =	vmin.f32 v6, v5;
	v9 =	vadd.f32 v9, v13;
	v11 =	vmax.f32 v11, v12;
	v13 =	vld [tilespmem:s21+$0xA0]  }
0x17c: {  	v1 =	vadd.f32 v7, v1;
	v6 =	vmin.f32 v6, v12;
	v7 =	vmax.f32 v11, v15;
	v11 =	vld [tilespmem:s21+$0xE0]  }
0x17d: {  	v6 =	vmin.f32 v6, v15;
	v9 =	vadd.f32 v5, v9;
	v7 =	vmax.f32 v7, v16;
	v19 =	vld [tilespmem:s21+$0x120]  }
0x17e: {  	v8 =	vmul.f32 v8, v8;
	v6 =	vmin.f32 v6, v16;
	v7 =	vmax.f32 v7, v18;
	v20 =	vld [tilespmem:s21+$0x160]  }
0x17f: {  	v6 =	vmin.f32 v6, v18;
	v9 =	vadd.f32 v12, v9;
	v7 =	vmax.f32 v7, v14;
	v21 =	vld [tilespmem:s21+$0x1A0]  }
0x180: {  	v1 =	vadd.f32 v8, v1;
	v6 =	vmin.f32 v6, v14;
	v7 =	vmax.f32 v7, v13;
	v8 =	vld [tilespmem:s21+$0x1E0]  }
0x181: {  	v6 =	vmin.f32 v6, v13;
	v9 =	vadd.f32 v15, v9;
	v7 =	vmax.f32 v7, v11  }
0x182: {  	v5 =	vmul.f32 v5, v5;
	v1 =	vadd.f32 v17, v1;
	v7 =	vmax.f32 v7, v19  }
0x183: {  	v6 =	vmin.f32 v6, v11;
	v9 =	vadd.f32 v16, v9;
	v7 =	vmax.f32 v7, v20  }
0x184: {  	v1 =	vadd.f32 v5, v1;
	v5 =	vmul.f32 v12, v12;
	v7 =	vmax.f32 v7, v21  }
0x185: {  	v6 =	vmin.f32 v6, v19;
	v9 =	vadd.f32 v18, v9;
	v7 =	vmax.f32 v7, v8  }
0x186: {  	v1 =	vadd.f32 v5, v1;
	v5 =	vmul.f32 v15, v15;
	v6 =	vmin.f32 v6, v20;
	[tilespmem:s23+$0x8620] =	vst v7  }
0x187: {  	v3 =	vadd.f32 v10, v3;
	v6 =	vmin.f32 v6, v21;
	v7 =	vadd.f32 v14, v9  }
0x188: {  	v1 =	vadd.f32 v5, v1;
	v5 =	vmul.f32 v16, v16;
	v6 =	vmin.f32 v6, v8  }
0x189: {  	v7 =	vadd.f32 v13, v7;
	[tilespmem:s23+$0x8A20] =	vst v6  }
0x18a: {  	v1 =	vadd.f32 v5, v1;
	v5 =	vmul.f32 v18, v18  }
0x18b: {  	v6 =	vadd.f32 v11, v7  }
0x18c: {  	v1 =	vadd.f32 v5, v1;
	v5 =	vmul.f32 v14, v14  }
0x18d: {  	v6 =	vadd.f32 v19, v6  }
0x18e: {  	v1 =	vadd.f32 v5, v1;
	v5 =	vmul.f32 v13, v13  }
0x18f: {  	v6 =	vadd.f32 v20, v6  }
0x190: {  	v1 =	vadd.f32 v5, v1;
	v5 =	vmul.f32 v11, v11  }
0x191: {  	v6 =	vadd.f32 v21, v6  }
0x192: {  	v1 =	vadd.f32 v5, v1;
	v5 =	vmul.f32 v19, v19  }
0x193: {  	v6 =	vadd.f32 v8, v6  }
0x194: {  	v1 =	vadd.f32 v5, v1;
	v5 =	vmul.f32 v20, v20  }
0x195: {  	[tilespmem:s23+$0x8220] =	vst v6  }
0x196: {  	v1 =	vadd.f32 v5, v1;
	v5 =	vmul.f32 v21, v21;
	v6 =	vld [tilespmem:s21+$0xFFFFFE30]  }
0x197: {  	v7 =	vld [tilespmem:s21+$0xFFFFFE70]  }
0x198: {  	v1 =	vadd.f32 v5, v1;
	v5 =	vmul.f32 v8, v8;
	v8 =	vld [tilespmem:s21+$0xFFFFFEB0]  }
0x199: {  	v9 =	vld [tilespmem:s21+$0xFFFFFEF0]  }
0x19a: {  	v1 =	vadd.f32 v5, v1;
	v5 =	vld [tilespmem:s21+$0xFFFFFF30]  }
0x19b: {  	v10 =	vmul.f32 v6, v6;
	v11 =	vld [tilespmem:s21+$0xFFFFFF70]  }
0x19c: {  	v12 =	vadd.f32 v7, v6;
	v13 =	vmax.f32 v6, v7;
	v6 =	vmin.f32 v6, v7;
	v14 =	vld [tilespmem:s21+$0xFFFFFFB0]  }
0x19d: {  	v7 =	vmul.f32 v7, v7;
	v4 =	vadd.f32 v10, v4;
	v10 =	vmax.f32 v13, v8;
	v13 =	vld [tilespmem:s21+$0xFFFFFFF0]  }
0x19e: {  	v6 =	vmin.f32 v6, v8;
	v12 =	vadd.f32 v8, v12;
	v10 =	vmax.f32 v10, v9;
	v15 =	vld [tilespmem:s21+$0x30]  }
0x19f: {  	v6 =	vmin.f32 v6, v9;
	v4 =	vadd.f32 v7, v4;
	v7 =	vmul.f32 v8, v8;
	v8 =	vld [tilespmem:s21+$0x70]  }
0x1a0: {  	v10 =	vmax.f32 v10, v5;
	v6 =	vmin.f32 v6, v5;
	v12 =	vadd.f32 v9, v12;
	v16 =	vld [tilespmem:s21+$0xB0]  }
0x1a1: {  	v4 =	vadd.f32 v7, v4;
	v7 =	vmul.f32 v9, v9;
	v9 =	vmax.f32 v10, v11;
	v10 =	vld [tilespmem:s21+$0xF0]  }
0x1a2: {  	v6 =	vmin.f32 v6, v11;
	v12 =	vadd.f32 v5, v12;
	v9 =	vmax.f32 v9, v14;
	v17 =	vld [tilespmem:s21+$0x130]  }
0x1a3: {  	v5 =	vmul.f32 v5, v5;
	v4 =	vadd.f32 v7, v4;
	v7 =	vmax.f32 v9, v13;
	v9 =	vld [tilespmem:s21+$0x170]  }
0x1a4: {  	v6 =	vmin.f32 v6, v14;
	v12 =	vadd.f32 v11, v12;
	v7 =	vmax.f32 v7, v15;
	v18 =	vld [tilespmem:s21+$0x1B0]  }
0x1a5: {  	v6 =	vmin.f32 v6, v13;
	v11 =	vmul.f32 v11, v11;
	v5 =	vadd.f32 v5, v4;
	v4 =	vld [tilespmem:s21+$0x1F0]  }
0x1a6: {  	v6 =	vmin.f32 v6, v15;
	v7 =	vmax.f32 v7, v8;
	v12 =	vadd.f32 v14, v12  }
0x1a7: {  	v6 =	vmin.f32 v6, v8;
	v5 =	vadd.f32 v11, v5;
	v11 =	vmul.f32 v14, v14  }
0x1a8: {  	v6 =	vmin.f32 v6, v16;
	v7 =	vmax.f32 v7, v16;
	v12 =	vadd.f32 v13, v12  }
0x1a9: {  	v6 =	vmin.f32 v6, v10;
	v5 =	vadd.f32 v11, v5;
	v11 =	vmul.f32 v13, v13  }
0x1aa: {  	v7 =	vmax.f32 v7, v10;
	v6 =	vmin.f32 v6, v17;
	v12 =	vadd.f32 v15, v12  }
0x1ab: {  	v6 =	vmin.f32 v6, v9;
	v5 =	vadd.f32 v11, v5;
	v11 =	vmul.f32 v15, v15  }
0x1ac: {  	v7 =	vmax.f32 v7, v17;
	v6 =	vmin.f32 v6, v18;
	v12 =	vadd.f32 v8, v12  }
0x1ad: {  	v6 =	vmin.f32 v6, v4;
	v8 =	vmul.f32 v8, v8;
	v11 =	vadd.f32 v11, v5  }
0x1ae: {  	v7 =	vmax.f32 v7, v9;
	v5 =	vmul.f32 v18, v18;
	v12 =	vadd.f32 v16, v12;
	[tilespmem:s23+$0x8A30] =	vst v6  }
0x1af: {  	v7 =	vmax.f32 v7, v18;
	v6 =	vadd.f32 v8, v11;
	v8 =	vmul.f32 v16, v16  }
0x1b0: {  	v7 =	vmax.f32 v7, v4;
	v11 =	vadd.f32 v10, v12  }
0x1b1: {  	v6 =	vadd.f32 v8, v6;
	v8 =	vmul.f32 v10, v10;
	[tilespmem:s23+$0x8630] =	vst v7  }
.Ltmp3:
0x1b2: {  	v7 =	vadd.f32 v17, v11;
	(pc) =	sbr.rel @p1 .LBB2_5-.Ltmp3, $4  }
0x1b3: {  	v6 =	vadd.f32 v8, v6;
	v8 =	vmul.f32 v17, v17  }
0x1b4: {  	v10 =	vadd.f32 v9, v7  }
0x1b5: {  	v7 =	vmul.f32 v9, v9;
	v6 =	vadd.f32 v8, v6  }
0x1b6: {  	v8 =	vadd.f32 v18, v10  }
0x1b7: {  	_ = 	snop  }
0x1b8: {  	s9 =	sshll.u32 s18, $0x7;
	v8 =	vadd.f32 v4, v8  }
0x1b9: {  	s21 =	sor.u32 s8, s9  }
0x1ba: {  	p1 =	sne.s32 s18, $0x1F;
	s9 =	sadd.s32 s3, s21;
	[tilespmem:s23+$0x8230] =	vst v8  }
0x1bb: {  	[hbm4b:s9+s4] =	stream.linear.scatter [tilespmem:s26], [sflag:$0x3], $0x200, $0x38;
	[tilespmem:$0x8E40] =	vst v63  }
.Ltmp4:
0x1bc: {  	v6 =	vadd.f32 v7, v6;
	(pc) =	sbr.rel @p1 .LBB2_8-.Ltmp4, $4  }
0x1bd: {  	s16 =	sadd.s32 s6, s21  }
0x1be: {  	v4 =	vmul.f32 v4, v4;
	v5 =	vadd.f32 v5, v6;
	[hbm4b:s16+s4] =	stream.linear.scatter [tilespmem:s28], [sflag:$0x3], $0x200, $0x38;
	[tilespmem:$0x8E40] =	vst v63  }
0x1bf: {  	s23 =	sadd.s32 s7, s21  }
0x1c0: {  	v4 =	vadd.f32 v4, v5;
	[hbm4b:s23+s4] =	stream.linear.scatter [tilespmem:s29], [sflag:$0x3], $0x200, $0x38;
	[tilespmem:$0x8E40] =	vst v63  }
.Ltmp5:
0x1c1: {  	(pc) =	sbr.rel .LBB2_9-.Ltmp5, $4  }
0x1c2: {  	_ = 	snop  }
0x1c3: {  	_ =	swait.ge [sflag:s30], $0x2000  }
0x1c4: {  	[sflag:s30] =	ssyncset.done $0x0  }
0x1c5: {  	[sflag:s30] =	ssyncadd.s32 $0xFFFFE000  }
.LBB2_8:
0x1c6: {  	s9 =	sshrl.u32 s19, $0x2  }
.Ltmp6:
0x1c7: {  	s9 =	sadd.s32 $0x2300, s9;
	(pc) =	sbr.rel @p0 .LBB2_10-.Ltmp6, $4  }
0x1c8: {  	[tilespmem:s22], [sflag:$0x1] =	stream.indirect.gather [hbm4b:s5+s13], $0x40, s9, s13, $0xb8;
	[tilespmem:$0x8E40] =	vst v63  }
0x1c9: {  	_ =	swait.ge [sflag:s30], $0x2000  }
0x1ca: {  	[sflag:s30] =	ssyncset.done $0x0  }
0x1cb: {  	[sflag:s30] =	ssyncadd.s32 $0xFFFFE000  }
.LBB2_9:
0x1cc: {  	_ =	swait.ge [sflag:s31], $0x200  }
0x1cd: {  	[sflag:s31] =	ssyncset.done $0x0  }
0x1ce: {  	[sflag:s31] =	ssyncadd.s32 $0xFFFFFE00  }
0x1cf: {  	_ =	swait.ge [sflag:s31], $0x200  }
0x1d0: {  	[sflag:s31] =	ssyncset.done $0x0  }
0x1d1: {  	[sflag:s31] =	ssyncadd.s32 $0xFFFFFE00  }
0x1d2: {  	_ =	swait.ge [sflag:s31], $0x200  }
0x1d3: {  	[sflag:s31] =	ssyncset.done $0x0  }
0x1d4: {  	[sflag:s31] =	ssyncadd.s32 $0xFFFFFE00  }
.LBB2_10:
0x1d5: {  	s23 =	simm.s32 $0x6400  }
0x1d6: {  	v11 =	vld [tilespmem:s23+$0xFFFFFE40]  }
0x1d7: {  	v12 =	vld [tilespmem:s23+$0xFFFFFE00];
	_ =	sdelay $0x1  }
0x1d8: {  	v19 =	vld [tilespmem:s23+$0xFFFFFE80];
	_ =	sdelay $0x1  }
0x1d9: {  	v20 =	vld [tilespmem:s23+$0xFFFFFEC0]  }
0x1da: {  	v5 =	vadd.f32 v11, v12  }
0x1db: {  	v18 =	vld [tilespmem:s23+$0xFFFFFF00]  }
0x1dc: {  	v5 =	vadd.f32 v19, v5  }
0x1dd: {  	v17 =	vld [tilespmem:s23+$0xFFFFFF40]  }
0x1de: {  	v5 =	vadd.f32 v20, v5  }
0x1df: {  	v16 =	vld [tilespmem:s23+$0xFFFFFF80]  }
0x1e0: {  	v5 =	vadd.f32 v18, v5  }
0x1e1: {  	v15 =	vld [tilespmem:s23+$0xFFFFFFC0]  }
0x1e2: {  	v5 =	vadd.f32 v17, v5  }
0x1e3: {  	v14 =	vld [tilespmem:s23+$0x0]  }
0x1e4: {  	v5 =	vadd.f32 v16, v5  }
0x1e5: {  	v13 =	vld [tilespmem:s23+$0x40]  }
0x1e6: {  	v5 =	vadd.f32 v15, v5  }
0x1e7: {  	v8 =	vld [tilespmem:s23+$0x80];
	v6 =	vmax.f32 v12, v11  }
0x1e8: {  	v7 =	vmin.f32 v12, v11;
	v6 =	vmax.f32 v6, v19;
	v5 =	vadd.f32 v14, v5  }
0x1e9: {  	v9 =	vld [tilespmem:s23+$0xC0];
	v7 =	vmin.f32 v7, v19;
	v6 =	vmax.f32 v6, v20  }
0x1ea: {  	v7 =	vmin.f32 v7, v20;
	v6 =	vmax.f32 v6, v18;
	v5 =	vadd.f32 v13, v5  }
0x1eb: {  	v10 =	vld [tilespmem:s23+$0x100];
	v7 =	vmin.f32 v7, v18;
	v6 =	vmax.f32 v6, v17  }
0x1ec: {  	v7 =	vmin.f32 v7, v17;
	v6 =	vmax.f32 v6, v16;
	v5 =	vadd.f32 v8, v5  }
0x1ed: {  	v21 =	vmin.f32 v7, v16;
	v7 =	vld [tilespmem:s23+$0x140];
	v6 =	vmax.f32 v6, v15  }
0x1ee: {  	v21 =	vmin.f32 v21, v15;
	v6 =	vmax.f32 v6, v14;
	v22 =	vadd.f32 v9, v5  }
0x1ef: {  	v39 =	vmax.f32 v6, v13;
	v6 =	vld [tilespmem:s23+$0x180];
	v5 =	vmin.f32 v21, v14  }
0x1f0: {  	v21 =	vmax.f32 v39, v8;
	v23 =	vmin.f32 v5, v13;
	v5 =	vld [tilespmem:s23+$0x1C0];
	v22 =	vadd.f32 v10, v22  }
0x1f1: {  	v21 =	vmax.f32 v21, v9;
	v23 =	vmin.f32 v23, v8  }
0x1f2: {  	v21 =	vmax.f32 v21, v10;
	v23 =	vmin.f32 v23, v9;
	v22 =	vadd.f32 v7, v22  }
0x1f3: {  	v21 =	vmax.f32 v21, v7;
	v23 =	vmin.f32 v23, v10  }
0x1f4: {  	v21 =	vmax.f32 v21, v6;
	v23 =	vmin.f32 v23, v7;
	v22 =	vadd.f32 v6, v22  }
0x1f5: {  	s16 =	simm.s32 $0x0;
	v23 =	vmin.f32 v23, v6;
	v21 =	vmax.f32 v21, v5  }
0x1f6: {  	v23 =	vmin.f32 v23, v5;
	[tilespmem:s16+$0x8800] =	vst v21;
	v40 =	vadd.f32 v5, v22  }
0x1f7: {  	[tilespmem:s16+$0x8C00] =	vst v23  }
0x1f8: {  	[tilespmem:s16+$0x8400] =	vst v40  }
0x1f9: {  	v21 =	vld [tilespmem:s23+$0xFFFFFE10]  }
0x1fa: {  	v41 =	vld [tilespmem:s23+$0xFFFFFE50];
	_ =	sdelay $0x1  }
0x1fb: {  	v23 =	vld [tilespmem:s23+$0xFFFFFE90];
	_ =	sdelay $0x1  }
0x1fc: {  	v24 =	vld [tilespmem:s23+$0xFFFFFED0]  }
0x1fd: {  	v25 =	vadd.f32 v41, v21  }
0x1fe: {  	v26 =	vld [tilespmem:s23+$0xFFFFFF10]  }
0x1ff: {  	v25 =	vadd.f32 v23, v25  }
0x200: {  	v27 =	vld [tilespmem:s23+$0xFFFFFF50]  }
0x201: {  	v25 =	vadd.f32 v24, v25  }
0x202: {  	v28 =	vld [tilespmem:s23+$0xFFFFFF90]  }
0x203: {  	v25 =	vadd.f32 v26, v25  }
0x204: {  	v12 =	vmul.f32 v12, v12;
	v29 =	vld [tilespmem:s23+$0xFFFFFFD0]  }
0x205: {  	v25 =	vadd.f32 v27, v25  }
0x206: {  	v11 =	vmul.f32 v11, v11;
	v2 =	vadd.f32 v12, v2;
	v30 =	vld [tilespmem:s23+$0x10]  }
0x207: {  	v25 =	vadd.f32 v28, v25  }
0x208: {  	v2 =	vadd.f32 v11, v2;
	v11 =	vmul.f32 v19, v19;
	v31 =	vld [tilespmem:s23+$0x50]  }
0x209: {  	v42 =	vmul.f32 v20, v20;
	v43 =	vadd.f32 v29, v25  }
0x20a: {  	v2 =	vadd.f32 v11, v2;
	v18 =	vmul.f32 v18, v18;
	v45 =	vld [tilespmem:s23+$0x90];
	v44 =	vmax.f32 v21, v41  }
0x20b: {  	v32 =	vmin.f32 v21, v41;
	v19 =	vmax.f32 v44, v23;
	v20 =	vadd.f32 v30, v43  }
0x20c: {  	v33 =	vadd.f32 v42, v2;
	v46 =	vld [tilespmem:s23+$0xD0];
	v11 =	vmin.f32 v32, v23;
	v19 =	vmax.f32 v19, v24  }
0x20d: {  	v11 =	vmin.f32 v11, v24;
	v19 =	vmax.f32 v19, v26;
	v20 =	vadd.f32 v31, v20  }
0x20e: {  	v17 =	vmul.f32 v17, v17;
	v12 =	vld [tilespmem:s23+$0x110];
	v2 =	vmin.f32 v11, v26;
	v11 =	vmax.f32 v19, v27  }
0x20f: {  	v2 =	vmin.f32 v2, v27;
	v11 =	vmax.f32 v11, v28;
	v47 =	vadd.f32 v45, v20  }
0x210: {  	v48 =	vmul.f32 v21, v21;
	v2 =	vmin.f32 v2, v28;
	v49 =	vmax.f32 v11, v29;
	v11 =	vld [tilespmem:s23+$0x150]  }
0x211: {  	v2 =	vmin.f32 v2, v29;
	v21 =	vmax.f32 v49, v30;
	v19 =	vadd.f32 v46, v47  }
0x212: {  	v2 =	vmin.f32 v2, v30;
	v21 =	vmax.f32 v21, v31;
	v20 =	vadd.f32 v48, v3;
	v3 =	vld [tilespmem:s23+$0x190]  }
0x213: {  	v34 =	vmin.f32 v2, v31;
	v2 =	vld [tilespmem:s23+$0x1D0];
	v21 =	vmax.f32 v21, v45;
	v19 =	vadd.f32 v12, v19  }
0x214: {  	v22 =	vmul.f32 v41, v41;
	v34 =	vmin.f32 v34, v45;
	v21 =	vmax.f32 v21, v46  }
0x215: {  	v34 =	vmin.f32 v34, v46;
	v21 =	vmax.f32 v21, v12;
	v19 =	vadd.f32 v11, v19  }
0x216: {  	v50 =	vmin.f32 v34, v12;
	v21 =	vmax.f32 v21, v11;
	v20 =	vadd.f32 v22, v20  }
0x217: {  	v22 =	vmin.f32 v50, v11;
	v21 =	vmax.f32 v21, v3;
	v19 =	vadd.f32 v3, v19  }
0x218: {  	v18 =	vadd.f32 v18, v33;
	v22 =	vmin.f32 v22, v3;
	v21 =	vmax.f32 v21, v2  }
0x219: {  	v51 =	vmin.f32 v22, v2;
	[tilespmem:s16+$0x8810] =	vst v21;
	v19 =	vadd.f32 v2, v19  }
0x21a: {  	v16 =	vmul.f32 v16, v16;
	v17 =	vadd.f32 v17, v18;
	[tilespmem:s16+$0x8C10] =	vst v51  }
0x21b: {  	[tilespmem:s16+$0x8410] =	vst v19  }
0x21c: {  	v15 =	vmul.f32 v15, v15;
	v16 =	vadd.f32 v16, v17;
	v55 =	vld [tilespmem:s23+$0xFFFFFE20]  }
0x21d: {  	v56 =	vld [tilespmem:s23+$0xFFFFFE60]  }
0x21e: {  	v15 =	vadd.f32 v15, v16;
	v14 =	vmul.f32 v14, v14  }
0x21f: {  	v23 =	vmul.f32 v23, v23;
	v58 =	vld [tilespmem:s23+$0xFFFFFEA0]  }
0x220: {  	v13 =	vmul.f32 v13, v13;
	v14 =	vadd.f32 v14, v15  }
0x221: {  	v52 =	vmul.f32 v24, v24;
	v20 =	vadd.f32 v23, v20;
	v60 =	vld [tilespmem:s23+$0xFFFFFEE0]  }
0x222: {  	v8 =	vmul.f32 v8, v8;
	v13 =	vadd.f32 v13, v14;
	v62 =	vadd.f32 v56, v55  }
0x223: {  	v54 =	vmul.f32 v26, v26;
	v53 =	vadd.f32 v52, v20;
	v63 =	vld [tilespmem:s23+$0xFFFFFF20]  }
0x224: {  	v9 =	vmul.f32 v9, v9;
	v8 =	vadd.f32 v8, v13;
	v20 =	vadd.f32 v58, v62  }
0x225: {  	v57 =	vmul.f32 v27, v27;
	v59 =	vmul.f32 v28, v28;
	v19 =	vadd.f32 v54, v53;
	v28 =	vld [tilespmem:s23+$0xFFFFFF60]  }
0x226: {  	v10 =	vmul.f32 v10, v10;
	v8 =	vadd.f32 v9, v8;
	v20 =	vadd.f32 v60, v20  }
0x227: {  	v7 =	vmul.f32 v7, v7;
	v27 =	vmul.f32 v30, v30;
	v30 =	vld [tilespmem:s23+$0xFFFFFFA0];
	v19 =	vadd.f32 v57, v19  }
0x228: {  	v8 =	vadd.f32 v10, v8;
	v61 =	vmul.f32 v29, v29;
	v20 =	vadd.f32 v63, v20  }
0x229: {  	v33 =	vmul.f32 v46, v46;
	v29 =	vmul.f32 v31, v31;
	v9 =	vld [tilespmem:s23+$0xFFFFFFE0];
	v19 =	vadd.f32 v59, v19  }
0x22a: {  	v31 =	vmul.f32 v45, v45;
	v12 =	vmul.f32 v12, v12;
	v20 =	vadd.f32 v28, v20  }
0x22b: {  	v34 =	vld [tilespmem:s23+$0x20];
	v19 =	vadd.f32 v61, v19;
	v10 =	vmul.f32 v55, v55;
	v35 =	vmax.f32 v55, v56  }
0x22c: {  	v21 =	vmin.f32 v55, v56;
	v18 =	vmul.f32 v56, v56;
	v20 =	vadd.f32 v30, v20  }
0x22d: {  	v17 =	vmul.f32 v58, v58;
	v22 =	vmax.f32 v35, v58;
	v1 =	vadd.f32 v10, v1;
	v10 =	vld [tilespmem:s23+$0x60]  }
0x22e: {  	v21 =	vmin.f32 v21, v58;
	v22 =	vmax.f32 v22, v60;
	v20 =	vadd.f32 v9, v20  }
0x22f: {  	v36 =	vld [tilespmem:s23+$0xA0];
	v37 =	vmul.f32 v60, v60;
	v16 =	vmin.f32 v21, v60;
	v38 =	vmax.f32 v22, v63  }
0x230: {  	v16 =	vmin.f32 v16, v63;
	v1 =	vadd.f32 v18, v1;
	v20 =	vadd.f32 v34, v20  }
0x231: {  	v39 =	vld [tilespmem:s23+$0xE0];
	v15 =	vmul.f32 v63, v63;
	v40 =	vmax.f32 v38, v28;
	v16 =	vmin.f32 v16, v28  }
0x232: {  	v16 =	vmin.f32 v16, v30;
	v1 =	vadd.f32 v17, v1;
	v20 =	vadd.f32 v10, v20  }
0x233: {  	v41 =	vld [tilespmem:s23+$0x120];
	v14 =	vmul.f32 v28, v28;
	v17 =	vmax.f32 v40, v30;
	v16 =	vmin.f32 v16, v9  }
0x234: {  	v17 =	vmax.f32 v17, v9;
	v1 =	vadd.f32 v37, v1;
	v42 =	vadd.f32 v36, v20  }
0x235: {  	v43 =	vld [tilespmem:s23+$0x160];
	v13 =	vmul.f32 v30, v30;
	v16 =	vmin.f32 v16, v34;
	v44 =	vmax.f32 v17, v34  }
0x236: {  	v1 =	vadd.f32 v15, v1;
	v15 =	vmax.f32 v44, v10;
	v45 =	vadd.f32 v39, v42  }
0x237: {  	v46 =	vld [tilespmem:s23+$0x1A0];
	v19 =	vadd.f32 v27, v19;
	v47 =	vmin.f32 v16, v10;
	v15 =	vmax.f32 v15, v36  }
0x238: {  	v48 =	vld [tilespmem:s23+$0x1E0];
	v1 =	vadd.f32 v14, v1;
	v50 =	vmax.f32 v15, v39;
	v17 =	vadd.f32 v41, v45  }
0x239: {  	v19 =	vadd.f32 v29, v19;
	v49 =	vmin.f32 v47, v36;
	v14 =	vmax.f32 v50, v41  }
0x23a: {  	v1 =	vadd.f32 v13, v1;
	v13 =	vmin.f32 v49, v39;
	v51 =	vadd.f32 v43, v17  }
0x23b: {  	v19 =	vadd.f32 v31, v19;
	v14 =	vmax.f32 v14, v43;
	v13 =	vmin.f32 v13, v41  }
0x23c: {  	v14 =	vmax.f32 v14, v46;
	v13 =	vmin.f32 v13, v43;
	v15 =	vadd.f32 v46, v51  }
0x23d: {  	v9 =	vmul.f32 v9, v9;
	v14 =	vmax.f32 v14, v48;
	v13 =	vmin.f32 v13, v46  }
0x23e: {  	v19 =	vadd.f32 v33, v19;
	[tilespmem:s16+$0x8820] =	vst v14;
	v13 =	vmin.f32 v13, v48;
	v52 =	vadd.f32 v48, v15  }
0x23f: {  	v1 =	vadd.f32 v9, v1;
	v9 =	vmul.f32 v34, v34;
	[tilespmem:s16+$0x8C20] =	vst v13  }
0x240: {  	v7 =	vadd.f32 v7, v8;
	v11 =	vmul.f32 v11, v11;
	v8 =	vadd.f32 v12, v19;
	[tilespmem:s16+$0x8420] =	vst v52  }
0x241: {  	v6 =	vmul.f32 v6, v6;
	v1 =	vadd.f32 v9, v1;
	v9 =	vmul.f32 v10, v10;
	v10 =	vld [tilespmem:s23+$0xFFFFFE30]  }
0x242: {  	v3 =	vmul.f32 v3, v3;
	v8 =	vadd.f32 v11, v8;
	v11 =	vld [tilespmem:s23+$0xFFFFFE70]  }
0x243: {  	v6 =	vadd.f32 v6, v7;
	v7 =	vmul.f32 v36, v36;
	v1 =	vadd.f32 v9, v1  }
0x244: {  	v5 =	vmul.f32 v5, v5;
	v3 =	vadd.f32 v3, v8;
	v8 =	vmul.f32 v2, v2;
	v9 =	vld [tilespmem:s23+$0xFFFFFEB0]  }
0x245: {  	v1 =	vadd.f32 v7, v1;
	v7 =	vmul.f32 v39, v39  }
0x246: {  	v2 =	vadd.f32 v5, v6;
	v3 =	vadd.f32 v8, v3;
	v5 =	vld [tilespmem:s23+$0xFFFFFEF0];
	v6 =	vmul.f32 v10, v10  }
0x247: {  	v1 =	vadd.f32 v7, v1;
	v53 =	vld [tilespmem:s23+$0xFFFFFF30];
	v7 =	vadd.f32 v11, v10  }
0x248: {  	v13 =	vld [tilespmem:s23+$0xFFFFFF70];
	v54 =	vmax.f32 v10, v11;
	v4 =	vadd.f32 v6, v4;
	v6 =	vmul.f32 v11, v11  }
0x249: {  	v10 =	vmin.f32 v10, v11;
	v14 =	vmax.f32 v54, v9;
	v7 =	vadd.f32 v9, v7;
	v11 =	vld [tilespmem:s23+$0xFFFFFFB0]  }
0x24a: {  	v4 =	vadd.f32 v6, v4;
	v6 =	vmul.f32 v9, v9;
	v9 =	vmin.f32 v10, v9  }
0x24b: {  	v55 =	vld [tilespmem:s23+$0xFFFFFFF0];
	v10 =	vmax.f32 v14, v5;
	v7 =	vadd.f32 v5, v7;
	v9 =	vmin.f32 v9, v5  }
0x24c: {  	v5 =	vmul.f32 v5, v5;
	v10 =	vmax.f32 v10, v53;
	v4 =	vadd.f32 v6, v4  }
0x24d: {  	v6 =	vld [tilespmem:s23+$0x30];
	v9 =	vmin.f32 v9, v53;
	v7 =	vadd.f32 v53, v7;
	v10 =	vmax.f32 v10, v13  }
0x24e: {  	v56 =	vld [tilespmem:s23+$0x70];
	v9 =	vmin.f32 v9, v13;
	v10 =	vmax.f32 v10, v11;
	v4 =	vadd.f32 v5, v4  }
0x24f: {  	v57 =	vld [tilespmem:s23+$0xB0];
	v5 =	vmul.f32 v53, v53;
	v7 =	vadd.f32 v13, v7;
	v9 =	vmin.f32 v9, v11  }
0x250: {  	v8 =	vmul.f32 v41, v41;
	v10 =	vmax.f32 v10, v55;
	v9 =	vmin.f32 v9, v55  }
0x251: {  	v58 =	vld [tilespmem:s23+$0xF0];
	v4 =	vadd.f32 v5, v4;
	v5 =	vmul.f32 v13, v13;
	v7 =	vadd.f32 v11, v7  }
0x252: {  	v11 =	vmul.f32 v11, v11;
	v10 =	vmax.f32 v10, v6;
	v9 =	vmin.f32 v9, v6  }
0x253: {  	v4 =	vadd.f32 v5, v4;
	v5 =	vld [tilespmem:s23+$0x130];
	v9 =	vmin.f32 v9, v56;
	v7 =	vadd.f32 v55, v7  }
0x254: {  	v1 =	vadd.f32 v8, v1;
	v8 =	vmax.f32 v10, v56;
	v9 =	vmin.f32 v9, v57  }
0x255: {  	v10 =	vld [tilespmem:s23+$0x170];
	v4 =	vadd.f32 v11, v4;
	v11 =	vmul.f32 v55, v55;
	v7 =	vadd.f32 v6, v7  }
0x256: {  	v59 =	vmul.f32 v43, v43;
	v8 =	vmax.f32 v8, v57;
	v9 =	vmin.f32 v9, v58  }
0x257: {  	v60 =	vld [tilespmem:s23+$0x1B0];
	v6 =	vmul.f32 v6, v6;
	v11 =	vadd.f32 v11, v4;
	v7 =	vadd.f32 v56, v7  }
0x258: {  	v61 =	vmul.f32 v46, v46;
	v8 =	vmax.f32 v8, v58;
	v9 =	vmin.f32 v9, v5  }
0x259: {  	v4 =	vld [tilespmem:s23+$0x1F0];
	v6 =	vadd.f32 v6, v11;
	v11 =	vmul.f32 v56, v56;
	v7 =	vadd.f32 v57, v7  }
0x25a: {  	v62 =	vmul.f32 v48, v48;
	v8 =	vmax.f32 v8, v5;
	v9 =	vmin.f32 v9, v10  }
0x25b: {  	v6 =	vadd.f32 v11, v6;
	v11 =	vmul.f32 v57, v57;
	v7 =	vadd.f32 v58, v7  }
0x25c: {  	v1 =	vadd.f32 v59, v1;
	v8 =	vmax.f32 v8, v10;
	v9 =	vmin.f32 v9, v60  }
0x25d: {  	v6 =	vadd.f32 v11, v6;
	v11 =	vmul.f32 v58, v58;
	v7 =	vadd.f32 v5, v7  }
0x25e: {  	v1 =	vadd.f32 v61, v1;
	v8 =	vmax.f32 v8, v60;
	v9 =	vmin.f32 v9, v4  }
0x25f: {  	v6 =	vadd.f32 v11, v6;
	v11 =	vmul.f32 v5, v5;
	v63 =	vadd.f32 v10, v7  }
0x260: {  	v1 =	vadd.f32 v62, v1;
	[tilespmem:s16+$0x8C30] =	vst v9;
	v5 =	vmul.f32 v60, v60;
	v7 =	vmax.f32 v8, v4  }
0x261: {  	s9 =	simm.s32 $0x100;
	[tilespmem:s16+$0x8830] =	vst v7;
	v7 =	vmul.f32 v10, v10;
	v6 =	vadd.f32 v11, v6;
	v8 =	vadd.f32 v60, v63  }
.LBB2_11:
0x262: {  	p0 =	sne.s32 s9, $0x700  }
0x263: {  	v6 =	vadd.f32 v7, v6;
	s23 =	sadd.s32 $0x400, s23;
	s10 =	smov.u32 s9;
	s9 =	sadd.s32 $0x100, s9  }
0x264: {  	v7 =	vadd.f32 v4, v8  }
0x265: {  	v4 =	vmul.f32 v4, v4;
	v5 =	vadd.f32 v5, v6  }
0x266: {  	[tilespmem:s16+$0x8430] =	vst v7  }
0x267: {  	v6 =	vld [tilespmem:s23+$0xFFFFFE40];
	v4 =	vadd.f32 v4, v5  }
0x268: {  	v5 =	vld [tilespmem:s23+$0xFFFFFE00]  }
0x269: {  	v7 =	vld [tilespmem:s23+$0xFFFFFE80]  }
0x26a: {  	v8 =	vld [tilespmem:s23+$0xFFFFFEC0];
	_ =	sdelay $0x1  }
0x26b: {  	v9 =	vld [tilespmem:s23+$0xFFFFFF00]  }
0x26c: {  	v10 =	vadd.f32 v6, v5;
	v11 =	vmax.f32 v5, v6;
	v12 =	vmin.f32 v5, v6  }
0x26d: {  	v5 =	vmul.f32 v5, v5;
	v11 =	vmax.f32 v11, v7;
	v12 =	vmin.f32 v12, v7;
	v13 =	vld [tilespmem:s23+$0xFFFFFF40]  }
0x26e: {  	v10 =	vadd.f32 v7, v10;
	v11 =	vmax.f32 v11, v8;
	v12 =	vmin.f32 v12, v8  }
0x26f: {  	v2 =	vadd.f32 v5, v2;
	v5 =	vmul.f32 v6, v6;
	v6 =	vld [tilespmem:s23+$0xFFFFFF80]  }
0x270: {  	v10 =	vadd.f32 v8, v10;
	v8 =	vmul.f32 v8, v8;
	v12 =	vmin.f32 v12, v9;
	v14 =	vld [tilespmem:s23+$0xFFFFFFC0]  }
0x271: {  	v2 =	vadd.f32 v5, v2;
	v5 =	vmul.f32 v7, v7;
	v7 =	vmax.f32 v11, v9;
	v11 =	vld [tilespmem:s23+$0x0]  }
0x272: {  	v10 =	vadd.f32 v9, v10;
	v7 =	vmax.f32 v7, v13;
	v12 =	vmin.f32 v12, v13;
	v15 =	vld [tilespmem:s23+$0x40]  }
0x273: {  	v2 =	vadd.f32 v5, v2;
	v5 =	vmul.f32 v9, v9;
	v9 =	vmul.f32 v13, v13;
	v16 =	vld [tilespmem:s23+$0x80]  }
0x274: {  	v10 =	vadd.f32 v13, v10;
	v7 =	vmax.f32 v7, v6;
	v12 =	vmin.f32 v12, v6;
	v13 =	vld [tilespmem:s23+$0xC0]  }
0x275: {  	v17 =	vmul.f32 v6, v6;
	v7 =	vmax.f32 v7, v14;
	v12 =	vmin.f32 v12, v14;
	v18 =	vld [tilespmem:s23+$0x100]  }
0x276: {  	v6 =	vadd.f32 v6, v10;
	v7 =	vmax.f32 v7, v11;
	v10 =	vmin.f32 v12, v11;
	v12 =	vld [tilespmem:s23+$0x140]  }
0x277: {  	v2 =	vadd.f32 v8, v2;
	v7 =	vmax.f32 v7, v15;
	v8 =	vmin.f32 v10, v15;
	v10 =	vld [tilespmem:s23+$0x180]  }
0x278: {  	v6 =	vadd.f32 v14, v6;
	v7 =	vmax.f32 v7, v16;
	v8 =	vmin.f32 v8, v16  }
0x279: {  	v2 =	vadd.f32 v5, v2;
	v5 =	vmax.f32 v7, v13;
	v7 =	vmin.f32 v8, v13  }
0x27a: {  	v6 =	vadd.f32 v11, v6;
	v5 =	vmax.f32 v5, v18;
	v7 =	vmin.f32 v7, v18  }
0x27b: {  	v2 =	vadd.f32 v9, v2;
	v5 =	vmax.f32 v5, v12;
	v7 =	vmin.f32 v7, v12  }
0x27c: {  	v6 =	vadd.f32 v15, v6;
	v5 =	vmax.f32 v5, v10;
	v7 =	vmin.f32 v7, v10  }
0x27d: {  	v9 =	vmul.f32 v15, v15;
	v8 =	vmul.f32 v14, v14;
	v2 =	vadd.f32 v17, v2  }
0x27e: {  	v6 =	vadd.f32 v16, v6  }
0x27f: {  	v2 =	vadd.f32 v8, v2;
	v8 =	vmul.f32 v11, v11  }
0x280: {  	v6 =	vadd.f32 v13, v6;
	v11 =	vld [tilespmem:s23+$0x1C0]  }
0x281: {  	v2 =	vadd.f32 v8, v2;
	v8 =	vmul.f32 v16, v16  }
0x282: {  	v6 =	vadd.f32 v18, v6  }
0x283: {  	v2 =	vadd.f32 v9, v2;
	v9 =	vmul.f32 v13, v13  }
0x284: {  	v13 =	vmul.f32 v18, v18;
	v6 =	vadd.f32 v12, v6  }
0x285: {  	s16 =	sshra.s32 s10, $0x2;
	v2 =	vadd.f32 v8, v2;
	v5 =	vmax.f32 v5, v11;
	v7 =	vmin.f32 v7, v11  }
0x286: {  	v6 =	vadd.f32 v10, v6;
	[tilespmem:s16+$0x8800] =	vst v5  }
0x287: {  	v2 =	vadd.f32 v9, v2;
	[tilespmem:s16+$0x8C00] =	vst v7  }
0x288: {  	v5 =	vadd.f32 v11, v6  }
0x289: {  	v2 =	vadd.f32 v13, v2;
	v6 =	vmul.f32 v12, v12  }
0x28a: {  	[tilespmem:s16+$0x8400] =	vst v5  }
0x28b: {  	v2 =	vadd.f32 v6, v2;
	v5 =	vmul.f32 v10, v10;
	v6 =	vld [tilespmem:s23+$0xFFFFFE10]  }
0x28c: {  	v7 =	vld [tilespmem:s23+$0xFFFFFE50]  }
0x28d: {  	v2 =	vadd.f32 v5, v2;
	v5 =	vmul.f32 v11, v11  }
0x28e: {  	v8 =	vld [tilespmem:s23+$0xFFFFFE90]  }
0x28f: {  	v2 =	vadd.f32 v5, v2  }
0x290: {  	v5 =	vmul.f32 v6, v6;
	v9 =	vld [tilespmem:s23+$0xFFFFFED0]  }
0x291: {  	v10 =	vadd.f32 v7, v6;
	v11 =	vmax.f32 v6, v7;
	v6 =	vmin.f32 v6, v7  }
0x292: {  	v3 =	vadd.f32 v5, v3;
	v5 =	vmul.f32 v7, v7;
	v7 =	vld [tilespmem:s23+$0xFFFFFF10]  }
0x293: {  	v10 =	vadd.f32 v8, v10;
	v11 =	vmax.f32 v11, v8;
	v6 =	vmin.f32 v6, v8  }
0x294: {  	v3 =	vadd.f32 v5, v3;
	v5 =	vmul.f32 v8, v8;
	v8 =	vld [tilespmem:s23+$0xFFFFFF50]  }
0x295: {  	v10 =	vadd.f32 v9, v10;
	v11 =	vmax.f32 v11, v9;
	v6 =	vmin.f32 v6, v9  }
0x296: {  	v3 =	vadd.f32 v5, v3;
	v5 =	vmul.f32 v9, v9;
	v9 =	vld [tilespmem:s23+$0xFFFFFF90]  }
0x297: {  	v10 =	vadd.f32 v7, v10;
	v12 =	vld [tilespmem:s23+$0xFFFFFFD0]  }
0x298: {  	v3 =	vadd.f32 v5, v3;
	v5 =	vmul.f32 v7, v7;
	v13 =	vld [tilespmem:s23+$0x10]  }
0x299: {  	v11 =	vmax.f32 v11, v7;
	v6 =	vmin.f32 v6, v7;
	v7 =	vadd.f32 v8, v10;
	v10 =	vld [tilespmem:s23+$0x50]  }
0x29a: {  	v6 =	vmin.f32 v6, v8;
	v3 =	vadd.f32 v5, v3;
	v5 =	vmax.f32 v11, v8;
	v11 =	vld [tilespmem:s23+$0x90]  }
0x29b: {  	v7 =	vadd.f32 v9, v7;
	v5 =	vmax.f32 v5, v9;
	v6 =	vmin.f32 v6, v9;
	v14 =	vld [tilespmem:s23+$0xD0]  }
0x29c: {  	v5 =	vmax.f32 v5, v12;
	v6 =	vmin.f32 v6, v12;
	v15 =	vmul.f32 v12, v12;
	v16 =	vld [tilespmem:s23+$0x110]  }
0x29d: {  	v7 =	vadd.f32 v12, v7;
	v5 =	vmax.f32 v5, v13;
	v12 =	vmul.f32 v13, v13;
	v17 =	vld [tilespmem:s23+$0x150]  }
0x29e: {  	v8 =	vmul.f32 v8, v8;
	v6 =	vmin.f32 v6, v13;
	v5 =	vmax.f32 v5, v10;
	v18 =	vld [tilespmem:s23+$0x190]  }
0x29f: {  	v6 =	vmin.f32 v6, v10;
	v7 =	vadd.f32 v13, v7;
	v5 =	vmax.f32 v5, v11;
	v13 =	vld [tilespmem:s23+$0x1D0]  }
0x2a0: {  	v9 =	vmul.f32 v9, v9;
	v6 =	vmin.f32 v6, v11;
	v5 =	vmax.f32 v5, v14  }
0x2a1: {  	v6 =	vmin.f32 v6, v14;
	v7 =	vadd.f32 v10, v7;
	v5 =	vmax.f32 v5, v16  }
0x2a2: {  	v3 =	vadd.f32 v8, v3;
	v6 =	vmin.f32 v6, v16;
	v5 =	vmax.f32 v5, v17  }
0x2a3: {  	v6 =	vmin.f32 v6, v17;
	v7 =	vadd.f32 v11, v7;
	v5 =	vmax.f32 v5, v18  }
0x2a4: {  	v3 =	vadd.f32 v9, v3;
	v6 =	vmin.f32 v6, v18;
	v5 =	vmax.f32 v5, v13  }
0x2a5: {  	v6 =	vmin.f32 v6, v13;
	v7 =	vadd.f32 v14, v7;
	[tilespmem:s16+$0x8810] =	vst v5  }
0x2a6: {  	v3 =	vadd.f32 v15, v3;
	[tilespmem:s16+$0x8C10] =	vst v6  }
0x2a7: {  	v5 =	vadd.f32 v16, v7  }
0x2a8: {  	v3 =	vadd.f32 v12, v3;
	v6 =	vmul.f32 v10, v10  }
0x2a9: {  	v5 =	vadd.f32 v17, v5  }
0x2aa: {  	v3 =	vadd.f32 v6, v3;
	v6 =	vmul.f32 v11, v11  }
0x2ab: {  	v5 =	vadd.f32 v18, v5  }
0x2ac: {  	v3 =	vadd.f32 v6, v3;
	v6 =	vmul.f32 v14, v14  }
0x2ad: {  	v5 =	vadd.f32 v13, v5  }
0x2ae: {  	v3 =	vadd.f32 v6, v3;
	v6 =	vmul.f32 v16, v16  }
0x2af: {  	[tilespmem:s16+$0x8410] =	vst v5  }
0x2b0: {  	v3 =	vadd.f32 v6, v3;
	v5 =	vmul.f32 v17, v17;
	v6 =	vld [tilespmem:s23+$0xFFFFFE20]  }
0x2b1: {  	v7 =	vld [tilespmem:s23+$0xFFFFFE60]  }
0x2b2: {  	v3 =	vadd.f32 v5, v3;
	v5 =	vmul.f32 v18, v18;
	v8 =	vld [tilespmem:s23+$0xFFFFFEA0]  }
0x2b3: {  	v9 =	vld [tilespmem:s23+$0xFFFFFEE0]  }
0x2b4: {  	v3 =	vadd.f32 v5, v3;
	v5 =	vld [tilespmem:s23+$0xFFFFFF20]  }
0x2b5: {  	v10 =	vmul.f32 v13, v13;
	v11 =	vmul.f32 v6, v6;
	v12 =	vld [tilespmem:s23+$0xFFFFFF60]  }
0x2b6: {  	v13 =	vadd.f32 v7, v6;
	v14 =	vmax.f32 v6, v7;
	v6 =	vmin.f32 v6, v7;
	v15 =	vld [tilespmem:s23+$0xFFFFFFA0]  }
0x2b7: {  	v7 =	vmul.f32 v7, v7;
	v14 =	vmax.f32 v14, v8;
	v6 =	vmin.f32 v6, v8;
	v16 =	vld [tilespmem:s23+$0xFFFFFFE0]  }
0x2b8: {  	v13 =	vadd.f32 v8, v13;
	v14 =	vmax.f32 v14, v9;
	v17 =	vmul.f32 v9, v9;
	v18 =	vld [tilespmem:s23+$0x20]  }
0x2b9: {  	v1 =	vadd.f32 v11, v1;
	v6 =	vmin.f32 v6, v9;
	v11 =	vmax.f32 v14, v5;
	v14 =	vld [tilespmem:s23+$0x60]  }
0x2ba: {  	v6 =	vmin.f32 v6, v5;
	v9 =	vadd.f32 v9, v13;
	v11 =	vmax.f32 v11, v12;
	v13 =	vld [tilespmem:s23+$0xA0]  }
0x2bb: {  	v1 =	vadd.f32 v7, v1;
	v6 =	vmin.f32 v6, v12;
	v7 =	vmax.f32 v11, v15;
	v11 =	vld [tilespmem:s23+$0xE0]  }
0x2bc: {  	v6 =	vmin.f32 v6, v15;
	v9 =	vadd.f32 v5, v9;
	v7 =	vmax.f32 v7, v16;
	v19 =	vld [tilespmem:s23+$0x120]  }
0x2bd: {  	v8 =	vmul.f32 v8, v8;
	v6 =	vmin.f32 v6, v16;
	v7 =	vmax.f32 v7, v18;
	v20 =	vld [tilespmem:s23+$0x160]  }
0x2be: {  	v6 =	vmin.f32 v6, v18;
	v9 =	vadd.f32 v12, v9;
	v7 =	vmax.f32 v7, v14;
	v21 =	vld [tilespmem:s23+$0x1A0]  }
0x2bf: {  	v1 =	vadd.f32 v8, v1;
	v6 =	vmin.f32 v6, v14;
	v7 =	vmax.f32 v7, v13;
	v8 =	vld [tilespmem:s23+$0x1E0]  }
0x2c0: {  	v6 =	vmin.f32 v6, v13;
	v9 =	vadd.f32 v15, v9;
	v7 =	vmax.f32 v7, v11  }
0x2c1: {  	v5 =	vmul.f32 v5, v5;
	v1 =	vadd.f32 v17, v1;
	v7 =	vmax.f32 v7, v19  }
0x2c2: {  	v6 =	vmin.f32 v6, v11;
	v9 =	vadd.f32 v16, v9;
	v7 =	vmax.f32 v7, v20  }
0x2c3: {  	v1 =	vadd.f32 v5, v1;
	v5 =	vmul.f32 v12, v12;
	v7 =	vmax.f32 v7, v21  }
0x2c4: {  	v6 =	vmin.f32 v6, v19;
	v9 =	vadd.f32 v18, v9;
	v7 =	vmax.f32 v7, v8  }
0x2c5: {  	v1 =	vadd.f32 v5, v1;
	v5 =	vmul.f32 v15, v15;
	v6 =	vmin.f32 v6, v20;
	[tilespmem:s16+$0x8820] =	vst v7  }
0x2c6: {  	v3 =	vadd.f32 v10, v3;
	v6 =	vmin.f32 v6, v21;
	v7 =	vadd.f32 v14, v9  }
0x2c7: {  	v1 =	vadd.f32 v5, v1;
	v5 =	vmul.f32 v16, v16;
	v6 =	vmin.f32 v6, v8  }
0x2c8: {  	v7 =	vadd.f32 v13, v7;
	[tilespmem:s16+$0x8C20] =	vst v6  }
0x2c9: {  	v1 =	vadd.f32 v5, v1;
	v5 =	vmul.f32 v18, v18  }
0x2ca: {  	v6 =	vadd.f32 v11, v7  }
0x2cb: {  	v1 =	vadd.f32 v5, v1;
	v5 =	vmul.f32 v14, v14  }
0x2cc: {  	v6 =	vadd.f32 v19, v6  }
0x2cd: {  	v1 =	vadd.f32 v5, v1;
	v5 =	vmul.f32 v13, v13  }
0x2ce: {  	v6 =	vadd.f32 v20, v6  }
0x2cf: {  	v1 =	vadd.f32 v5, v1;
	v5 =	vmul.f32 v11, v11  }
0x2d0: {  	v6 =	vadd.f32 v21, v6  }
0x2d1: {  	v1 =	vadd.f32 v5, v1;
	v5 =	vmul.f32 v19, v19  }
0x2d2: {  	v6 =	vadd.f32 v8, v6  }
0x2d3: {  	v1 =	vadd.f32 v5, v1;
	v5 =	vmul.f32 v20, v20  }
0x2d4: {  	[tilespmem:s16+$0x8420] =	vst v6  }
0x2d5: {  	v1 =	vadd.f32 v5, v1;
	v5 =	vmul.f32 v21, v21;
	v6 =	vld [tilespmem:s23+$0xFFFFFE30]  }
0x2d6: {  	v7 =	vld [tilespmem:s23+$0xFFFFFE70]  }
0x2d7: {  	v1 =	vadd.f32 v5, v1;
	v5 =	vmul.f32 v8, v8;
	v8 =	vld [tilespmem:s23+$0xFFFFFEB0]  }
0x2d8: {  	v9 =	vld [tilespmem:s23+$0xFFFFFEF0]  }
0x2d9: {  	v1 =	vadd.f32 v5, v1;
	v5 =	vld [tilespmem:s23+$0xFFFFFF30]  }
0x2da: {  	v10 =	vmul.f32 v6, v6;
	v11 =	vld [tilespmem:s23+$0xFFFFFF70]  }
0x2db: {  	v12 =	vadd.f32 v7, v6;
	v13 =	vmax.f32 v6, v7;
	v6 =	vmin.f32 v6, v7;
	v14 =	vld [tilespmem:s23+$0xFFFFFFB0]  }
0x2dc: {  	v7 =	vmul.f32 v7, v7;
	v4 =	vadd.f32 v10, v4;
	v10 =	vmax.f32 v13, v8;
	v13 =	vld [tilespmem:s23+$0xFFFFFFF0]  }
0x2dd: {  	v6 =	vmin.f32 v6, v8;
	v12 =	vadd.f32 v8, v12;
	v10 =	vmax.f32 v10, v9;
	v15 =	vld [tilespmem:s23+$0x30]  }
0x2de: {  	v6 =	vmin.f32 v6, v9;
	v4 =	vadd.f32 v7, v4;
	v7 =	vmul.f32 v8, v8;
	v8 =	vld [tilespmem:s23+$0x70]  }
0x2df: {  	v10 =	vmax.f32 v10, v5;
	v6 =	vmin.f32 v6, v5;
	v12 =	vadd.f32 v9, v12;
	v16 =	vld [tilespmem:s23+$0xB0]  }
0x2e0: {  	v4 =	vadd.f32 v7, v4;
	v7 =	vmul.f32 v9, v9;
	v9 =	vmax.f32 v10, v11;
	v10 =	vld [tilespmem:s23+$0xF0]  }
0x2e1: {  	v6 =	vmin.f32 v6, v11;
	v12 =	vadd.f32 v5, v12;
	v9 =	vmax.f32 v9, v14;
	v17 =	vld [tilespmem:s23+$0x130]  }
0x2e2: {  	v5 =	vmul.f32 v5, v5;
	v4 =	vadd.f32 v7, v4;
	v7 =	vmax.f32 v9, v13;
	v9 =	vld [tilespmem:s23+$0x170]  }
0x2e3: {  	v6 =	vmin.f32 v6, v14;
	v12 =	vadd.f32 v11, v12;
	v7 =	vmax.f32 v7, v15;
	v18 =	vld [tilespmem:s23+$0x1B0]  }
0x2e4: {  	v6 =	vmin.f32 v6, v13;
	v11 =	vmul.f32 v11, v11;
	v5 =	vadd.f32 v5, v4;
	v4 =	vld [tilespmem:s23+$0x1F0]  }
0x2e5: {  	v6 =	vmin.f32 v6, v15;
	v7 =	vmax.f32 v7, v8;
	v12 =	vadd.f32 v14, v12  }
0x2e6: {  	v6 =	vmin.f32 v6, v8;
	v5 =	vadd.f32 v11, v5;
	v11 =	vmul.f32 v14, v14  }
0x2e7: {  	v6 =	vmin.f32 v6, v16;
	v7 =	vmax.f32 v7, v16;
	v12 =	vadd.f32 v13, v12  }
0x2e8: {  	v6 =	vmin.f32 v6, v10;
	v5 =	vadd.f32 v11, v5;
	v11 =	vmul.f32 v13, v13  }
0x2e9: {  	v7 =	vmax.f32 v7, v10;
	v6 =	vmin.f32 v6, v17;
	v12 =	vadd.f32 v15, v12  }
0x2ea: {  	v6 =	vmin.f32 v6, v9;
	v5 =	vadd.f32 v11, v5;
	v11 =	vmul.f32 v15, v15  }
0x2eb: {  	v7 =	vmax.f32 v7, v17;
	v6 =	vmin.f32 v6, v18;
	v12 =	vadd.f32 v8, v12  }
0x2ec: {  	v6 =	vmin.f32 v6, v4;
	v8 =	vmul.f32 v8, v8;
	v11 =	vadd.f32 v11, v5  }
0x2ed: {  	v7 =	vmax.f32 v7, v9;
	v5 =	vmul.f32 v18, v18;
	v12 =	vadd.f32 v16, v12;
	[tilespmem:s16+$0x8C30] =	vst v6  }
0x2ee: {  	v7 =	vmax.f32 v7, v18;
	v6 =	vadd.f32 v8, v11;
	v8 =	vmul.f32 v16, v16  }
0x2ef: {  	v7 =	vmax.f32 v7, v4;
	v11 =	vadd.f32 v10, v12  }
0x2f0: {  	v6 =	vadd.f32 v8, v6;
	v8 =	vmul.f32 v10, v10;
	[tilespmem:s16+$0x8830] =	vst v7  }
.Ltmp7:
0x2f1: {  	v7 =	vadd.f32 v17, v11;
	(pc) =	sbr.rel @p0 .LBB2_11-.Ltmp7, $4  }
0x2f2: {  	v6 =	vadd.f32 v8, v6;
	v8 =	vmul.f32 v17, v17  }
0x2f3: {  	v10 =	vadd.f32 v9, v7  }
0x2f4: {  	v7 =	vmul.f32 v9, v9;
	v6 =	vadd.f32 v8, v6  }
0x2f5: {  	v8 =	vadd.f32 v18, v10  }
0x2f6: {  	_ = 	snop  }
0x2f7: {  	v8 =	vadd.f32 v4, v8  }
0x2f8: {  	s9 =	sor.u32 $0x40, s21  }
0x2f9: {  	p0 =	seq.s32 s18, $0x1F;
	s10 =	sadd.s32 s3, s9;
	[tilespmem:s16+$0x8430] =	vst v8  }
0x2fa: {  	[hbm4b:s10+s4] =	stream.linear.scatter [tilespmem:s1], [sflag:$0x4], $0x200, $0x38;
	[tilespmem:$0x8E40] =	vst v63  }
.Ltmp8:
0x2fb: {  	v6 =	vadd.f32 v7, v6;
	(pc) =	sbr.rel @p0 .LBB2_14-.Ltmp8, $4  }
0x2fc: {  	s23 =	sadd.s32 s6, s9  }
0x2fd: {  	v4 =	vmul.f32 v4, v4;
	v5 =	vadd.f32 v5, v6;
	[hbm4b:s23+s4] =	stream.linear.scatter [tilespmem:s0], [sflag:$0x4], $0x200, $0x38;
	[tilespmem:$0x8E40] =	vst v63  }
0x2fe: {  	s9 =	sadd.s32 s7, s9  }
0x2ff: {  	v4 =	vadd.f32 v4, v5;
	[hbm4b:s9+s4] =	stream.linear.scatter [tilespmem:s14], [sflag:$0x4], $0x200, $0x38;
	[tilespmem:$0x8E40] =	vst v63  }
.Ltmp9:
0x300: {  	(pc) =	sbr.rel .LBB2_4-.Ltmp9, $4  }
0x301: {  	_ = 	snop  }
0x302: {  	s9 =	sshrl.u32 s19, $0x2  }
0x303: {  	s18 =	sadd.s32 $0x1, s18;
	s9 =	sadd.s32 $0x2380, s9  }
0x304: {  	[tilespmem:s24], [sflag:$0x2] =	stream.indirect.gather [hbm4b:s5+s13], $0x40, s9, s13, $0xb8;
	[tilespmem:$0x8E40] =	vst v63  }
.LBB2_15:
0x305: {  	_ =	sfence.sel $0x180000  }
0x306: {  	[bflag:$0x0] =	sbarrier.arrive $0xFFFF  }
0x307: {  	_ =	strace $0x9000004A  }
0x308: {  	s0 =	stileid.u32;
	[bflag:$0x2] =	sbarrier.arrive $0xFFFF  }
0x309: {  	p0 =	sne.s32 s0, $0x0;
	s0 =	rddreg [dreg:$0x3]  }
0x30a: {  	s0 =	sadd.s32 @!p0 $0x100000, s0  }
0x30b: {  	[sflag:s0] =	ssyncadd.tile.s32 @!p0 $0x1;
	_ =	shalt  }
.Lfunc_end2:
_tile_overlayer_lowered:
.L_overlay_start_2:
0x30c: {  	(tag) =	ssettag $0x2  }
0x30d: {  	s0 =	rddreg [dreg:$0x0];
	s2 =	stileid.u32  }
0x30e: {  	s1 =	rddreg [dreg:$0x1];
	p0 =	sne.s32 s2, $0x0  }
0x30f: {  	s3 =	rddreg [dreg:$0x2];
	[bflag:$0x3] =	sbarrier.arrive $0xFFFF;
	s2 =	simm.s32 @!p0 $0x1C06  }
0x310: {  	[timem:s3], [sflag:s2] =	dma.local @!p0 [hbm:s0], s1  }
0x311: {  	s0 =	simm.s32 @!p0 $0x6  }
0x312: {  	_ =	swait.ge @!p0 [sflag:s0], s1  }
0x313: {  	s1 =	ssub.s32 @!p0 $0x0, s1;
	[sflag:s0] =	ssyncset.done @!p0 $0x0  }
0x314: {  	[sflag:s0] =	ssyncadd.s32 @!p0 s1  }
0x315: {  	[bflag:$0x3] =	sbarrier.arrive $0xFFFF  }
0x316: {  	_ =	shalt  }

// kernel: sparse-core-data-format-call.cloned.1.call-start
scs
called_computation_lowered:
.L_overlay_start_0:
0x0: {  	s1 =	sld [smem:$0x3FD9]  }
0x1: {  	s2 =	sld [smem:$0x3FFE];
	_ =	sdelay $0x1  }
0x2: {  	s3 =	srdreg.scid  }
0x3: {  	s0 =	sand.u32 $0x1, s3  }
0x4: {  	s17 =	sshll.u32 s0, $0xA;
	s1 =	sadd.s32 s2, s1  }
0x5: {  	s1 =	sadd.s32 s1, s17  }
0x6: {  	[smem:$0x3FC2] =	sst s1  }
0x7: {  	_ = 	snop  }
0x8: {  	(tm) =	ssettm $0x1  }
0x9: {  	s18 =	sld [smem:$0x3FFB];
	_ =	sdelay $0x3  }
0xa: {  	_ =	strace s18  }
0xb: {  	s1 =	sld [smem:$0x3FFC];
	_ =	sdelay $0x3  }
0xc: {  	_ =	strace s1  }
0xd: {  	s1 =	sld [smem:$0x3FFD];
	_ =	sdelay $0x3  }
0xe: {  	_ =	strace s1  }
0xf: {  	_ =	strace $0x8FFFFFFF  }
0x10: {  	s19 =	sld [smem:$0x3FDB];
	_ =	sdelay $0x1  }
0x11: {  	s20 =	simm.s32 $_scs_section_size  }
0x12: {  	s4 =	simm.s32 $_size__tile_overlayer_lowered;
	s5 =	simm.s32 $_tile_overlayer_lowered  }
0x13: {  	s23 =	simm.s32 $0x1BFF;
	s22 =	sshll.u32 s5, $0x1;
	s1 =	sadd.s32 s20, s19  }
0x14: {  	s6 =	simm.s32 $0x0;
	s21 =	sshll.u32 s4, $0x1;
	s4 =	sadd.s32 s22, s1  }
0x15: {  	[timem:s6], [sflag:s23] =	dma.local [hbm:s4], s21  }
0x16: {  	_ =	swait.ge [sflag:s23], s21  }
0x17: {  	s2 =	ssub.s32 $0x0, s21;
	[sflag:s23] =	ssyncset.done $0x0  }
0x18: {  	[sflag:s23] =	ssyncadd.s32 s2;
	_ =	sdelay $0x1  }
0x19: {  	s24 =	simm.s32 $0x1B8B  }
0x1a: {  	_ =	swait.ge [sflag:s24], $0x1  }
0x1b: {  	[sflag:s24] =	ssyncset.done $0x0  }
0x1c: {  	s26 =	simm.s32 $0x1B8E;
	s25 =	sld [smem:$0x3FFE];
	[sflag:s24] =	ssyncadd.s32 $0xFFFFFFFF  }
0x1d: {  	s27 =	simm.s32 $execute0_lowered;
	[smem:$0x3FD2] =	sst s26  }
0x1e: {  	s4 =	sshll.u32 s27, $0x1;
	_ =	strace $0x80000046;
	[dreg:$0x1] =	wrdreg $0xFFFFFFFF  }
0x1f: {  	s28 =	simm.s32 $_size_execute0_lowered;
	s1 =	sadd.s32 s1, s4;
	[dreg:$0x0] =	wrdreg $0x0  }
0x20: {  	s4 =	sshll.u32 s28, $0x1;
	[dreg:$0x2] =	wrdreg s1  }
0x21: {  	[dreg:$0x3] =	wrdreg s4  }
0x22: {  	[dreg:$0x4] =	wrdreg $0xC0  }
0x23: {  	_ =	task [dreg:s6], $0x5FFFF  }
0x24: {  	[dreg:$0x1] =	wrdreg $0xFFFFFFFF  }
0x25: {  	[dreg:$0x0] =	wrdreg $0x60  }
0x26: {  	[dreg:$0x2] =	wrdreg s25  }
0x27: {  	[dreg:$0x3] =	wrdreg $0x9  }
0x28: {  	_ =	task.clear_ibuf [dreg:s6], $0x4FFFF;
	_ =	strace $0x90000046  }
0x29: {  	s29 =	simm.s32 $0x9;
	_ =	strace $0x80000048  }
0x2a: {  	_ =	swait.ge [sflag:s29], $0x1  }
0x2b: {  	[sflag:s29] =	ssyncadd.s32 $0xFFFFFFFF  }
0x2c: {  	_ =	strace $0x90000048  }
0x2d: {  	_ =	sfence  }
0x2e: {  	s30 =	sld [smem:$0x0];
	_ =	sdelay $0x2  }
0x2f: {  	s31 =	sshll.u32 s3, $0xD;
	s3 =	sshrl.u32 s3, $0x2  }
0x30: {  	s2 =	sand.u32 $0x4000, s31;
	s1 =	sadd.s32 s3, s30  }
0x31: {  	s0 =	sor.u32 s2, s0;
	s1 =	sshll.u32 s1, $0x11  }
0x32: {  	s0 =	sor.u32 s1, s0  }
0x33: {  	s0 =	sadd.s32 $0x8F2B, s0  }
0x34: {  	[sflag:s0] =	ssyncadd.remote.s32 $0x1  }
0x35: {  	_ =	sfence.sel $0xFFFF  }
0x36: {  	[dreg:$0x0] =	wrdreg $0xFFFFFFFF;
	(pc) =	sbr.abs _section_cstart, $3  }
0x37: {  	[dreg:$0x1] =	wrdreg $0xFFFFFFFF  }
0x38: {  	_ =	task.clear_ibuf [dreg:s6], $0x2FFFF;
	_ =	strace $0x9FFFFFFF  }
0x39: {  	(tm) =	ssettm $0x7FFFFFFF  }
tec
execute0_lowered:
.L_overlay_start_1:
0x0: {  	(tag) =	ssettag $0x1  }
0x1: {  	s0 =	stileid.u32  }
0x2: {  	s1 =	srdreg.scid;
	s4 =	rddreg [dreg:$0x0]  }
0x3: {  	s7 =	simm.s32 $0x1;
	s8 =	simm.s32 $0x2;
	s15 =	simm.s32 $0x0  }
0x4: {  	s13 =	simm.s32 $0x0;
	s2 =	sshll.u32 s0, $0x5;
	s1 =	sshll.u32 s1, $0x9  }
0x5: {  	s14 =	simm.s32 $0x0;
	s10 =	simm.s32 $0x0;
	s1 =	sor.u32 s2, s1  }
0x6: {  	s12 =	simm.s32 $0x0;
	s3 =	sadd.s32 $0x1C00, s4;
	s2 =	sand.u32 $0x380, s1  }
0x7: {  	s4 =	sadd.s32 $0x101C00, s4;
	s1 =	rddreg [dreg:$0x1];
	s6 =	ssub.s32 $0x4000, s2  }
.Ltmp0:
0x8: {  	_ =	strace $0x80000047;
	s5 =	sand.u32 $0x380, s6;
	(pc) =	sbr.rel .LBB1_1-.Ltmp0, $4  }
0x9: {  	s9 =	smov.u32 s2;
	p0 =	sne.s32 s5, $0x0;
	s5 =	simm.s32 $0x1  }
0xa: {  	s6 =	sshrl.u32 s6, $0xA;
	s7 =	simm.s32 @!p0 $0x0;
	[sflag:s5] =	ssyncpa.u1 $0x0  }
0xb: {  	p0 =	por $0x0, $0x0;
	s6 =	sadd.s32 s7, s6;
	s7 =	sand.u32 $0x3, s0  }
0xc: {  	[sflag:s8] =	ssyncpa.u1 $0x0;
	s8 =	sadd.s32 $0x1, s6;
	s11 =	smov.u32 s7  }
.LBB1_4:
0xd: {  	v5 =	vld [tilespmem:s19+$0xFFFFFFD0];
	[tilespmem:s18+$0x2040 ss:$0x81] =	vst.msk $0xffff, v1  }
0xe: {  	v58 =	vld [tilespmem:s19+$0xFFFFFFE0];
	[tilespmem:s18+$0x2850 ss:$0x81] =	vst.msk $0xffff, v2  }
0xf: {  	s20 =	sshra.s32 s20, $0x2;
	v59 =	vld [tilespmem:s19+$0xFFFFFFF0];
	[tilespmem:s18+$0x3060 ss:$0x81] =	vst.msk $0xffff, v3  }
0x10: {  	v60 =	vld [tilespmem:s19+$0x0];
	[tilespmem:s18+$0x0 ss:$0x81] =	vst.msk $0xffff, v0;
	s17 =	sadd.s32 s20, s17  }
0x11: {  	v61 =	vld [tilespmem:s19+$0x10];
	[tilespmem:s17+$0x3870 ss:$0x81] =	vst.msk $0xffff, v4  }
0x12: {  	v62 =	vld [tilespmem:s19+$0x20];
	s15 =	sshll.u32 s15, $0x7;
	s28 =	sshll.u32 s13, $0x3;
	[tilespmem:s17+$0x810 ss:$0x81] =	vst.msk $0xffff, v5  }
0x13: {  	v63 =	vld [tilespmem:s19+$0xFFFFFFC0];
	s29 =	sand.u32 $0x1FFC00, s15;
	s18 =	sand.u32 $0x1FFC00, s28;
	[tilespmem:s17+$0x1020 ss:$0x81] =	vst.msk $0xffff, v58  }
0x14: {  	s15 =	sand.u32 $0x380, s15;
	s18 =	sadd.s32 s18, s29;
	[tilespmem:s17+$0x1830 ss:$0x81] =	vst.msk $0xffff, v59  }
0x15: {  	s14 =	sshll.u32 s14, $0x12;
	s30 =	sshrl.u32 s13, $0x3;
	s15 =	sor.u32 s15, s18;
	[tilespmem:s17+$0x2040 ss:$0x81] =	vst.msk $0xffff, v60  }
0x16: {  	s14 =	sadd.s32 s4, s14;
	s18 =	sand.u32 $0xF, s30;
	s15 =	sshrl.u32 s15, $0x3;
	[tilespmem:s17+$0x2850 ss:$0x81] =	vst.msk $0xffff, v61  }
0x17: {  	s14 =	sadd.s32 s18, s14;
	[tilespmem:s17+$0x3060 ss:$0x81] =	vst.msk $0xffff, v62;
	s15 =	sand.u32 $0x3FFF0, s15  }
0x18: {  	s31 =	sand.u32 $0x7, s13;
	[tilespmem:s17+$0x0 ss:$0x81] =	vst.msk $0xffff, v63;
	s14 =	sadd.s32 s15, s14  }
0x19: {  	[hbm4b:s14+s31] =	stream.linear.scatter [tilespmem:s16], [sflag:$0x2], $0x4000, $0x20;
	[tilespmem:$0x10100] =	vst v63  }
.LBB1_5:
0x1a: {  	s16 =	sadd.s32 $0x400, s9  }
0x1b: {  	s13 =	sadd.s32 $0x80, s10;
	s17 =	smov.u32 s10;
	p2 =	sgt.s32 s16, $0x3FFF  }
0x1c: {  	s17 =	smov.u32 @p2 s13  }
0x1d: {  	s19 =	smov.u32 s11;
	s13 =	sadd.s32 $0x4, s11;
	p3 =	sgt.s32 s17, $0x7F  }
0x1e: {  	s19 =	smov.u32 @p3 s13  }
0x1f: {  	s16 =	smov.u32 @p2 s2;
	p2 =	sgt.s32 s19, $0x3  }
0x20: {  	p1 =	slt.u32 s12, $0x2;
	s19 =	smov.u32 @p2 s7;
	p2 =	sne.s32 s12, s8  }
.Ltmp1:
0x21: {  	s18 =	simm.s32 @!p1 $0x2;
	(pc) =	sbr.rel @!p2 .LBB1_6-.Ltmp1, $4  }
0x22: {  	s15 =	smov.u32 s9;
	s14 =	smov.u32 s11;
	_ =	swait.ge @!p1 [sflag:s18], $0x4000  }
0x23: {  	p0 =	por !p0, !p0;
	[sflag:s18] =	ssyncset.done @!p1 $0x0;
	s9 =	smov.u32 s16  }
0x24: {  	s17 =	simm.s32 @p3 $0x0;
	s13 =	smov.u32 s10;
	[sflag:s18] =	ssyncadd.s32 @!p1 $0xFFFFC000  }
0x25: {  	s10 =	smov.u32 s17;
	s12 =	sadd.s32 $0x1, s12;
	s11 =	smov.u32 s19  }
.LBB1_1:
0x26: {  	p1 =	sge.u32 s12, s6;
	s31 =	sadd.s32 $0xFFFFFFFF, s12  }
0x27: {  	s16 =	sxor.u32 @!p1 $0xFFFFFFFF, s12;
	s17 =	sand.u32 @!p1 $0x78, s9;
	s18 =	sshll.u32 @!p1 s10, $0xE  }
0x28: {  	s19 =	sshll.u32 @!p1 s10, $0x7;
	s20 =	sshll.u32 @!p1 s9, $0x3;
	s16 =	sshll.u32 @!p1 s16, $0xE  }
0x29: {  	s18 =	sand.u32 @!p1 $0x1E0000, s18;
	s19 =	sand.u32 @!p1 $0x380, s19;
	s16 =	sand.u32 @!p1 $0x4000, s16  }
0x2a: {  	s18 =	sadd.s32 @!p1 s18, s20;
	s20 =	sand.u32 @!p1 $0x3C00, s20;
	s17 =	sor.u32 @!p1 s19, s17  }
0x2b: {  	s19 =	sshll.u32 @!p1 s11, $0x12;
	s17 =	sor.u32 @!p1 s20, s17;
	s18 =	sshrl.u32 @!p1 s18, $0x3  }
0x2c: {  	s19 =	sadd.s32 @!p1 s3, s19;
	s20 =	sand.u32 @!p1 $0x7, s9;
	s18 =	sand.u32 @!p1 $0x3F800, s18  }
0x2d: {  	s17 =	sshrl.u32 @!p1 s17, $0x3;
	s18 =	sadd.s32 @!p1 s18, s19;
	s19 =	sshll.u32 @!p1 s20, $0x12  }
0x2e: {  	s17 =	sadd.s32 @!p1 s17, s18;
	s18 =	sor.u32 @!p1 $0x400, s19;
	s19 =	simm.s32 @!p1 $0x20000  }
0x2f: {  	[tilespmem:s16], [sflag:$0x1] =	stream.strided.gather @!p1 [hbm4b:s17+s18], $0x4000, s19, s18, $0x38;
	[tilespmem:$0x10100] =	vst v63  }
0x30: {  	p1 =	sge.u32 s31, s6  }
.Ltmp2:
0x31: {  	_ = 	snop;
	(pc) =	sbr.rel @p1 .LBB1_5-.Ltmp2, $1  }
0x32: {  	_ =	sdelay $0x3  }
0x33: {  	s16 =	simm.s32 $0x1  }
0x34: {  	_ =	swait.ge [sflag:s5], $0x4000;
	s16 =	simm.s32 @!p0 $0x0  }
0x35: {  	[sflag:s5] =	ssyncset.done $0x0;
	s17 =	sshll.u32 s16, $0xE  }
0x36: {  	[sflag:s5] =	ssyncadd.s32 $0xFFFFC000;
	s19 =	sor.u32 $0x40, s17  }
0x37: {  	s16 =	smul.u32 $0x10200, s16;
	v0 =	vld [tilespmem:s19+$0x30]  }
0x38: {  	v3 =	vld [tilespmem:s19+$0xFFFFFFD0]  }
0x39: {  	s16 =	sshrl.u32 s16, $0x2;
	v4 =	vld [tilespmem:s19+$0xFFFFFFE0]  }
0x3a: {  	v5 =	vld [tilespmem:s19+$0xFFFFFFF0];
	s17 =	sor.u32 $0x8000, s16  }
0x3b: {  	s31 =	sand.u32 $0x1, s12;
	v1 =	vld [tilespmem:s19+$0x0];
	s18 =	sadd.s32 $0x0, s17  }
0x3c: {  	v2 =	vld [tilespmem:s19+$0x10];
	s16 =	smul.u32 $0x10200, s31;
	[tilespmem:s18+$0x3870 ss:$0x81] =	vst.msk $0xffff, v0  }
0x3d: {  	[tilespmem:s18+$0x810 ss:$0x81] =	vst.msk $0xffff, v3;
	v3 =	vld [tilespmem:s19+$0x20]  }
0x3e: {  	s16 =	sshrl.u32 s16, $0x2;
	v0 =	vld [tilespmem:s19+$0xFFFFFFC0];
	[tilespmem:s18+$0x1020 ss:$0x81] =	vst.msk $0xffff, v4;
	s19 =	sadd.s32 $0x80, s19  }
0x3f: {  	s20 =	simm.s32 $0x4;
	s21 =	simm.s32 $0x8;
	s16 =	sor.u32 $0x8000, s16;
	[tilespmem:s18+$0x1830 ss:$0x81] =	vst.msk $0xffff, v5;
	v4 =	vld [tilespmem:s19+$0x30]  }
.LBB1_3:
0x40: {  	p1 =	sne.s32 s21, $0x1FC;
	v5 =	vld [tilespmem:s19+$0xFFFFFFD0];
	[tilespmem:s18+$0x2040 ss:$0x81] =	vst.msk $0xffff, v1  }
0x41: {  	v6 =	vld [tilespmem:s19+$0xFFFFFFE0];
	[tilespmem:s18+$0x2850 ss:$0x81] =	vst.msk $0xffff, v2  }
0x42: {  	s22 =	sshra.s32 s20, $0x2;
	s20 =	smov.u32 s21;
	v7 =	vld [tilespmem:s19+$0xFFFFFFF0];
	[tilespmem:s18+$0x3060 ss:$0x81] =	vst.msk $0xffff, v3  }
.Ltmp3:
0x43: {  	v1 =	vld [tilespmem:s19+$0x0];
	[tilespmem:s18+$0x0 ss:$0x81] =	vst.msk $0xffff, v0;
	s18 =	sadd.s32 s22, s17;
	(pc) =	sbr.rel @p1 .LBB1_3-.Ltmp3, $4  }
0x44: {  	v2 =	vld [tilespmem:s19+$0x10];
	[tilespmem:s18+$0x3870 ss:$0x81] =	vst.msk $0xffff, v4  }
0x45: {  	[tilespmem:s18+$0x810 ss:$0x81] =	vst.msk $0xffff, v5;
	v3 =	vld [tilespmem:s19+$0x20]  }
0x46: {  	v0 =	vld [tilespmem:s19+$0xFFFFFFC0];
	[tilespmem:s18+$0x1020 ss:$0x81] =	vst.msk $0xffff, v6;
	s19 =	sadd.s32 $0x80, s19  }
0x47: {  	s21 =	sadd.s32 $0x4, s21;
	v4 =	vld [tilespmem:s19+$0x30];
	[tilespmem:s18+$0x1830 ss:$0x81] =	vst.msk $0xffff, v7  }
.Ltmp4:
0x48: {  	_ = 	snop;
	(pc) =	sbr.rel .LBB1_4-.Ltmp4, $1  }
0x49: {  	_ =	sdelay $0x3  }
.LBB1_6:
0x4a: {  	_ =	sfence.sel $0x180000  }
0x4b: {  	s2 =	simm.s32 $0x1;
	[bflag:$0x0] =	sbarrier.arrive $0xFFFF  }
0x4c: {  	s31 =	simm.s32 $0x2;
	[sflag:s2] =	ssyncpa.u1 $0x1  }
0x4d: {  	[sflag:s31] =	ssyncpa.u1 $0x1  }
0x4e: {  	p0 =	sne.s32 s0, $0x0;
	_ =	strace $0x90000047  }
0x4f: {  	s0 =	sadd.s32 @!p0 $0x100000, s1;
	[bflag:$0x2] =	sbarrier.arrive $0xFFFF  }
0x50: {  	[sflag:s0] =	ssyncadd.tile.s32 @!p0 $0x1;
	_ =	shalt  }
.Lfunc_end1:
_tile_overlayer_lowered:
.L_overlay_start_2:
0x51: {  	(tag) =	ssettag $0x2  }
0x52: {  	s0 =	rddreg [dreg:$0x0];
	s2 =	stileid.u32  }
0x53: {  	s1 =	rddreg [dreg:$0x1];
	p0 =	sne.s32 s2, $0x0  }
0x54: {  	s3 =	rddreg [dreg:$0x2];
	[bflag:$0x3] =	sbarrier.arrive $0xFFFF;
	s2 =	simm.s32 @!p0 $0x1C01  }
0x55: {  	[timem:s3], [sflag:s2] =	dma.local @!p0 [hbm:s0], s1  }
0x56: {  	s0 =	simm.s32 @!p0 $0x1  }
0x57: {  	_ =	swait.ge @!p0 [sflag:s0], s1  }
0x58: {  	s1 =	ssub.s32 @!p0 $0x0, s1;
	[sflag:s0] =	ssyncset.done @!p0 $0x0  }
0x59: {  	[sflag:s0] =	ssyncadd.s32 @!p0 s1  }
0x5a: {  	[bflag:$0x3] =	sbarrier.arrive $0xFFFF  }
0x5b: {  	_ =	shalt  }

</sc_bundles>
